<compile_context>
chip_gen: v7x
topology: tpu7x:2x2x1
jax: 0.10.2.dev20260603
libtpu: 0.0.44.dev20260713+nightly
codegen_flags: <defaults>
</compile_context>

<pallas_src>
import functools

import jax
import jax.numpy as jnp
from jax import lax
from jax.experimental import pallas as pl
from jax.experimental.pallas import tpu as pltpu
from jax.experimental.pallas import tpu_sc as plsc

N = 10000
NP = 10240
E = 320000
D = 128
B = 256
NC = 2
NS = 16
CHUNK = 80
DEGW = 128
CCHUNK = 40
NBUF = 5
ROWS_PER_TILE = NP // NS

_DEG_CHUNKS = E // (NC * NS) // CHUNK
_CONV_CHUNKS = E // NS // CCHUNK
_NGRP = 25
_GRP_CHUNKS = _CONV_CHUNKS // _NGRP
assert _GRP_CHUNKS % NBUF == 0
_NQUAD = _CONV_CHUNKS // NBUF
_QPG = _GRP_CHUNKS // NBUF


@functools.cache
def _sc_kernels():
    mesh = plsc.VectorSubcoreMesh(core_axis_name="c", subcore_axis_name="s",
                                  num_cores=NC, num_subcores=NS)

    @functools.partial(
        pl.kernel,
        mesh=mesh,
        out_type=jax.ShapeDtypeStruct((NC, NP, DEGW), jnp.float32),
        scratch_types=[
            pltpu.VMEM((_DEG_CHUNKS, CHUNK), jnp.int32),
            pltpu.VMEM((CHUNK, DEGW), jnp.float32),
            pltpu.VMEM_SHARED((NP, DEGW), jnp.float32),
        ],
    )
    def sc_degree(dst_hbm, zeros_hbm, ones_hbm, out_hbm, idx_v, ones_v, deg_sh):
        cid = lax.axis_index("c")
        sid = lax.axis_index("s")
        wid = cid * NS + sid
        row0 = sid * ROWS_PER_TILE
        pltpu.sync_copy(zeros_hbm, deg_sh.at[pl.ds(row0, ROWS_PER_TILE)])
        pltpu.sync_copy(ones_hbm, ones_v)
        pltpu.sync_copy(dst_hbm.at[wid], idx_v)
        plsc.subcore_barrier()

        def body(j, carry):
            pltpu.sync_copy(ones_v, deg_sh.at[idx_v.at[j]], add=True)
            return carry

        lax.fori_loop(0, _DEG_CHUNKS, body, 0)
        plsc.subcore_barrier()
        pltpu.sync_copy(deg_sh.at[pl.ds(row0, ROWS_PER_TILE)],
                        out_hbm.at[cid, pl.ds(row0, ROWS_PER_TILE)])

    def make_conv(shared):
        nchunks = E // (NC * NS if shared else NS) // CCHUNK
        ngrp = _NGRP
        grp_chunks = nchunks // ngrp
        qpg = grp_chunks // NBUF
        assert grp_chunks % NBUF == 0
        nquad = nchunks // NBUF

        @functools.partial(
            pl.kernel,
            mesh=mesh,
            out_type=jax.ShapeDtypeStruct((NC, NP, D), jnp.float32),
            scratch_types=[
                pltpu.VMEM((2, grp_chunks, CCHUNK), jnp.int32),
                pltpu.VMEM((2, grp_chunks, CCHUNK), jnp.int32),
                pltpu.VMEM((NBUF, CCHUNK, D), jnp.float32),
                [pltpu.SemaphoreType.DMA for _ in range(NBUF)],
                [pltpu.SemaphoreType.DMA for _ in range(NBUF)],
                pltpu.SemaphoreType.DMA,
                pltpu.VMEM_SHARED((NP, D), jnp.float32),
            ],
        )
        def conv(tbl_hbm, srcg_hbm, dstg_hbm, init_hbm, out_hbm,
                 src_v, dst_v, rows, gsems, ssems, isem, acc_sh):
            cid = lax.axis_index("c")
            sid = lax.axis_index("s")
            row0 = sid * ROWS_PER_TILE
            if shared:
                pltpu.sync_copy(init_hbm, acc_sh.at[pl.ds(row0, ROWS_PER_TILE)])
            else:
                pltpu.sync_copy(tbl_hbm.at[pl.ds(cid * NP + row0, ROWS_PER_TILE)],
                                acc_sh.at[pl.ds(row0, ROWS_PER_TILE)])
            pltpu.sync_copy(srcg_hbm.at[cid, sid, 0], src_v.at[0])
            pltpu.sync_copy(dstg_hbm.at[cid, sid, 0], dst_v.at[0])
            plsc.subcore_barrier()

            def quad(q, carry):
                ra = (q % qpg) * NBUF
                grp = q // qpg
                gpar = grp % 2
                npar = (grp + 1) % 2

                @pl.when((ra == 0) & (grp > 0))
                def _wait_idx():
                    pltpu.make_async_copy(srcg_hbm.at[cid, sid, grp],
                                          src_v.at[gpar], isem).wait()
                    pltpu.make_async_copy(dstg_hbm.at[cid, sid, grp],
                                          dst_v.at[gpar], isem).wait()

                @pl.when((ra == 0) & (grp < ngrp - 1))
                def _prefetch_idx():
                    pltpu.async_copy(srcg_hbm.at[cid, sid, grp + 1],
                                     src_v.at[npar], isem)
                    pltpu.async_copy(dstg_hbm.at[cid, sid, grp + 1],
                                     dst_v.at[npar], isem)

                for k in range(NBUF):
                    @pl.when(q > 0)
                    def _drain_prev(k=k):
                        pltpu.make_async_copy(
                            rows.at[k], acc_sh.at[dst_v.at[gpar, ra + k]],
                            ssems[k]).wait()
                    pltpu.async_copy(tbl_hbm.at[src_v.at[gpar, ra + k]],
                                     rows.at[k], gsems[k])
                for k in range(NBUF):
                    pltpu.make_async_copy(tbl_hbm.at[src_v.at[gpar, ra + k]],
                                          rows.at[k], gsems[k]).wait()
                    pltpu.async_copy(rows.at[k], acc_sh.at[dst_v.at[gpar, ra + k]],
                                     ssems[k], add=True)
                return carry

            lax.fori_loop(0, nquad, quad, 0)
            for k in range(NBUF):
                pltpu.make_async_copy(rows.at[k], acc_sh.at[dst_v.at[0, k]],
                                      ssems[k]).wait()
            plsc.subcore_barrier()
            pltpu.sync_copy(acc_sh.at[pl.ds(row0, ROWS_PER_TILE)],
                            out_hbm.at[cid, pl.ds(row0, ROWS_PER_TILE)])

        return conv

    sc_conv = make_conv(shared=False)
    sc_conv0 = make_conv(shared=True)

    return sc_degree, sc_conv, sc_conv0


_RB = 1024
_NRB = NP // _RB


def _tc_prep0_body(deg_ref, x_ref, dinv_ref, xp_ref):
    degw = deg_ref[0] + deg_ref[1]
    degf = jnp.concatenate([degw] * (D // DEGW), axis=-1)
    total = degf + 1.0
    dinv = lax.rsqrt(jnp.maximum(total, 1.0))
    dinv_ref[...] = dinv
    xp_ref[...] = x_ref[...] * dinv


def _tc_prep0(degp, x):
    return pl.pallas_call(
        _tc_prep0_body,
        grid=(_NRB,),
        in_specs=[
            pl.BlockSpec((NC, _RB, DEGW), lambda i: (0, i, 0)),
            pl.BlockSpec((_RB, D), lambda i: (i, 0)),
        ],
        out_specs=[
            pl.BlockSpec((_RB, D), lambda i: (i, 0)),
            pl.BlockSpec((_RB, D), lambda i: (i, 0)),
        ],
        out_shape=[
            jax.ShapeDtypeStruct((NP, D), jnp.float32),
            jax.ShapeDtypeStruct((NP, D), jnp.float32),
        ],
    )(degp, x)


def _tc_first_body(y_ref, xp_ref, dinv_ref, w0_ref, b0_ref, w1_ref, hp_ref):
    dinv = dinv_ref[...]
    y = y_ref[0] + y_ref[1] + xp_ref[...]
    out = jnp.dot(y, w0_ref[0], preferred_element_type=jnp.float32,
                  precision=lax.Precision.HIGHEST)
    xn = _combine(out, dinv, b0_ref[0])
    h = jnp.dot(xn, w1_ref[0], preferred_element_type=jnp.float32,
                precision=lax.Precision.HIGHEST)
    hp_ref[...] = (h * dinv)[None]


def _tc_first(y, xp, dinv, w0, b0, w1):
    return pl.pallas_call(
        _tc_first_body,
        grid=(NC, _NRB),
        in_specs=[
            pl.BlockSpec((NC, _RB, D), lambda c, i: (0, i, 0)),
            pl.BlockSpec((_RB, D), lambda c, i: (i, 0)),
            pl.BlockSpec((_RB, D), lambda c, i: (i, 0)),
            pl.BlockSpec((1, D, D), lambda c, i: (c, 0, 0)),
            pl.BlockSpec((1, 1, D), lambda c, i: (c, 0, 0)),
            pl.BlockSpec((1, D, D), lambda c, i: (c, 0, 0)),
        ],
        out_specs=pl.BlockSpec((1, _RB, D), lambda c, i: (c, i, 0)),
        out_shape=jax.ShapeDtypeStruct((NC, NP, D), jnp.float32),
    )(y, xp, dinv, w0, b0, w1)


def _combine(seg, dinv, b):
    out = dinv * seg + b
    nrm2 = jnp.sum(out * out, axis=-1, keepdims=True)
    return jnp.maximum(out * lax.rsqrt(jnp.maximum(nrm2, 1e-24)), 0.0)


def _tc_layer_body(seg_ref, dinv_ref, b_ref, w_ref, hpn_ref):
    xn = _combine(seg_ref[0], dinv_ref[...], b_ref[0])
    h = jnp.dot(xn, w_ref[0], preferred_element_type=jnp.float32,
                 precision=lax.Precision.HIGHEST)
    hpn_ref[...] = (h * dinv_ref[...])[None]


def _tc_layer(seg, dinv, b, wn):
    return pl.pallas_call(
        _tc_layer_body,
        grid=(NC, _NRB),
        in_specs=[
            pl.BlockSpec((1, _RB, D), lambda c, i: (c, i, 0)),
            pl.BlockSpec((_RB, D), lambda c, i: (i, 0)),
            pl.BlockSpec((1, 1, D), lambda c, i: (c, 0, 0)),
            pl.BlockSpec((1, D, D), lambda c, i: (c, 0, 0)),
        ],
        out_specs=pl.BlockSpec((1, _RB, D), lambda c, i: (c, i, 0)),
        out_shape=jax.ShapeDtypeStruct((NC, NP, D), jnp.float32),
    )(seg, dinv, b, wn)


def _tc_pool_body(seg_ref, dinv_ref, b_ref, batch_ref, pooled_ref):
    i = pl.program_id(1)
    xn = _combine(seg_ref[0], dinv_ref[...], b_ref[0])
    bvec = batch_ref[0, 0]
    gids = lax.broadcasted_iota(jnp.int32, (B, _RB), 0)
    oh_t = jnp.where(gids == bvec[None, :], 1.0, 0.0)
    contrib = jnp.dot(oh_t, xn, preferred_element_type=jnp.float32,
                 precision=lax.Precision.HIGHEST)

    @pl.when(i == 0)
    def _init():
        pooled_ref[...] = contrib[None]

    @pl.when(i != 0)
    def _acc():
        pooled_ref[...] = pooled_ref[...] + contrib[None]


def _tc_pool(seg, dinv, b, batch3):
    return pl.pallas_call(
        _tc_pool_body,
        grid=(NC, _NRB),
        in_specs=[
            pl.BlockSpec((1, _RB, D), lambda c, i: (c, i, 0)),
            pl.BlockSpec((_RB, D), lambda c, i: (i, 0)),
            pl.BlockSpec((1, 1, D), lambda c, i: (c, 0, 0)),
            pl.BlockSpec((1, 1, _RB), lambda c, i: (i, 0, 0)),
        ],
        out_specs=pl.BlockSpec((1, B, D), lambda c, i: (c, 0, 0)),
        out_shape=jax.ShapeDtypeStruct((NC, B, D), jnp.float32),
    )(seg, dinv, b, batch3)


def _tc_head_body(pooled_ref, w1_ref, b1_ref, w2_ref, b2_ref, out_ref):
    logits = []
    for c in range(NC):
        h = jnp.dot(pooled_ref[c], w1_ref[c], preferred_element_type=jnp.float32,
                 precision=lax.Precision.HIGHEST)
        h = jnp.maximum(h + b1_ref[c], 0.0)
        z = jnp.sum(h * w2_ref[c], axis=-1, keepdims=True)
        logits.append(z + b2_ref[c])
    z = jnp.concatenate(logits, axis=-1)
    m = jnp.max(z, axis=-1, keepdims=True)
    zs = z - m
    lse = jnp.log(jnp.sum(jnp.exp(zs), axis=-1, keepdims=True))
    out_ref[...] = zs - lse


def _tc_head(pooled, w1, b1, w2, b2):
    return pl.pallas_call(
        _tc_head_body,
        in_specs=[pl.BlockSpec(a.shape, functools.partial(lambda r: (0,) * r, a.ndim))
                  for a in (pooled, w1, b1, w2, b2)],
        out_specs=pl.BlockSpec((B, 2), lambda: (0, 0)),
        out_shape=jax.ShapeDtypeStruct((B, 2), jnp.float32),
    )(pooled, w1, b1, w2, b2)


def kernel(x, edge_index, batch, params):
    src, dst = edge_index[0], edge_index[1]
    x = jnp.pad(x, ((0, NP - N), (0, 0)))
    batch = jnp.pad(batch, (0, NP - N), constant_values=B)

    dst_g = dst.reshape(NC * NS, _DEG_CHUNKS, CHUNK)
    src_g = jnp.stack([src, src + NP]).reshape(NC, NS, _NGRP, _GRP_CHUNKS, CCHUNK)
    dst_g_b = jnp.broadcast_to(
        dst.reshape(1, NS, _NGRP, _GRP_CHUNKS, CCHUNK),
        (NC, NS, _NGRP, _GRP_CHUNKS, CCHUNK))
    _sgc = _GRP_CHUNKS // 2
    srcg_sh = src.reshape(NC, NS, _NGRP, _sgc, CCHUNK)
    dstg_sh = dst.reshape(NC, NS, _NGRP, _sgc, CCHUNK)
    batch3 = batch.reshape(_NRB, 1, _RB)

    zeros_deg = jnp.zeros((ROWS_PER_TILE, DEGW), jnp.float32)
    ones_deg = jnp.ones((CHUNK, DEGW), jnp.float32)

    p0, p1 = params['c0'], params['c1']
    Ws = [jnp.stack([p0['convW'][l], p1['convW'][l]]) for l in range(3)]
    bs = [jnp.stack([p0['convb'][l], p1['convb'][l]]).reshape(NC, 1, D)
          for l in range(3)]
    w1 = jnp.stack([p0['lin1_W'], p1['lin1_W']])
    b1 = jnp.stack([p0['lin1_b'], p1['lin1_b']]).reshape(NC, 1, D)
    w2 = jnp.stack([p0['lin2_W'][:, 0], p1['lin2_W'][:, 0]]).reshape(NC, 1, D)
    b2 = jnp.stack([p0['lin2_b'], p1['lin2_b']]).reshape(NC, 1, 1)

    sc_degree, sc_conv, sc_conv0 = _sc_kernels()
    degp = sc_degree(dst_g, zeros_deg, ones_deg)
    dinv, xp = _tc_prep0(degp, x)

    zinit = jnp.zeros((ROWS_PER_TILE, D), jnp.float32)
    y = sc_conv0(xp, srcg_sh, dstg_sh, zinit)
    hp = _tc_first(y, xp, dinv, Ws[0], bs[0], Ws[1])

    for l in (1, 2):
        seg = sc_conv(hp.reshape(NC * NP, D), src_g, dst_g_b, zinit)
        if l < 2:
            hp = _tc_layer(seg, dinv, bs[l], Ws[l + 1])
        else:
            pooled = _tc_pool(seg, dinv, bs[l], batch3)

    return _tc_head(pooled, w1, b1, w2, b2)

# --- scband reference (transcript-rebuilt; emitter-appended) ---
"""Pipeline reference for scband-gnnmodel-60155311948232 (READ-ONLY COPY).

The authoritative reference and input builder live on the scoring server;
editing this copy changes nothing except your own understanding.
"""

import jax, jax.numpy as jnp
import numpy as np

N = 10000
E = 320000
D = 128
H = 128
B = 256
L = 3


def _lin(key, fan_in, shape):
    return jax.random.normal(key, shape, dtype=jnp.float32) * (1.0 / np.sqrt(fan_in))


def setup_inputs(seed: int = 0) -> dict:
    key = jax.random.key(seed)
    ks = jax.random.split(key, 32)
    x = jax.random.normal(ks[0], (N, D), dtype=jnp.float32)
    edge_index = jax.random.randint(ks[1], (2, E), 0, N, dtype=jnp.int32)
    batch = jnp.sort(jax.random.randint(ks[2], (N,), 0, B, dtype=jnp.int32))
    params = {}
    ki = 3
    for c in ('c0', 'c1'):
        convW, convb = [], []
        for l in range(L):
            fan = D if l == 0 else H
            convW.append(_lin(ks[ki], fan, (fan, H))); ki += 1
            convb.append(jnp.zeros((H,), dtype=jnp.float32))
        params[c] = {
            'convW': convW,
            'convb': convb,
            'lin1_W': _lin(ks[ki], H, (H, H)),
            'lin1_b': jnp.zeros((H,), dtype=jnp.float32),
            'lin2_W': _lin(ks[ki + 1], H, (H, 1)),
            'lin2_b': jnp.zeros((1,), dtype=jnp.float32),
        }
        ki += 2
    return {'x': x, 'edge_index': edge_index, 'batch': batch, 'params': params}


def _gcn_conv(x, W, b, src, dst, n):
    h = x @ W
    loop = jnp.arange(n, dtype=src.dtype)
    s = jnp.concatenate([src, loop])
    d = jnp.concatenate([dst, loop])
    deg = jax.ops.segment_sum(jnp.ones_like(s, dtype=h.dtype), d, num_segments=n)
    dinv = jax.lax.rsqrt(jnp.maximum(deg, 1.0))
    norm = dinv[s] * dinv[d]
    msgs = h[s] * norm[:, None]
    out = jax.ops.segment_sum(msgs, d, num_segments=n)
    return out + b


def _embedding(x, p, src, dst, n):
    for W, b in zip(p['convW'], p['convb']):
        x = _gcn_conv(x, W, b, src, dst, n)
        nrm = jnp.maximum(jnp.linalg.norm(x, axis=1, keepdims=True), 1e-12)
        x = x / nrm
        x = jax.nn.relu(x)
    return x


def _classification(x, p):
    h = jax.nn.relu(x @ p['lin1_W'] + p['lin1_b'])
    # dropout p=0.5 is inactive in eval mode
    return h @ p['lin2_W'] + p['lin2_b']


def reference(x, edge_index, batch, params):
    src, dst = edge_index[0], edge_index[1]
    n = x.shape[0]
    x0 = _embedding(x, params['c0'], src, dst, n)
    x0 = jax.ops.segment_sum(x0, batch, num_segments=B)
    x0 = _classification(x0, params['c0'])
    x1 = _embedding(x, params['c1'], src, dst, n)
    x1 = jax.ops.segment_sum(x1, batch, num_segments=B)
    x1 = _classification(x1, params['c1'])
    out = jax.nn.log_softmax(jnp.concatenate([x0, x1], axis=1), axis=-1)
    return out

if __name__ == "__main__":
    import jax
    _d = setup_inputs()
    print(jax.jit(kernel)(*tuple(_d.values())))

</pallas_src>

<mosaic_0001>
#map = affine_map<(d0, d1) -> (0, 0, 0)>
#map1 = affine_map<(d0, d1) -> (0, 0)>
module attributes {stable_mosaic.version = 14 : i64} {
  func.func @sc_degree(%arg0: i32, %arg1: i32, %arg2: memref<32x125x80xi32, #tpu.memory_space<hbm>>, %arg3: memref<640x128xf32, #tpu.memory_space<hbm>>, %arg4: memref<80x128xf32, #tpu.memory_space<hbm>>, %arg5: memref<2x10240x128xf32, #tpu.memory_space<hbm>>, %arg6: memref<125x80xi32, #tpu.memory_space<vmem>>, %arg7: memref<80x128xf32, #tpu.memory_space<vmem>>, %arg8: memref<10240x128xf32, #tpu.memory_space<vmem_shared>>) attributes {dimension_semantics = [#tpu.dimension_semantics<core_parallel>, #tpu.dimension_semantics<subcore_parallel>], iteration_bounds = array<i64: 2, 16>, scalar_prefetch = 0 : i64, scratch_operands = 3 : i64, tpu.core_type = #tpu.core_type<sc_vector_subcore>, window_params = [{transform_indices = #map}, {transform_indices = #map1}, {transform_indices = #map1}, {transform_indices = #map}]} {
    %mul3A = arith.constant 16 : i32
    %mul3A_0 = arith.muli %arg0, %mul3A : i32
    %add3A = arith.addi %mul3A_0, %arg1 : i32
    %mul3A_1 = arith.constant 640 : i32
    %mul3A_2 = arith.muli %arg1, %mul3A_1 : i32
    "tpu.region"() ({
      %run_scoped3A = tpu.sem_alloc : memref<!tpu.dma_semaphore, #tpu.memory_space<semaphore_mem>>
      %dma_start3A = arith.constant 0 : i32
      %dma_start3A_9 = tpu.memref_slice %arg8[%mul3A_2, %dma_start3A] : memref<10240x128xf32, #tpu.memory_space<vmem_shared>> -> memref<640x128xf32, #tpu.memory_space<vmem_shared>>
      tpu.enqueue_dma source(%arg3 : memref<640x128xf32, #tpu.memory_space<hbm>>) target(%dma_start3A_9 : memref<640x128xf32, #tpu.memory_space<vmem_shared>>) target_semaphore(%run_scoped3A : memref<!tpu.dma_semaphore, #tpu.memory_space<semaphore_mem>>)
      %dma_wait3A = arith.constant 0 : i32
      %dma_wait3A_10 = tpu.memref_slice %arg8[%mul3A_2, %dma_wait3A] : memref<10240x128xf32, #tpu.memory_space<vmem_shared>> -> memref<640x128xf32, #tpu.memory_space<vmem_shared>>
      tpu.wait_dma2 semaphore(%run_scoped3A : memref<!tpu.dma_semaphore, #tpu.memory_space<semaphore_mem>>) src(%arg3 : memref<640x128xf32, #tpu.memory_space<hbm>>) dst(%dma_wait3A_10 : memref<640x128xf32, #tpu.memory_space<vmem_shared>>)
      tpu.yield
    }) : () -> ()
    "tpu.region"() ({
      %run_scoped3A = tpu.sem_alloc : memref<!tpu.dma_semaphore, #tpu.memory_space<semaphore_mem>>
      tpu.enqueue_dma source(%arg4 : memref<80x128xf32, #tpu.memory_space<hbm>>) target(%arg7 : memref<80x128xf32, #tpu.memory_space<vmem>>) target_semaphore(%run_scoped3A : memref<!tpu.dma_semaphore, #tpu.memory_space<semaphore_mem>>)
      tpu.wait_dma2 semaphore(%run_scoped3A : memref<!tpu.dma_semaphore, #tpu.memory_space<semaphore_mem>>) src(%arg4 : memref<80x128xf32, #tpu.memory_space<hbm>>) dst(%arg7 : memref<80x128xf32, #tpu.memory_space<vmem>>)
      tpu.yield
    }) : () -> ()
    "tpu.region"() ({
      %run_scoped3A = tpu.sem_alloc : memref<!tpu.dma_semaphore, #tpu.memory_space<semaphore_mem>>
      %dma_start3A = arith.constant 0 : i32
      %dma_start3A_9 = arith.constant 0 : i32
      %dma_start3A_10 = tpu.memref_slice %arg2[%add3A, %dma_start3A, %dma_start3A_9] : memref<32x125x80xi32, #tpu.memory_space<hbm>> -> memref<1x125x80xi32, #tpu.memory_space<hbm>>
      %dma_start3A_11 = tpu.memref_squeeze %dma_start3A_10 : memref<1x125x80xi32, #tpu.memory_space<hbm>> -> memref<125x80xi32, #tpu.memory_space<hbm>>
      %dma_start3A_12 = arith.constant 0 : i32
      %dma_start3A_13 = arith.constant 0 : i32
      %dma_start3A_14 = tpu.memref_slice %arg2[%add3A, %dma_start3A_12, %dma_start3A_13] : memref<32x125x80xi32, #tpu.memory_space<hbm>> -> memref<1x125x80xi32, #tpu.memory_space<hbm>>
      %dma_start3A_15 = tpu.memref_squeeze %dma_start3A_14 : memref<1x125x80xi32, #tpu.memory_space<hbm>> -> memref<125x80xi32, #tpu.memory_space<hbm>>
      tpu.enqueue_dma source(%dma_start3A_15 : memref<125x80xi32, #tpu.memory_space<hbm>>) target(%arg6 : memref<125x80xi32, #tpu.memory_space<vmem>>) target_semaphore(%run_scoped3A : memref<!tpu.dma_semaphore, #tpu.memory_space<semaphore_mem>>)
      %dma_wait3A = arith.constant 0 : i32
      %dma_wait3A_16 = arith.constant 0 : i32
      %dma_wait3A_17 = tpu.memref_slice %arg2[%add3A, %dma_wait3A, %dma_wait3A_16] : memref<32x125x80xi32, #tpu.memory_space<hbm>> -> memref<1x125x80xi32, #tpu.memory_space<hbm>>
      %dma_wait3A_18 = tpu.memref_squeeze %dma_wait3A_17 : memref<1x125x80xi32, #tpu.memory_space<hbm>> -> memref<125x80xi32, #tpu.memory_space<hbm>>
      %dma_wait3A_19 = arith.constant 0 : i32
      %dma_wait3A_20 = arith.constant 0 : i32
      %dma_wait3A_21 = tpu.memref_slice %arg2[%add3A, %dma_wait3A_19, %dma_wait3A_20] : memref<32x125x80xi32, #tpu.memory_space<hbm>> -> memref<1x125x80xi32, #tpu.memory_space<hbm>>
      %dma_wait3A_22 = tpu.memref_squeeze %dma_wait3A_21 : memref<1x125x80xi32, #tpu.memory_space<hbm>> -> memref<125x80xi32, #tpu.memory_space<hbm>>
      tpu.wait_dma2 semaphore(%run_scoped3A : memref<!tpu.dma_semaphore, #tpu.memory_space<semaphore_mem>>) src(%dma_wait3A_22 : memref<125x80xi32, #tpu.memory_space<hbm>>) dst(%arg6 : memref<125x80xi32, #tpu.memory_space<vmem>>)
      tpu.yield
    }) : () -> ()
    %barrier3A = arith.constant 0 : index
    tpu.barrier barrier_id(%barrier3A)
    %scan3A = arith.constant 0 : i32
    %scan3A_3 = arith.constant 0 : i32
    %scan3A_4 = arith.constant 125 : i32
    %scan3A_5 = arith.addi %scan3A_3, %scan3A_4 : i32
    %scan3A_6 = arith.constant 1 : i32
    scf.for %scan3A_9 = %scan3A_3 to %scan3A_5 step %scan3A_6  : i32 {
      "tpu.region"() ({
        %run_scoped3A = tpu.sem_alloc : memref<!tpu.dma_semaphore, #tpu.memory_space<semaphore_mem>>
        %dma_start3A = arith.constant 0 : i32
        %dma_start3A_10 = tpu.memref_slice %arg6[%scan3A_9, %dma_start3A] : memref<125x80xi32, #tpu.memory_space<vmem>> -> memref<1x80xi32, #tpu.memory_space<vmem>>
        %dma_start3A_11 = tpu.memref_squeeze %dma_start3A_10 : memref<1x80xi32, #tpu.memory_space<vmem>> -> memref<80xi32, #tpu.memory_space<vmem>>
        %dma_start3A_12 = arith.constant 0 : i32
        %dma_start3A_13 = arith.constant 0 : i32
        %dma_start3A_14 = tpu.memref_slice %arg8[%dma_start3A_12, %dma_start3A_13] : memref<10240x128xf32, #tpu.memory_space<vmem_shared>> -> memref<10240x128xf32, #tpu.memory_space<vmem_shared>>
        tpu.enqueue_indirect_dma source(%arg7 : memref<80x128xf32, #tpu.memory_space<vmem>>) target(%dma_start3A_14 : memref<10240x128xf32, #tpu.memory_space<vmem_shared>>) offsets(%dma_start3A_11 : memref<80xi32, #tpu.memory_space<vmem>>) semaphore(%run_scoped3A : memref<!tpu.dma_semaphore, #tpu.memory_space<semaphore_mem>>) {add = true}
        %dma_wait3A = arith.constant 0 : i32
        %dma_wait3A_15 = tpu.memref_slice %arg6[%scan3A_9, %dma_wait3A] : memref<125x80xi32, #tpu.memory_space<vmem>> -> memref<1x80xi32, #tpu.memory_space<vmem>>
        %dma_wait3A_16 = tpu.memref_squeeze %dma_wait3A_15 : memref<1x80xi32, #tpu.memory_space<vmem>> -> memref<80xi32, #tpu.memory_space<vmem>>
        %dma_wait3A_17 = arith.constant 0 : i32
        %dma_wait3A_18 = arith.constant 0 : i32
        %dma_wait3A_19 = tpu.memref_slice %arg8[%dma_wait3A_17, %dma_wait3A_18] : memref<10240x128xf32, #tpu.memory_space<vmem_shared>> -> memref<10240x128xf32, #tpu.memory_space<vmem_shared>>
        tpu.wait_indirect_dma semaphore(%run_scoped3A : memref<!tpu.dma_semaphore, #tpu.memory_space<semaphore_mem>>) src(%arg7 : memref<80x128xf32, #tpu.memory_space<vmem>>) dst(%dma_wait3A_19 : memref<10240x128xf32, #tpu.memory_space<vmem_shared>>)
        tpu.yield
      }) : () -> ()
    }
    %scan3A_7 = arith.constant 125 : i32
    %barrier3A_8 = arith.constant 0 : index
    tpu.barrier barrier_id(%barrier3A_8)
    "tpu.region"() ({
      %run_scoped3A = tpu.sem_alloc : memref<!tpu.dma_semaphore, #tpu.memory_space<semaphore_mem>>
      %dma_start3A = arith.constant 0 : i32
      %dma_start3A_9 = tpu.memref_slice %arg5[%arg0, %mul3A_2, %dma_start3A] : memref<2x10240x128xf32, #tpu.memory_space<hbm>> -> memref<1x640x128xf32, #tpu.memory_space<hbm>>
      %dma_start3A_10 = tpu.memref_squeeze %dma_start3A_9 : memref<1x640x128xf32, #tpu.memory_space<hbm>> -> memref<640x128xf32, #tpu.memory_space<hbm>>
      %dma_start3A_11 = arith.constant 0 : i32
      %dma_start3A_12 = tpu.memref_slice %arg8[%mul3A_2, %dma_start3A_11] : memref<10240x128xf32, #tpu.memory_space<vmem_shared>> -> memref<640x128xf32, #tpu.memory_space<vmem_shared>>
      tpu.enqueue_dma source(%dma_start3A_12 : memref<640x128xf32, #tpu.memory_space<vmem_shared>>) target(%dma_start3A_10 : memref<640x128xf32, #tpu.memory_space<hbm>>) target_semaphore(%run_scoped3A : memref<!tpu.dma_semaphore, #tpu.memory_space<semaphore_mem>>)
      %dma_wait3A = arith.constant 0 : i32
      %dma_wait3A_13 = tpu.memref_slice %arg5[%arg0, %mul3A_2, %dma_wait3A] : memref<2x10240x128xf32, #tpu.memory_space<hbm>> -> memref<1x640x128xf32, #tpu.memory_space<hbm>>
      %dma_wait3A_14 = tpu.memref_squeeze %dma_wait3A_13 : memref<1x640x128xf32, #tpu.memory_space<hbm>> -> memref<640x128xf32, #tpu.memory_space<hbm>>
      %dma_wait3A_15 = arith.constant 0 : i32
      %dma_wait3A_16 = tpu.memref_slice %arg8[%mul3A_2, %dma_wait3A_15] : memref<10240x128xf32, #tpu.memory_space<vmem_shared>> -> memref<640x128xf32, #tpu.memory_space<vmem_shared>>
      tpu.wait_dma2 semaphore(%run_scoped3A : memref<!tpu.dma_semaphore, #tpu.memory_space<semaphore_mem>>) src(%dma_wait3A_16 : memref<640x128xf32, #tpu.memory_space<vmem_shared>>) dst(%dma_wait3A_14 : memref<640x128xf32, #tpu.memory_space<hbm>>)
      tpu.yield
    }) : () -> ()
    return
  }
}

#map = affine_map<(d0, d1) -> (0, 0)>
#map1 = affine_map<(d0, d1) -> (0, 0, 0, 0, 0)>
#map2 = affine_map<(d0, d1) -> (0, 0, 0)>
module attributes {stable_mosaic.version = 14 : i64} {
  func.func @conv(%arg0: i32, %arg1: i32, %arg2: memref<10240x128xf32, #tpu.memory_space<hbm>>, %arg3: memref<2x16x25x10x40xi32, #tpu.memory_space<hbm>>, %arg4: memref<2x16x25x10x40xi32, #tpu.memory_space<hbm>>, %arg5: memref<640x128xf32, #tpu.memory_space<hbm>>, %arg6: memref<2x10240x128xf32, #tpu.memory_space<hbm>>, %arg7: memref<2x10x40xi32, #tpu.memory_space<vmem>>, %arg8: memref<2x10x40xi32, #tpu.memory_space<vmem>>, %arg9: memref<5x40x128xf32, #tpu.memory_space<vmem>>, %arg10: memref<!tpu.dma_semaphore, #tpu.memory_space<semaphore_mem>>, %arg11: memref<!tpu.dma_semaphore, #tpu.memory_space<semaphore_mem>>, %arg12: memref<!tpu.dma_semaphore, #tpu.memory_space<semaphore_mem>>, %arg13: memref<!tpu.dma_semaphore, #tpu.memory_space<semaphore_mem>>, %arg14: memref<!tpu.dma_semaphore, #tpu.memory_space<semaphore_mem>>, %arg15: memref<!tpu.dma_semaphore, #tpu.memory_space<semaphore_mem>>, %arg16: memref<!tpu.dma_semaphore, #tpu.memory_space<semaphore_mem>>, %arg17: memref<!tpu.dma_semaphore, #tpu.memory_space<semaphore_mem>>, %arg18: memref<!tpu.dma_semaphore, #tpu.memory_space<semaphore_mem>>, %arg19: memref<!tpu.dma_semaphore, #tpu.memory_space<semaphore_mem>>, %arg20: memref<!tpu.dma_semaphore, #tpu.memory_space<semaphore_mem>>, %arg21: memref<10240x128xf32, #tpu.memory_space<vmem_shared>>) attributes {dimension_semantics = [#tpu.dimension_semantics<core_parallel>, #tpu.dimension_semantics<subcore_parallel>], iteration_bounds = array<i64: 2, 16>, scalar_prefetch = 0 : i64, scratch_operands = 15 : i64, tpu.core_type = #tpu.core_type<sc_vector_subcore>, window_params = [{transform_indices = #map}, {transform_indices = #map1}, {transform_indices = #map1}, {transform_indices = #map}, {transform_indices = #map2}]} {
    %mul3A = arith.constant 640 : i32
    %mul3A_0 = arith.muli %arg1, %mul3A : i32
    "tpu.region"() ({
      %run_scoped3A_74 = tpu.sem_alloc : memref<!tpu.dma_semaphore, #tpu.memory_space<semaphore_mem>>
      %dma_start3A = arith.constant 0 : i32
      %dma_start3A_75 = tpu.memref_slice %arg21[%mul3A_0, %dma_start3A] : memref<10240x128xf32, #tpu.memory_space<vmem_shared>> -> memref<640x128xf32, #tpu.memory_space<vmem_shared>>
      tpu.enqueue_dma source(%arg5 : memref<640x128xf32, #tpu.memory_space<hbm>>) target(%dma_start3A_75 : memref<640x128xf32, #tpu.memory_space<vmem_shared>>) target_semaphore(%run_scoped3A_74 : memref<!tpu.dma_semaphore, #tpu.memory_space<semaphore_mem>>)
      %dma_wait3A_76 = arith.constant 0 : i32
      %dma_wait3A_77 = tpu.memref_slice %arg21[%mul3A_0, %dma_wait3A_76] : memref<10240x128xf32, #tpu.memory_space<vmem_shared>> -> memref<640x128xf32, #tpu.memory_space<vmem_shared>>
      tpu.wait_dma2 semaphore(%run_scoped3A_74 : memref<!tpu.dma_semaphore, #tpu.memory_space<semaphore_mem>>) src(%arg5 : memref<640x128xf32, #tpu.memory_space<hbm>>) dst(%dma_wait3A_77 : memref<640x128xf32, #tpu.memory_space<vmem_shared>>)
      tpu.yield
    }) : () -> ()
    %run_scoped3A = arith.constant 0 : i32
    %run_scoped3A_1 = arith.constant 0 : i32
    "tpu.region"() ({
      %run_scoped3A_74 = tpu.sem_alloc : memref<!tpu.dma_semaphore, #tpu.memory_space<semaphore_mem>>
      %dma_start3A = arith.constant 0 : i32
      %dma_start3A_75 = arith.constant 0 : i32
      %dma_start3A_76 = tpu.memref_slice %arg7[%run_scoped3A_1, %dma_start3A, %dma_start3A_75] : memref<2x10x40xi32, #tpu.memory_space<vmem>> -> memref<1x10x40xi32, #tpu.memory_space<vmem>>
      %dma_start3A_77 = tpu.memref_squeeze %dma_start3A_76 : memref<1x10x40xi32, #tpu.memory_space<vmem>> -> memref<10x40xi32, #tpu.memory_space<vmem>>
      %dma_start3A_78 = arith.constant 0 : i32
      %dma_start3A_79 = arith.constant 0 : i32
      %dma_start3A_80 = tpu.memref_slice %arg3[%arg0, %arg1, %run_scoped3A, %dma_start3A_78, %dma_start3A_79] : memref<2x16x25x10x40xi32, #tpu.memory_space<hbm>> -> memref<1x1x1x10x40xi32, #tpu.memory_space<hbm>>
      %dma_start3A_81 = tpu.memref_squeeze %dma_start3A_80 : memref<1x1x1x10x40xi32, #tpu.memory_space<hbm>> -> memref<10x40xi32, #tpu.memory_space<hbm>>
      %dma_start3A_82 = arith.constant 0 : i32
      %dma_start3A_83 = arith.constant 0 : i32
      %dma_start3A_84 = tpu.memref_slice %arg7[%run_scoped3A_1, %dma_start3A_82, %dma_start3A_83] : memref<2x10x40xi32, #tpu.memory_space<vmem>> -> memref<1x10x40xi32, #tpu.memory_space<vmem>>
      %dma_start3A_85 = tpu.memref_squeeze %dma_start3A_84 : memref<1x10x40xi32, #tpu.memory_space<vmem>> -> memref<10x40xi32, #tpu.memory_space<vmem>>
      %dma_start3A_86 = arith.constant 0 : i32
      %dma_start3A_87 = arith.constant 0 : i32
      %dma_start3A_88 = tpu.memref_slice %arg3[%arg0, %arg1, %run_scoped3A, %dma_start3A_86, %dma_start3A_87] : memref<2x16x25x10x40xi32, #tpu.memory_space<hbm>> -> memref<1x1x1x10x40xi32, #tpu.memory_space<hbm>>
      %dma_start3A_89 = tpu.memref_squeeze %dma_start3A_88 : memref<1x1x1x10x40xi32, #tpu.memory_space<hbm>> -> memref<10x40xi32, #tpu.memory_space<hbm>>
      tpu.enqueue_dma source(%dma_start3A_89 : memref<10x40xi32, #tpu.memory_space<hbm>>) target(%dma_start3A_85 : memref<10x40xi32, #tpu.memory_space<vmem>>) target_semaphore(%run_scoped3A_74 : memref<!tpu.dma_semaphore, #tpu.memory_space<semaphore_mem>>)
      %dma_wait3A_90 = arith.constant 0 : i32
      %dma_wait3A_91 = arith.constant 0 : i32
      %dma_wait3A_92 = tpu.memref_slice %arg7[%run_scoped3A_1, %dma_wait3A_90, %dma_wait3A_91] : memref<2x10x40xi32, #tpu.memory_space<vmem>> -> memref<1x10x40xi32, #tpu.memory_space<vmem>>
      %dma_wait3A_93 = tpu.memref_squeeze %dma_wait3A_92 : memref<1x10x40xi32, #tpu.memory_space<vmem>> -> memref<10x40xi32, #tpu.memory_space<vmem>>
      %dma_wait3A_94 = arith.constant 0 : i32
      %dma_wait3A_95 = arith.constant 0 : i32
      %dma_wait3A_96 = tpu.memref_slice %arg3[%arg0, %arg1, %run_scoped3A, %dma_wait3A_94, %dma_wait3A_95] : memref<2x16x25x10x40xi32, #tpu.memory_space<hbm>> -> memref<1x1x1x10x40xi32, #tpu.memory_space<hbm>>
      %dma_wait3A_97 = tpu.memref_squeeze %dma_wait3A_96 : memref<1x1x1x10x40xi32, #tpu.memory_space<hbm>> -> memref<10x40xi32, #tpu.memory_space<hbm>>
      %dma_wait3A_98 = arith.constant 0 : i32
      %dma_wait3A_99 = arith.constant 0 : i32
      %dma_wait3A_100 = tpu.memref_slice %arg7[%run_scoped3A_1, %dma_wait3A_98, %dma_wait3A_99] : memref<2x10x40xi32, #tpu.memory_space<vmem>> -> memref<1x10x40xi32, #tpu.memory_space<vmem>>
      %dma_wait3A_101 = tpu.memref_squeeze %dma_wait3A_100 : memref<1x10x40xi32, #tpu.memory_space<vmem>> -> memref<10x40xi32, #tpu.memory_space<vmem>>
      %dma_wait3A_102 = arith.constant 0 : i32
      %dma_wait3A_103 = arith.constant 0 : i32
      %dma_wait3A_104 = tpu.memref_slice %arg3[%arg0, %arg1, %run_scoped3A, %dma_wait3A_102, %dma_wait3A_103] : memref<2x16x25x10x40xi32, #tpu.memory_space<hbm>> -> memref<1x1x1x10x40xi32, #tpu.memory_space<hbm>>
      %dma_wait3A_105 = tpu.memref_squeeze %dma_wait3A_104 : memref<1x1x1x10x40xi32, #tpu.memory_space<hbm>> -> memref<10x40xi32, #tpu.memory_space<hbm>>
      tpu.wait_dma2 semaphore(%run_scoped3A_74 : memref<!tpu.dma_semaphore, #tpu.memory_space<semaphore_mem>>) src(%dma_wait3A_105 : memref<10x40xi32, #tpu.memory_space<hbm>>) dst(%dma_wait3A_101 : memref<10x40xi32, #tpu.memory_space<vmem>>)
      tpu.yield
    }) : () -> ()
    %run_scoped3A_2 = arith.constant 0 : i32
    %run_scoped3A_3 = arith.constant 0 : i32
    "tpu.region"() ({
      %run_scoped3A_74 = tpu.sem_alloc : memref<!tpu.dma_semaphore, #tpu.memory_space<semaphore_mem>>
      %dma_start3A = arith.constant 0 : i32
      %dma_start3A_75 = arith.constant 0 : i32
      %dma_start3A_76 = tpu.memref_slice %arg8[%run_scoped3A_3, %dma_start3A, %dma_start3A_75] : memref<2x10x40xi32, #tpu.memory_space<vmem>> -> memref<1x10x40xi32, #tpu.memory_space<vmem>>
      %dma_start3A_77 = tpu.memref_squeeze %dma_start3A_76 : memref<1x10x40xi32, #tpu.memory_space<vmem>> -> memref<10x40xi32, #tpu.memory_space<vmem>>
      %dma_start3A_78 = arith.constant 0 : i32
      %dma_start3A_79 = arith.constant 0 : i32
      %dma_start3A_80 = tpu.memref_slice %arg4[%arg0, %arg1, %run_scoped3A_2, %dma_start3A_78, %dma_start3A_79] : memref<2x16x25x10x40xi32, #tpu.memory_space<hbm>> -> memref<1x1x1x10x40xi32, #tpu.memory_space<hbm>>
      %dma_start3A_81 = tpu.memref_squeeze %dma_start3A_80 : memref<1x1x1x10x40xi32, #tpu.memory_space<hbm>> -> memref<10x40xi32, #tpu.memory_space<hbm>>
      %dma_start3A_82 = arith.constant 0 : i32
      %dma_start3A_83 = arith.constant 0 : i32
      %dma_start3A_84 = tpu.memref_slice %arg8[%run_scoped3A_3, %dma_start3A_82, %dma_start3A_83] : memref<2x10x40xi32, #tpu.memory_space<vmem>> -> memref<1x10x40xi32, #tpu.memory_space<vmem>>
      %dma_start3A_85 = tpu.memref_squeeze %dma_start3A_84 : memref<1x10x40xi32, #tpu.memory_space<vmem>> -> memref<10x40xi32, #tpu.memory_space<vmem>>
      %dma_start3A_86 = arith.constant 0 : i32
      %dma_start3A_87 = arith.constant 0 : i32
      %dma_start3A_88 = tpu.memref_slice %arg4[%arg0, %arg1, %run_scoped3A_2, %dma_start3A_86, %dma_start3A_87] : memref<2x16x25x10x40xi32, #tpu.memory_space<hbm>> -> memref<1x1x1x10x40xi32, #tpu.memory_space<hbm>>
      %dma_start3A_89 = tpu.memref_squeeze %dma_start3A_88 : memref<1x1x1x10x40xi32, #tpu.memory_space<hbm>> -> memref<10x40xi32, #tpu.memory_space<hbm>>
      tpu.enqueue_dma source(%dma_start3A_89 : memref<10x40xi32, #tpu.memory_space<hbm>>) target(%dma_start3A_85 : memref<10x40xi32, #tpu.memory_space<vmem>>) target_semaphore(%run_scoped3A_74 : memref<!tpu.dma_semaphore, #tpu.memory_space<semaphore_mem>>)
      %dma_wait3A_90 = arith.constant 0 : i32
      %dma_wait3A_91 = arith.constant 0 : i32
      %dma_wait3A_92 = tpu.memref_slice %arg8[%run_scoped3A_3, %dma_wait3A_90, %dma_wait3A_91] : memref<2x10x40xi32, #tpu.memory_space<vmem>> -> memref<1x10x40xi32, #tpu.memory_space<vmem>>
      %dma_wait3A_93 = tpu.memref_squeeze %dma_wait3A_92 : memref<1x10x40xi32, #tpu.memory_space<vmem>> -> memref<10x40xi32, #tpu.memory_space<vmem>>
      %dma_wait3A_94 = arith.constant 0 : i32
      %dma_wait3A_95 = arith.constant 0 : i32
      %dma_wait3A_96 = tpu.memref_slice %arg4[%arg0, %arg1, %run_scoped3A_2, %dma_wait3A_94, %dma_wait3A_95] : memref<2x16x25x10x40xi32, #tpu.memory_space<hbm>> -> memref<1x1x1x10x40xi32, #tpu.memory_space<hbm>>
      %dma_wait3A_97 = tpu.memref_squeeze %dma_wait3A_96 : memref<1x1x1x10x40xi32, #tpu.memory_space<hbm>> -> memref<10x40xi32, #tpu.memory_space<hbm>>
      %dma_wait3A_98 = arith.constant 0 : i32
      %dma_wait3A_99 = arith.constant 0 : i32
      %dma_wait3A_100 = tpu.memref_slice %arg8[%run_scoped3A_3, %dma_wait3A_98, %dma_wait3A_99] : memref<2x10x40xi32, #tpu.memory_space<vmem>> -> memref<1x10x40xi32, #tpu.memory_space<vmem>>
      %dma_wait3A_101 = tpu.memref_squeeze %dma_wait3A_100 : memref<1x10x40xi32, #tpu.memory_space<vmem>> -> memref<10x40xi32, #tpu.memory_space<vmem>>
      %dma_wait3A_102 = arith.constant 0 : i32
      %dma_wait3A_103 = arith.constant 0 : i32
      %dma_wait3A_104 = tpu.memref_slice %arg4[%arg0, %arg1, %run_scoped3A_2, %dma_wait3A_102, %dma_wait3A_103] : memref<2x16x25x10x40xi32, #tpu.memory_space<hbm>> -> memref<1x1x1x10x40xi32, #tpu.memory_space<hbm>>
      %dma_wait3A_105 = tpu.memref_squeeze %dma_wait3A_104 : memref<1x1x1x10x40xi32, #tpu.memory_space<hbm>> -> memref<10x40xi32, #tpu.memory_space<hbm>>
      tpu.wait_dma2 semaphore(%run_scoped3A_74 : memref<!tpu.dma_semaphore, #tpu.memory_space<semaphore_mem>>) src(%dma_wait3A_105 : memref<10x40xi32, #tpu.memory_space<hbm>>) dst(%dma_wait3A_101 : memref<10x40xi32, #tpu.memory_space<vmem>>)
      tpu.yield
    }) : () -> ()
    %barrier3A = arith.constant 0 : index
    tpu.barrier barrier_id(%barrier3A)
    %scan3A = arith.constant 0 : i32
    %scan3A_4 = arith.constant 0 : i32
    %scan3A_5 = arith.constant 50 : i32
    %scan3A_6 = arith.addi %scan3A_4, %scan3A_5 : i32
    %scan3A_7 = arith.constant 1 : i32
    scf.for %scan3A_74 = %scan3A_4 to %scan3A_6 step %scan3A_7  : i32 {
      %jit3A = arith.constant 2 : i32
      %eq3A = arith.constant 0 : i32
      %eq3A_75 = arith.cmpi eq, %jit3A, %eq3A : i32
      %jit3A_76 = arith.constant 1 : i32
      %select_n3A = arith.select %eq3A_75, %jit3A_76, %jit3A : i32
      %rem3A = arith.remsi %scan3A_74, %select_n3A : i32
      %ne3A = arith.constant 0 : i32
      %ne3A_77 = arith.cmpi ne, %rem3A, %ne3A : i32
      %lt3A = arith.constant 0 : i32
      %lt3A_78 = arith.cmpi slt, %rem3A, %lt3A : i32
      %lt3A_79 = arith.constant 0 : i32
      %lt3A_80 = arith.cmpi slt, %select_n3A, %lt3A_79 : i32
      %ne3A_81 = arith.xori %lt3A_78, %lt3A_80 : i1
      %and3A = arith.andi %ne3A_81, %ne3A_77 : i1
      %add3A = arith.addi %rem3A, %select_n3A : i32
      %select_n3A_82 = arith.select %and3A, %add3A, %rem3A : i32
      %mul3A_83 = arith.constant 5 : i32
      %mul3A_84 = arith.muli %select_n3A_82, %mul3A_83 : i32
      %jit3A_85 = arith.constant 2 : i32
      %div3A = arith.divsi %scan3A_74, %jit3A_85 : i32
      %sign3A = arith.constant 0 : i32
      %sign3A_86 = arith.cmpi sgt, %scan3A_74, %sign3A : i32
      %sign3A_87 = arith.extui %sign3A_86 : i1 to i32
      %sign3A_88 = arith.constant 0 : i32
      %sign3A_89 = arith.cmpi slt, %scan3A_74, %sign3A_88 : i32
      %sign3A_90 = arith.extui %sign3A_89 : i1 to i32
      %sign3A_91 = arith.subi %sign3A_87, %sign3A_90 : i32
      %sign3A_92 = arith.constant 0 : i32
      %sign3A_93 = arith.cmpi sgt, %jit3A_85, %sign3A_92 : i32
      %sign3A_94 = arith.extui %sign3A_93 : i1 to i32
      %sign3A_95 = arith.constant 0 : i32
      %sign3A_96 = arith.cmpi slt, %jit3A_85, %sign3A_95 : i32
      %sign3A_97 = arith.extui %sign3A_96 : i1 to i32
      %sign3A_98 = arith.subi %sign3A_94, %sign3A_97 : i32
      %ne3A_99 = arith.cmpi ne, %sign3A_91, %sign3A_98 : i32
      %rem3A_100 = arith.remsi %scan3A_74, %jit3A_85 : i32
      %ne3A_101 = arith.constant 0 : i32
      %ne3A_102 = arith.cmpi ne, %rem3A_100, %ne3A_101 : i32
      %and3A_103 = arith.andi %ne3A_99, %ne3A_102 : i1
      %sub3A = arith.constant 1 : i32
      %sub3A_104 = arith.subi %div3A, %sub3A : i32
      %select_n3A_105 = arith.select %and3A_103, %sub3A_104, %div3A : i32
      %jit3A_106 = arith.constant 2 : i32
      %eq3A_107 = arith.constant 0 : i32
      %eq3A_108 = arith.cmpi eq, %jit3A_106, %eq3A_107 : i32
      %jit3A_109 = arith.constant 1 : i32
      %select_n3A_110 = arith.select %eq3A_108, %jit3A_109, %jit3A_106 : i32
      %rem3A_111 = arith.remsi %select_n3A_105, %select_n3A_110 : i32
      %ne3A_112 = arith.constant 0 : i32
      %ne3A_113 = arith.cmpi ne, %rem3A_111, %ne3A_112 : i32
      %lt3A_114 = arith.constant 0 : i32
      %lt3A_115 = arith.cmpi slt, %rem3A_111, %lt3A_114 : i32
      %lt3A_116 = arith.constant 0 : i32
      %lt3A_117 = arith.cmpi slt, %select_n3A_110, %lt3A_116 : i32
      %ne3A_118 = arith.xori %lt3A_115, %lt3A_117 : i1
      %and3A_119 = arith.andi %ne3A_118, %ne3A_113 : i1
      %add3A_120 = arith.addi %rem3A_111, %select_n3A_110 : i32
      %select_n3A_121 = arith.select %and3A_119, %add3A_120, %rem3A_111 : i32
      %add3A_122 = arith.constant 1 : i32
      %add3A_123 = arith.addi %select_n3A_105, %add3A_122 : i32
      %jit3A_124 = arith.constant 2 : i32
      %eq3A_125 = arith.constant 0 : i32
      %eq3A_126 = arith.cmpi eq, %jit3A_124, %eq3A_125 : i32
      %jit3A_127 = arith.constant 1 : i32
      %select_n3A_128 = arith.select %eq3A_126, %jit3A_127, %jit3A_124 : i32
      %rem3A_129 = arith.remsi %add3A_123, %select_n3A_128 : i32
      %ne3A_130 = arith.constant 0 : i32
      %ne3A_131 = arith.cmpi ne, %rem3A_129, %ne3A_130 : i32
      %lt3A_132 = arith.constant 0 : i32
      %lt3A_133 = arith.cmpi slt, %rem3A_129, %lt3A_132 : i32
      %lt3A_134 = arith.constant 0 : i32
      %lt3A_135 = arith.cmpi slt, %select_n3A_128, %lt3A_134 : i32
      %ne3A_136 = arith.xori %lt3A_133, %lt3A_135 : i1
      %and3A_137 = arith.andi %ne3A_136, %ne3A_131 : i1
      %add3A_138 = arith.addi %rem3A_129, %select_n3A_128 : i32
      %select_n3A_139 = arith.select %and3A_137, %add3A_138, %rem3A_129 : i32
      %eq3A_140 = arith.constant 0 : i32
      %eq3A_141 = arith.cmpi eq, %mul3A_84, %eq3A_140 : i32
      %gt3A = arith.constant 0 : i32
      %gt3A_142 = arith.cmpi sgt, %select_n3A_105, %gt3A : i32
      %and3A_143 = arith.andi %eq3A_141, %gt3A_142 : i1
      %convert_element_type3A = arith.extui %and3A_143 : i1 to i32
      %cond3A = arith.constant 0 : i32
      %cond3A_144 = arith.cmpi ne, %convert_element_type3A, %cond3A : i32
      scf.if %cond3A_144 {
        %dma_wait3A_372 = arith.constant 0 : i32
        %dma_wait3A_373 = arith.constant 0 : i32
        %dma_wait3A_374 = tpu.memref_slice %arg7[%select_n3A_121, %dma_wait3A_372, %dma_wait3A_373] : memref<2x10x40xi32, #tpu.memory_space<vmem>> -> memref<1x10x40xi32, #tpu.memory_space<vmem>>
        %dma_wait3A_375 = tpu.memref_squeeze %dma_wait3A_374 : memref<1x10x40xi32, #tpu.memory_space<vmem>> -> memref<10x40xi32, #tpu.memory_space<vmem>>
        %dma_wait3A_376 = arith.constant 0 : i32
        %dma_wait3A_377 = arith.constant 0 : i32
        %dma_wait3A_378 = tpu.memref_slice %arg3[%arg0, %arg1, %select_n3A_105, %dma_wait3A_376, %dma_wait3A_377] : memref<2x16x25x10x40xi32, #tpu.memory_space<hbm>> -> memref<1x1x1x10x40xi32, #tpu.memory_space<hbm>>
        %dma_wait3A_379 = tpu.memref_squeeze %dma_wait3A_378 : memref<1x1x1x10x40xi32, #tpu.memory_space<hbm>> -> memref<10x40xi32, #tpu.memory_space<hbm>>
        %dma_wait3A_380 = arith.constant 0 : i32
        %dma_wait3A_381 = arith.constant 0 : i32
        %dma_wait3A_382 = tpu.memref_slice %arg7[%select_n3A_121, %dma_wait3A_380, %dma_wait3A_381] : memref<2x10x40xi32, #tpu.memory_space<vmem>> -> memref<1x10x40xi32, #tpu.memory_space<vmem>>
        %dma_wait3A_383 = tpu.memref_squeeze %dma_wait3A_382 : memref<1x10x40xi32, #tpu.memory_space<vmem>> -> memref<10x40xi32, #tpu.memory_space<vmem>>
        %dma_wait3A_384 = arith.constant 0 : i32
        %dma_wait3A_385 = arith.constant 0 : i32
        %dma_wait3A_386 = tpu.memref_slice %arg3[%arg0, %arg1, %select_n3A_105, %dma_wait3A_384, %dma_wait3A_385] : memref<2x16x25x10x40xi32, #tpu.memory_space<hbm>> -> memref<1x1x1x10x40xi32, #tpu.memory_space<hbm>>
        %dma_wait3A_387 = tpu.memref_squeeze %dma_wait3A_386 : memref<1x1x1x10x40xi32, #tpu.memory_space<hbm>> -> memref<10x40xi32, #tpu.memory_space<hbm>>
        tpu.wait_dma2 semaphore(%arg20 : memref<!tpu.dma_semaphore, #tpu.memory_space<semaphore_mem>>) src(%dma_wait3A_387 : memref<10x40xi32, #tpu.memory_space<hbm>>) dst(%dma_wait3A_383 : memref<10x40xi32, #tpu.memory_space<vmem>>)
        %dma_wait3A_388 = arith.constant 0 : i32
        %dma_wait3A_389 = arith.constant 0 : i32
        %dma_wait3A_390 = tpu.memref_slice %arg8[%select_n3A_121, %dma_wait3A_388, %dma_wait3A_389] : memref<2x10x40xi32, #tpu.memory_space<vmem>> -> memref<1x10x40xi32, #tpu.memory_space<vmem>>
        %dma_wait3A_391 = tpu.memref_squeeze %dma_wait3A_390 : memref<1x10x40xi32, #tpu.memory_space<vmem>> -> memref<10x40xi32, #tpu.memory_space<vmem>>
        %dma_wait3A_392 = arith.constant 0 : i32
        %dma_wait3A_393 = arith.constant 0 : i32
        %dma_wait3A_394 = tpu.memref_slice %arg4[%arg0, %arg1, %select_n3A_105, %dma_wait3A_392, %dma_wait3A_393] : memref<2x16x25x10x40xi32, #tpu.memory_space<hbm>> -> memref<1x1x1x10x40xi32, #tpu.memory_space<hbm>>
        %dma_wait3A_395 = tpu.memref_squeeze %dma_wait3A_394 : memref<1x1x1x10x40xi32, #tpu.memory_space<hbm>> -> memref<10x40xi32, #tpu.memory_space<hbm>>
        %dma_wait3A_396 = arith.constant 0 : i32
        %dma_wait3A_397 = arith.constant 0 : i32
        %dma_wait3A_398 = tpu.memref_slice %arg8[%select_n3A_121, %dma_wait3A_396, %dma_wait3A_397] : memref<2x10x40xi32, #tpu.memory_space<vmem>> -> memref<1x10x40xi32, #tpu.memory_space<vmem>>
        %dma_wait3A_399 = tpu.memref_squeeze %dma_wait3A_398 : memref<1x10x40xi32, #tpu.memory_space<vmem>> -> memref<10x40xi32, #tpu.memory_space<vmem>>
        %dma_wait3A_400 = arith.constant 0 : i32
        %dma_wait3A_401 = arith.constant 0 : i32
        %dma_wait3A_402 = tpu.memref_slice %arg4[%arg0, %arg1, %select_n3A_105, %dma_wait3A_400, %dma_wait3A_401] : memref<2x16x25x10x40xi32, #tpu.memory_space<hbm>> -> memref<1x1x1x10x40xi32, #tpu.memory_space<hbm>>
        %dma_wait3A_403 = tpu.memref_squeeze %dma_wait3A_402 : memref<1x1x1x10x40xi32, #tpu.memory_space<hbm>> -> memref<10x40xi32, #tpu.memory_space<hbm>>
        tpu.wait_dma2 semaphore(%arg20 : memref<!tpu.dma_semaphore, #tpu.memory_space<semaphore_mem>>) src(%dma_wait3A_403 : memref<10x40xi32, #tpu.memory_space<hbm>>) dst(%dma_wait3A_399 : memref<10x40xi32, #tpu.memory_space<vmem>>)
      } else {
      }
      %eq3A_145 = arith.constant 0 : i32
      %eq3A_146 = arith.cmpi eq, %mul3A_84, %eq3A_145 : i32
      %lt3A_147 = arith.constant 24 : i32
      %lt3A_148 = arith.cmpi slt, %select_n3A_105, %lt3A_147 : i32
      %and3A_149 = arith.andi %eq3A_146, %lt3A_148 : i1
      %convert_element_type3A_150 = arith.extui %and3A_149 : i1 to i32
      %cond3A_151 = arith.constant 0 : i32
      %cond3A_152 = arith.cmpi ne, %convert_element_type3A_150, %cond3A_151 : i32
      scf.if %cond3A_152 {
        %add3A_372 = arith.constant 1 : i32
        %add3A_373 = arith.addi %select_n3A_105, %add3A_372 : i32
        %dma_start3A_374 = arith.constant 0 : i32
        %dma_start3A_375 = arith.constant 0 : i32
        %dma_start3A_376 = tpu.memref_slice %arg7[%select_n3A_139, %dma_start3A_374, %dma_start3A_375] : memref<2x10x40xi32, #tpu.memory_space<vmem>> -> memref<1x10x40xi32, #tpu.memory_space<vmem>>
        %dma_start3A_377 = tpu.memref_squeeze %dma_start3A_376 : memref<1x10x40xi32, #tpu.memory_space<vmem>> -> memref<10x40xi32, #tpu.memory_space<vmem>>
        %dma_start3A_378 = arith.constant 0 : i32
        %dma_start3A_379 = arith.constant 0 : i32
        %dma_start3A_380 = tpu.memref_slice %arg3[%arg0, %arg1, %add3A_373, %dma_start3A_378, %dma_start3A_379] : memref<2x16x25x10x40xi32, #tpu.memory_space<hbm>> -> memref<1x1x1x10x40xi32, #tpu.memory_space<hbm>>
        %dma_start3A_381 = tpu.memref_squeeze %dma_start3A_380 : memref<1x1x1x10x40xi32, #tpu.memory_space<hbm>> -> memref<10x40xi32, #tpu.memory_space<hbm>>
        %dma_start3A_382 = arith.constant 0 : i32
        %dma_start3A_383 = arith.constant 0 : i32
        %dma_start3A_384 = tpu.memref_slice %arg7[%select_n3A_139, %dma_start3A_382, %dma_start3A_383] : memref<2x10x40xi32, #tpu.memory_space<vmem>> -> memref<1x10x40xi32, #tpu.memory_space<vmem>>
        %dma_start3A_385 = tpu.memref_squeeze %dma_start3A_384 : memref<1x10x40xi32, #tpu.memory_space<vmem>> -> memref<10x40xi32, #tpu.memory_space<vmem>>
        %dma_start3A_386 = arith.constant 0 : i32
        %dma_start3A_387 = arith.constant 0 : i32
        %dma_start3A_388 = tpu.memref_slice %arg3[%arg0, %arg1, %add3A_373, %dma_start3A_386, %dma_start3A_387] : memref<2x16x25x10x40xi32, #tpu.memory_space<hbm>> -> memref<1x1x1x10x40xi32, #tpu.memory_space<hbm>>
        %dma_start3A_389 = tpu.memref_squeeze %dma_start3A_388 : memref<1x1x1x10x40xi32, #tpu.memory_space<hbm>> -> memref<10x40xi32, #tpu.memory_space<hbm>>
        tpu.enqueue_dma source(%dma_start3A_389 : memref<10x40xi32, #tpu.memory_space<hbm>>) target(%dma_start3A_385 : memref<10x40xi32, #tpu.memory_space<vmem>>) target_semaphore(%arg20 : memref<!tpu.dma_semaphore, #tpu.memory_space<semaphore_mem>>)
        %add3A_390 = arith.constant 1 : i32
        %add3A_391 = arith.addi %select_n3A_105, %add3A_390 : i32
        %dma_start3A_392 = arith.constant 0 : i32
        %dma_start3A_393 = arith.constant 0 : i32
        %dma_start3A_394 = tpu.memref_slice %arg8[%select_n3A_139, %dma_start3A_392, %dma_start3A_393] : memref<2x10x40xi32, #tpu.memory_space<vmem>> -> memref<1x10x40xi32, #tpu.memory_space<vmem>>
        %dma_start3A_395 = tpu.memref_squeeze %dma_start3A_394 : memref<1x10x40xi32, #tpu.memory_space<vmem>> -> memref<10x40xi32, #tpu.memory_space<vmem>>
        %dma_start3A_396 = arith.constant 0 : i32
        %dma_start3A_397 = arith.constant 0 : i32
        %dma_start3A_398 = tpu.memref_slice %arg4[%arg0, %arg1, %add3A_391, %dma_start3A_396, %dma_start3A_397] : memref<2x16x25x10x40xi32, #tpu.memory_space<hbm>> -> memref<1x1x1x10x40xi32, #tpu.memory_space<hbm>>
        %dma_start3A_399 = tpu.memref_squeeze %dma_start3A_398 : memref<1x1x1x10x40xi32, #tpu.memory_space<hbm>> -> memref<10x40xi32, #tpu.memory_space<hbm>>
        %dma_start3A_400 = arith.constant 0 : i32
        %dma_start3A_401 = arith.constant 0 : i32
        %dma_start3A_402 = tpu.memref_slice %arg8[%select_n3A_139, %dma_start3A_400, %dma_start3A_401] : memref<2x10x40xi32, #tpu.memory_space<vmem>> -> memref<1x10x40xi32, #tpu.memory_space<vmem>>
        %dma_start3A_403 = tpu.memref_squeeze %dma_start3A_402 : memref<1x10x40xi32, #tpu.memory_space<vmem>> -> memref<10x40xi32, #tpu.memory_space<vmem>>
        %dma_start3A_404 = arith.constant 0 : i32
        %dma_start3A_405 = arith.constant 0 : i32
        %dma_start3A_406 = tpu.memref_slice %arg4[%arg0, %arg1, %add3A_391, %dma_start3A_404, %dma_start3A_405] : memref<2x16x25x10x40xi32, #tpu.memory_space<hbm>> -> memref<1x1x1x10x40xi32, #tpu.memory_space<hbm>>
        %dma_start3A_407 = tpu.memref_squeeze %dma_start3A_406 : memref<1x1x1x10x40xi32, #tpu.memory_space<hbm>> -> memref<10x40xi32, #tpu.memory_space<hbm>>
        tpu.enqueue_dma source(%dma_start3A_407 : memref<10x40xi32, #tpu.memory_space<hbm>>) target(%dma_start3A_403 : memref<10x40xi32, #tpu.memory_space<vmem>>) target_semaphore(%arg20 : memref<!tpu.dma_semaphore, #tpu.memory_space<semaphore_mem>>)
      } else {
      }
      %gt3A_153 = arith.constant 0 : i32
      %gt3A_154 = arith.cmpi sgt, %scan3A_74, %gt3A_153 : i32
      %convert_element_type3A_155 = arith.extui %gt3A_154 : i1 to i32
      %cond3A_156 = arith.constant 0 : i32
      %cond3A_157 = arith.cmpi ne, %convert_element_type3A_155, %cond3A_156 : i32
      scf.if %cond3A_157 {
        %add3A_372 = arith.constant 0 : i32
        %add3A_373 = arith.addi %mul3A_84, %add3A_372 : i32
        %dma_wait3A_374 = arith.constant 0 : i32
        %dma_wait3A_375 = arith.constant 0 : i32
        %dma_wait3A_376 = arith.constant 0 : i32
        %dma_wait3A_377 = tpu.memref_slice %arg9[%dma_wait3A_374, %dma_wait3A_375, %dma_wait3A_376] : memref<5x40x128xf32, #tpu.memory_space<vmem>> -> memref<1x40x128xf32, #tpu.memory_space<vmem>>
        %dma_wait3A_378 = tpu.memref_squeeze %dma_wait3A_377 : memref<1x40x128xf32, #tpu.memory_space<vmem>> -> memref<40x128xf32, #tpu.memory_space<vmem>>
        %dma_wait3A_379 = arith.constant 0 : i32
        %dma_wait3A_380 = tpu.memref_slice %arg8[%select_n3A_121, %add3A_373, %dma_wait3A_379] : memref<2x10x40xi32, #tpu.memory_space<vmem>> -> memref<1x1x40xi32, #tpu.memory_space<vmem>>
        %dma_wait3A_381 = tpu.memref_squeeze %dma_wait3A_380 : memref<1x1x40xi32, #tpu.memory_space<vmem>> -> memref<40xi32, #tpu.memory_space<vmem>>
        %dma_wait3A_382 = arith.constant 0 : i32
        %dma_wait3A_383 = arith.constant 0 : i32
        %dma_wait3A_384 = tpu.memref_slice %arg21[%dma_wait3A_382, %dma_wait3A_383] : memref<10240x128xf32, #tpu.memory_space<vmem_shared>> -> memref<10240x128xf32, #tpu.memory_space<vmem_shared>>
        tpu.wait_indirect_dma semaphore(%arg15 : memref<!tpu.dma_semaphore, #tpu.memory_space<semaphore_mem>>) src(%dma_wait3A_378 : memref<40x128xf32, #tpu.memory_space<vmem>>) dst(%dma_wait3A_384 : memref<10240x128xf32, #tpu.memory_space<vmem_shared>>)
      } else {
      }
      %add3A_158 = arith.constant 0 : i32
      %add3A_159 = arith.addi %mul3A_84, %add3A_158 : i32
      %dma_start3A = arith.constant 0 : i32
      %dma_start3A_160 = arith.constant 0 : i32
      %dma_start3A_161 = arith.constant 0 : i32
      %dma_start3A_162 = tpu.memref_slice %arg9[%dma_start3A, %dma_start3A_160, %dma_start3A_161] : memref<5x40x128xf32, #tpu.memory_space<vmem>> -> memref<1x40x128xf32, #tpu.memory_space<vmem>>
      %dma_start3A_163 = tpu.memref_squeeze %dma_start3A_162 : memref<1x40x128xf32, #tpu.memory_space<vmem>> -> memref<40x128xf32, #tpu.memory_space<vmem>>
      %dma_start3A_164 = arith.constant 0 : i32
      %dma_start3A_165 = tpu.memref_slice %arg7[%select_n3A_121, %add3A_159, %dma_start3A_164] : memref<2x10x40xi32, #tpu.memory_space<vmem>> -> memref<1x1x40xi32, #tpu.memory_space<vmem>>
      %dma_start3A_166 = tpu.memref_squeeze %dma_start3A_165 : memref<1x1x40xi32, #tpu.memory_space<vmem>> -> memref<40xi32, #tpu.memory_space<vmem>>
      %dma_start3A_167 = arith.constant 0 : i32
      %dma_start3A_168 = arith.constant 0 : i32
      %dma_start3A_169 = tpu.memref_slice %arg2[%dma_start3A_167, %dma_start3A_168] : memref<10240x128xf32, #tpu.memory_space<hbm>> -> memref<10240x128xf32, #tpu.memory_space<hbm>>
      tpu.enqueue_indirect_dma source(%dma_start3A_169 : memref<10240x128xf32, #tpu.memory_space<hbm>>) target(%dma_start3A_163 : memref<40x128xf32, #tpu.memory_space<vmem>>) offsets(%dma_start3A_166 : memref<40xi32, #tpu.memory_space<vmem>>) semaphore(%arg10 : memref<!tpu.dma_semaphore, #tpu.memory_space<semaphore_mem>>)
      %gt3A_170 = arith.constant 0 : i32
      %gt3A_171 = arith.cmpi sgt, %scan3A_74, %gt3A_170 : i32
      %convert_element_type3A_172 = arith.extui %gt3A_171 : i1 to i32
      %cond3A_173 = arith.constant 0 : i32
      %cond3A_174 = arith.cmpi ne, %convert_element_type3A_172, %cond3A_173 : i32
      scf.if %cond3A_174 {
        %add3A_372 = arith.constant 1 : i32
        %add3A_373 = arith.addi %mul3A_84, %add3A_372 : i32
        %dma_wait3A_374 = arith.constant 1 : i32
        %dma_wait3A_375 = arith.constant 0 : i32
        %dma_wait3A_376 = arith.constant 0 : i32
        %dma_wait3A_377 = tpu.memref_slice %arg9[%dma_wait3A_374, %dma_wait3A_375, %dma_wait3A_376] : memref<5x40x128xf32, #tpu.memory_space<vmem>> -> memref<1x40x128xf32, #tpu.memory_space<vmem>>
        %dma_wait3A_378 = tpu.memref_squeeze %dma_wait3A_377 : memref<1x40x128xf32, #tpu.memory_space<vmem>> -> memref<40x128xf32, #tpu.memory_space<vmem>>
        %dma_wait3A_379 = arith.constant 0 : i32
        %dma_wait3A_380 = tpu.memref_slice %arg8[%select_n3A_121, %add3A_373, %dma_wait3A_379] : memref<2x10x40xi32, #tpu.memory_space<vmem>> -> memref<1x1x40xi32, #tpu.memory_space<vmem>>
        %dma_wait3A_381 = tpu.memref_squeeze %dma_wait3A_380 : memref<1x1x40xi32, #tpu.memory_space<vmem>> -> memref<40xi32, #tpu.memory_space<vmem>>
        %dma_wait3A_382 = arith.constant 0 : i32
        %dma_wait3A_383 = arith.constant 0 : i32
        %dma_wait3A_384 = tpu.memref_slice %arg21[%dma_wait3A_382, %dma_wait3A_383] : memref<10240x128xf32, #tpu.memory_space<vmem_shared>> -> memref<10240x128xf32, #tpu.memory_space<vmem_shared>>
        tpu.wait_indirect_dma semaphore(%arg16 : memref<!tpu.dma_semaphore, #tpu.memory_space<semaphore_mem>>) src(%dma_wait3A_378 : memref<40x128xf32, #tpu.memory_space<vmem>>) dst(%dma_wait3A_384 : memref<10240x128xf32, #tpu.memory_space<vmem_shared>>)
      } else {
      }
      %add3A_175 = arith.constant 1 : i32
      %add3A_176 = arith.addi %mul3A_84, %add3A_175 : i32
      %dma_start3A_177 = arith.constant 1 : i32
      %dma_start3A_178 = arith.constant 0 : i32
      %dma_start3A_179 = arith.constant 0 : i32
      %dma_start3A_180 = tpu.memref_slice %arg9[%dma_start3A_177, %dma_start3A_178, %dma_start3A_179] : memref<5x40x128xf32, #tpu.memory_space<vmem>> -> memref<1x40x128xf32, #tpu.memory_space<vmem>>
      %dma_start3A_181 = tpu.memref_squeeze %dma_start3A_180 : memref<1x40x128xf32, #tpu.memory_space<vmem>> -> memref<40x128xf32, #tpu.memory_space<vmem>>
      %dma_start3A_182 = arith.constant 0 : i32
      %dma_start3A_183 = tpu.memref_slice %arg7[%select_n3A_121, %add3A_176, %dma_start3A_182] : memref<2x10x40xi32, #tpu.memory_space<vmem>> -> memref<1x1x40xi32, #tpu.memory_space<vmem>>
      %dma_start3A_184 = tpu.memref_squeeze %dma_start3A_183 : memref<1x1x40xi32, #tpu.memory_space<vmem>> -> memref<40xi32, #tpu.memory_space<vmem>>
      %dma_start3A_185 = arith.constant 0 : i32
      %dma_start3A_186 = arith.constant 0 : i32
      %dma_start3A_187 = tpu.memref_slice %arg2[%dma_start3A_185, %dma_start3A_186] : memref<10240x128xf32, #tpu.memory_space<hbm>> -> memref<10240x128xf32, #tpu.memory_space<hbm>>
      tpu.enqueue_indirect_dma source(%dma_start3A_187 : memref<10240x128xf32, #tpu.memory_space<hbm>>) target(%dma_start3A_181 : memref<40x128xf32, #tpu.memory_space<vmem>>) offsets(%dma_start3A_184 : memref<40xi32, #tpu.memory_space<vmem>>) semaphore(%arg11 : memref<!tpu.dma_semaphore, #tpu.memory_space<semaphore_mem>>)
      %gt3A_188 = arith.constant 0 : i32
      %gt3A_189 = arith.cmpi sgt, %scan3A_74, %gt3A_188 : i32
      %convert_element_type3A_190 = arith.extui %gt3A_189 : i1 to i32
      %cond3A_191 = arith.constant 0 : i32
      %cond3A_192 = arith.cmpi ne, %convert_element_type3A_190, %cond3A_191 : i32
      scf.if %cond3A_192 {
        %add3A_372 = arith.constant 2 : i32
        %add3A_373 = arith.addi %mul3A_84, %add3A_372 : i32
        %dma_wait3A_374 = arith.constant 2 : i32
        %dma_wait3A_375 = arith.constant 0 : i32
        %dma_wait3A_376 = arith.constant 0 : i32
        %dma_wait3A_377 = tpu.memref_slice %arg9[%dma_wait3A_374, %dma_wait3A_375, %dma_wait3A_376] : memref<5x40x128xf32, #tpu.memory_space<vmem>> -> memref<1x40x128xf32, #tpu.memory_space<vmem>>
        %dma_wait3A_378 = tpu.memref_squeeze %dma_wait3A_377 : memref<1x40x128xf32, #tpu.memory_space<vmem>> -> memref<40x128xf32, #tpu.memory_space<vmem>>
        %dma_wait3A_379 = arith.constant 0 : i32
        %dma_wait3A_380 = tpu.memref_slice %arg8[%select_n3A_121, %add3A_373, %dma_wait3A_379] : memref<2x10x40xi32, #tpu.memory_space<vmem>> -> memref<1x1x40xi32, #tpu.memory_space<vmem>>
        %dma_wait3A_381 = tpu.memref_squeeze %dma_wait3A_380 : memref<1x1x40xi32, #tpu.memory_space<vmem>> -> memref<40xi32, #tpu.memory_space<vmem>>
        %dma_wait3A_382 = arith.constant 0 : i32
        %dma_wait3A_383 = arith.constant 0 : i32
        %dma_wait3A_384 = tpu.memref_slice %arg21[%dma_wait3A_382, %dma_wait3A_383] : memref<10240x128xf32, #tpu.memory_space<vmem_shared>> -> memref<10240x128xf32, #tpu.memory_space<vmem_shared>>
        tpu.wait_indirect_dma semaphore(%arg17 : memref<!tpu.dma_semaphore, #tpu.memory_space<semaphore_mem>>) src(%dma_wait3A_378 : memref<40x128xf32, #tpu.memory_space<vmem>>) dst(%dma_wait3A_384 : memref<10240x128xf32, #tpu.memory_space<vmem_shared>>)
      } else {
      }
      %add3A_193 = arith.constant 2 : i32
      %add3A_194 = arith.addi %mul3A_84, %add3A_193 : i32
      %dma_start3A_195 = arith.constant 2 : i32
      %dma_start3A_196 = arith.constant 0 : i32
      %dma_start3A_197 = arith.constant 0 : i32
      %dma_start3A_198 = tpu.memref_slice %arg9[%dma_start3A_195, %dma_start3A_196, %dma_start3A_197] : memref<5x40x128xf32, #tpu.memory_space<vmem>> -> memref<1x40x128xf32, #tpu.memory_space<vmem>>
      %dma_start3A_199 = tpu.memref_squeeze %dma_start3A_198 : memref<1x40x128xf32, #tpu.memory_space<vmem>> -> memref<40x128xf32, #tpu.memory_space<vmem>>
      %dma_start3A_200 = arith.constant 0 : i32
      %dma_start3A_201 = tpu.memref_slice %arg7[%select_n3A_121, %add3A_194, %dma_start3A_200] : memref<2x10x40xi32, #tpu.memory_space<vmem>> -> memref<1x1x40xi32, #tpu.memory_space<vmem>>
      %dma_start3A_202 = tpu.memref_squeeze %dma_start3A_201 : memref<1x1x40xi32, #tpu.memory_space<vmem>> -> memref<40xi32, #tpu.memory_space<vmem>>
      %dma_start3A_203 = arith.constant 0 : i32
      %dma_start3A_204 = arith.constant 0 : i32
      %dma_start3A_205 = tpu.memref_slice %arg2[%dma_start3A_203, %dma_start3A_204] : memref<10240x128xf32, #tpu.memory_space<hbm>> -> memref<10240x128xf32, #tpu.memory_space<hbm>>
      tpu.enqueue_indirect_dma source(%dma_start3A_205 : memref<10240x128xf32, #tpu.memory_space<hbm>>) target(%dma_start3A_199 : memref<40x128xf32, #tpu.memory_space<vmem>>) offsets(%dma_start3A_202 : memref<40xi32, #tpu.memory_space<vmem>>) semaphore(%arg12 : memref<!tpu.dma_semaphore, #tpu.memory_space<semaphore_mem>>)
      %gt3A_206 = arith.constant 0 : i32
      %gt3A_207 = arith.cmpi sgt, %scan3A_74, %gt3A_206 : i32
      %convert_element_type3A_208 = arith.extui %gt3A_207 : i1 to i32
      %cond3A_209 = arith.constant 0 : i32
      %cond3A_210 = arith.cmpi ne, %convert_element_type3A_208, %cond3A_209 : i32
      scf.if %cond3A_210 {
        %add3A_372 = arith.constant 3 : i32
        %add3A_373 = arith.addi %mul3A_84, %add3A_372 : i32
        %dma_wait3A_374 = arith.constant 3 : i32
        %dma_wait3A_375 = arith.constant 0 : i32
        %dma_wait3A_376 = arith.constant 0 : i32
        %dma_wait3A_377 = tpu.memref_slice %arg9[%dma_wait3A_374, %dma_wait3A_375, %dma_wait3A_376] : memref<5x40x128xf32, #tpu.memory_space<vmem>> -> memref<1x40x128xf32, #tpu.memory_space<vmem>>
        %dma_wait3A_378 = tpu.memref_squeeze %dma_wait3A_377 : memref<1x40x128xf32, #tpu.memory_space<vmem>> -> memref<40x128xf32, #tpu.memory_space<vmem>>
        %dma_wait3A_379 = arith.constant 0 : i32
        %dma_wait3A_380 = tpu.memref_slice %arg8[%select_n3A_121, %add3A_373, %dma_wait3A_379] : memref<2x10x40xi32, #tpu.memory_space<vmem>> -> memref<1x1x40xi32, #tpu.memory_space<vmem>>
        %dma_wait3A_381 = tpu.memref_squeeze %dma_wait3A_380 : memref<1x1x40xi32, #tpu.memory_space<vmem>> -> memref<40xi32, #tpu.memory_space<vmem>>
        %dma_wait3A_382 = arith.constant 0 : i32
        %dma_wait3A_383 = arith.constant 0 : i32
        %dma_wait3A_384 = tpu.memref_slice %arg21[%dma_wait3A_382, %dma_wait3A_383] : memref<10240x128xf32, #tpu.memory_space<vmem_shared>> -> memref<10240x128xf32, #tpu.memory_space<vmem_shared>>
        tpu.wait_indirect_dma semaphore(%arg18 : memref<!tpu.dma_semaphore, #tpu.memory_space<semaphore_mem>>) src(%dma_wait3A_378 : memref<40x128xf32, #tpu.memory_space<vmem>>) dst(%dma_wait3A_384 : memref<10240x128xf32, #tpu.memory_space<vmem_shared>>)
      } else {
      }
      %add3A_211 = arith.constant 3 : i32
      %add3A_212 = arith.addi %mul3A_84, %add3A_211 : i32
      %dma_start3A_213 = arith.constant 3 : i32
      %dma_start3A_214 = arith.constant 0 : i32
      %dma_start3A_215 = arith.constant 0 : i32
      %dma_start3A_216 = tpu.memref_slice %arg9[%dma_start3A_213, %dma_start3A_214, %dma_start3A_215] : memref<5x40x128xf32, #tpu.memory_space<vmem>> -> memref<1x40x128xf32, #tpu.memory_space<vmem>>
      %dma_start3A_217 = tpu.memref_squeeze %dma_start3A_216 : memref<1x40x128xf32, #tpu.memory_space<vmem>> -> memref<40x128xf32, #tpu.memory_space<vmem>>
      %dma_start3A_218 = arith.constant 0 : i32
      %dma_start3A_219 = tpu.memref_slice %arg7[%select_n3A_121, %add3A_212, %dma_start3A_218] : memref<2x10x40xi32, #tpu.memory_space<vmem>> -> memref<1x1x40xi32, #tpu.memory_space<vmem>>
      %dma_start3A_220 = tpu.memref_squeeze %dma_start3A_219 : memref<1x1x40xi32, #tpu.memory_space<vmem>> -> memref<40xi32, #tpu.memory_space<vmem>>
      %dma_start3A_221 = arith.constant 0 : i32
      %dma_start3A_222 = arith.constant 0 : i32
      %dma_start3A_223 = tpu.memref_slice %arg2[%dma_start3A_221, %dma_start3A_222] : memref<10240x128xf32, #tpu.memory_space<hbm>> -> memref<10240x128xf32, #tpu.memory_space<hbm>>
      tpu.enqueue_indirect_dma source(%dma_start3A_223 : memref<10240x128xf32, #tpu.memory_space<hbm>>) target(%dma_start3A_217 : memref<40x128xf32, #tpu.memory_space<vmem>>) offsets(%dma_start3A_220 : memref<40xi32, #tpu.memory_space<vmem>>) semaphore(%arg13 : memref<!tpu.dma_semaphore, #tpu.memory_space<semaphore_mem>>)
      %gt3A_224 = arith.constant 0 : i32
      %gt3A_225 = arith.cmpi sgt, %scan3A_74, %gt3A_224 : i32
      %convert_element_type3A_226 = arith.extui %gt3A_225 : i1 to i32
      %cond3A_227 = arith.constant 0 : i32
      %cond3A_228 = arith.cmpi ne, %convert_element_type3A_226, %cond3A_227 : i32
      scf.if %cond3A_228 {
        %add3A_372 = arith.constant 4 : i32
        %add3A_373 = arith.addi %mul3A_84, %add3A_372 : i32
        %dma_wait3A_374 = arith.constant 4 : i32
        %dma_wait3A_375 = arith.constant 0 : i32
        %dma_wait3A_376 = arith.constant 0 : i32
        %dma_wait3A_377 = tpu.memref_slice %arg9[%dma_wait3A_374, %dma_wait3A_375, %dma_wait3A_376] : memref<5x40x128xf32, #tpu.memory_space<vmem>> -> memref<1x40x128xf32, #tpu.memory_space<vmem>>
        %dma_wait3A_378 = tpu.memref_squeeze %dma_wait3A_377 : memref<1x40x128xf32, #tpu.memory_space<vmem>> -> memref<40x128xf32, #tpu.memory_space<vmem>>
        %dma_wait3A_379 = arith.constant 0 : i32
        %dma_wait3A_380 = tpu.memref_slice %arg8[%select_n3A_121, %add3A_373, %dma_wait3A_379] : memref<2x10x40xi32, #tpu.memory_space<vmem>> -> memref<1x1x40xi32, #tpu.memory_space<vmem>>
        %dma_wait3A_381 = tpu.memref_squeeze %dma_wait3A_380 : memref<1x1x40xi32, #tpu.memory_space<vmem>> -> memref<40xi32, #tpu.memory_space<vmem>>
        %dma_wait3A_382 = arith.constant 0 : i32
        %dma_wait3A_383 = arith.constant 0 : i32
        %dma_wait3A_384 = tpu.memref_slice %arg21[%dma_wait3A_382, %dma_wait3A_383] : memref<10240x128xf32, #tpu.memory_space<vmem_shared>> -> memref<10240x128xf32, #tpu.memory_space<vmem_shared>>
        tpu.wait_indirect_dma semaphore(%arg19 : memref<!tpu.dma_semaphore, #tpu.memory_space<semaphore_mem>>) src(%dma_wait3A_378 : memref<40x128xf32, #tpu.memory_space<vmem>>) dst(%dma_wait3A_384 : memref<10240x128xf32, #tpu.memory_space<vmem_shared>>)
      } else {
      }
      %add3A_229 = arith.constant 4 : i32
      %add3A_230 = arith.addi %mul3A_84, %add3A_229 : i32
      %dma_start3A_231 = arith.constant 4 : i32
      %dma_start3A_232 = arith.constant 0 : i32
      %dma_start3A_233 = arith.constant 0 : i32
      %dma_start3A_234 = tpu.memref_slice %arg9[%dma_start3A_231, %dma_start3A_232, %dma_start3A_233] : memref<5x40x128xf32, #tpu.memory_space<vmem>> -> memref<1x40x128xf32, #tpu.memory_space<vmem>>
      %dma_start3A_235 = tpu.memref_squeeze %dma_start3A_234 : memref<1x40x128xf32, #tpu.memory_space<vmem>> -> memref<40x128xf32, #tpu.memory_space<vmem>>
      %dma_start3A_236 = arith.constant 0 : i32
      %dma_start3A_237 = tpu.memref_slice %arg7[%select_n3A_121, %add3A_230, %dma_start3A_236] : memref<2x10x40xi32, #tpu.memory_space<vmem>> -> memref<1x1x40xi32, #tpu.memory_space<vmem>>
      %dma_start3A_238 = tpu.memref_squeeze %dma_start3A_237 : memref<1x1x40xi32, #tpu.memory_space<vmem>> -> memref<40xi32, #tpu.memory_space<vmem>>
      %dma_start3A_239 = arith.constant 0 : i32
      %dma_start3A_240 = arith.constant 0 : i32
      %dma_start3A_241 = tpu.memref_slice %arg2[%dma_start3A_239, %dma_start3A_240] : memref<10240x128xf32, #tpu.memory_space<hbm>> -> memref<10240x128xf32, #tpu.memory_space<hbm>>
      tpu.enqueue_indirect_dma source(%dma_start3A_241 : memref<10240x128xf32, #tpu.memory_space<hbm>>) target(%dma_start3A_235 : memref<40x128xf32, #tpu.memory_space<vmem>>) offsets(%dma_start3A_238 : memref<40xi32, #tpu.memory_space<vmem>>) semaphore(%arg14 : memref<!tpu.dma_semaphore, #tpu.memory_space<semaphore_mem>>)
      %add3A_242 = arith.constant 0 : i32
      %add3A_243 = arith.addi %mul3A_84, %add3A_242 : i32
      %dma_wait3A_244 = arith.constant 0 : i32
      %dma_wait3A_245 = arith.constant 0 : i32
      %dma_wait3A_246 = arith.constant 0 : i32
      %dma_wait3A_247 = tpu.memref_slice %arg9[%dma_wait3A_244, %dma_wait3A_245, %dma_wait3A_246] : memref<5x40x128xf32, #tpu.memory_space<vmem>> -> memref<1x40x128xf32, #tpu.memory_space<vmem>>
      %dma_wait3A_248 = tpu.memref_squeeze %dma_wait3A_247 : memref<1x40x128xf32, #tpu.memory_space<vmem>> -> memref<40x128xf32, #tpu.memory_space<vmem>>
      %dma_wait3A_249 = arith.constant 0 : i32
      %dma_wait3A_250 = tpu.memref_slice %arg7[%select_n3A_121, %add3A_243, %dma_wait3A_249] : memref<2x10x40xi32, #tpu.memory_space<vmem>> -> memref<1x1x40xi32, #tpu.memory_space<vmem>>
      %dma_wait3A_251 = tpu.memref_squeeze %dma_wait3A_250 : memref<1x1x40xi32, #tpu.memory_space<vmem>> -> memref<40xi32, #tpu.memory_space<vmem>>
      %dma_wait3A_252 = arith.constant 0 : i32
      %dma_wait3A_253 = arith.constant 0 : i32
      %dma_wait3A_254 = tpu.memref_slice %arg2[%dma_wait3A_252, %dma_wait3A_253] : memref<10240x128xf32, #tpu.memory_space<hbm>> -> memref<10240x128xf32, #tpu.memory_space<hbm>>
      tpu.wait_indirect_dma semaphore(%arg10 : memref<!tpu.dma_semaphore, #tpu.memory_space<semaphore_mem>>) src(%dma_wait3A_254 : memref<10240x128xf32, #tpu.memory_space<hbm>>) dst(%dma_wait3A_248 : memref<40x128xf32, #tpu.memory_space<vmem>>)
      %add3A_255 = arith.constant 0 : i32
      %add3A_256 = arith.addi %mul3A_84, %add3A_255 : i32
      %dma_start3A_257 = arith.constant 0 : i32
      %dma_start3A_258 = arith.constant 0 : i32
      %dma_start3A_259 = arith.constant 0 : i32
      %dma_start3A_260 = tpu.memref_slice %arg9[%dma_start3A_257, %dma_start3A_258, %dma_start3A_259] : memref<5x40x128xf32, #tpu.memory_space<vmem>> -> memref<1x40x128xf32, #tpu.memory_space<vmem>>
      %dma_start3A_261 = tpu.memref_squeeze %dma_start3A_260 : memref<1x40x128xf32, #tpu.memory_space<vmem>> -> memref<40x128xf32, #tpu.memory_space<vmem>>
      %dma_start3A_262 = arith.constant 0 : i32
      %dma_start3A_263 = tpu.memref_slice %arg8[%select_n3A_121, %add3A_256, %dma_start3A_262] : memref<2x10x40xi32, #tpu.memory_space<vmem>> -> memref<1x1x40xi32, #tpu.memory_space<vmem>>
      %dma_start3A_264 = tpu.memref_squeeze %dma_start3A_263 : memref<1x1x40xi32, #tpu.memory_space<vmem>> -> memref<40xi32, #tpu.memory_space<vmem>>
      %dma_start3A_265 = arith.constant 0 : i32
      %dma_start3A_266 = arith.constant 0 : i32
      %dma_start3A_267 = tpu.memref_slice %arg21[%dma_start3A_265, %dma_start3A_266] : memref<10240x128xf32, #tpu.memory_space<vmem_shared>> -> memref<10240x128xf32, #tpu.memory_space<vmem_shared>>
      tpu.enqueue_indirect_dma source(%dma_start3A_261 : memref<40x128xf32, #tpu.memory_space<vmem>>) target(%dma_start3A_267 : memref<10240x128xf32, #tpu.memory_space<vmem_shared>>) offsets(%dma_start3A_264 : memref<40xi32, #tpu.memory_space<vmem>>) semaphore(%arg15 : memref<!tpu.dma_semaphore, #tpu.memory_space<semaphore_mem>>) {add = true}
      %add3A_268 = arith.constant 1 : i32
      %add3A_269 = arith.addi %mul3A_84, %add3A_268 : i32
      %dma_wait3A_270 = arith.constant 1 : i32
      %dma_wait3A_271 = arith.constant 0 : i32
      %dma_wait3A_272 = arith.constant 0 : i32
      %dma_wait3A_273 = tpu.memref_slice %arg9[%dma_wait3A_270, %dma_wait3A_271, %dma_wait3A_272] : memref<5x40x128xf32, #tpu.memory_space<vmem>> -> memref<1x40x128xf32, #tpu.memory_space<vmem>>
      %dma_wait3A_274 = tpu.memref_squeeze %dma_wait3A_273 : memref<1x40x128xf32, #tpu.memory_space<vmem>> -> memref<40x128xf32, #tpu.memory_space<vmem>>
      %dma_wait3A_275 = arith.constant 0 : i32
      %dma_wait3A_276 = tpu.memref_slice %arg7[%select_n3A_121, %add3A_269, %dma_wait3A_275] : memref<2x10x40xi32, #tpu.memory_space<vmem>> -> memref<1x1x40xi32, #tpu.memory_space<vmem>>
      %dma_wait3A_277 = tpu.memref_squeeze %dma_wait3A_276 : memref<1x1x40xi32, #tpu.memory_space<vmem>> -> memref<40xi32, #tpu.memory_space<vmem>>
      %dma_wait3A_278 = arith.constant 0 : i32
      %dma_wait3A_279 = arith.constant 0 : i32
      %dma_wait3A_280 = tpu.memref_slice %arg2[%dma_wait3A_278, %dma_wait3A_279] : memref<10240x128xf32, #tpu.memory_space<hbm>> -> memref<10240x128xf32, #tpu.memory_space<hbm>>
      tpu.wait_indirect_dma semaphore(%arg11 : memref<!tpu.dma_semaphore, #tpu.memory_space<semaphore_mem>>) src(%dma_wait3A_280 : memref<10240x128xf32, #tpu.memory_space<hbm>>) dst(%dma_wait3A_274 : memref<40x128xf32, #tpu.memory_space<vmem>>)
      %add3A_281 = arith.constant 1 : i32
      %add3A_282 = arith.addi %mul3A_84, %add3A_281 : i32
      %dma_start3A_283 = arith.constant 1 : i32
      %dma_start3A_284 = arith.constant 0 : i32
      %dma_start3A_285 = arith.constant 0 : i32
      %dma_start3A_286 = tpu.memref_slice %arg9[%dma_start3A_283, %dma_start3A_284, %dma_start3A_285] : memref<5x40x128xf32, #tpu.memory_space<vmem>> -> memref<1x40x128xf32, #tpu.memory_space<vmem>>
      %dma_start3A_287 = tpu.memref_squeeze %dma_start3A_286 : memref<1x40x128xf32, #tpu.memory_space<vmem>> -> memref<40x128xf32, #tpu.memory_space<vmem>>
      %dma_start3A_288 = arith.constant 0 : i32
      %dma_start3A_289 = tpu.memref_slice %arg8[%select_n3A_121, %add3A_282, %dma_start3A_288] : memref<2x10x40xi32, #tpu.memory_space<vmem>> -> memref<1x1x40xi32, #tpu.memory_space<vmem>>
      %dma_start3A_290 = tpu.memref_squeeze %dma_start3A_289 : memref<1x1x40xi32, #tpu.memory_space<vmem>> -> memref<40xi32, #tpu.memory_space<vmem>>
      %dma_start3A_291 = arith.constant 0 : i32
      %dma_start3A_292 = arith.constant 0 : i32
      %dma_start3A_293 = tpu.memref_slice %arg21[%dma_start3A_291, %dma_start3A_292] : memref<10240x128xf32, #tpu.memory_space<vmem_shared>> -> memref<10240x128xf32, #tpu.memory_space<vmem_shared>>
      tpu.enqueue_indirect_dma source(%dma_start3A_287 : memref<40x128xf32, #tpu.memory_space<vmem>>) target(%dma_start3A_293 : memref<10240x128xf32, #tpu.memory_space<vmem_shared>>) offsets(%dma_start3A_290 : memref<40xi32, #tpu.memory_space<vmem>>) semaphore(%arg16 : memref<!tpu.dma_semaphore, #tpu.memory_space<semaphore_mem>>) {add = true}
      %add3A_294 = arith.constant 2 : i32
      %add3A_295 = arith.addi %mul3A_84, %add3A_294 : i32
      %dma_wait3A_296 = arith.constant 2 : i32
      %dma_wait3A_297 = arith.constant 0 : i32
      %dma_wait3A_298 = arith.constant 0 : i32
      %dma_wait3A_299 = tpu.memref_slice %arg9[%dma_wait3A_296, %dma_wait3A_297, %dma_wait3A_298] : memref<5x40x128xf32, #tpu.memory_space<vmem>> -> memref<1x40x128xf32, #tpu.memory_space<vmem>>
      %dma_wait3A_300 = tpu.memref_squeeze %dma_wait3A_299 : memref<1x40x128xf32, #tpu.memory_space<vmem>> -> memref<40x128xf32, #tpu.memory_space<vmem>>
      %dma_wait3A_301 = arith.constant 0 : i32
      %dma_wait3A_302 = tpu.memref_slice %arg7[%select_n3A_121, %add3A_295, %dma_wait3A_301] : memref<2x10x40xi32, #tpu.memory_space<vmem>> -> memref<1x1x40xi32, #tpu.memory_space<vmem>>
      %dma_wait3A_303 = tpu.memref_squeeze %dma_wait3A_302 : memref<1x1x40xi32, #tpu.memory_space<vmem>> -> memref<40xi32, #tpu.memory_space<vmem>>
      %dma_wait3A_304 = arith.constant 0 : i32
      %dma_wait3A_305 = arith.constant 0 : i32
      %dma_wait3A_306 = tpu.memref_slice %arg2[%dma_wait3A_304, %dma_wait3A_305] : memref<10240x128xf32, #tpu.memory_space<hbm>> -> memref<10240x128xf32, #tpu.memory_space<hbm>>
      tpu.wait_indirect_dma semaphore(%arg12 : memref<!tpu.dma_semaphore, #tpu.memory_space<semaphore_mem>>) src(%dma_wait3A_306 : memref<10240x128xf32, #tpu.memory_space<hbm>>) dst(%dma_wait3A_300 : memref<40x128xf32, #tpu.memory_space<vmem>>)
      %add3A_307 = arith.constant 2 : i32
      %add3A_308 = arith.addi %mul3A_84, %add3A_307 : i32
      %dma_start3A_309 = arith.constant 2 : i32
      %dma_start3A_310 = arith.constant 0 : i32
      %dma_start3A_311 = arith.constant 0 : i32
      %dma_start3A_312 = tpu.memref_slice %arg9[%dma_start3A_309, %dma_start3A_310, %dma_start3A_311] : memref<5x40x128xf32, #tpu.memory_space<vmem>> -> memref<1x40x128xf32, #tpu.memory_space<vmem>>
      %dma_start3A_313 = tpu.memref_squeeze %dma_start3A_312 : memref<1x40x128xf32, #tpu.memory_space<vmem>> -> memref<40x128xf32, #tpu.memory_space<vmem>>
      %dma_start3A_314 = arith.constant 0 : i32
      %dma_start3A_315 = tpu.memref_slice %arg8[%select_n3A_121, %add3A_308, %dma_start3A_314] : memref<2x10x40xi32, #tpu.memory_space<vmem>> -> memref<1x1x40xi32, #tpu.memory_space<vmem>>
      %dma_start3A_316 = tpu.memref_squeeze %dma_start3A_315 : memref<1x1x40xi32, #tpu.memory_space<vmem>> -> memref<40xi32, #tpu.memory_space<vmem>>
      %dma_start3A_317 = arith.constant 0 : i32
      %dma_start3A_318 = arith.constant 0 : i32
      %dma_start3A_319 = tpu.memref_slice %arg21[%dma_start3A_317, %dma_start3A_318] : memref<10240x128xf32, #tpu.memory_space<vmem_shared>> -> memref<10240x128xf32, #tpu.memory_space<vmem_shared>>
      tpu.enqueue_indirect_dma source(%dma_start3A_313 : memref<40x128xf32, #tpu.memory_space<vmem>>) target(%dma_start3A_319 : memref<10240x128xf32, #tpu.memory_space<vmem_shared>>) offsets(%dma_start3A_316 : memref<40xi32, #tpu.memory_space<vmem>>) semaphore(%arg17 : memref<!tpu.dma_semaphore, #tpu.memory_space<semaphore_mem>>) {add = true}
      %add3A_320 = arith.constant 3 : i32
      %add3A_321 = arith.addi %mul3A_84, %add3A_320 : i32
      %dma_wait3A_322 = arith.constant 3 : i32
      %dma_wait3A_323 = arith.constant 0 : i32
      %dma_wait3A_324 = arith.constant 0 : i32
      %dma_wait3A_325 = tpu.memref_slice %arg9[%dma_wait3A_322, %dma_wait3A_323, %dma_wait3A_324] : memref<5x40x128xf32, #tpu.memory_space<vmem>> -> memref<1x40x128xf32, #tpu.memory_space<vmem>>
      %dma_wait3A_326 = tpu.memref_squeeze %dma_wait3A_325 : memref<1x40x128xf32, #tpu.memory_space<vmem>> -> memref<40x128xf32, #tpu.memory_space<vmem>>
      %dma_wait3A_327 = arith.constant 0 : i32
      %dma_wait3A_328 = tpu.memref_slice %arg7[%select_n3A_121, %add3A_321, %dma_wait3A_327] : memref<2x10x40xi32, #tpu.memory_space<vmem>> -> memref<1x1x40xi32, #tpu.memory_space<vmem>>
      %dma_wait3A_329 = tpu.memref_squeeze %dma_wait3A_328 : memref<1x1x40xi32, #tpu.memory_space<vmem>> -> memref<40xi32, #tpu.memory_space<vmem>>
      %dma_wait3A_330 = arith.constant 0 : i32
      %dma_wait3A_331 = arith.constant 0 : i32
      %dma_wait3A_332 = tpu.memref_slice %arg2[%dma_wait3A_330, %dma_wait3A_331] : memref<10240x128xf32, #tpu.memory_space<hbm>> -> memref<10240x128xf32, #tpu.memory_space<hbm>>
      tpu.wait_indirect_dma semaphore(%arg13 : memref<!tpu.dma_semaphore, #tpu.memory_space<semaphore_mem>>) src(%dma_wait3A_332 : memref<10240x128xf32, #tpu.memory_space<hbm>>) dst(%dma_wait3A_326 : memref<40x128xf32, #tpu.memory_space<vmem>>)
      %add3A_333 = arith.constant 3 : i32
      %add3A_334 = arith.addi %mul3A_84, %add3A_333 : i32
      %dma_start3A_335 = arith.constant 3 : i32
      %dma_start3A_336 = arith.constant 0 : i32
      %dma_start3A_337 = arith.constant 0 : i32
      %dma_start3A_338 = tpu.memref_slice %arg9[%dma_start3A_335, %dma_start3A_336, %dma_start3A_337] : memref<5x40x128xf32, #tpu.memory_space<vmem>> -> memref<1x40x128xf32, #tpu.memory_space<vmem>>
      %dma_start3A_339 = tpu.memref_squeeze %dma_start3A_338 : memref<1x40x128xf32, #tpu.memory_space<vmem>> -> memref<40x128xf32, #tpu.memory_space<vmem>>
      %dma_start3A_340 = arith.constant 0 : i32
      %dma_start3A_341 = tpu.memref_slice %arg8[%select_n3A_121, %add3A_334, %dma_start3A_340] : memref<2x10x40xi32, #tpu.memory_space<vmem>> -> memref<1x1x40xi32, #tpu.memory_space<vmem>>
      %dma_start3A_342 = tpu.memref_squeeze %dma_start3A_341 : memref<1x1x40xi32, #tpu.memory_space<vmem>> -> memref<40xi32, #tpu.memory_space<vmem>>
      %dma_start3A_343 = arith.constant 0 : i32
      %dma_start3A_344 = arith.constant 0 : i32
      %dma_start3A_345 = tpu.memref_slice %arg21[%dma_start3A_343, %dma_start3A_344] : memref<10240x128xf32, #tpu.memory_space<vmem_shared>> -> memref<10240x128xf32, #tpu.memory_space<vmem_shared>>
      tpu.enqueue_indirect_dma source(%dma_start3A_339 : memref<40x128xf32, #tpu.memory_space<vmem>>) target(%dma_start3A_345 : memref<10240x128xf32, #tpu.memory_space<vmem_shared>>) offsets(%dma_start3A_342 : memref<40xi32, #tpu.memory_space<vmem>>) semaphore(%arg18 : memref<!tpu.dma_semaphore, #tpu.memory_space<semaphore_mem>>) {add = true}
      %add3A_346 = arith.constant 4 : i32
      %add3A_347 = arith.addi %mul3A_84, %add3A_346 : i32
      %dma_wait3A_348 = arith.constant 4 : i32
      %dma_wait3A_349 = arith.constant 0 : i32
      %dma_wait3A_350 = arith.constant 0 : i32
      %dma_wait3A_351 = tpu.memref_slice %arg9[%dma_wait3A_348, %dma_wait3A_349, %dma_wait3A_350] : memref<5x40x128xf32, #tpu.memory_space<vmem>> -> memref<1x40x128xf32, #tpu.memory_space<vmem>>
      %dma_wait3A_352 = tpu.memref_squeeze %dma_wait3A_351 : memref<1x40x128xf32, #tpu.memory_space<vmem>> -> memref<40x128xf32, #tpu.memory_space<vmem>>
      %dma_wait3A_353 = arith.constant 0 : i32
      %dma_wait3A_354 = tpu.memref_slice %arg7[%select_n3A_121, %add3A_347, %dma_wait3A_353] : memref<2x10x40xi32, #tpu.memory_space<vmem>> -> memref<1x1x40xi32, #tpu.memory_space<vmem>>
      %dma_wait3A_355 = tpu.memref_squeeze %dma_wait3A_354 : memref<1x1x40xi32, #tpu.memory_space<vmem>> -> memref<40xi32, #tpu.memory_space<vmem>>
      %dma_wait3A_356 = arith.constant 0 : i32
      %dma_wait3A_357 = arith.constant 0 : i32
      %dma_wait3A_358 = tpu.memref_slice %arg2[%dma_wait3A_356, %dma_wait3A_357] : memref<10240x128xf32, #tpu.memory_space<hbm>> -> memref<10240x128xf32, #tpu.memory_space<hbm>>
      tpu.wait_indirect_dma semaphore(%arg14 : memref<!tpu.dma_semaphore, #tpu.memory_space<semaphore_mem>>) src(%dma_wait3A_358 : memref<10240x128xf32, #tpu.memory_space<hbm>>) dst(%dma_wait3A_352 : memref<40x128xf32, #tpu.memory_space<vmem>>)
      %add3A_359 = arith.constant 4 : i32
      %add3A_360 = arith.addi %mul3A_84, %add3A_359 : i32
      %dma_start3A_361 = arith.constant 4 : i32
      %dma_start3A_362 = arith.constant 0 : i32
      %dma_start3A_363 = arith.constant 0 : i32
      %dma_start3A_364 = tpu.memref_slice %arg9[%dma_start3A_361, %dma_start3A_362, %dma_start3A_363] : memref<5x40x128xf32, #tpu.memory_space<vmem>> -> memref<1x40x128xf32, #tpu.memory_space<vmem>>
      %dma_start3A_365 = tpu.memref_squeeze %dma_start3A_364 : memref<1x40x128xf32, #tpu.memory_space<vmem>> -> memref<40x128xf32, #tpu.memory_space<vmem>>
      %dma_start3A_366 = arith.constant 0 : i32
      %dma_start3A_367 = tpu.memref_slice %arg8[%select_n3A_121, %add3A_360, %dma_start3A_366] : memref<2x10x40xi32, #tpu.memory_space<vmem>> -> memref<1x1x40xi32, #tpu.memory_space<vmem>>
      %dma_start3A_368 = tpu.memref_squeeze %dma_start3A_367 : memref<1x1x40xi32, #tpu.memory_space<vmem>> -> memref<40xi32, #tpu.memory_space<vmem>>
      %dma_start3A_369 = arith.constant 0 : i32
      %dma_start3A_370 = arith.constant 0 : i32
      %dma_start3A_371 = tpu.memref_slice %arg21[%dma_start3A_369, %dma_start3A_370] : memref<10240x128xf32, #tpu.memory_space<vmem_shared>> -> memref<10240x128xf32, #tpu.memory_space<vmem_shared>>
      tpu.enqueue_indirect_dma source(%dma_start3A_365 : memref<40x128xf32, #tpu.memory_space<vmem>>) target(%dma_start3A_371 : memref<10240x128xf32, #tpu.memory_space<vmem_shared>>) offsets(%dma_start3A_368 : memref<40xi32, #tpu.memory_space<vmem>>) semaphore(%arg19 : memref<!tpu.dma_semaphore, #tpu.memory_space<semaphore_mem>>) {add = true}
    }
    %scan3A_8 = arith.constant 50 : i32
    %dma_wait3A = arith.constant 0 : i32
    %dma_wait3A_9 = arith.constant 0 : i32
    %dma_wait3A_10 = arith.constant 0 : i32
    %dma_wait3A_11 = arith.constant 0 : i32
    %dma_wait3A_12 = arith.constant 0 : i32
    %dma_wait3A_13 = tpu.memref_slice %arg9[%dma_wait3A, %dma_wait3A_11, %dma_wait3A_12] : memref<5x40x128xf32, #tpu.memory_space<vmem>> -> memref<1x40x128xf32, #tpu.memory_space<vmem>>
    %dma_wait3A_14 = tpu.memref_squeeze %dma_wait3A_13 : memref<1x40x128xf32, #tpu.memory_space<vmem>> -> memref<40x128xf32, #tpu.memory_space<vmem>>
    %dma_wait3A_15 = arith.constant 0 : i32
    %dma_wait3A_16 = tpu.memref_slice %arg8[%dma_wait3A_9, %dma_wait3A_10, %dma_wait3A_15] : memref<2x10x40xi32, #tpu.memory_space<vmem>> -> memref<1x1x40xi32, #tpu.memory_space<vmem>>
    %dma_wait3A_17 = tpu.memref_squeeze %dma_wait3A_16 : memref<1x1x40xi32, #tpu.memory_space<vmem>> -> memref<40xi32, #tpu.memory_space<vmem>>
    %dma_wait3A_18 = arith.constant 0 : i32
    %dma_wait3A_19 = arith.constant 0 : i32
    %dma_wait3A_20 = tpu.memref_slice %arg21[%dma_wait3A_18, %dma_wait3A_19] : memref<10240x128xf32, #tpu.memory_space<vmem_shared>> -> memref<10240x128xf32, #tpu.memory_space<vmem_shared>>
    tpu.wait_indirect_dma semaphore(%arg15 : memref<!tpu.dma_semaphore, #tpu.memory_space<semaphore_mem>>) src(%dma_wait3A_14 : memref<40x128xf32, #tpu.memory_space<vmem>>) dst(%dma_wait3A_20 : memref<10240x128xf32, #tpu.memory_space<vmem_shared>>)
    %dma_wait3A_21 = arith.constant 1 : i32
    %dma_wait3A_22 = arith.constant 0 : i32
    %dma_wait3A_23 = arith.constant 1 : i32
    %dma_wait3A_24 = arith.constant 0 : i32
    %dma_wait3A_25 = arith.constant 0 : i32
    %dma_wait3A_26 = tpu.memref_slice %arg9[%dma_wait3A_21, %dma_wait3A_24, %dma_wait3A_25] : memref<5x40x128xf32, #tpu.memory_space<vmem>> -> memref<1x40x128xf32, #tpu.memory_space<vmem>>
    %dma_wait3A_27 = tpu.memref_squeeze %dma_wait3A_26 : memref<1x40x128xf32, #tpu.memory_space<vmem>> -> memref<40x128xf32, #tpu.memory_space<vmem>>
    %dma_wait3A_28 = arith.constant 0 : i32
    %dma_wait3A_29 = tpu.memref_slice %arg8[%dma_wait3A_22, %dma_wait3A_23, %dma_wait3A_28] : memref<2x10x40xi32, #tpu.memory_space<vmem>> -> memref<1x1x40xi32, #tpu.memory_space<vmem>>
    %dma_wait3A_30 = tpu.memref_squeeze %dma_wait3A_29 : memref<1x1x40xi32, #tpu.memory_space<vmem>> -> memref<40xi32, #tpu.memory_space<vmem>>
    %dma_wait3A_31 = arith.constant 0 : i32
    %dma_wait3A_32 = arith.constant 0 : i32
    %dma_wait3A_33 = tpu.memref_slice %arg21[%dma_wait3A_31, %dma_wait3A_32] : memref<10240x128xf32, #tpu.memory_space<vmem_shared>> -> memref<10240x128xf32, #tpu.memory_space<vmem_shared>>
    tpu.wait_indirect_dma semaphore(%arg16 : memref<!tpu.dma_semaphore, #tpu.memory_space<semaphore_mem>>) src(%dma_wait3A_27 : memref<40x128xf32, #tpu.memory_space<vmem>>) dst(%dma_wait3A_33 : memref<10240x128xf32, #tpu.memory_space<vmem_shared>>)
    %dma_wait3A_34 = arith.constant 2 : i32
    %dma_wait3A_35 = arith.constant 0 : i32
    %dma_wait3A_36 = arith.constant 2 : i32
    %dma_wait3A_37 = arith.constant 0 : i32
    %dma_wait3A_38 = arith.constant 0 : i32
    %dma_wait3A_39 = tpu.memref_slice %arg9[%dma_wait3A_34, %dma_wait3A_37, %dma_wait3A_38] : memref<5x40x128xf32, #tpu.memory_space<vmem>> -> memref<1x40x128xf32, #tpu.memory_space<vmem>>
    %dma_wait3A_40 = tpu.memref_squeeze %dma_wait3A_39 : memref<1x40x128xf32, #tpu.memory_space<vmem>> -> memref<40x128xf32, #tpu.memory_space<vmem>>
    %dma_wait3A_41 = arith.constant 0 : i32
    %dma_wait3A_42 = tpu.memref_slice %arg8[%dma_wait3A_35, %dma_wait3A_36, %dma_wait3A_41] : memref<2x10x40xi32, #tpu.memory_space<vmem>> -> memref<1x1x40xi32, #tpu.memory_space<vmem>>
    %dma_wait3A_43 = tpu.memref_squeeze %dma_wait3A_42 : memref<1x1x40xi32, #tpu.memory_space<vmem>> -> memref<40xi32, #tpu.memory_space<vmem>>
    %dma_wait3A_44 = arith.constant 0 : i32
    %dma_wait3A_45 = arith.constant 0 : i32
    %dma_wait3A_46 = tpu.memref_slice %arg21[%dma_wait3A_44, %dma_wait3A_45] : memref<10240x128xf32, #tpu.memory_space<vmem_shared>> -> memref<10240x128xf32, #tpu.memory_space<vmem_shared>>
    tpu.wait_indirect_dma semaphore(%arg17 : memref<!tpu.dma_semaphore, #tpu.memory_space<semaphore_mem>>) src(%dma_wait3A_40 : memref<40x128xf32, #tpu.memory_space<vmem>>) dst(%dma_wait3A_46 : memref<10240x128xf32, #tpu.memory_space<vmem_shared>>)
    %dma_wait3A_47 = arith.constant 3 : i32
    %dma_wait3A_48 = arith.constant 0 : i32
    %dma_wait3A_49 = arith.constant 3 : i32
    %dma_wait3A_50 = arith.constant 0 : i32
    %dma_wait3A_51 = arith.constant 0 : i32
    %dma_wait3A_52 = tpu.memref_slice %arg9[%dma_wait3A_47, %dma_wait3A_50, %dma_wait3A_51] : memref<5x40x128xf32, #tpu.memory_space<vmem>> -> memref<1x40x128xf32, #tpu.memory_space<vmem>>
    %dma_wait3A_53 = tpu.memref_squeeze %dma_wait3A_52 : memref<1x40x128xf32, #tpu.memory_space<vmem>> -> memref<40x128xf32, #tpu.memory_space<vmem>>
    %dma_wait3A_54 = arith.constant 0 : i32
    %dma_wait3A_55 = tpu.memref_slice %arg8[%dma_wait3A_48, %dma_wait3A_49, %dma_wait3A_54] : memref<2x10x40xi32, #tpu.memory_space<vmem>> -> memref<1x1x40xi32, #tpu.memory_space<vmem>>
    %dma_wait3A_56 = tpu.memref_squeeze %dma_wait3A_55 : memref<1x1x40xi32, #tpu.memory_space<vmem>> -> memref<40xi32, #tpu.memory_space<vmem>>
    %dma_wait3A_57 = arith.constant 0 : i32
    %dma_wait3A_58 = arith.constant 0 : i32
    %dma_wait3A_59 = tpu.memref_slice %arg21[%dma_wait3A_57, %dma_wait3A_58] : memref<10240x128xf32, #tpu.memory_space<vmem_shared>> -> memref<10240x128xf32, #tpu.memory_space<vmem_shared>>
    tpu.wait_indirect_dma semaphore(%arg18 : memref<!tpu.dma_semaphore, #tpu.memory_space<semaphore_mem>>) src(%dma_wait3A_53 : memref<40x128xf32, #tpu.memory_space<vmem>>) dst(%dma_wait3A_59 : memref<10240x128xf32, #tpu.memory_space<vmem_shared>>)
    %dma_wait3A_60 = arith.constant 4 : i32
    %dma_wait3A_61 = arith.constant 0 : i32
    %dma_wait3A_62 = arith.constant 4 : i32
    %dma_wait3A_63 = arith.constant 0 : i32
    %dma_wait3A_64 = arith.constant 0 : i32
    %dma_wait3A_65 = tpu.memref_slice %arg9[%dma_wait3A_60, %dma_wait3A_63, %dma_wait3A_64] : memref<5x40x128xf32, #tpu.memory_space<vmem>> -> memref<1x40x128xf32, #tpu.memory_space<vmem>>
    %dma_wait3A_66 = tpu.memref_squeeze %dma_wait3A_65 : memref<1x40x128xf32, #tpu.memory_space<vmem>> -> memref<40x128xf32, #tpu.memory_space<vmem>>
    %dma_wait3A_67 = arith.constant 0 : i32
    %dma_wait3A_68 = tpu.memref_slice %arg8[%dma_wait3A_61, %dma_wait3A_62, %dma_wait3A_67] : memref<2x10x40xi32, #tpu.memory_space<vmem>> -> memref<1x1x40xi32, #tpu.memory_space<vmem>>
    %dma_wait3A_69 = tpu.memref_squeeze %dma_wait3A_68 : memref<1x1x40xi32, #tpu.memory_space<vmem>> -> memref<40xi32, #tpu.memory_space<vmem>>
    %dma_wait3A_70 = arith.constant 0 : i32
    %dma_wait3A_71 = arith.constant 0 : i32
    %dma_wait3A_72 = tpu.memref_slice %arg21[%dma_wait3A_70, %dma_wait3A_71] : memref<10240x128xf32, #tpu.memory_space<vmem_shared>> -> memref<10240x128xf32, #tpu.memory_space<vmem_shared>>
    tpu.wait_indirect_dma semaphore(%arg19 : memref<!tpu.dma_semaphore, #tpu.memory_space<semaphore_mem>>) src(%dma_wait3A_66 : memref<40x128xf32, #tpu.memory_space<vmem>>) dst(%dma_wait3A_72 : memref<10240x128xf32, #tpu.memory_space<vmem_shared>>)
    %barrier3A_73 = arith.constant 0 : index
    tpu.barrier barrier_id(%barrier3A_73)
    "tpu.region"() ({
      %run_scoped3A_74 = tpu.sem_alloc : memref<!tpu.dma_semaphore, #tpu.memory_space<semaphore_mem>>
      %dma_start3A = arith.constant 0 : i32
      %dma_start3A_75 = tpu.memref_slice %arg6[%arg0, %mul3A_0, %dma_start3A] : memref<2x10240x128xf32, #tpu.memory_space<hbm>> -> memref<1x640x128xf32, #tpu.memory_space<hbm>>
      %dma_start3A_76 = tpu.memref_squeeze %dma_start3A_75 : memref<1x640x128xf32, #tpu.memory_space<hbm>> -> memref<640x128xf32, #tpu.memory_space<hbm>>
      %dma_start3A_77 = arith.constant 0 : i32
      %dma_start3A_78 = tpu.memref_slice %arg21[%mul3A_0, %dma_start3A_77] : memref<10240x128xf32, #tpu.memory_space<vmem_shared>> -> memref<640x128xf32, #tpu.memory_space<vmem_shared>>
      tpu.enqueue_dma source(%dma_start3A_78 : memref<640x128xf32, #tpu.memory_space<vmem_shared>>) target(%dma_start3A_76 : memref<640x128xf32, #tpu.memory_space<hbm>>) target_semaphore(%run_scoped3A_74 : memref<!tpu.dma_semaphore, #tpu.memory_space<semaphore_mem>>)
      %dma_wait3A_79 = arith.constant 0 : i32
      %dma_wait3A_80 = tpu.memref_slice %arg6[%arg0, %mul3A_0, %dma_wait3A_79] : memref<2x10240x128xf32, #tpu.memory_space<hbm>> -> memref<1x640x128xf32, #tpu.memory_space<hbm>>
      %dma_wait3A_81 = tpu.memref_squeeze %dma_wait3A_80 : memref<1x640x128xf32, #tpu.memory_space<hbm>> -> memref<640x128xf32, #tpu.memory_space<hbm>>
      %dma_wait3A_82 = arith.constant 0 : i32
      %dma_wait3A_83 = tpu.memref_slice %arg21[%mul3A_0, %dma_wait3A_82] : memref<10240x128xf32, #tpu.memory_space<vmem_shared>> -> memref<640x128xf32, #tpu.memory_space<vmem_shared>>
      tpu.wait_dma2 semaphore(%run_scoped3A_74 : memref<!tpu.dma_semaphore, #tpu.memory_space<semaphore_mem>>) src(%dma_wait3A_83 : memref<640x128xf32, #tpu.memory_space<vmem_shared>>) dst(%dma_wait3A_81 : memref<640x128xf32, #tpu.memory_space<hbm>>)
      tpu.yield
    }) : () -> ()
    return
  }
}

#map = affine_map<(d0, d1) -> (0, 0)>
#map1 = affine_map<(d0, d1) -> (0, 0, 0, 0, 0)>
#map2 = affine_map<(d0, d1) -> (0, 0, 0)>
module attributes {stable_mosaic.version = 14 : i64} {
  func.func @conv(%arg0: i32, %arg1: i32, %arg2: memref<20480x128xf32, #tpu.memory_space<hbm>>, %arg3: memref<2x16x25x20x40xi32, #tpu.memory_space<hbm>>, %arg4: memref<2x16x25x20x40xi32, #tpu.memory_space<hbm>>, %arg5: memref<640x128xf32, #tpu.memory_space<hbm>>, %arg6: memref<2x10240x128xf32, #tpu.memory_space<hbm>>, %arg7: memref<2x20x40xi32, #tpu.memory_space<vmem>>, %arg8: memref<2x20x40xi32, #tpu.memory_space<vmem>>, %arg9: memref<5x40x128xf32, #tpu.memory_space<vmem>>, %arg10: memref<!tpu.dma_semaphore, #tpu.memory_space<semaphore_mem>>, %arg11: memref<!tpu.dma_semaphore, #tpu.memory_space<semaphore_mem>>, %arg12: memref<!tpu.dma_semaphore, #tpu.memory_space<semaphore_mem>>, %arg13: memref<!tpu.dma_semaphore, #tpu.memory_space<semaphore_mem>>, %arg14: memref<!tpu.dma_semaphore, #tpu.memory_space<semaphore_mem>>, %arg15: memref<!tpu.dma_semaphore, #tpu.memory_space<semaphore_mem>>, %arg16: memref<!tpu.dma_semaphore, #tpu.memory_space<semaphore_mem>>, %arg17: memref<!tpu.dma_semaphore, #tpu.memory_space<semaphore_mem>>, %arg18: memref<!tpu.dma_semaphore, #tpu.memory_space<semaphore_mem>>, %arg19: memref<!tpu.dma_semaphore, #tpu.memory_space<semaphore_mem>>, %arg20: memref<!tpu.dma_semaphore, #tpu.memory_space<semaphore_mem>>, %arg21: memref<10240x128xf32, #tpu.memory_space<vmem_shared>>) attributes {dimension_semantics = [#tpu.dimension_semantics<core_parallel>, #tpu.dimension_semantics<subcore_parallel>], iteration_bounds = array<i64: 2, 16>, scalar_prefetch = 0 : i64, scratch_operands = 15 : i64, tpu.core_type = #tpu.core_type<sc_vector_subcore>, window_params = [{transform_indices = #map}, {transform_indices = #map1}, {transform_indices = #map1}, {transform_indices = #map}, {transform_indices = #map2}]} {
    %mul3A = arith.constant 640 : i32
    %mul3A_0 = arith.muli %arg1, %mul3A : i32
    %mul3A_1 = arith.constant 10240 : i32
    %mul3A_2 = arith.muli %arg0, %mul3A_1 : i32
    %add3A = arith.addi %mul3A_2, %mul3A_0 : i32
    "tpu.region"() ({
      %run_scoped3A_76 = tpu.sem_alloc : memref<!tpu.dma_semaphore, #tpu.memory_space<semaphore_mem>>
      %dma_start3A = arith.constant 0 : i32
      %dma_start3A_77 = tpu.memref_slice %arg21[%mul3A_0, %dma_start3A] : memref<10240x128xf32, #tpu.memory_space<vmem_shared>> -> memref<640x128xf32, #tpu.memory_space<vmem_shared>>
      %dma_start3A_78 = arith.constant 0 : i32
      %dma_start3A_79 = tpu.memref_slice %arg2[%add3A, %dma_start3A_78] : memref<20480x128xf32, #tpu.memory_space<hbm>> -> memref<640x128xf32, #tpu.memory_space<hbm>>
      tpu.enqueue_dma source(%dma_start3A_79 : memref<640x128xf32, #tpu.memory_space<hbm>>) target(%dma_start3A_77 : memref<640x128xf32, #tpu.memory_space<vmem_shared>>) target_semaphore(%run_scoped3A_76 : memref<!tpu.dma_semaphore, #tpu.memory_space<semaphore_mem>>)
      %dma_wait3A_80 = arith.constant 0 : i32
      %dma_wait3A_81 = tpu.memref_slice %arg21[%mul3A_0, %dma_wait3A_80] : memref<10240x128xf32, #tpu.memory_space<vmem_shared>> -> memref<640x128xf32, #tpu.memory_space<vmem_shared>>
      %dma_wait3A_82 = arith.constant 0 : i32
      %dma_wait3A_83 = tpu.memref_slice %arg2[%add3A, %dma_wait3A_82] : memref<20480x128xf32, #tpu.memory_space<hbm>> -> memref<640x128xf32, #tpu.memory_space<hbm>>
      tpu.wait_dma2 semaphore(%run_scoped3A_76 : memref<!tpu.dma_semaphore, #tpu.memory_space<semaphore_mem>>) src(%dma_wait3A_83 : memref<640x128xf32, #tpu.memory_space<hbm>>) dst(%dma_wait3A_81 : memref<640x128xf32, #tpu.memory_space<vmem_shared>>)
      tpu.yield
    }) : () -> ()
    %run_scoped3A = arith.constant 0 : i32
    %run_scoped3A_3 = arith.constant 0 : i32
    "tpu.region"() ({
      %run_scoped3A_76 = tpu.sem_alloc : memref<!tpu.dma_semaphore, #tpu.memory_space<semaphore_mem>>
      %dma_start3A = arith.constant 0 : i32
      %dma_start3A_77 = arith.constant 0 : i32
      %dma_start3A_78 = tpu.memref_slice %arg7[%run_scoped3A_3, %dma_start3A, %dma_start3A_77] : memref<2x20x40xi32, #tpu.memory_space<vmem>> -> memref<1x20x40xi32, #tpu.memory_space<vmem>>
      %dma_start3A_79 = tpu.memref_squeeze %dma_start3A_78 : memref<1x20x40xi32, #tpu.memory_space<vmem>> -> memref<20x40xi32, #tpu.memory_space<vmem>>
      %dma_start3A_80 = arith.constant 0 : i32
      %dma_start3A_81 = arith.constant 0 : i32
      %dma_start3A_82 = tpu.memref_slice %arg3[%arg0, %arg1, %run_scoped3A, %dma_start3A_80, %dma_start3A_81] : memref<2x16x25x20x40xi32, #tpu.memory_space<hbm>> -> memref<1x1x1x20x40xi32, #tpu.memory_space<hbm>>
      %dma_start3A_83 = tpu.memref_squeeze %dma_start3A_82 : memref<1x1x1x20x40xi32, #tpu.memory_space<hbm>> -> memref<20x40xi32, #tpu.memory_space<hbm>>
      %dma_start3A_84 = arith.constant 0 : i32
      %dma_start3A_85 = arith.constant 0 : i32
      %dma_start3A_86 = tpu.memref_slice %arg7[%run_scoped3A_3, %dma_start3A_84, %dma_start3A_85] : memref<2x20x40xi32, #tpu.memory_space<vmem>> -> memref<1x20x40xi32, #tpu.memory_space<vmem>>
      %dma_start3A_87 = tpu.memref_squeeze %dma_start3A_86 : memref<1x20x40xi32, #tpu.memory_space<vmem>> -> memref<20x40xi32, #tpu.memory_space<vmem>>
      %dma_start3A_88 = arith.constant 0 : i32
      %dma_start3A_89 = arith.constant 0 : i32
      %dma_start3A_90 = tpu.memref_slice %arg3[%arg0, %arg1, %run_scoped3A, %dma_start3A_88, %dma_start3A_89] : memref<2x16x25x20x40xi32, #tpu.memory_space<hbm>> -> memref<1x1x1x20x40xi32, #tpu.memory_space<hbm>>
      %dma_start3A_91 = tpu.memref_squeeze %dma_start3A_90 : memref<1x1x1x20x40xi32, #tpu.memory_space<hbm>> -> memref<20x40xi32, #tpu.memory_space<hbm>>
      tpu.enqueue_dma source(%dma_start3A_91 : memref<20x40xi32, #tpu.memory_space<hbm>>) target(%dma_start3A_87 : memref<20x40xi32, #tpu.memory_space<vmem>>) target_semaphore(%run_scoped3A_76 : memref<!tpu.dma_semaphore, #tpu.memory_space<semaphore_mem>>)
      %dma_wait3A_92 = arith.constant 0 : i32
      %dma_wait3A_93 = arith.constant 0 : i32
      %dma_wait3A_94 = tpu.memref_slice %arg7[%run_scoped3A_3, %dma_wait3A_92, %dma_wait3A_93] : memref<2x20x40xi32, #tpu.memory_space<vmem>> -> memref<1x20x40xi32, #tpu.memory_space<vmem>>
      %dma_wait3A_95 = tpu.memref_squeeze %dma_wait3A_94 : memref<1x20x40xi32, #tpu.memory_space<vmem>> -> memref<20x40xi32, #tpu.memory_space<vmem>>
      %dma_wait3A_96 = arith.constant 0 : i32
      %dma_wait3A_97 = arith.constant 0 : i32
      %dma_wait3A_98 = tpu.memref_slice %arg3[%arg0, %arg1, %run_scoped3A, %dma_wait3A_96, %dma_wait3A_97] : memref<2x16x25x20x40xi32, #tpu.memory_space<hbm>> -> memref<1x1x1x20x40xi32, #tpu.memory_space<hbm>>
      %dma_wait3A_99 = tpu.memref_squeeze %dma_wait3A_98 : memref<1x1x1x20x40xi32, #tpu.memory_space<hbm>> -> memref<20x40xi32, #tpu.memory_space<hbm>>
      %dma_wait3A_100 = arith.constant 0 : i32
      %dma_wait3A_101 = arith.constant 0 : i32
      %dma_wait3A_102 = tpu.memref_slice %arg7[%run_scoped3A_3, %dma_wait3A_100, %dma_wait3A_101] : memref<2x20x40xi32, #tpu.memory_space<vmem>> -> memref<1x20x40xi32, #tpu.memory_space<vmem>>
      %dma_wait3A_103 = tpu.memref_squeeze %dma_wait3A_102 : memref<1x20x40xi32, #tpu.memory_space<vmem>> -> memref<20x40xi32, #tpu.memory_space<vmem>>
      %dma_wait3A_104 = arith.constant 0 : i32
      %dma_wait3A_105 = arith.constant 0 : i32
      %dma_wait3A_106 = tpu.memref_slice %arg3[%arg0, %arg1, %run_scoped3A, %dma_wait3A_104, %dma_wait3A_105] : memref<2x16x25x20x40xi32, #tpu.memory_space<hbm>> -> memref<1x1x1x20x40xi32, #tpu.memory_space<hbm>>
      %dma_wait3A_107 = tpu.memref_squeeze %dma_wait3A_106 : memref<1x1x1x20x40xi32, #tpu.memory_space<hbm>> -> memref<20x40xi32, #tpu.memory_space<hbm>>
      tpu.wait_dma2 semaphore(%run_scoped3A_76 : memref<!tpu.dma_semaphore, #tpu.memory_space<semaphore_mem>>) src(%dma_wait3A_107 : memref<20x40xi32, #tpu.memory_space<hbm>>) dst(%dma_wait3A_103 : memref<20x40xi32, #tpu.memory_space<vmem>>)
      tpu.yield
    }) : () -> ()
    %run_scoped3A_4 = arith.constant 0 : i32
    %run_scoped3A_5 = arith.constant 0 : i32
    "tpu.region"() ({
      %run_scoped3A_76 = tpu.sem_alloc : memref<!tpu.dma_semaphore, #tpu.memory_space<semaphore_mem>>
      %dma_start3A = arith.constant 0 : i32
      %dma_start3A_77 = arith.constant 0 : i32
      %dma_start3A_78 = tpu.memref_slice %arg8[%run_scoped3A_5, %dma_start3A, %dma_start3A_77] : memref<2x20x40xi32, #tpu.memory_space<vmem>> -> memref<1x20x40xi32, #tpu.memory_space<vmem>>
      %dma_start3A_79 = tpu.memref_squeeze %dma_start3A_78 : memref<1x20x40xi32, #tpu.memory_space<vmem>> -> memref<20x40xi32, #tpu.memory_space<vmem>>
      %dma_start3A_80 = arith.constant 0 : i32
      %dma_start3A_81 = arith.constant 0 : i32
      %dma_start3A_82 = tpu.memref_slice %arg4[%arg0, %arg1, %run_scoped3A_4, %dma_start3A_80, %dma_start3A_81] : memref<2x16x25x20x40xi32, #tpu.memory_space<hbm>> -> memref<1x1x1x20x40xi32, #tpu.memory_space<hbm>>
      %dma_start3A_83 = tpu.memref_squeeze %dma_start3A_82 : memref<1x1x1x20x40xi32, #tpu.memory_space<hbm>> -> memref<20x40xi32, #tpu.memory_space<hbm>>
      %dma_start3A_84 = arith.constant 0 : i32
      %dma_start3A_85 = arith.constant 0 : i32
      %dma_start3A_86 = tpu.memref_slice %arg8[%run_scoped3A_5, %dma_start3A_84, %dma_start3A_85] : memref<2x20x40xi32, #tpu.memory_space<vmem>> -> memref<1x20x40xi32, #tpu.memory_space<vmem>>
      %dma_start3A_87 = tpu.memref_squeeze %dma_start3A_86 : memref<1x20x40xi32, #tpu.memory_space<vmem>> -> memref<20x40xi32, #tpu.memory_space<vmem>>
      %dma_start3A_88 = arith.constant 0 : i32
      %dma_start3A_89 = arith.constant 0 : i32
      %dma_start3A_90 = tpu.memref_slice %arg4[%arg0, %arg1, %run_scoped3A_4, %dma_start3A_88, %dma_start3A_89] : memref<2x16x25x20x40xi32, #tpu.memory_space<hbm>> -> memref<1x1x1x20x40xi32, #tpu.memory_space<hbm>>
      %dma_start3A_91 = tpu.memref_squeeze %dma_start3A_90 : memref<1x1x1x20x40xi32, #tpu.memory_space<hbm>> -> memref<20x40xi32, #tpu.memory_space<hbm>>
      tpu.enqueue_dma source(%dma_start3A_91 : memref<20x40xi32, #tpu.memory_space<hbm>>) target(%dma_start3A_87 : memref<20x40xi32, #tpu.memory_space<vmem>>) target_semaphore(%run_scoped3A_76 : memref<!tpu.dma_semaphore, #tpu.memory_space<semaphore_mem>>)
      %dma_wait3A_92 = arith.constant 0 : i32
      %dma_wait3A_93 = arith.constant 0 : i32
      %dma_wait3A_94 = tpu.memref_slice %arg8[%run_scoped3A_5, %dma_wait3A_92, %dma_wait3A_93] : memref<2x20x40xi32, #tpu.memory_space<vmem>> -> memref<1x20x40xi32, #tpu.memory_space<vmem>>
      %dma_wait3A_95 = tpu.memref_squeeze %dma_wait3A_94 : memref<1x20x40xi32, #tpu.memory_space<vmem>> -> memref<20x40xi32, #tpu.memory_space<vmem>>
      %dma_wait3A_96 = arith.constant 0 : i32
      %dma_wait3A_97 = arith.constant 0 : i32
      %dma_wait3A_98 = tpu.memref_slice %arg4[%arg0, %arg1, %run_scoped3A_4, %dma_wait3A_96, %dma_wait3A_97] : memref<2x16x25x20x40xi32, #tpu.memory_space<hbm>> -> memref<1x1x1x20x40xi32, #tpu.memory_space<hbm>>
      %dma_wait3A_99 = tpu.memref_squeeze %dma_wait3A_98 : memref<1x1x1x20x40xi32, #tpu.memory_space<hbm>> -> memref<20x40xi32, #tpu.memory_space<hbm>>
      %dma_wait3A_100 = arith.constant 0 : i32
      %dma_wait3A_101 = arith.constant 0 : i32
      %dma_wait3A_102 = tpu.memref_slice %arg8[%run_scoped3A_5, %dma_wait3A_100, %dma_wait3A_101] : memref<2x20x40xi32, #tpu.memory_space<vmem>> -> memref<1x20x40xi32, #tpu.memory_space<vmem>>
      %dma_wait3A_103 = tpu.memref_squeeze %dma_wait3A_102 : memref<1x20x40xi32, #tpu.memory_space<vmem>> -> memref<20x40xi32, #tpu.memory_space<vmem>>
      %dma_wait3A_104 = arith.constant 0 : i32
      %dma_wait3A_105 = arith.constant 0 : i32
      %dma_wait3A_106 = tpu.memref_slice %arg4[%arg0, %arg1, %run_scoped3A_4, %dma_wait3A_104, %dma_wait3A_105] : memref<2x16x25x20x40xi32, #tpu.memory_space<hbm>> -> memref<1x1x1x20x40xi32, #tpu.memory_space<hbm>>
      %dma_wait3A_107 = tpu.memref_squeeze %dma_wait3A_106 : memref<1x1x1x20x40xi32, #tpu.memory_space<hbm>> -> memref<20x40xi32, #tpu.memory_space<hbm>>
      tpu.wait_dma2 semaphore(%run_scoped3A_76 : memref<!tpu.dma_semaphore, #tpu.memory_space<semaphore_mem>>) src(%dma_wait3A_107 : memref<20x40xi32, #tpu.memory_space<hbm>>) dst(%dma_wait3A_103 : memref<20x40xi32, #tpu.memory_space<vmem>>)
      tpu.yield
    }) : () -> ()
    %barrier3A = arith.constant 0 : index
    tpu.barrier barrier_id(%barrier3A)
    %scan3A = arith.constant 0 : i32
    %scan3A_6 = arith.constant 0 : i32
    %scan3A_7 = arith.constant 100 : i32
    %scan3A_8 = arith.addi %scan3A_6, %scan3A_7 : i32
    %scan3A_9 = arith.constant 1 : i32
    scf.for %scan3A_76 = %scan3A_6 to %scan3A_8 step %scan3A_9  : i32 {
      %jit3A = arith.constant 4 : i32
      %eq3A = arith.constant 0 : i32
      %eq3A_77 = arith.cmpi eq, %jit3A, %eq3A : i32
      %jit3A_78 = arith.constant 1 : i32
      %select_n3A = arith.select %eq3A_77, %jit3A_78, %jit3A : i32
      %rem3A = arith.remsi %scan3A_76, %select_n3A : i32
      %ne3A = arith.constant 0 : i32
      %ne3A_79 = arith.cmpi ne, %rem3A, %ne3A : i32
      %lt3A = arith.constant 0 : i32
      %lt3A_80 = arith.cmpi slt, %rem3A, %lt3A : i32
      %lt3A_81 = arith.constant 0 : i32
      %lt3A_82 = arith.cmpi slt, %select_n3A, %lt3A_81 : i32
      %ne3A_83 = arith.xori %lt3A_80, %lt3A_82 : i1
      %and3A = arith.andi %ne3A_83, %ne3A_79 : i1
      %add3A_84 = arith.addi %rem3A, %select_n3A : i32
      %select_n3A_85 = arith.select %and3A, %add3A_84, %rem3A : i32
      %mul3A_86 = arith.constant 5 : i32
      %mul3A_87 = arith.muli %select_n3A_85, %mul3A_86 : i32
      %jit3A_88 = arith.constant 4 : i32
      %div3A = arith.divsi %scan3A_76, %jit3A_88 : i32
      %sign3A = arith.constant 0 : i32
      %sign3A_89 = arith.cmpi sgt, %scan3A_76, %sign3A : i32
      %sign3A_90 = arith.extui %sign3A_89 : i1 to i32
      %sign3A_91 = arith.constant 0 : i32
      %sign3A_92 = arith.cmpi slt, %scan3A_76, %sign3A_91 : i32
      %sign3A_93 = arith.extui %sign3A_92 : i1 to i32
      %sign3A_94 = arith.subi %sign3A_90, %sign3A_93 : i32
      %sign3A_95 = arith.constant 0 : i32
      %sign3A_96 = arith.cmpi sgt, %jit3A_88, %sign3A_95 : i32
      %sign3A_97 = arith.extui %sign3A_96 : i1 to i32
      %sign3A_98 = arith.constant 0 : i32
      %sign3A_99 = arith.cmpi slt, %jit3A_88, %sign3A_98 : i32
      %sign3A_100 = arith.extui %sign3A_99 : i1 to i32
      %sign3A_101 = arith.subi %sign3A_97, %sign3A_100 : i32
      %ne3A_102 = arith.cmpi ne, %sign3A_94, %sign3A_101 : i32
      %rem3A_103 = arith.remsi %scan3A_76, %jit3A_88 : i32
      %ne3A_104 = arith.constant 0 : i32
      %ne3A_105 = arith.cmpi ne, %rem3A_103, %ne3A_104 : i32
      %and3A_106 = arith.andi %ne3A_102, %ne3A_105 : i1
      %sub3A = arith.constant 1 : i32
      %sub3A_107 = arith.subi %div3A, %sub3A : i32
      %select_n3A_108 = arith.select %and3A_106, %sub3A_107, %div3A : i32
      %jit3A_109 = arith.constant 2 : i32
      %eq3A_110 = arith.constant 0 : i32
      %eq3A_111 = arith.cmpi eq, %jit3A_109, %eq3A_110 : i32
      %jit3A_112 = arith.constant 1 : i32
      %select_n3A_113 = arith.select %eq3A_111, %jit3A_112, %jit3A_109 : i32
      %rem3A_114 = arith.remsi %select_n3A_108, %select_n3A_113 : i32
      %ne3A_115 = arith.constant 0 : i32
      %ne3A_116 = arith.cmpi ne, %rem3A_114, %ne3A_115 : i32
      %lt3A_117 = arith.constant 0 : i32
      %lt3A_118 = arith.cmpi slt, %rem3A_114, %lt3A_117 : i32
      %lt3A_119 = arith.constant 0 : i32
      %lt3A_120 = arith.cmpi slt, %select_n3A_113, %lt3A_119 : i32
      %ne3A_121 = arith.xori %lt3A_118, %lt3A_120 : i1
      %and3A_122 = arith.andi %ne3A_121, %ne3A_116 : i1
      %add3A_123 = arith.addi %rem3A_114, %select_n3A_113 : i32
      %select_n3A_124 = arith.select %and3A_122, %add3A_123, %rem3A_114 : i32
      %add3A_125 = arith.constant 1 : i32
      %add3A_126 = arith.addi %select_n3A_108, %add3A_125 : i32
      %jit3A_127 = arith.constant 2 : i32
      %eq3A_128 = arith.constant 0 : i32
      %eq3A_129 = arith.cmpi eq, %jit3A_127, %eq3A_128 : i32
      %jit3A_130 = arith.constant 1 : i32
      %select_n3A_131 = arith.select %eq3A_129, %jit3A_130, %jit3A_127 : i32
      %rem3A_132 = arith.remsi %add3A_126, %select_n3A_131 : i32
      %ne3A_133 = arith.constant 0 : i32
      %ne3A_134 = arith.cmpi ne, %rem3A_132, %ne3A_133 : i32
      %lt3A_135 = arith.constant 0 : i32
      %lt3A_136 = arith.cmpi slt, %rem3A_132, %lt3A_135 : i32
      %lt3A_137 = arith.constant 0 : i32
      %lt3A_138 = arith.cmpi slt, %select_n3A_131, %lt3A_137 : i32
      %ne3A_139 = arith.xori %lt3A_136, %lt3A_138 : i1
      %and3A_140 = arith.andi %ne3A_139, %ne3A_134 : i1
      %add3A_141 = arith.addi %rem3A_132, %select_n3A_131 : i32
      %select_n3A_142 = arith.select %and3A_140, %add3A_141, %rem3A_132 : i32
      %eq3A_143 = arith.constant 0 : i32
      %eq3A_144 = arith.cmpi eq, %mul3A_87, %eq3A_143 : i32
      %gt3A = arith.constant 0 : i32
      %gt3A_145 = arith.cmpi sgt, %select_n3A_108, %gt3A : i32
      %and3A_146 = arith.andi %eq3A_144, %gt3A_145 : i1
      %convert_element_type3A = arith.extui %and3A_146 : i1 to i32
      %cond3A = arith.constant 0 : i32
      %cond3A_147 = arith.cmpi ne, %convert_element_type3A, %cond3A : i32
      scf.if %cond3A_147 {
        %dma_wait3A_375 = arith.constant 0 : i32
        %dma_wait3A_376 = arith.constant 0 : i32
        %dma_wait3A_377 = tpu.memref_slice %arg7[%select_n3A_124, %dma_wait3A_375, %dma_wait3A_376] : memref<2x20x40xi32, #tpu.memory_space<vmem>> -> memref<1x20x40xi32, #tpu.memory_space<vmem>>
        %dma_wait3A_378 = tpu.memref_squeeze %dma_wait3A_377 : memref<1x20x40xi32, #tpu.memory_space<vmem>> -> memref<20x40xi32, #tpu.memory_space<vmem>>
        %dma_wait3A_379 = arith.constant 0 : i32
        %dma_wait3A_380 = arith.constant 0 : i32
        %dma_wait3A_381 = tpu.memref_slice %arg3[%arg0, %arg1, %select_n3A_108, %dma_wait3A_379, %dma_wait3A_380] : memref<2x16x25x20x40xi32, #tpu.memory_space<hbm>> -> memref<1x1x1x20x40xi32, #tpu.memory_space<hbm>>
        %dma_wait3A_382 = tpu.memref_squeeze %dma_wait3A_381 : memref<1x1x1x20x40xi32, #tpu.memory_space<hbm>> -> memref<20x40xi32, #tpu.memory_space<hbm>>
        %dma_wait3A_383 = arith.constant 0 : i32
        %dma_wait3A_384 = arith.constant 0 : i32
        %dma_wait3A_385 = tpu.memref_slice %arg7[%select_n3A_124, %dma_wait3A_383, %dma_wait3A_384] : memref<2x20x40xi32, #tpu.memory_space<vmem>> -> memref<1x20x40xi32, #tpu.memory_space<vmem>>
        %dma_wait3A_386 = tpu.memref_squeeze %dma_wait3A_385 : memref<1x20x40xi32, #tpu.memory_space<vmem>> -> memref<20x40xi32, #tpu.memory_space<vmem>>
        %dma_wait3A_387 = arith.constant 0 : i32
        %dma_wait3A_388 = arith.constant 0 : i32
        %dma_wait3A_389 = tpu.memref_slice %arg3[%arg0, %arg1, %select_n3A_108, %dma_wait3A_387, %dma_wait3A_388] : memref<2x16x25x20x40xi32, #tpu.memory_space<hbm>> -> memref<1x1x1x20x40xi32, #tpu.memory_space<hbm>>
        %dma_wait3A_390 = tpu.memref_squeeze %dma_wait3A_389 : memref<1x1x1x20x40xi32, #tpu.memory_space<hbm>> -> memref<20x40xi32, #tpu.memory_space<hbm>>
        tpu.wait_dma2 semaphore(%arg20 : memref<!tpu.dma_semaphore, #tpu.memory_space<semaphore_mem>>) src(%dma_wait3A_390 : memref<20x40xi32, #tpu.memory_space<hbm>>) dst(%dma_wait3A_386 : memref<20x40xi32, #tpu.memory_space<vmem>>)
        %dma_wait3A_391 = arith.constant 0 : i32
        %dma_wait3A_392 = arith.constant 0 : i32
        %dma_wait3A_393 = tpu.memref_slice %arg8[%select_n3A_124, %dma_wait3A_391, %dma_wait3A_392] : memref<2x20x40xi32, #tpu.memory_space<vmem>> -> memref<1x20x40xi32, #tpu.memory_space<vmem>>
        %dma_wait3A_394 = tpu.memref_squeeze %dma_wait3A_393 : memref<1x20x40xi32, #tpu.memory_space<vmem>> -> memref<20x40xi32, #tpu.memory_space<vmem>>
        %dma_wait3A_395 = arith.constant 0 : i32
        %dma_wait3A_396 = arith.constant 0 : i32
        %dma_wait3A_397 = tpu.memref_slice %arg4[%arg0, %arg1, %select_n3A_108, %dma_wait3A_395, %dma_wait3A_396] : memref<2x16x25x20x40xi32, #tpu.memory_space<hbm>> -> memref<1x1x1x20x40xi32, #tpu.memory_space<hbm>>
        %dma_wait3A_398 = tpu.memref_squeeze %dma_wait3A_397 : memref<1x1x1x20x40xi32, #tpu.memory_space<hbm>> -> memref<20x40xi32, #tpu.memory_space<hbm>>
        %dma_wait3A_399 = arith.constant 0 : i32
        %dma_wait3A_400 = arith.constant 0 : i32
        %dma_wait3A_401 = tpu.memref_slice %arg8[%select_n3A_124, %dma_wait3A_399, %dma_wait3A_400] : memref<2x20x40xi32, #tpu.memory_space<vmem>> -> memref<1x20x40xi32, #tpu.memory_space<vmem>>
        %dma_wait3A_402 = tpu.memref_squeeze %dma_wait3A_401 : memref<1x20x40xi32, #tpu.memory_space<vmem>> -> memref<20x40xi32, #tpu.memory_space<vmem>>
        %dma_wait3A_403 = arith.constant 0 : i32
        %dma_wait3A_404 = arith.constant 0 : i32
        %dma_wait3A_405 = tpu.memref_slice %arg4[%arg0, %arg1, %select_n3A_108, %dma_wait3A_403, %dma_wait3A_404] : memref<2x16x25x20x40xi32, #tpu.memory_space<hbm>> -> memref<1x1x1x20x40xi32, #tpu.memory_space<hbm>>
        %dma_wait3A_406 = tpu.memref_squeeze %dma_wait3A_405 : memref<1x1x1x20x40xi32, #tpu.memory_space<hbm>> -> memref<20x40xi32, #tpu.memory_space<hbm>>
        tpu.wait_dma2 semaphore(%arg20 : memref<!tpu.dma_semaphore, #tpu.memory_space<semaphore_mem>>) src(%dma_wait3A_406 : memref<20x40xi32, #tpu.memory_space<hbm>>) dst(%dma_wait3A_402 : memref<20x40xi32, #tpu.memory_space<vmem>>)
      } else {
      }
      %eq3A_148 = arith.constant 0 : i32
      %eq3A_149 = arith.cmpi eq, %mul3A_87, %eq3A_148 : i32
      %lt3A_150 = arith.constant 24 : i32
      %lt3A_151 = arith.cmpi slt, %select_n3A_108, %lt3A_150 : i32
      %and3A_152 = arith.andi %eq3A_149, %lt3A_151 : i1
      %convert_element_type3A_153 = arith.extui %and3A_152 : i1 to i32
      %cond3A_154 = arith.constant 0 : i32
      %cond3A_155 = arith.cmpi ne, %convert_element_type3A_153, %cond3A_154 : i32
      scf.if %cond3A_155 {
        %add3A_375 = arith.constant 1 : i32
        %add3A_376 = arith.addi %select_n3A_108, %add3A_375 : i32
        %dma_start3A_377 = arith.constant 0 : i32
        %dma_start3A_378 = arith.constant 0 : i32
        %dma_start3A_379 = tpu.memref_slice %arg7[%select_n3A_142, %dma_start3A_377, %dma_start3A_378] : memref<2x20x40xi32, #tpu.memory_space<vmem>> -> memref<1x20x40xi32, #tpu.memory_space<vmem>>
        %dma_start3A_380 = tpu.memref_squeeze %dma_start3A_379 : memref<1x20x40xi32, #tpu.memory_space<vmem>> -> memref<20x40xi32, #tpu.memory_space<vmem>>
        %dma_start3A_381 = arith.constant 0 : i32
        %dma_start3A_382 = arith.constant 0 : i32
        %dma_start3A_383 = tpu.memref_slice %arg3[%arg0, %arg1, %add3A_376, %dma_start3A_381, %dma_start3A_382] : memref<2x16x25x20x40xi32, #tpu.memory_space<hbm>> -> memref<1x1x1x20x40xi32, #tpu.memory_space<hbm>>
        %dma_start3A_384 = tpu.memref_squeeze %dma_start3A_383 : memref<1x1x1x20x40xi32, #tpu.memory_space<hbm>> -> memref<20x40xi32, #tpu.memory_space<hbm>>
        %dma_start3A_385 = arith.constant 0 : i32
        %dma_start3A_386 = arith.constant 0 : i32
        %dma_start3A_387 = tpu.memref_slice %arg7[%select_n3A_142, %dma_start3A_385, %dma_start3A_386] : memref<2x20x40xi32, #tpu.memory_space<vmem>> -> memref<1x20x40xi32, #tpu.memory_space<vmem>>
        %dma_start3A_388 = tpu.memref_squeeze %dma_start3A_387 : memref<1x20x40xi32, #tpu.memory_space<vmem>> -> memref<20x40xi32, #tpu.memory_space<vmem>>
        %dma_start3A_389 = arith.constant 0 : i32
        %dma_start3A_390 = arith.constant 0 : i32
        %dma_start3A_391 = tpu.memref_slice %arg3[%arg0, %arg1, %add3A_376, %dma_start3A_389, %dma_start3A_390] : memref<2x16x25x20x40xi32, #tpu.memory_space<hbm>> -> memref<1x1x1x20x40xi32, #tpu.memory_space<hbm>>
        %dma_start3A_392 = tpu.memref_squeeze %dma_start3A_391 : memref<1x1x1x20x40xi32, #tpu.memory_space<hbm>> -> memref<20x40xi32, #tpu.memory_space<hbm>>
        tpu.enqueue_dma source(%dma_start3A_392 : memref<20x40xi32, #tpu.memory_space<hbm>>) target(%dma_start3A_388 : memref<20x40xi32, #tpu.memory_space<vmem>>) target_semaphore(%arg20 : memref<!tpu.dma_semaphore, #tpu.memory_space<semaphore_mem>>)
        %add3A_393 = arith.constant 1 : i32
        %add3A_394 = arith.addi %select_n3A_108, %add3A_393 : i32
        %dma_start3A_395 = arith.constant 0 : i32
        %dma_start3A_396 = arith.constant 0 : i32
        %dma_start3A_397 = tpu.memref_slice %arg8[%select_n3A_142, %dma_start3A_395, %dma_start3A_396] : memref<2x20x40xi32, #tpu.memory_space<vmem>> -> memref<1x20x40xi32, #tpu.memory_space<vmem>>
        %dma_start3A_398 = tpu.memref_squeeze %dma_start3A_397 : memref<1x20x40xi32, #tpu.memory_space<vmem>> -> memref<20x40xi32, #tpu.memory_space<vmem>>
        %dma_start3A_399 = arith.constant 0 : i32
        %dma_start3A_400 = arith.constant 0 : i32
        %dma_start3A_401 = tpu.memref_slice %arg4[%arg0, %arg1, %add3A_394, %dma_start3A_399, %dma_start3A_400] : memref<2x16x25x20x40xi32, #tpu.memory_space<hbm>> -> memref<1x1x1x20x40xi32, #tpu.memory_space<hbm>>
        %dma_start3A_402 = tpu.memref_squeeze %dma_start3A_401 : memref<1x1x1x20x40xi32, #tpu.memory_space<hbm>> -> memref<20x40xi32, #tpu.memory_space<hbm>>
        %dma_start3A_403 = arith.constant 0 : i32
        %dma_start3A_404 = arith.constant 0 : i32
        %dma_start3A_405 = tpu.memref_slice %arg8[%select_n3A_142, %dma_start3A_403, %dma_start3A_404] : memref<2x20x40xi32, #tpu.memory_space<vmem>> -> memref<1x20x40xi32, #tpu.memory_space<vmem>>
        %dma_start3A_406 = tpu.memref_squeeze %dma_start3A_405 : memref<1x20x40xi32, #tpu.memory_space<vmem>> -> memref<20x40xi32, #tpu.memory_space<vmem>>
        %dma_start3A_407 = arith.constant 0 : i32
        %dma_start3A_408 = arith.constant 0 : i32
        %dma_start3A_409 = tpu.memref_slice %arg4[%arg0, %arg1, %add3A_394, %dma_start3A_407, %dma_start3A_408] : memref<2x16x25x20x40xi32, #tpu.memory_space<hbm>> -> memref<1x1x1x20x40xi32, #tpu.memory_space<hbm>>
        %dma_start3A_410 = tpu.memref_squeeze %dma_start3A_409 : memref<1x1x1x20x40xi32, #tpu.memory_space<hbm>> -> memref<20x40xi32, #tpu.memory_space<hbm>>
        tpu.enqueue_dma source(%dma_start3A_410 : memref<20x40xi32, #tpu.memory_space<hbm>>) target(%dma_start3A_406 : memref<20x40xi32, #tpu.memory_space<vmem>>) target_semaphore(%arg20 : memref<!tpu.dma_semaphore, #tpu.memory_space<semaphore_mem>>)
      } else {
      }
      %gt3A_156 = arith.constant 0 : i32
      %gt3A_157 = arith.cmpi sgt, %scan3A_76, %gt3A_156 : i32
      %convert_element_type3A_158 = arith.extui %gt3A_157 : i1 to i32
      %cond3A_159 = arith.constant 0 : i32
      %cond3A_160 = arith.cmpi ne, %convert_element_type3A_158, %cond3A_159 : i32
      scf.if %cond3A_160 {
        %add3A_375 = arith.constant 0 : i32
        %add3A_376 = arith.addi %mul3A_87, %add3A_375 : i32
        %dma_wait3A_377 = arith.constant 0 : i32
        %dma_wait3A_378 = arith.constant 0 : i32
        %dma_wait3A_379 = arith.constant 0 : i32
        %dma_wait3A_380 = tpu.memref_slice %arg9[%dma_wait3A_377, %dma_wait3A_378, %dma_wait3A_379] : memref<5x40x128xf32, #tpu.memory_space<vmem>> -> memref<1x40x128xf32, #tpu.memory_space<vmem>>
        %dma_wait3A_381 = tpu.memref_squeeze %dma_wait3A_380 : memref<1x40x128xf32, #tpu.memory_space<vmem>> -> memref<40x128xf32, #tpu.memory_space<vmem>>
        %dma_wait3A_382 = arith.constant 0 : i32
        %dma_wait3A_383 = tpu.memref_slice %arg8[%select_n3A_124, %add3A_376, %dma_wait3A_382] : memref<2x20x40xi32, #tpu.memory_space<vmem>> -> memref<1x1x40xi32, #tpu.memory_space<vmem>>
        %dma_wait3A_384 = tpu.memref_squeeze %dma_wait3A_383 : memref<1x1x40xi32, #tpu.memory_space<vmem>> -> memref<40xi32, #tpu.memory_space<vmem>>
        %dma_wait3A_385 = arith.constant 0 : i32
        %dma_wait3A_386 = arith.constant 0 : i32
        %dma_wait3A_387 = tpu.memref_slice %arg21[%dma_wait3A_385, %dma_wait3A_386] : memref<10240x128xf32, #tpu.memory_space<vmem_shared>> -> memref<10240x128xf32, #tpu.memory_space<vmem_shared>>
        tpu.wait_indirect_dma semaphore(%arg15 : memref<!tpu.dma_semaphore, #tpu.memory_space<semaphore_mem>>) src(%dma_wait3A_381 : memref<40x128xf32, #tpu.memory_space<vmem>>) dst(%dma_wait3A_387 : memref<10240x128xf32, #tpu.memory_space<vmem_shared>>)
      } else {
      }
      %add3A_161 = arith.constant 0 : i32
      %add3A_162 = arith.addi %mul3A_87, %add3A_161 : i32
      %dma_start3A = arith.constant 0 : i32
      %dma_start3A_163 = arith.constant 0 : i32
      %dma_start3A_164 = arith.constant 0 : i32
      %dma_start3A_165 = tpu.memref_slice %arg9[%dma_start3A, %dma_start3A_163, %dma_start3A_164] : memref<5x40x128xf32, #tpu.memory_space<vmem>> -> memref<1x40x128xf32, #tpu.memory_space<vmem>>
      %dma_start3A_166 = tpu.memref_squeeze %dma_start3A_165 : memref<1x40x128xf32, #tpu.memory_space<vmem>> -> memref<40x128xf32, #tpu.memory_space<vmem>>
      %dma_start3A_167 = arith.constant 0 : i32
      %dma_start3A_168 = tpu.memref_slice %arg7[%select_n3A_124, %add3A_162, %dma_start3A_167] : memref<2x20x40xi32, #tpu.memory_space<vmem>> -> memref<1x1x40xi32, #tpu.memory_space<vmem>>
      %dma_start3A_169 = tpu.memref_squeeze %dma_start3A_168 : memref<1x1x40xi32, #tpu.memory_space<vmem>> -> memref<40xi32, #tpu.memory_space<vmem>>
      %dma_start3A_170 = arith.constant 0 : i32
      %dma_start3A_171 = arith.constant 0 : i32
      %dma_start3A_172 = tpu.memref_slice %arg2[%dma_start3A_170, %dma_start3A_171] : memref<20480x128xf32, #tpu.memory_space<hbm>> -> memref<20480x128xf32, #tpu.memory_space<hbm>>
      tpu.enqueue_indirect_dma source(%dma_start3A_172 : memref<20480x128xf32, #tpu.memory_space<hbm>>) target(%dma_start3A_166 : memref<40x128xf32, #tpu.memory_space<vmem>>) offsets(%dma_start3A_169 : memref<40xi32, #tpu.memory_space<vmem>>) semaphore(%arg10 : memref<!tpu.dma_semaphore, #tpu.memory_space<semaphore_mem>>)
      %gt3A_173 = arith.constant 0 : i32
      %gt3A_174 = arith.cmpi sgt, %scan3A_76, %gt3A_173 : i32
      %convert_element_type3A_175 = arith.extui %gt3A_174 : i1 to i32
      %cond3A_176 = arith.constant 0 : i32
      %cond3A_177 = arith.cmpi ne, %convert_element_type3A_175, %cond3A_176 : i32
      scf.if %cond3A_177 {
        %add3A_375 = arith.constant 1 : i32
        %add3A_376 = arith.addi %mul3A_87, %add3A_375 : i32
        %dma_wait3A_377 = arith.constant 1 : i32
        %dma_wait3A_378 = arith.constant 0 : i32
        %dma_wait3A_379 = arith.constant 0 : i32
        %dma_wait3A_380 = tpu.memref_slice %arg9[%dma_wait3A_377, %dma_wait3A_378, %dma_wait3A_379] : memref<5x40x128xf32, #tpu.memory_space<vmem>> -> memref<1x40x128xf32, #tpu.memory_space<vmem>>
        %dma_wait3A_381 = tpu.memref_squeeze %dma_wait3A_380 : memref<1x40x128xf32, #tpu.memory_space<vmem>> -> memref<40x128xf32, #tpu.memory_space<vmem>>
        %dma_wait3A_382 = arith.constant 0 : i32
        %dma_wait3A_383 = tpu.memref_slice %arg8[%select_n3A_124, %add3A_376, %dma_wait3A_382] : memref<2x20x40xi32, #tpu.memory_space<vmem>> -> memref<1x1x40xi32, #tpu.memory_space<vmem>>
        %dma_wait3A_384 = tpu.memref_squeeze %dma_wait3A_383 : memref<1x1x40xi32, #tpu.memory_space<vmem>> -> memref<40xi32, #tpu.memory_space<vmem>>
        %dma_wait3A_385 = arith.constant 0 : i32
        %dma_wait3A_386 = arith.constant 0 : i32
        %dma_wait3A_387 = tpu.memref_slice %arg21[%dma_wait3A_385, %dma_wait3A_386] : memref<10240x128xf32, #tpu.memory_space<vmem_shared>> -> memref<10240x128xf32, #tpu.memory_space<vmem_shared>>
        tpu.wait_indirect_dma semaphore(%arg16 : memref<!tpu.dma_semaphore, #tpu.memory_space<semaphore_mem>>) src(%dma_wait3A_381 : memref<40x128xf32, #tpu.memory_space<vmem>>) dst(%dma_wait3A_387 : memref<10240x128xf32, #tpu.memory_space<vmem_shared>>)
      } else {
      }
      %add3A_178 = arith.constant 1 : i32
      %add3A_179 = arith.addi %mul3A_87, %add3A_178 : i32
      %dma_start3A_180 = arith.constant 1 : i32
      %dma_start3A_181 = arith.constant 0 : i32
      %dma_start3A_182 = arith.constant 0 : i32
      %dma_start3A_183 = tpu.memref_slice %arg9[%dma_start3A_180, %dma_start3A_181, %dma_start3A_182] : memref<5x40x128xf32, #tpu.memory_space<vmem>> -> memref<1x40x128xf32, #tpu.memory_space<vmem>>
      %dma_start3A_184 = tpu.memref_squeeze %dma_start3A_183 : memref<1x40x128xf32, #tpu.memory_space<vmem>> -> memref<40x128xf32, #tpu.memory_space<vmem>>
      %dma_start3A_185 = arith.constant 0 : i32
      %dma_start3A_186 = tpu.memref_slice %arg7[%select_n3A_124, %add3A_179, %dma_start3A_185] : memref<2x20x40xi32, #tpu.memory_space<vmem>> -> memref<1x1x40xi32, #tpu.memory_space<vmem>>
      %dma_start3A_187 = tpu.memref_squeeze %dma_start3A_186 : memref<1x1x40xi32, #tpu.memory_space<vmem>> -> memref<40xi32, #tpu.memory_space<vmem>>
      %dma_start3A_188 = arith.constant 0 : i32
      %dma_start3A_189 = arith.constant 0 : i32
      %dma_start3A_190 = tpu.memref_slice %arg2[%dma_start3A_188, %dma_start3A_189] : memref<20480x128xf32, #tpu.memory_space<hbm>> -> memref<20480x128xf32, #tpu.memory_space<hbm>>
      tpu.enqueue_indirect_dma source(%dma_start3A_190 : memref<20480x128xf32, #tpu.memory_space<hbm>>) target(%dma_start3A_184 : memref<40x128xf32, #tpu.memory_space<vmem>>) offsets(%dma_start3A_187 : memref<40xi32, #tpu.memory_space<vmem>>) semaphore(%arg11 : memref<!tpu.dma_semaphore, #tpu.memory_space<semaphore_mem>>)
      %gt3A_191 = arith.constant 0 : i32
      %gt3A_192 = arith.cmpi sgt, %scan3A_76, %gt3A_191 : i32
      %convert_element_type3A_193 = arith.extui %gt3A_192 : i1 to i32
      %cond3A_194 = arith.constant 0 : i32
      %cond3A_195 = arith.cmpi ne, %convert_element_type3A_193, %cond3A_194 : i32
      scf.if %cond3A_195 {
        %add3A_375 = arith.constant 2 : i32
        %add3A_376 = arith.addi %mul3A_87, %add3A_375 : i32
        %dma_wait3A_377 = arith.constant 2 : i32
        %dma_wait3A_378 = arith.constant 0 : i32
        %dma_wait3A_379 = arith.constant 0 : i32
        %dma_wait3A_380 = tpu.memref_slice %arg9[%dma_wait3A_377, %dma_wait3A_378, %dma_wait3A_379] : memref<5x40x128xf32, #tpu.memory_space<vmem>> -> memref<1x40x128xf32, #tpu.memory_space<vmem>>
        %dma_wait3A_381 = tpu.memref_squeeze %dma_wait3A_380 : memref<1x40x128xf32, #tpu.memory_space<vmem>> -> memref<40x128xf32, #tpu.memory_space<vmem>>
        %dma_wait3A_382 = arith.constant 0 : i32
        %dma_wait3A_383 = tpu.memref_slice %arg8[%select_n3A_124, %add3A_376, %dma_wait3A_382] : memref<2x20x40xi32, #tpu.memory_space<vmem>> -> memref<1x1x40xi32, #tpu.memory_space<vmem>>
        %dma_wait3A_384 = tpu.memref_squeeze %dma_wait3A_383 : memref<1x1x40xi32, #tpu.memory_space<vmem>> -> memref<40xi32, #tpu.memory_space<vmem>>
        %dma_wait3A_385 = arith.constant 0 : i32
        %dma_wait3A_386 = arith.constant 0 : i32
        %dma_wait3A_387 = tpu.memref_slice %arg21[%dma_wait3A_385, %dma_wait3A_386] : memref<10240x128xf32, #tpu.memory_space<vmem_shared>> -> memref<10240x128xf32, #tpu.memory_space<vmem_shared>>
        tpu.wait_indirect_dma semaphore(%arg17 : memref<!tpu.dma_semaphore, #tpu.memory_space<semaphore_mem>>) src(%dma_wait3A_381 : memref<40x128xf32, #tpu.memory_space<vmem>>) dst(%dma_wait3A_387 : memref<10240x128xf32, #tpu.memory_space<vmem_shared>>)
      } else {
      }
      %add3A_196 = arith.constant 2 : i32
      %add3A_197 = arith.addi %mul3A_87, %add3A_196 : i32
      %dma_start3A_198 = arith.constant 2 : i32
      %dma_start3A_199 = arith.constant 0 : i32
      %dma_start3A_200 = arith.constant 0 : i32
      %dma_start3A_201 = tpu.memref_slice %arg9[%dma_start3A_198, %dma_start3A_199, %dma_start3A_200] : memref<5x40x128xf32, #tpu.memory_space<vmem>> -> memref<1x40x128xf32, #tpu.memory_space<vmem>>
      %dma_start3A_202 = tpu.memref_squeeze %dma_start3A_201 : memref<1x40x128xf32, #tpu.memory_space<vmem>> -> memref<40x128xf32, #tpu.memory_space<vmem>>
      %dma_start3A_203 = arith.constant 0 : i32
      %dma_start3A_204 = tpu.memref_slice %arg7[%select_n3A_124, %add3A_197, %dma_start3A_203] : memref<2x20x40xi32, #tpu.memory_space<vmem>> -> memref<1x1x40xi32, #tpu.memory_space<vmem>>
      %dma_start3A_205 = tpu.memref_squeeze %dma_start3A_204 : memref<1x1x40xi32, #tpu.memory_space<vmem>> -> memref<40xi32, #tpu.memory_space<vmem>>
      %dma_start3A_206 = arith.constant 0 : i32
      %dma_start3A_207 = arith.constant 0 : i32
      %dma_start3A_208 = tpu.memref_slice %arg2[%dma_start3A_206, %dma_start3A_207] : memref<20480x128xf32, #tpu.memory_space<hbm>> -> memref<20480x128xf32, #tpu.memory_space<hbm>>
      tpu.enqueue_indirect_dma source(%dma_start3A_208 : memref<20480x128xf32, #tpu.memory_space<hbm>>) target(%dma_start3A_202 : memref<40x128xf32, #tpu.memory_space<vmem>>) offsets(%dma_start3A_205 : memref<40xi32, #tpu.memory_space<vmem>>) semaphore(%arg12 : memref<!tpu.dma_semaphore, #tpu.memory_space<semaphore_mem>>)
      %gt3A_209 = arith.constant 0 : i32
      %gt3A_210 = arith.cmpi sgt, %scan3A_76, %gt3A_209 : i32
      %convert_element_type3A_211 = arith.extui %gt3A_210 : i1 to i32
      %cond3A_212 = arith.constant 0 : i32
      %cond3A_213 = arith.cmpi ne, %convert_element_type3A_211, %cond3A_212 : i32
      scf.if %cond3A_213 {
        %add3A_375 = arith.constant 3 : i32
        %add3A_376 = arith.addi %mul3A_87, %add3A_375 : i32
        %dma_wait3A_377 = arith.constant 3 : i32
        %dma_wait3A_378 = arith.constant 0 : i32
        %dma_wait3A_379 = arith.constant 0 : i32
        %dma_wait3A_380 = tpu.memref_slice %arg9[%dma_wait3A_377, %dma_wait3A_378, %dma_wait3A_379] : memref<5x40x128xf32, #tpu.memory_space<vmem>> -> memref<1x40x128xf32, #tpu.memory_space<vmem>>
        %dma_wait3A_381 = tpu.memref_squeeze %dma_wait3A_380 : memref<1x40x128xf32, #tpu.memory_space<vmem>> -> memref<40x128xf32, #tpu.memory_space<vmem>>
        %dma_wait3A_382 = arith.constant 0 : i32
        %dma_wait3A_383 = tpu.memref_slice %arg8[%select_n3A_124, %add3A_376, %dma_wait3A_382] : memref<2x20x40xi32, #tpu.memory_space<vmem>> -> memref<1x1x40xi32, #tpu.memory_space<vmem>>
        %dma_wait3A_384 = tpu.memref_squeeze %dma_wait3A_383 : memref<1x1x40xi32, #tpu.memory_space<vmem>> -> memref<40xi32, #tpu.memory_space<vmem>>
        %dma_wait3A_385 = arith.constant 0 : i32
        %dma_wait3A_386 = arith.constant 0 : i32
        %dma_wait3A_387 = tpu.memref_slice %arg21[%dma_wait3A_385, %dma_wait3A_386] : memref<10240x128xf32, #tpu.memory_space<vmem_shared>> -> memref<10240x128xf32, #tpu.memory_space<vmem_shared>>
        tpu.wait_indirect_dma semaphore(%arg18 : memref<!tpu.dma_semaphore, #tpu.memory_space<semaphore_mem>>) src(%dma_wait3A_381 : memref<40x128xf32, #tpu.memory_space<vmem>>) dst(%dma_wait3A_387 : memref<10240x128xf32, #tpu.memory_space<vmem_shared>>)
      } else {
      }
      %add3A_214 = arith.constant 3 : i32
      %add3A_215 = arith.addi %mul3A_87, %add3A_214 : i32
      %dma_start3A_216 = arith.constant 3 : i32
      %dma_start3A_217 = arith.constant 0 : i32
      %dma_start3A_218 = arith.constant 0 : i32
      %dma_start3A_219 = tpu.memref_slice %arg9[%dma_start3A_216, %dma_start3A_217, %dma_start3A_218] : memref<5x40x128xf32, #tpu.memory_space<vmem>> -> memref<1x40x128xf32, #tpu.memory_space<vmem>>
      %dma_start3A_220 = tpu.memref_squeeze %dma_start3A_219 : memref<1x40x128xf32, #tpu.memory_space<vmem>> -> memref<40x128xf32, #tpu.memory_space<vmem>>
      %dma_start3A_221 = arith.constant 0 : i32
      %dma_start3A_222 = tpu.memref_slice %arg7[%select_n3A_124, %add3A_215, %dma_start3A_221] : memref<2x20x40xi32, #tpu.memory_space<vmem>> -> memref<1x1x40xi32, #tpu.memory_space<vmem>>
      %dma_start3A_223 = tpu.memref_squeeze %dma_start3A_222 : memref<1x1x40xi32, #tpu.memory_space<vmem>> -> memref<40xi32, #tpu.memory_space<vmem>>
      %dma_start3A_224 = arith.constant 0 : i32
      %dma_start3A_225 = arith.constant 0 : i32
      %dma_start3A_226 = tpu.memref_slice %arg2[%dma_start3A_224, %dma_start3A_225] : memref<20480x128xf32, #tpu.memory_space<hbm>> -> memref<20480x128xf32, #tpu.memory_space<hbm>>
      tpu.enqueue_indirect_dma source(%dma_start3A_226 : memref<20480x128xf32, #tpu.memory_space<hbm>>) target(%dma_start3A_220 : memref<40x128xf32, #tpu.memory_space<vmem>>) offsets(%dma_start3A_223 : memref<40xi32, #tpu.memory_space<vmem>>) semaphore(%arg13 : memref<!tpu.dma_semaphore, #tpu.memory_space<semaphore_mem>>)
      %gt3A_227 = arith.constant 0 : i32
      %gt3A_228 = arith.cmpi sgt, %scan3A_76, %gt3A_227 : i32
      %convert_element_type3A_229 = arith.extui %gt3A_228 : i1 to i32
      %cond3A_230 = arith.constant 0 : i32
      %cond3A_231 = arith.cmpi ne, %convert_element_type3A_229, %cond3A_230 : i32
      scf.if %cond3A_231 {
        %add3A_375 = arith.constant 4 : i32
        %add3A_376 = arith.addi %mul3A_87, %add3A_375 : i32
        %dma_wait3A_377 = arith.constant 4 : i32
        %dma_wait3A_378 = arith.constant 0 : i32
        %dma_wait3A_379 = arith.constant 0 : i32
        %dma_wait3A_380 = tpu.memref_slice %arg9[%dma_wait3A_377, %dma_wait3A_378, %dma_wait3A_379] : memref<5x40x128xf32, #tpu.memory_space<vmem>> -> memref<1x40x128xf32, #tpu.memory_space<vmem>>
        %dma_wait3A_381 = tpu.memref_squeeze %dma_wait3A_380 : memref<1x40x128xf32, #tpu.memory_space<vmem>> -> memref<40x128xf32, #tpu.memory_space<vmem>>
        %dma_wait3A_382 = arith.constant 0 : i32
        %dma_wait3A_383 = tpu.memref_slice %arg8[%select_n3A_124, %add3A_376, %dma_wait3A_382] : memref<2x20x40xi32, #tpu.memory_space<vmem>> -> memref<1x1x40xi32, #tpu.memory_space<vmem>>
        %dma_wait3A_384 = tpu.memref_squeeze %dma_wait3A_383 : memref<1x1x40xi32, #tpu.memory_space<vmem>> -> memref<40xi32, #tpu.memory_space<vmem>>
        %dma_wait3A_385 = arith.constant 0 : i32
        %dma_wait3A_386 = arith.constant 0 : i32
        %dma_wait3A_387 = tpu.memref_slice %arg21[%dma_wait3A_385, %dma_wait3A_386] : memref<10240x128xf32, #tpu.memory_space<vmem_shared>> -> memref<10240x128xf32, #tpu.memory_space<vmem_shared>>
        tpu.wait_indirect_dma semaphore(%arg19 : memref<!tpu.dma_semaphore, #tpu.memory_space<semaphore_mem>>) src(%dma_wait3A_381 : memref<40x128xf32, #tpu.memory_space<vmem>>) dst(%dma_wait3A_387 : memref<10240x128xf32, #tpu.memory_space<vmem_shared>>)
      } else {
      }
      %add3A_232 = arith.constant 4 : i32
      %add3A_233 = arith.addi %mul3A_87, %add3A_232 : i32
      %dma_start3A_234 = arith.constant 4 : i32
      %dma_start3A_235 = arith.constant 0 : i32
      %dma_start3A_236 = arith.constant 0 : i32
      %dma_start3A_237 = tpu.memref_slice %arg9[%dma_start3A_234, %dma_start3A_235, %dma_start3A_236] : memref<5x40x128xf32, #tpu.memory_space<vmem>> -> memref<1x40x128xf32, #tpu.memory_space<vmem>>
      %dma_start3A_238 = tpu.memref_squeeze %dma_start3A_237 : memref<1x40x128xf32, #tpu.memory_space<vmem>> -> memref<40x128xf32, #tpu.memory_space<vmem>>
      %dma_start3A_239 = arith.constant 0 : i32
      %dma_start3A_240 = tpu.memref_slice %arg7[%select_n3A_124, %add3A_233, %dma_start3A_239] : memref<2x20x40xi32, #tpu.memory_space<vmem>> -> memref<1x1x40xi32, #tpu.memory_space<vmem>>
      %dma_start3A_241 = tpu.memref_squeeze %dma_start3A_240 : memref<1x1x40xi32, #tpu.memory_space<vmem>> -> memref<40xi32, #tpu.memory_space<vmem>>
      %dma_start3A_242 = arith.constant 0 : i32
      %dma_start3A_243 = arith.constant 0 : i32
      %dma_start3A_244 = tpu.memref_slice %arg2[%dma_start3A_242, %dma_start3A_243] : memref<20480x128xf32, #tpu.memory_space<hbm>> -> memref<20480x128xf32, #tpu.memory_space<hbm>>
      tpu.enqueue_indirect_dma source(%dma_start3A_244 : memref<20480x128xf32, #tpu.memory_space<hbm>>) target(%dma_start3A_238 : memref<40x128xf32, #tpu.memory_space<vmem>>) offsets(%dma_start3A_241 : memref<40xi32, #tpu.memory_space<vmem>>) semaphore(%arg14 : memref<!tpu.dma_semaphore, #tpu.memory_space<semaphore_mem>>)
      %add3A_245 = arith.constant 0 : i32
      %add3A_246 = arith.addi %mul3A_87, %add3A_245 : i32
      %dma_wait3A_247 = arith.constant 0 : i32
      %dma_wait3A_248 = arith.constant 0 : i32
      %dma_wait3A_249 = arith.constant 0 : i32
      %dma_wait3A_250 = tpu.memref_slice %arg9[%dma_wait3A_247, %dma_wait3A_248, %dma_wait3A_249] : memref<5x40x128xf32, #tpu.memory_space<vmem>> -> memref<1x40x128xf32, #tpu.memory_space<vmem>>
      %dma_wait3A_251 = tpu.memref_squeeze %dma_wait3A_250 : memref<1x40x128xf32, #tpu.memory_space<vmem>> -> memref<40x128xf32, #tpu.memory_space<vmem>>
      %dma_wait3A_252 = arith.constant 0 : i32
      %dma_wait3A_253 = tpu.memref_slice %arg7[%select_n3A_124, %add3A_246, %dma_wait3A_252] : memref<2x20x40xi32, #tpu.memory_space<vmem>> -> memref<1x1x40xi32, #tpu.memory_space<vmem>>
      %dma_wait3A_254 = tpu.memref_squeeze %dma_wait3A_253 : memref<1x1x40xi32, #tpu.memory_space<vmem>> -> memref<40xi32, #tpu.memory_space<vmem>>
      %dma_wait3A_255 = arith.constant 0 : i32
      %dma_wait3A_256 = arith.constant 0 : i32
      %dma_wait3A_257 = tpu.memref_slice %arg2[%dma_wait3A_255, %dma_wait3A_256] : memref<20480x128xf32, #tpu.memory_space<hbm>> -> memref<20480x128xf32, #tpu.memory_space<hbm>>
      tpu.wait_indirect_dma semaphore(%arg10 : memref<!tpu.dma_semaphore, #tpu.memory_space<semaphore_mem>>) src(%dma_wait3A_257 : memref<20480x128xf32, #tpu.memory_space<hbm>>) dst(%dma_wait3A_251 : memref<40x128xf32, #tpu.memory_space<vmem>>)
      %add3A_258 = arith.constant 0 : i32
      %add3A_259 = arith.addi %mul3A_87, %add3A_258 : i32
      %dma_start3A_260 = arith.constant 0 : i32
      %dma_start3A_261 = arith.constant 0 : i32
      %dma_start3A_262 = arith.constant 0 : i32
      %dma_start3A_263 = tpu.memref_slice %arg9[%dma_start3A_260, %dma_start3A_261, %dma_start3A_262] : memref<5x40x128xf32, #tpu.memory_space<vmem>> -> memref<1x40x128xf32, #tpu.memory_space<vmem>>
      %dma_start3A_264 = tpu.memref_squeeze %dma_start3A_263 : memref<1x40x128xf32, #tpu.memory_space<vmem>> -> memref<40x128xf32, #tpu.memory_space<vmem>>
      %dma_start3A_265 = arith.constant 0 : i32
      %dma_start3A_266 = tpu.memref_slice %arg8[%select_n3A_124, %add3A_259, %dma_start3A_265] : memref<2x20x40xi32, #tpu.memory_space<vmem>> -> memref<1x1x40xi32, #tpu.memory_space<vmem>>
      %dma_start3A_267 = tpu.memref_squeeze %dma_start3A_266 : memref<1x1x40xi32, #tpu.memory_space<vmem>> -> memref<40xi32, #tpu.memory_space<vmem>>
      %dma_start3A_268 = arith.constant 0 : i32
      %dma_start3A_269 = arith.constant 0 : i32
      %dma_start3A_270 = tpu.memref_slice %arg21[%dma_start3A_268, %dma_start3A_269] : memref<10240x128xf32, #tpu.memory_space<vmem_shared>> -> memref<10240x128xf32, #tpu.memory_space<vmem_shared>>
      tpu.enqueue_indirect_dma source(%dma_start3A_264 : memref<40x128xf32, #tpu.memory_space<vmem>>) target(%dma_start3A_270 : memref<10240x128xf32, #tpu.memory_space<vmem_shared>>) offsets(%dma_start3A_267 : memref<40xi32, #tpu.memory_space<vmem>>) semaphore(%arg15 : memref<!tpu.dma_semaphore, #tpu.memory_space<semaphore_mem>>) {add = true}
      %add3A_271 = arith.constant 1 : i32
      %add3A_272 = arith.addi %mul3A_87, %add3A_271 : i32
      %dma_wait3A_273 = arith.constant 1 : i32
      %dma_wait3A_274 = arith.constant 0 : i32
      %dma_wait3A_275 = arith.constant 0 : i32
      %dma_wait3A_276 = tpu.memref_slice %arg9[%dma_wait3A_273, %dma_wait3A_274, %dma_wait3A_275] : memref<5x40x128xf32, #tpu.memory_space<vmem>> -> memref<1x40x128xf32, #tpu.memory_space<vmem>>
      %dma_wait3A_277 = tpu.memref_squeeze %dma_wait3A_276 : memref<1x40x128xf32, #tpu.memory_space<vmem>> -> memref<40x128xf32, #tpu.memory_space<vmem>>
      %dma_wait3A_278 = arith.constant 0 : i32
      %dma_wait3A_279 = tpu.memref_slice %arg7[%select_n3A_124, %add3A_272, %dma_wait3A_278] : memref<2x20x40xi32, #tpu.memory_space<vmem>> -> memref<1x1x40xi32, #tpu.memory_space<vmem>>
      %dma_wait3A_280 = tpu.memref_squeeze %dma_wait3A_279 : memref<1x1x40xi32, #tpu.memory_space<vmem>> -> memref<40xi32, #tpu.memory_space<vmem>>
      %dma_wait3A_281 = arith.constant 0 : i32
      %dma_wait3A_282 = arith.constant 0 : i32
      %dma_wait3A_283 = tpu.memref_slice %arg2[%dma_wait3A_281, %dma_wait3A_282] : memref<20480x128xf32, #tpu.memory_space<hbm>> -> memref<20480x128xf32, #tpu.memory_space<hbm>>
      tpu.wait_indirect_dma semaphore(%arg11 : memref<!tpu.dma_semaphore, #tpu.memory_space<semaphore_mem>>) src(%dma_wait3A_283 : memref<20480x128xf32, #tpu.memory_space<hbm>>) dst(%dma_wait3A_277 : memref<40x128xf32, #tpu.memory_space<vmem>>)
      %add3A_284 = arith.constant 1 : i32
      %add3A_285 = arith.addi %mul3A_87, %add3A_284 : i32
      %dma_start3A_286 = arith.constant 1 : i32
      %dma_start3A_287 = arith.constant 0 : i32
      %dma_start3A_288 = arith.constant 0 : i32
      %dma_start3A_289 = tpu.memref_slice %arg9[%dma_start3A_286, %dma_start3A_287, %dma_start3A_288] : memref<5x40x128xf32, #tpu.memory_space<vmem>> -> memref<1x40x128xf32, #tpu.memory_space<vmem>>
      %dma_start3A_290 = tpu.memref_squeeze %dma_start3A_289 : memref<1x40x128xf32, #tpu.memory_space<vmem>> -> memref<40x128xf32, #tpu.memory_space<vmem>>
      %dma_start3A_291 = arith.constant 0 : i32
      %dma_start3A_292 = tpu.memref_slice %arg8[%select_n3A_124, %add3A_285, %dma_start3A_291] : memref<2x20x40xi32, #tpu.memory_space<vmem>> -> memref<1x1x40xi32, #tpu.memory_space<vmem>>
      %dma_start3A_293 = tpu.memref_squeeze %dma_start3A_292 : memref<1x1x40xi32, #tpu.memory_space<vmem>> -> memref<40xi32, #tpu.memory_space<vmem>>
      %dma_start3A_294 = arith.constant 0 : i32
      %dma_start3A_295 = arith.constant 0 : i32
      %dma_start3A_296 = tpu.memref_slice %arg21[%dma_start3A_294, %dma_start3A_295] : memref<10240x128xf32, #tpu.memory_space<vmem_shared>> -> memref<10240x128xf32, #tpu.memory_space<vmem_shared>>
      tpu.enqueue_indirect_dma source(%dma_start3A_290 : memref<40x128xf32, #tpu.memory_space<vmem>>) target(%dma_start3A_296 : memref<10240x128xf32, #tpu.memory_space<vmem_shared>>) offsets(%dma_start3A_293 : memref<40xi32, #tpu.memory_space<vmem>>) semaphore(%arg16 : memref<!tpu.dma_semaphore, #tpu.memory_space<semaphore_mem>>) {add = true}
      %add3A_297 = arith.constant 2 : i32
      %add3A_298 = arith.addi %mul3A_87, %add3A_297 : i32
      %dma_wait3A_299 = arith.constant 2 : i32
      %dma_wait3A_300 = arith.constant 0 : i32
      %dma_wait3A_301 = arith.constant 0 : i32
      %dma_wait3A_302 = tpu.memref_slice %arg9[%dma_wait3A_299, %dma_wait3A_300, %dma_wait3A_301] : memref<5x40x128xf32, #tpu.memory_space<vmem>> -> memref<1x40x128xf32, #tpu.memory_space<vmem>>
      %dma_wait3A_303 = tpu.memref_squeeze %dma_wait3A_302 : memref<1x40x128xf32, #tpu.memory_space<vmem>> -> memref<40x128xf32, #tpu.memory_space<vmem>>
      %dma_wait3A_304 = arith.constant 0 : i32
      %dma_wait3A_305 = tpu.memref_slice %arg7[%select_n3A_124, %add3A_298, %dma_wait3A_304] : memref<2x20x40xi32, #tpu.memory_space<vmem>> -> memref<1x1x40xi32, #tpu.memory_space<vmem>>
      %dma_wait3A_306 = tpu.memref_squeeze %dma_wait3A_305 : memref<1x1x40xi32, #tpu.memory_space<vmem>> -> memref<40xi32, #tpu.memory_space<vmem>>
      %dma_wait3A_307 = arith.constant 0 : i32
      %dma_wait3A_308 = arith.constant 0 : i32
      %dma_wait3A_309 = tpu.memref_slice %arg2[%dma_wait3A_307, %dma_wait3A_308] : memref<20480x128xf32, #tpu.memory_space<hbm>> -> memref<20480x128xf32, #tpu.memory_space<hbm>>
      tpu.wait_indirect_dma semaphore(%arg12 : memref<!tpu.dma_semaphore, #tpu.memory_space<semaphore_mem>>) src(%dma_wait3A_309 : memref<20480x128xf32, #tpu.memory_space<hbm>>) dst(%dma_wait3A_303 : memref<40x128xf32, #tpu.memory_space<vmem>>)
      %add3A_310 = arith.constant 2 : i32
      %add3A_311 = arith.addi %mul3A_87, %add3A_310 : i32
      %dma_start3A_312 = arith.constant 2 : i32
      %dma_start3A_313 = arith.constant 0 : i32
      %dma_start3A_314 = arith.constant 0 : i32
      %dma_start3A_315 = tpu.memref_slice %arg9[%dma_start3A_312, %dma_start3A_313, %dma_start3A_314] : memref<5x40x128xf32, #tpu.memory_space<vmem>> -> memref<1x40x128xf32, #tpu.memory_space<vmem>>
      %dma_start3A_316 = tpu.memref_squeeze %dma_start3A_315 : memref<1x40x128xf32, #tpu.memory_space<vmem>> -> memref<40x128xf32, #tpu.memory_space<vmem>>
      %dma_start3A_317 = arith.constant 0 : i32
      %dma_start3A_318 = tpu.memref_slice %arg8[%select_n3A_124, %add3A_311, %dma_start3A_317] : memref<2x20x40xi32, #tpu.memory_space<vmem>> -> memref<1x1x40xi32, #tpu.memory_space<vmem>>
      %dma_start3A_319 = tpu.memref_squeeze %dma_start3A_318 : memref<1x1x40xi32, #tpu.memory_space<vmem>> -> memref<40xi32, #tpu.memory_space<vmem>>
      %dma_start3A_320 = arith.constant 0 : i32
      %dma_start3A_321 = arith.constant 0 : i32
      %dma_start3A_322 = tpu.memref_slice %arg21[%dma_start3A_320, %dma_start3A_321] : memref<10240x128xf32, #tpu.memory_space<vmem_shared>> -> memref<10240x128xf32, #tpu.memory_space<vmem_shared>>
      tpu.enqueue_indirect_dma source(%dma_start3A_316 : memref<40x128xf32, #tpu.memory_space<vmem>>) target(%dma_start3A_322 : memref<10240x128xf32, #tpu.memory_space<vmem_shared>>) offsets(%dma_start3A_319 : memref<40xi32, #tpu.memory_space<vmem>>) semaphore(%arg17 : memref<!tpu.dma_semaphore, #tpu.memory_space<semaphore_mem>>) {add = true}
      %add3A_323 = arith.constant 3 : i32
      %add3A_324 = arith.addi %mul3A_87, %add3A_323 : i32
      %dma_wait3A_325 = arith.constant 3 : i32
      %dma_wait3A_326 = arith.constant 0 : i32
      %dma_wait3A_327 = arith.constant 0 : i32
      %dma_wait3A_328 = tpu.memref_slice %arg9[%dma_wait3A_325, %dma_wait3A_326, %dma_wait3A_327] : memref<5x40x128xf32, #tpu.memory_space<vmem>> -> memref<1x40x128xf32, #tpu.memory_space<vmem>>
      %dma_wait3A_329 = tpu.memref_squeeze %dma_wait3A_328 : memref<1x40x128xf32, #tpu.memory_space<vmem>> -> memref<40x128xf32, #tpu.memory_space<vmem>>
      %dma_wait3A_330 = arith.constant 0 : i32
      %dma_wait3A_331 = tpu.memref_slice %arg7[%select_n3A_124, %add3A_324, %dma_wait3A_330] : memref<2x20x40xi32, #tpu.memory_space<vmem>> -> memref<1x1x40xi32, #tpu.memory_space<vmem>>
      %dma_wait3A_332 = tpu.memref_squeeze %dma_wait3A_331 : memref<1x1x40xi32, #tpu.memory_space<vmem>> -> memref<40xi32, #tpu.memory_space<vmem>>
      %dma_wait3A_333 = arith.constant 0 : i32
      %dma_wait3A_334 = arith.constant 0 : i32
      %dma_wait3A_335 = tpu.memref_slice %arg2[%dma_wait3A_333, %dma_wait3A_334] : memref<20480x128xf32, #tpu.memory_space<hbm>> -> memref<20480x128xf32, #tpu.memory_space<hbm>>
      tpu.wait_indirect_dma semaphore(%arg13 : memref<!tpu.dma_semaphore, #tpu.memory_space<semaphore_mem>>) src(%dma_wait3A_335 : memref<20480x128xf32, #tpu.memory_space<hbm>>) dst(%dma_wait3A_329 : memref<40x128xf32, #tpu.memory_space<vmem>>)
      %add3A_336 = arith.constant 3 : i32
      %add3A_337 = arith.addi %mul3A_87, %add3A_336 : i32
      %dma_start3A_338 = arith.constant 3 : i32
      %dma_start3A_339 = arith.constant 0 : i32
      %dma_start3A_340 = arith.constant 0 : i32
      %dma_start3A_341 = tpu.memref_slice %arg9[%dma_start3A_338, %dma_start3A_339, %dma_start3A_340] : memref<5x40x128xf32, #tpu.memory_space<vmem>> -> memref<1x40x128xf32, #tpu.memory_space<vmem>>
      %dma_start3A_342 = tpu.memref_squeeze %dma_start3A_341 : memref<1x40x128xf32, #tpu.memory_space<vmem>> -> memref<40x128xf32, #tpu.memory_space<vmem>>
      %dma_start3A_343 = arith.constant 0 : i32
      %dma_start3A_344 = tpu.memref_slice %arg8[%select_n3A_124, %add3A_337, %dma_start3A_343] : memref<2x20x40xi32, #tpu.memory_space<vmem>> -> memref<1x1x40xi32, #tpu.memory_space<vmem>>
      %dma_start3A_345 = tpu.memref_squeeze %dma_start3A_344 : memref<1x1x40xi32, #tpu.memory_space<vmem>> -> memref<40xi32, #tpu.memory_space<vmem>>
      %dma_start3A_346 = arith.constant 0 : i32
      %dma_start3A_347 = arith.constant 0 : i32
      %dma_start3A_348 = tpu.memref_slice %arg21[%dma_start3A_346, %dma_start3A_347] : memref<10240x128xf32, #tpu.memory_space<vmem_shared>> -> memref<10240x128xf32, #tpu.memory_space<vmem_shared>>
      tpu.enqueue_indirect_dma source(%dma_start3A_342 : memref<40x128xf32, #tpu.memory_space<vmem>>) target(%dma_start3A_348 : memref<10240x128xf32, #tpu.memory_space<vmem_shared>>) offsets(%dma_start3A_345 : memref<40xi32, #tpu.memory_space<vmem>>) semaphore(%arg18 : memref<!tpu.dma_semaphore, #tpu.memory_space<semaphore_mem>>) {add = true}
      %add3A_349 = arith.constant 4 : i32
      %add3A_350 = arith.addi %mul3A_87, %add3A_349 : i32
      %dma_wait3A_351 = arith.constant 4 : i32
      %dma_wait3A_352 = arith.constant 0 : i32
      %dma_wait3A_353 = arith.constant 0 : i32
      %dma_wait3A_354 = tpu.memref_slice %arg9[%dma_wait3A_351, %dma_wait3A_352, %dma_wait3A_353] : memref<5x40x128xf32, #tpu.memory_space<vmem>> -> memref<1x40x128xf32, #tpu.memory_space<vmem>>
      %dma_wait3A_355 = tpu.memref_squeeze %dma_wait3A_354 : memref<1x40x128xf32, #tpu.memory_space<vmem>> -> memref<40x128xf32, #tpu.memory_space<vmem>>
      %dma_wait3A_356 = arith.constant 0 : i32
      %dma_wait3A_357 = tpu.memref_slice %arg7[%select_n3A_124, %add3A_350, %dma_wait3A_356] : memref<2x20x40xi32, #tpu.memory_space<vmem>> -> memref<1x1x40xi32, #tpu.memory_space<vmem>>
      %dma_wait3A_358 = tpu.memref_squeeze %dma_wait3A_357 : memref<1x1x40xi32, #tpu.memory_space<vmem>> -> memref<40xi32, #tpu.memory_space<vmem>>
      %dma_wait3A_359 = arith.constant 0 : i32
      %dma_wait3A_360 = arith.constant 0 : i32
      %dma_wait3A_361 = tpu.memref_slice %arg2[%dma_wait3A_359, %dma_wait3A_360] : memref<20480x128xf32, #tpu.memory_space<hbm>> -> memref<20480x128xf32, #tpu.memory_space<hbm>>
      tpu.wait_indirect_dma semaphore(%arg14 : memref<!tpu.dma_semaphore, #tpu.memory_space<semaphore_mem>>) src(%dma_wait3A_361 : memref<20480x128xf32, #tpu.memory_space<hbm>>) dst(%dma_wait3A_355 : memref<40x128xf32, #tpu.memory_space<vmem>>)
      %add3A_362 = arith.constant 4 : i32
      %add3A_363 = arith.addi %mul3A_87, %add3A_362 : i32
      %dma_start3A_364 = arith.constant 4 : i32
      %dma_start3A_365 = arith.constant 0 : i32
      %dma_start3A_366 = arith.constant 0 : i32
      %dma_start3A_367 = tpu.memref_slice %arg9[%dma_start3A_364, %dma_start3A_365, %dma_start3A_366] : memref<5x40x128xf32, #tpu.memory_space<vmem>> -> memref<1x40x128xf32, #tpu.memory_space<vmem>>
      %dma_start3A_368 = tpu.memref_squeeze %dma_start3A_367 : memref<1x40x128xf32, #tpu.memory_space<vmem>> -> memref<40x128xf32, #tpu.memory_space<vmem>>
      %dma_start3A_369 = arith.constant 0 : i32
      %dma_start3A_370 = tpu.memref_slice %arg8[%select_n3A_124, %add3A_363, %dma_start3A_369] : memref<2x20x40xi32, #tpu.memory_space<vmem>> -> memref<1x1x40xi32, #tpu.memory_space<vmem>>
      %dma_start3A_371 = tpu.memref_squeeze %dma_start3A_370 : memref<1x1x40xi32, #tpu.memory_space<vmem>> -> memref<40xi32, #tpu.memory_space<vmem>>
      %dma_start3A_372 = arith.constant 0 : i32
      %dma_start3A_373 = arith.constant 0 : i32
      %dma_start3A_374 = tpu.memref_slice %arg21[%dma_start3A_372, %dma_start3A_373] : memref<10240x128xf32, #tpu.memory_space<vmem_shared>> -> memref<10240x128xf32, #tpu.memory_space<vmem_shared>>
      tpu.enqueue_indirect_dma source(%dma_start3A_368 : memref<40x128xf32, #tpu.memory_space<vmem>>) target(%dma_start3A_374 : memref<10240x128xf32, #tpu.memory_space<vmem_shared>>) offsets(%dma_start3A_371 : memref<40xi32, #tpu.memory_space<vmem>>) semaphore(%arg19 : memref<!tpu.dma_semaphore, #tpu.memory_space<semaphore_mem>>) {add = true}
    }
    %scan3A_10 = arith.constant 100 : i32
    %dma_wait3A = arith.constant 0 : i32
    %dma_wait3A_11 = arith.constant 0 : i32
    %dma_wait3A_12 = arith.constant 0 : i32
    %dma_wait3A_13 = arith.constant 0 : i32
    %dma_wait3A_14 = arith.constant 0 : i32
    %dma_wait3A_15 = tpu.memref_slice %arg9[%dma_wait3A, %dma_wait3A_13, %dma_wait3A_14] : memref<5x40x128xf32, #tpu.memory_space<vmem>> -> memref<1x40x128xf32, #tpu.memory_space<vmem>>
    %dma_wait3A_16 = tpu.memref_squeeze %dma_wait3A_15 : memref<1x40x128xf32, #tpu.memory_space<vmem>> -> memref<40x128xf32, #tpu.memory_space<vmem>>
    %dma_wait3A_17 = arith.constant 0 : i32
    %dma_wait3A_18 = tpu.memref_slice %arg8[%dma_wait3A_11, %dma_wait3A_12, %dma_wait3A_17] : memref<2x20x40xi32, #tpu.memory_space<vmem>> -> memref<1x1x40xi32, #tpu.memory_space<vmem>>
    %dma_wait3A_19 = tpu.memref_squeeze %dma_wait3A_18 : memref<1x1x40xi32, #tpu.memory_space<vmem>> -> memref<40xi32, #tpu.memory_space<vmem>>
    %dma_wait3A_20 = arith.constant 0 : i32
    %dma_wait3A_21 = arith.constant 0 : i32
    %dma_wait3A_22 = tpu.memref_slice %arg21[%dma_wait3A_20, %dma_wait3A_21] : memref<10240x128xf32, #tpu.memory_space<vmem_shared>> -> memref<10240x128xf32, #tpu.memory_space<vmem_shared>>
    tpu.wait_indirect_dma semaphore(%arg15 : memref<!tpu.dma_semaphore, #tpu.memory_space<semaphore_mem>>) src(%dma_wait3A_16 : memref<40x128xf32, #tpu.memory_space<vmem>>) dst(%dma_wait3A_22 : memref<10240x128xf32, #tpu.memory_space<vmem_shared>>)
    %dma_wait3A_23 = arith.constant 1 : i32
    %dma_wait3A_24 = arith.constant 0 : i32
    %dma_wait3A_25 = arith.constant 1 : i32
    %dma_wait3A_26 = arith.constant 0 : i32
    %dma_wait3A_27 = arith.constant 0 : i32
    %dma_wait3A_28 = tpu.memref_slice %arg9[%dma_wait3A_23, %dma_wait3A_26, %dma_wait3A_27] : memref<5x40x128xf32, #tpu.memory_space<vmem>> -> memref<1x40x128xf32, #tpu.memory_space<vmem>>
    %dma_wait3A_29 = tpu.memref_squeeze %dma_wait3A_28 : memref<1x40x128xf32, #tpu.memory_space<vmem>> -> memref<40x128xf32, #tpu.memory_space<vmem>>
    %dma_wait3A_30 = arith.constant 0 : i32
    %dma_wait3A_31 = tpu.memref_slice %arg8[%dma_wait3A_24, %dma_wait3A_25, %dma_wait3A_30] : memref<2x20x40xi32, #tpu.memory_space<vmem>> -> memref<1x1x40xi32, #tpu.memory_space<vmem>>
    %dma_wait3A_32 = tpu.memref_squeeze %dma_wait3A_31 : memref<1x1x40xi32, #tpu.memory_space<vmem>> -> memref<40xi32, #tpu.memory_space<vmem>>
    %dma_wait3A_33 = arith.constant 0 : i32
    %dma_wait3A_34 = arith.constant 0 : i32
    %dma_wait3A_35 = tpu.memref_slice %arg21[%dma_wait3A_33, %dma_wait3A_34] : memref<10240x128xf32, #tpu.memory_space<vmem_shared>> -> memref<10240x128xf32, #tpu.memory_space<vmem_shared>>
    tpu.wait_indirect_dma semaphore(%arg16 : memref<!tpu.dma_semaphore, #tpu.memory_space<semaphore_mem>>) src(%dma_wait3A_29 : memref<40x128xf32, #tpu.memory_space<vmem>>) dst(%dma_wait3A_35 : memref<10240x128xf32, #tpu.memory_space<vmem_shared>>)
    %dma_wait3A_36 = arith.constant 2 : i32
    %dma_wait3A_37 = arith.constant 0 : i32
    %dma_wait3A_38 = arith.constant 2 : i32
    %dma_wait3A_39 = arith.constant 0 : i32
    %dma_wait3A_40 = arith.constant 0 : i32
    %dma_wait3A_41 = tpu.memref_slice %arg9[%dma_wait3A_36, %dma_wait3A_39, %dma_wait3A_40] : memref<5x40x128xf32, #tpu.memory_space<vmem>> -> memref<1x40x128xf32, #tpu.memory_space<vmem>>
    %dma_wait3A_42 = tpu.memref_squeeze %dma_wait3A_41 : memref<1x40x128xf32, #tpu.memory_space<vmem>> -> memref<40x128xf32, #tpu.memory_space<vmem>>
    %dma_wait3A_43 = arith.constant 0 : i32
    %dma_wait3A_44 = tpu.memref_slice %arg8[%dma_wait3A_37, %dma_wait3A_38, %dma_wait3A_43] : memref<2x20x40xi32, #tpu.memory_space<vmem>> -> memref<1x1x40xi32, #tpu.memory_space<vmem>>
    %dma_wait3A_45 = tpu.memref_squeeze %dma_wait3A_44 : memref<1x1x40xi32, #tpu.memory_space<vmem>> -> memref<40xi32, #tpu.memory_space<vmem>>
    %dma_wait3A_46 = arith.constant 0 : i32
    %dma_wait3A_47 = arith.constant 0 : i32
    %dma_wait3A_48 = tpu.memref_slice %arg21[%dma_wait3A_46, %dma_wait3A_47] : memref<10240x128xf32, #tpu.memory_space<vmem_shared>> -> memref<10240x128xf32, #tpu.memory_space<vmem_shared>>
    tpu.wait_indirect_dma semaphore(%arg17 : memref<!tpu.dma_semaphore, #tpu.memory_space<semaphore_mem>>) src(%dma_wait3A_42 : memref<40x128xf32, #tpu.memory_space<vmem>>) dst(%dma_wait3A_48 : memref<10240x128xf32, #tpu.memory_space<vmem_shared>>)
    %dma_wait3A_49 = arith.constant 3 : i32
    %dma_wait3A_50 = arith.constant 0 : i32
    %dma_wait3A_51 = arith.constant 3 : i32
    %dma_wait3A_52 = arith.constant 0 : i32
    %dma_wait3A_53 = arith.constant 0 : i32
    %dma_wait3A_54 = tpu.memref_slice %arg9[%dma_wait3A_49, %dma_wait3A_52, %dma_wait3A_53] : memref<5x40x128xf32, #tpu.memory_space<vmem>> -> memref<1x40x128xf32, #tpu.memory_space<vmem>>
    %dma_wait3A_55 = tpu.memref_squeeze %dma_wait3A_54 : memref<1x40x128xf32, #tpu.memory_space<vmem>> -> memref<40x128xf32, #tpu.memory_space<vmem>>
    %dma_wait3A_56 = arith.constant 0 : i32
    %dma_wait3A_57 = tpu.memref_slice %arg8[%dma_wait3A_50, %dma_wait3A_51, %dma_wait3A_56] : memref<2x20x40xi32, #tpu.memory_space<vmem>> -> memref<1x1x40xi32, #tpu.memory_space<vmem>>
    %dma_wait3A_58 = tpu.memref_squeeze %dma_wait3A_57 : memref<1x1x40xi32, #tpu.memory_space<vmem>> -> memref<40xi32, #tpu.memory_space<vmem>>
    %dma_wait3A_59 = arith.constant 0 : i32
    %dma_wait3A_60 = arith.constant 0 : i32
    %dma_wait3A_61 = tpu.memref_slice %arg21[%dma_wait3A_59, %dma_wait3A_60] : memref<10240x128xf32, #tpu.memory_space<vmem_shared>> -> memref<10240x128xf32, #tpu.memory_space<vmem_shared>>
    tpu.wait_indirect_dma semaphore(%arg18 : memref<!tpu.dma_semaphore, #tpu.memory_space<semaphore_mem>>) src(%dma_wait3A_55 : memref<40x128xf32, #tpu.memory_space<vmem>>) dst(%dma_wait3A_61 : memref<10240x128xf32, #tpu.memory_space<vmem_shared>>)
    %dma_wait3A_62 = arith.constant 4 : i32
    %dma_wait3A_63 = arith.constant 0 : i32
    %dma_wait3A_64 = arith.constant 4 : i32
    %dma_wait3A_65 = arith.constant 0 : i32
    %dma_wait3A_66 = arith.constant 0 : i32
    %dma_wait3A_67 = tpu.memref_slice %arg9[%dma_wait3A_62, %dma_wait3A_65, %dma_wait3A_66] : memref<5x40x128xf32, #tpu.memory_space<vmem>> -> memref<1x40x128xf32, #tpu.memory_space<vmem>>
    %dma_wait3A_68 = tpu.memref_squeeze %dma_wait3A_67 : memref<1x40x128xf32, #tpu.memory_space<vmem>> -> memref<40x128xf32, #tpu.memory_space<vmem>>
    %dma_wait3A_69 = arith.constant 0 : i32
    %dma_wait3A_70 = tpu.memref_slice %arg8[%dma_wait3A_63, %dma_wait3A_64, %dma_wait3A_69] : memref<2x20x40xi32, #tpu.memory_space<vmem>> -> memref<1x1x40xi32, #tpu.memory_space<vmem>>
    %dma_wait3A_71 = tpu.memref_squeeze %dma_wait3A_70 : memref<1x1x40xi32, #tpu.memory_space<vmem>> -> memref<40xi32, #tpu.memory_space<vmem>>
    %dma_wait3A_72 = arith.constant 0 : i32
    %dma_wait3A_73 = arith.constant 0 : i32
    %dma_wait3A_74 = tpu.memref_slice %arg21[%dma_wait3A_72, %dma_wait3A_73] : memref<10240x128xf32, #tpu.memory_space<vmem_shared>> -> memref<10240x128xf32, #tpu.memory_space<vmem_shared>>
    tpu.wait_indirect_dma semaphore(%arg19 : memref<!tpu.dma_semaphore, #tpu.memory_space<semaphore_mem>>) src(%dma_wait3A_68 : memref<40x128xf32, #tpu.memory_space<vmem>>) dst(%dma_wait3A_74 : memref<10240x128xf32, #tpu.memory_space<vmem_shared>>)
    %barrier3A_75 = arith.constant 0 : index
    tpu.barrier barrier_id(%barrier3A_75)
    "tpu.region"() ({
      %run_scoped3A_76 = tpu.sem_alloc : memref<!tpu.dma_semaphore, #tpu.memory_space<semaphore_mem>>
      %dma_start3A = arith.constant 0 : i32
      %dma_start3A_77 = tpu.memref_slice %arg6[%arg0, %mul3A_0, %dma_start3A] : memref<2x10240x128xf32, #tpu.memory_space<hbm>> -> memref<1x640x128xf32, #tpu.memory_space<hbm>>
      %dma_start3A_78 = tpu.memref_squeeze %dma_start3A_77 : memref<1x640x128xf32, #tpu.memory_space<hbm>> -> memref<640x128xf32, #tpu.memory_space<hbm>>
      %dma_start3A_79 = arith.constant 0 : i32
      %dma_start3A_80 = tpu.memref_slice %arg21[%mul3A_0, %dma_start3A_79] : memref<10240x128xf32, #tpu.memory_space<vmem_shared>> -> memref<640x128xf32, #tpu.memory_space<vmem_shared>>
      tpu.enqueue_dma source(%dma_start3A_80 : memref<640x128xf32, #tpu.memory_space<vmem_shared>>) target(%dma_start3A_78 : memref<640x128xf32, #tpu.memory_space<hbm>>) target_semaphore(%run_scoped3A_76 : memref<!tpu.dma_semaphore, #tpu.memory_space<semaphore_mem>>)
      %dma_wait3A_81 = arith.constant 0 : i32
      %dma_wait3A_82 = tpu.memref_slice %arg6[%arg0, %mul3A_0, %dma_wait3A_81] : memref<2x10240x128xf32, #tpu.memory_space<hbm>> -> memref<1x640x128xf32, #tpu.memory_space<hbm>>
      %dma_wait3A_83 = tpu.memref_squeeze %dma_wait3A_82 : memref<1x640x128xf32, #tpu.memory_space<hbm>> -> memref<640x128xf32, #tpu.memory_space<hbm>>
      %dma_wait3A_84 = arith.constant 0 : i32
      %dma_wait3A_85 = tpu.memref_slice %arg21[%mul3A_0, %dma_wait3A_84] : memref<10240x128xf32, #tpu.memory_space<vmem_shared>> -> memref<640x128xf32, #tpu.memory_space<vmem_shared>>
      tpu.wait_dma2 semaphore(%run_scoped3A_76 : memref<!tpu.dma_semaphore, #tpu.memory_space<semaphore_mem>>) src(%dma_wait3A_85 : memref<640x128xf32, #tpu.memory_space<vmem_shared>>) dst(%dma_wait3A_83 : memref<640x128xf32, #tpu.memory_space<hbm>>)
      tpu.yield
    }) : () -> ()
    return
  }
}

#map = affine_map<(d0, d1) -> (0, 0)>
#map1 = affine_map<(d0, d1) -> (0, 0, 0, 0, 0)>
#map2 = affine_map<(d0, d1) -> (0, 0, 0)>
module attributes {stable_mosaic.version = 14 : i64} {
  func.func @conv(%arg0: i32, %arg1: i32, %arg2: memref<20480x128xf32, #tpu.memory_space<hbm>>, %arg3: memref<2x16x25x20x40xi32, #tpu.memory_space<hbm>>, %arg4: memref<2x16x25x20x40xi32, #tpu.memory_space<hbm>>, %arg5: memref<640x128xf32, #tpu.memory_space<hbm>>, %arg6: memref<2x10240x128xf32, #tpu.memory_space<hbm>>, %arg7: memref<2x20x40xi32, #tpu.memory_space<vmem>>, %arg8: memref<2x20x40xi32, #tpu.memory_space<vmem>>, %arg9: memref<5x40x128xf32, #tpu.memory_space<vmem>>, %arg10: memref<!tpu.dma_semaphore, #tpu.memory_space<semaphore_mem>>, %arg11: memref<!tpu.dma_semaphore, #tpu.memory_space<semaphore_mem>>, %arg12: memref<!tpu.dma_semaphore, #tpu.memory_space<semaphore_mem>>, %arg13: memref<!tpu.dma_semaphore, #tpu.memory_space<semaphore_mem>>, %arg14: memref<!tpu.dma_semaphore, #tpu.memory_space<semaphore_mem>>, %arg15: memref<!tpu.dma_semaphore, #tpu.memory_space<semaphore_mem>>, %arg16: memref<!tpu.dma_semaphore, #tpu.memory_space<semaphore_mem>>, %arg17: memref<!tpu.dma_semaphore, #tpu.memory_space<semaphore_mem>>, %arg18: memref<!tpu.dma_semaphore, #tpu.memory_space<semaphore_mem>>, %arg19: memref<!tpu.dma_semaphore, #tpu.memory_space<semaphore_mem>>, %arg20: memref<!tpu.dma_semaphore, #tpu.memory_space<semaphore_mem>>, %arg21: memref<10240x128xf32, #tpu.memory_space<vmem_shared>>) attributes {dimension_semantics = [#tpu.dimension_semantics<core_parallel>, #tpu.dimension_semantics<subcore_parallel>], iteration_bounds = array<i64: 2, 16>, scalar_prefetch = 0 : i64, scratch_operands = 15 : i64, tpu.core_type = #tpu.core_type<sc_vector_subcore>, window_params = [{transform_indices = #map}, {transform_indices = #map1}, {transform_indices = #map1}, {transform_indices = #map}, {transform_indices = #map2}]} {
    %mul3A = arith.constant 640 : i32
    %mul3A_0 = arith.muli %arg1, %mul3A : i32
    %mul3A_1 = arith.constant 10240 : i32
    %mul3A_2 = arith.muli %arg0, %mul3A_1 : i32
    %add3A = arith.addi %mul3A_2, %mul3A_0 : i32
    "tpu.region"() ({
      %run_scoped3A_76 = tpu.sem_alloc : memref<!tpu.dma_semaphore, #tpu.memory_space<semaphore_mem>>
      %dma_start3A = arith.constant 0 : i32
      %dma_start3A_77 = tpu.memref_slice %arg21[%mul3A_0, %dma_start3A] : memref<10240x128xf32, #tpu.memory_space<vmem_shared>> -> memref<640x128xf32, #tpu.memory_space<vmem_shared>>
      %dma_start3A_78 = arith.constant 0 : i32
      %dma_start3A_79 = tpu.memref_slice %arg2[%add3A, %dma_start3A_78] : memref<20480x128xf32, #tpu.memory_space<hbm>> -> memref<640x128xf32, #tpu.memory_space<hbm>>
      tpu.enqueue_dma source(%dma_start3A_79 : memref<640x128xf32, #tpu.memory_space<hbm>>) target(%dma_start3A_77 : memref<640x128xf32, #tpu.memory_space<vmem_shared>>) target_semaphore(%run_scoped3A_76 : memref<!tpu.dma_semaphore, #tpu.memory_space<semaphore_mem>>)
      %dma_wait3A_80 = arith.constant 0 : i32
      %dma_wait3A_81 = tpu.memref_slice %arg21[%mul3A_0, %dma_wait3A_80] : memref<10240x128xf32, #tpu.memory_space<vmem_shared>> -> memref<640x128xf32, #tpu.memory_space<vmem_shared>>
      %dma_wait3A_82 = arith.constant 0 : i32
      %dma_wait3A_83 = tpu.memref_slice %arg2[%add3A, %dma_wait3A_82] : memref<20480x128xf32, #tpu.memory_space<hbm>> -> memref<640x128xf32, #tpu.memory_space<hbm>>
      tpu.wait_dma2 semaphore(%run_scoped3A_76 : memref<!tpu.dma_semaphore, #tpu.memory_space<semaphore_mem>>) src(%dma_wait3A_83 : memref<640x128xf32, #tpu.memory_space<hbm>>) dst(%dma_wait3A_81 : memref<640x128xf32, #tpu.memory_space<vmem_shared>>)
      tpu.yield
    }) : () -> ()
    %run_scoped3A = arith.constant 0 : i32
    %run_scoped3A_3 = arith.constant 0 : i32
    "tpu.region"() ({
      %run_scoped3A_76 = tpu.sem_alloc : memref<!tpu.dma_semaphore, #tpu.memory_space<semaphore_mem>>
      %dma_start3A = arith.constant 0 : i32
      %dma_start3A_77 = arith.constant 0 : i32
      %dma_start3A_78 = tpu.memref_slice %arg7[%run_scoped3A_3, %dma_start3A, %dma_start3A_77] : memref<2x20x40xi32, #tpu.memory_space<vmem>> -> memref<1x20x40xi32, #tpu.memory_space<vmem>>
      %dma_start3A_79 = tpu.memref_squeeze %dma_start3A_78 : memref<1x20x40xi32, #tpu.memory_space<vmem>> -> memref<20x40xi32, #tpu.memory_space<vmem>>
      %dma_start3A_80 = arith.constant 0 : i32
      %dma_start3A_81 = arith.constant 0 : i32
      %dma_start3A_82 = tpu.memref_slice %arg3[%arg0, %arg1, %run_scoped3A, %dma_start3A_80, %dma_start3A_81] : memref<2x16x25x20x40xi32, #tpu.memory_space<hbm>> -> memref<1x1x1x20x40xi32, #tpu.memory_space<hbm>>
      %dma_start3A_83 = tpu.memref_squeeze %dma_start3A_82 : memref<1x1x1x20x40xi32, #tpu.memory_space<hbm>> -> memref<20x40xi32, #tpu.memory_space<hbm>>
      %dma_start3A_84 = arith.constant 0 : i32
      %dma_start3A_85 = arith.constant 0 : i32
      %dma_start3A_86 = tpu.memref_slice %arg7[%run_scoped3A_3, %dma_start3A_84, %dma_start3A_85] : memref<2x20x40xi32, #tpu.memory_space<vmem>> -> memref<1x20x40xi32, #tpu.memory_space<vmem>>
      %dma_start3A_87 = tpu.memref_squeeze %dma_start3A_86 : memref<1x20x40xi32, #tpu.memory_space<vmem>> -> memref<20x40xi32, #tpu.memory_space<vmem>>
      %dma_start3A_88 = arith.constant 0 : i32
      %dma_start3A_89 = arith.constant 0 : i32
      %dma_start3A_90 = tpu.memref_slice %arg3[%arg0, %arg1, %run_scoped3A, %dma_start3A_88, %dma_start3A_89] : memref<2x16x25x20x40xi32, #tpu.memory_space<hbm>> -> memref<1x1x1x20x40xi32, #tpu.memory_space<hbm>>
      %dma_start3A_91 = tpu.memref_squeeze %dma_start3A_90 : memref<1x1x1x20x40xi32, #tpu.memory_space<hbm>> -> memref<20x40xi32, #tpu.memory_space<hbm>>
      tpu.enqueue_dma source(%dma_start3A_91 : memref<20x40xi32, #tpu.memory_space<hbm>>) target(%dma_start3A_87 : memref<20x40xi32, #tpu.memory_space<vmem>>) target_semaphore(%run_scoped3A_76 : memref<!tpu.dma_semaphore, #tpu.memory_space<semaphore_mem>>)
      %dma_wait3A_92 = arith.constant 0 : i32
      %dma_wait3A_93 = arith.constant 0 : i32
      %dma_wait3A_94 = tpu.memref_slice %arg7[%run_scoped3A_3, %dma_wait3A_92, %dma_wait3A_93] : memref<2x20x40xi32, #tpu.memory_space<vmem>> -> memref<1x20x40xi32, #tpu.memory_space<vmem>>
      %dma_wait3A_95 = tpu.memref_squeeze %dma_wait3A_94 : memref<1x20x40xi32, #tpu.memory_space<vmem>> -> memref<20x40xi32, #tpu.memory_space<vmem>>
      %dma_wait3A_96 = arith.constant 0 : i32
      %dma_wait3A_97 = arith.constant 0 : i32
      %dma_wait3A_98 = tpu.memref_slice %arg3[%arg0, %arg1, %run_scoped3A, %dma_wait3A_96, %dma_wait3A_97] : memref<2x16x25x20x40xi32, #tpu.memory_space<hbm>> -> memref<1x1x1x20x40xi32, #tpu.memory_space<hbm>>
      %dma_wait3A_99 = tpu.memref_squeeze %dma_wait3A_98 : memref<1x1x1x20x40xi32, #tpu.memory_space<hbm>> -> memref<20x40xi32, #tpu.memory_space<hbm>>
      %dma_wait3A_100 = arith.constant 0 : i32
      %dma_wait3A_101 = arith.constant 0 : i32
      %dma_wait3A_102 = tpu.memref_slice %arg7[%run_scoped3A_3, %dma_wait3A_100, %dma_wait3A_101] : memref<2x20x40xi32, #tpu.memory_space<vmem>> -> memref<1x20x40xi32, #tpu.memory_space<vmem>>
      %dma_wait3A_103 = tpu.memref_squeeze %dma_wait3A_102 : memref<1x20x40xi32, #tpu.memory_space<vmem>> -> memref<20x40xi32, #tpu.memory_space<vmem>>
      %dma_wait3A_104 = arith.constant 0 : i32
      %dma_wait3A_105 = arith.constant 0 : i32
      %dma_wait3A_106 = tpu.memref_slice %arg3[%arg0, %arg1, %run_scoped3A, %dma_wait3A_104, %dma_wait3A_105] : memref<2x16x25x20x40xi32, #tpu.memory_space<hbm>> -> memref<1x1x1x20x40xi32, #tpu.memory_space<hbm>>
      %dma_wait3A_107 = tpu.memref_squeeze %dma_wait3A_106 : memref<1x1x1x20x40xi32, #tpu.memory_space<hbm>> -> memref<20x40xi32, #tpu.memory_space<hbm>>
      tpu.wait_dma2 semaphore(%run_scoped3A_76 : memref<!tpu.dma_semaphore, #tpu.memory_space<semaphore_mem>>) src(%dma_wait3A_107 : memref<20x40xi32, #tpu.memory_space<hbm>>) dst(%dma_wait3A_103 : memref<20x40xi32, #tpu.memory_space<vmem>>)
      tpu.yield
    }) : () -> ()
    %run_scoped3A_4 = arith.constant 0 : i32
    %run_scoped3A_5 = arith.constant 0 : i32
    "tpu.region"() ({
      %run_scoped3A_76 = tpu.sem_alloc : memref<!tpu.dma_semaphore, #tpu.memory_space<semaphore_mem>>
      %dma_start3A = arith.constant 0 : i32
      %dma_start3A_77 = arith.constant 0 : i32
      %dma_start3A_78 = tpu.memref_slice %arg8[%run_scoped3A_5, %dma_start3A, %dma_start3A_77] : memref<2x20x40xi32, #tpu.memory_space<vmem>> -> memref<1x20x40xi32, #tpu.memory_space<vmem>>
      %dma_start3A_79 = tpu.memref_squeeze %dma_start3A_78 : memref<1x20x40xi32, #tpu.memory_space<vmem>> -> memref<20x40xi32, #tpu.memory_space<vmem>>
      %dma_start3A_80 = arith.constant 0 : i32
      %dma_start3A_81 = arith.constant 0 : i32
      %dma_start3A_82 = tpu.memref_slice %arg4[%arg0, %arg1, %run_scoped3A_4, %dma_start3A_80, %dma_start3A_81] : memref<2x16x25x20x40xi32, #tpu.memory_space<hbm>> -> memref<1x1x1x20x40xi32, #tpu.memory_space<hbm>>
      %dma_start3A_83 = tpu.memref_squeeze %dma_start3A_82 : memref<1x1x1x20x40xi32, #tpu.memory_space<hbm>> -> memref<20x40xi32, #tpu.memory_space<hbm>>
      %dma_start3A_84 = arith.constant 0 : i32
      %dma_start3A_85 = arith.constant 0 : i32
      %dma_start3A_86 = tpu.memref_slice %arg8[%run_scoped3A_5, %dma_start3A_84, %dma_start3A_85] : memref<2x20x40xi32, #tpu.memory_space<vmem>> -> memref<1x20x40xi32, #tpu.memory_space<vmem>>
      %dma_start3A_87 = tpu.memref_squeeze %dma_start3A_86 : memref<1x20x40xi32, #tpu.memory_space<vmem>> -> memref<20x40xi32, #tpu.memory_space<vmem>>
      %dma_start3A_88 = arith.constant 0 : i32
      %dma_start3A_89 = arith.constant 0 : i32
      %dma_start3A_90 = tpu.memref_slice %arg4[%arg0, %arg1, %run_scoped3A_4, %dma_start3A_88, %dma_start3A_89] : memref<2x16x25x20x40xi32, #tpu.memory_space<hbm>> -> memref<1x1x1x20x40xi32, #tpu.memory_space<hbm>>
      %dma_start3A_91 = tpu.memref_squeeze %dma_start3A_90 : memref<1x1x1x20x40xi32, #tpu.memory_space<hbm>> -> memref<20x40xi32, #tpu.memory_space<hbm>>
      tpu.enqueue_dma source(%dma_start3A_91 : memref<20x40xi32, #tpu.memory_space<hbm>>) target(%dma_start3A_87 : memref<20x40xi32, #tpu.memory_space<vmem>>) target_semaphore(%run_scoped3A_76 : memref<!tpu.dma_semaphore, #tpu.memory_space<semaphore_mem>>)
      %dma_wait3A_92 = arith.constant 0 : i32
      %dma_wait3A_93 = arith.constant 0 : i32
      %dma_wait3A_94 = tpu.memref_slice %arg8[%run_scoped3A_5, %dma_wait3A_92, %dma_wait3A_93] : memref<2x20x40xi32, #tpu.memory_space<vmem>> -> memref<1x20x40xi32, #tpu.memory_space<vmem>>
      %dma_wait3A_95 = tpu.memref_squeeze %dma_wait3A_94 : memref<1x20x40xi32, #tpu.memory_space<vmem>> -> memref<20x40xi32, #tpu.memory_space<vmem>>
      %dma_wait3A_96 = arith.constant 0 : i32
      %dma_wait3A_97 = arith.constant 0 : i32
      %dma_wait3A_98 = tpu.memref_slice %arg4[%arg0, %arg1, %run_scoped3A_4, %dma_wait3A_96, %dma_wait3A_97] : memref<2x16x25x20x40xi32, #tpu.memory_space<hbm>> -> memref<1x1x1x20x40xi32, #tpu.memory_space<hbm>>
      %dma_wait3A_99 = tpu.memref_squeeze %dma_wait3A_98 : memref<1x1x1x20x40xi32, #tpu.memory_space<hbm>> -> memref<20x40xi32, #tpu.memory_space<hbm>>
      %dma_wait3A_100 = arith.constant 0 : i32
      %dma_wait3A_101 = arith.constant 0 : i32
      %dma_wait3A_102 = tpu.memref_slice %arg8[%run_scoped3A_5, %dma_wait3A_100, %dma_wait3A_101] : memref<2x20x40xi32, #tpu.memory_space<vmem>> -> memref<1x20x40xi32, #tpu.memory_space<vmem>>
      %dma_wait3A_103 = tpu.memref_squeeze %dma_wait3A_102 : memref<1x20x40xi32, #tpu.memory_space<vmem>> -> memref<20x40xi32, #tpu.memory_space<vmem>>
      %dma_wait3A_104 = arith.constant 0 : i32
      %dma_wait3A_105 = arith.constant 0 : i32
      %dma_wait3A_106 = tpu.memref_slice %arg4[%arg0, %arg1, %run_scoped3A_4, %dma_wait3A_104, %dma_wait3A_105] : memref<2x16x25x20x40xi32, #tpu.memory_space<hbm>> -> memref<1x1x1x20x40xi32, #tpu.memory_space<hbm>>
      %dma_wait3A_107 = tpu.memref_squeeze %dma_wait3A_106 : memref<1x1x1x20x40xi32, #tpu.memory_space<hbm>> -> memref<20x40xi32, #tpu.memory_space<hbm>>
      tpu.wait_dma2 semaphore(%run_scoped3A_76 : memref<!tpu.dma_semaphore, #tpu.memory_space<semaphore_mem>>) src(%dma_wait3A_107 : memref<20x40xi32, #tpu.memory_space<hbm>>) dst(%dma_wait3A_103 : memref<20x40xi32, #tpu.memory_space<vmem>>)
      tpu.yield
    }) : () -> ()
    %barrier3A = arith.constant 0 : index
    tpu.barrier barrier_id(%barrier3A)
    %scan3A = arith.constant 0 : i32
    %scan3A_6 = arith.constant 0 : i32
    %scan3A_7 = arith.constant 100 : i32
    %scan3A_8 = arith.addi %scan3A_6, %scan3A_7 : i32
    %scan3A_9 = arith.constant 1 : i32
    scf.for %scan3A_76 = %scan3A_6 to %scan3A_8 step %scan3A_9  : i32 {
      %jit3A = arith.constant 4 : i32
      %eq3A = arith.constant 0 : i32
      %eq3A_77 = arith.cmpi eq, %jit3A, %eq3A : i32
      %jit3A_78 = arith.constant 1 : i32
      %select_n3A = arith.select %eq3A_77, %jit3A_78, %jit3A : i32
      %rem3A = arith.remsi %scan3A_76, %select_n3A : i32
      %ne3A = arith.constant 0 : i32
      %ne3A_79 = arith.cmpi ne, %rem3A, %ne3A : i32
      %lt3A = arith.constant 0 : i32
      %lt3A_80 = arith.cmpi slt, %rem3A, %lt3A : i32
      %lt3A_81 = arith.constant 0 : i32
      %lt3A_82 = arith.cmpi slt, %select_n3A, %lt3A_81 : i32
      %ne3A_83 = arith.xori %lt3A_80, %lt3A_82 : i1
      %and3A = arith.andi %ne3A_83, %ne3A_79 : i1
      %add3A_84 = arith.addi %rem3A, %select_n3A : i32
      %select_n3A_85 = arith.select %and3A, %add3A_84, %rem3A : i32
      %mul3A_86 = arith.constant 5 : i32
      %mul3A_87 = arith.muli %select_n3A_85, %mul3A_86 : i32
      %jit3A_88 = arith.constant 4 : i32
      %div3A = arith.divsi %scan3A_76, %jit3A_88 : i32
      %sign3A = arith.constant 0 : i32
      %sign3A_89 = arith.cmpi sgt, %scan3A_76, %sign3A : i32
      %sign3A_90 = arith.extui %sign3A_89 : i1 to i32
      %sign3A_91 = arith.constant 0 : i32
      %sign3A_92 = arith.cmpi slt, %scan3A_76, %sign3A_91 : i32
      %sign3A_93 = arith.extui %sign3A_92 : i1 to i32
      %sign3A_94 = arith.subi %sign3A_90, %sign3A_93 : i32
      %sign3A_95 = arith.constant 0 : i32
      %sign3A_96 = arith.cmpi sgt, %jit3A_88, %sign3A_95 : i32
      %sign3A_97 = arith.extui %sign3A_96 : i1 to i32
      %sign3A_98 = arith.constant 0 : i32
      %sign3A_99 = arith.cmpi slt, %jit3A_88, %sign3A_98 : i32
      %sign3A_100 = arith.extui %sign3A_99 : i1 to i32
      %sign3A_101 = arith.subi %sign3A_97, %sign3A_100 : i32
      %ne3A_102 = arith.cmpi ne, %sign3A_94, %sign3A_101 : i32
      %rem3A_103 = arith.remsi %scan3A_76, %jit3A_88 : i32
      %ne3A_104 = arith.constant 0 : i32
      %ne3A_105 = arith.cmpi ne, %rem3A_103, %ne3A_104 : i32
      %and3A_106 = arith.andi %ne3A_102, %ne3A_105 : i1
      %sub3A = arith.constant 1 : i32
      %sub3A_107 = arith.subi %div3A, %sub3A : i32
      %select_n3A_108 = arith.select %and3A_106, %sub3A_107, %div3A : i32
      %jit3A_109 = arith.constant 2 : i32
      %eq3A_110 = arith.constant 0 : i32
      %eq3A_111 = arith.cmpi eq, %jit3A_109, %eq3A_110 : i32
      %jit3A_112 = arith.constant 1 : i32
      %select_n3A_113 = arith.select %eq3A_111, %jit3A_112, %jit3A_109 : i32
      %rem3A_114 = arith.remsi %select_n3A_108, %select_n3A_113 : i32
      %ne3A_115 = arith.constant 0 : i32
      %ne3A_116 = arith.cmpi ne, %rem3A_114, %ne3A_115 : i32
      %lt3A_117 = arith.constant 0 : i32
      %lt3A_118 = arith.cmpi slt, %rem3A_114, %lt3A_117 : i32
      %lt3A_119 = arith.constant 0 : i32
      %lt3A_120 = arith.cmpi slt, %select_n3A_113, %lt3A_119 : i32
      %ne3A_121 = arith.xori %lt3A_118, %lt3A_120 : i1
      %and3A_122 = arith.andi %ne3A_121, %ne3A_116 : i1
      %add3A_123 = arith.addi %rem3A_114, %select_n3A_113 : i32
      %select_n3A_124 = arith.select %and3A_122, %add3A_123, %rem3A_114 : i32
      %add3A_125 = arith.constant 1 : i32
      %add3A_126 = arith.addi %select_n3A_108, %add3A_125 : i32
      %jit3A_127 = arith.constant 2 : i32
      %eq3A_128 = arith.constant 0 : i32
      %eq3A_129 = arith.cmpi eq, %jit3A_127, %eq3A_128 : i32
      %jit3A_130 = arith.constant 1 : i32
      %select_n3A_131 = arith.select %eq3A_129, %jit3A_130, %jit3A_127 : i32
      %rem3A_132 = arith.remsi %add3A_126, %select_n3A_131 : i32
      %ne3A_133 = arith.constant 0 : i32
      %ne3A_134 = arith.cmpi ne, %rem3A_132, %ne3A_133 : i32
      %lt3A_135 = arith.constant 0 : i32
      %lt3A_136 = arith.cmpi slt, %rem3A_132, %lt3A_135 : i32
      %lt3A_137 = arith.constant 0 : i32
      %lt3A_138 = arith.cmpi slt, %select_n3A_131, %lt3A_137 : i32
      %ne3A_139 = arith.xori %lt3A_136, %lt3A_138 : i1
      %and3A_140 = arith.andi %ne3A_139, %ne3A_134 : i1
      %add3A_141 = arith.addi %rem3A_132, %select_n3A_131 : i32
      %select_n3A_142 = arith.select %and3A_140, %add3A_141, %rem3A_132 : i32
      %eq3A_143 = arith.constant 0 : i32
      %eq3A_144 = arith.cmpi eq, %mul3A_87, %eq3A_143 : i32
      %gt3A = arith.constant 0 : i32
      %gt3A_145 = arith.cmpi sgt, %select_n3A_108, %gt3A : i32
      %and3A_146 = arith.andi %eq3A_144, %gt3A_145 : i1
      %convert_element_type3A = arith.extui %and3A_146 : i1 to i32
      %cond3A = arith.constant 0 : i32
      %cond3A_147 = arith.cmpi ne, %convert_element_type3A, %cond3A : i32
      scf.if %cond3A_147 {
        %dma_wait3A_375 = arith.constant 0 : i32
        %dma_wait3A_376 = arith.constant 0 : i32
        %dma_wait3A_377 = tpu.memref_slice %arg7[%select_n3A_124, %dma_wait3A_375, %dma_wait3A_376] : memref<2x20x40xi32, #tpu.memory_space<vmem>> -> memref<1x20x40xi32, #tpu.memory_space<vmem>>
        %dma_wait3A_378 = tpu.memref_squeeze %dma_wait3A_377 : memref<1x20x40xi32, #tpu.memory_space<vmem>> -> memref<20x40xi32, #tpu.memory_space<vmem>>
        %dma_wait3A_379 = arith.constant 0 : i32
        %dma_wait3A_380 = arith.constant 0 : i32
        %dma_wait3A_381 = tpu.memref_slice %arg3[%arg0, %arg1, %select_n3A_108, %dma_wait3A_379, %dma_wait3A_380] : memref<2x16x25x20x40xi32, #tpu.memory_space<hbm>> -> memref<1x1x1x20x40xi32, #tpu.memory_space<hbm>>
        %dma_wait3A_382 = tpu.memref_squeeze %dma_wait3A_381 : memref<1x1x1x20x40xi32, #tpu.memory_space<hbm>> -> memref<20x40xi32, #tpu.memory_space<hbm>>
        %dma_wait3A_383 = arith.constant 0 : i32
        %dma_wait3A_384 = arith.constant 0 : i32
        %dma_wait3A_385 = tpu.memref_slice %arg7[%select_n3A_124, %dma_wait3A_383, %dma_wait3A_384] : memref<2x20x40xi32, #tpu.memory_space<vmem>> -> memref<1x20x40xi32, #tpu.memory_space<vmem>>
        %dma_wait3A_386 = tpu.memref_squeeze %dma_wait3A_385 : memref<1x20x40xi32, #tpu.memory_space<vmem>> -> memref<20x40xi32, #tpu.memory_space<vmem>>
        %dma_wait3A_387 = arith.constant 0 : i32
        %dma_wait3A_388 = arith.constant 0 : i32
        %dma_wait3A_389 = tpu.memref_slice %arg3[%arg0, %arg1, %select_n3A_108, %dma_wait3A_387, %dma_wait3A_388] : memref<2x16x25x20x40xi32, #tpu.memory_space<hbm>> -> memref<1x1x1x20x40xi32, #tpu.memory_space<hbm>>
        %dma_wait3A_390 = tpu.memref_squeeze %dma_wait3A_389 : memref<1x1x1x20x40xi32, #tpu.memory_space<hbm>> -> memref<20x40xi32, #tpu.memory_space<hbm>>
        tpu.wait_dma2 semaphore(%arg20 : memref<!tpu.dma_semaphore, #tpu.memory_space<semaphore_mem>>) src(%dma_wait3A_390 : memref<20x40xi32, #tpu.memory_space<hbm>>) dst(%dma_wait3A_386 : memref<20x40xi32, #tpu.memory_space<vmem>>)
        %dma_wait3A_391 = arith.constant 0 : i32
        %dma_wait3A_392 = arith.constant 0 : i32
        %dma_wait3A_393 = tpu.memref_slice %arg8[%select_n3A_124, %dma_wait3A_391, %dma_wait3A_392] : memref<2x20x40xi32, #tpu.memory_space<vmem>> -> memref<1x20x40xi32, #tpu.memory_space<vmem>>
        %dma_wait3A_394 = tpu.memref_squeeze %dma_wait3A_393 : memref<1x20x40xi32, #tpu.memory_space<vmem>> -> memref<20x40xi32, #tpu.memory_space<vmem>>
        %dma_wait3A_395 = arith.constant 0 : i32
        %dma_wait3A_396 = arith.constant 0 : i32
        %dma_wait3A_397 = tpu.memref_slice %arg4[%arg0, %arg1, %select_n3A_108, %dma_wait3A_395, %dma_wait3A_396] : memref<2x16x25x20x40xi32, #tpu.memory_space<hbm>> -> memref<1x1x1x20x40xi32, #tpu.memory_space<hbm>>
        %dma_wait3A_398 = tpu.memref_squeeze %dma_wait3A_397 : memref<1x1x1x20x40xi32, #tpu.memory_space<hbm>> -> memref<20x40xi32, #tpu.memory_space<hbm>>
        %dma_wait3A_399 = arith.constant 0 : i32
        %dma_wait3A_400 = arith.constant 0 : i32
        %dma_wait3A_401 = tpu.memref_slice %arg8[%select_n3A_124, %dma_wait3A_399, %dma_wait3A_400] : memref<2x20x40xi32, #tpu.memory_space<vmem>> -> memref<1x20x40xi32, #tpu.memory_space<vmem>>
        %dma_wait3A_402 = tpu.memref_squeeze %dma_wait3A_401 : memref<1x20x40xi32, #tpu.memory_space<vmem>> -> memref<20x40xi32, #tpu.memory_space<vmem>>
        %dma_wait3A_403 = arith.constant 0 : i32
        %dma_wait3A_404 = arith.constant 0 : i32
        %dma_wait3A_405 = tpu.memref_slice %arg4[%arg0, %arg1, %select_n3A_108, %dma_wait3A_403, %dma_wait3A_404] : memref<2x16x25x20x40xi32, #tpu.memory_space<hbm>> -> memref<1x1x1x20x40xi32, #tpu.memory_space<hbm>>
        %dma_wait3A_406 = tpu.memref_squeeze %dma_wait3A_405 : memref<1x1x1x20x40xi32, #tpu.memory_space<hbm>> -> memref<20x40xi32, #tpu.memory_space<hbm>>
        tpu.wait_dma2 semaphore(%arg20 : memref<!tpu.dma_semaphore, #tpu.memory_space<semaphore_mem>>) src(%dma_wait3A_406 : memref<20x40xi32, #tpu.memory_space<hbm>>) dst(%dma_wait3A_402 : memref<20x40xi32, #tpu.memory_space<vmem>>)
      } else {
      }
      %eq3A_148 = arith.constant 0 : i32
      %eq3A_149 = arith.cmpi eq, %mul3A_87, %eq3A_148 : i32
      %lt3A_150 = arith.constant 24 : i32
      %lt3A_151 = arith.cmpi slt, %select_n3A_108, %lt3A_150 : i32
      %and3A_152 = arith.andi %eq3A_149, %lt3A_151 : i1
      %convert_element_type3A_153 = arith.extui %and3A_152 : i1 to i32
      %cond3A_154 = arith.constant 0 : i32
      %cond3A_155 = arith.cmpi ne, %convert_element_type3A_153, %cond3A_154 : i32
      scf.if %cond3A_155 {
        %add3A_375 = arith.constant 1 : i32
        %add3A_376 = arith.addi %select_n3A_108, %add3A_375 : i32
        %dma_start3A_377 = arith.constant 0 : i32
        %dma_start3A_378 = arith.constant 0 : i32
        %dma_start3A_379 = tpu.memref_slice %arg7[%select_n3A_142, %dma_start3A_377, %dma_start3A_378] : memref<2x20x40xi32, #tpu.memory_space<vmem>> -> memref<1x20x40xi32, #tpu.memory_space<vmem>>
        %dma_start3A_380 = tpu.memref_squeeze %dma_start3A_379 : memref<1x20x40xi32, #tpu.memory_space<vmem>> -> memref<20x40xi32, #tpu.memory_space<vmem>>
        %dma_start3A_381 = arith.constant 0 : i32
        %dma_start3A_382 = arith.constant 0 : i32
        %dma_start3A_383 = tpu.memref_slice %arg3[%arg0, %arg1, %add3A_376, %dma_start3A_381, %dma_start3A_382] : memref<2x16x25x20x40xi32, #tpu.memory_space<hbm>> -> memref<1x1x1x20x40xi32, #tpu.memory_space<hbm>>
        %dma_start3A_384 = tpu.memref_squeeze %dma_start3A_383 : memref<1x1x1x20x40xi32, #tpu.memory_space<hbm>> -> memref<20x40xi32, #tpu.memory_space<hbm>>
        %dma_start3A_385 = arith.constant 0 : i32
        %dma_start3A_386 = arith.constant 0 : i32
        %dma_start3A_387 = tpu.memref_slice %arg7[%select_n3A_142, %dma_start3A_385, %dma_start3A_386] : memref<2x20x40xi32, #tpu.memory_space<vmem>> -> memref<1x20x40xi32, #tpu.memory_space<vmem>>
        %dma_start3A_388 = tpu.memref_squeeze %dma_start3A_387 : memref<1x20x40xi32, #tpu.memory_space<vmem>> -> memref<20x40xi32, #tpu.memory_space<vmem>>
        %dma_start3A_389 = arith.constant 0 : i32
        %dma_start3A_390 = arith.constant 0 : i32
        %dma_start3A_391 = tpu.memref_slice %arg3[%arg0, %arg1, %add3A_376, %dma_start3A_389, %dma_start3A_390] : memref<2x16x25x20x40xi32, #tpu.memory_space<hbm>> -> memref<1x1x1x20x40xi32, #tpu.memory_space<hbm>>
        %dma_start3A_392 = tpu.memref_squeeze %dma_start3A_391 : memref<1x1x1x20x40xi32, #tpu.memory_space<hbm>> -> memref<20x40xi32, #tpu.memory_space<hbm>>
        tpu.enqueue_dma source(%dma_start3A_392 : memref<20x40xi32, #tpu.memory_space<hbm>>) target(%dma_start3A_388 : memref<20x40xi32, #tpu.memory_space<vmem>>) target_semaphore(%arg20 : memref<!tpu.dma_semaphore, #tpu.memory_space<semaphore_mem>>)
        %add3A_393 = arith.constant 1 : i32
        %add3A_394 = arith.addi %select_n3A_108, %add3A_393 : i32
        %dma_start3A_395 = arith.constant 0 : i32
        %dma_start3A_396 = arith.constant 0 : i32
        %dma_start3A_397 = tpu.memref_slice %arg8[%select_n3A_142, %dma_start3A_395, %dma_start3A_396] : memref<2x20x40xi32, #tpu.memory_space<vmem>> -> memref<1x20x40xi32, #tpu.memory_space<vmem>>
        %dma_start3A_398 = tpu.memref_squeeze %dma_start3A_397 : memref<1x20x40xi32, #tpu.memory_space<vmem>> -> memref<20x40xi32, #tpu.memory_space<vmem>>
        %dma_start3A_399 = arith.constant 0 : i32
        %dma_start3A_400 = arith.constant 0 : i32
        %dma_start3A_401 = tpu.memref_slice %arg4[%arg0, %arg1, %add3A_394, %dma_start3A_399, %dma_start3A_400] : memref<2x16x25x20x40xi32, #tpu.memory_space<hbm>> -> memref<1x1x1x20x40xi32, #tpu.memory_space<hbm>>
        %dma_start3A_402 = tpu.memref_squeeze %dma_start3A_401 : memref<1x1x1x20x40xi32, #tpu.memory_space<hbm>> -> memref<20x40xi32, #tpu.memory_space<hbm>>
        %dma_start3A_403 = arith.constant 0 : i32
        %dma_start3A_404 = arith.constant 0 : i32
        %dma_start3A_405 = tpu.memref_slice %arg8[%select_n3A_142, %dma_start3A_403, %dma_start3A_404] : memref<2x20x40xi32, #tpu.memory_space<vmem>> -> memref<1x20x40xi32, #tpu.memory_space<vmem>>
        %dma_start3A_406 = tpu.memref_squeeze %dma_start3A_405 : memref<1x20x40xi32, #tpu.memory_space<vmem>> -> memref<20x40xi32, #tpu.memory_space<vmem>>
        %dma_start3A_407 = arith.constant 0 : i32
        %dma_start3A_408 = arith.constant 0 : i32
        %dma_start3A_409 = tpu.memref_slice %arg4[%arg0, %arg1, %add3A_394, %dma_start3A_407, %dma_start3A_408] : memref<2x16x25x20x40xi32, #tpu.memory_space<hbm>> -> memref<1x1x1x20x40xi32, #tpu.memory_space<hbm>>
        %dma_start3A_410 = tpu.memref_squeeze %dma_start3A_409 : memref<1x1x1x20x40xi32, #tpu.memory_space<hbm>> -> memref<20x40xi32, #tpu.memory_space<hbm>>
        tpu.enqueue_dma source(%dma_start3A_410 : memref<20x40xi32, #tpu.memory_space<hbm>>) target(%dma_start3A_406 : memref<20x40xi32, #tpu.memory_space<vmem>>) target_semaphore(%arg20 : memref<!tpu.dma_semaphore, #tpu.memory_space<semaphore_mem>>)
      } else {
      }
      %gt3A_156 = arith.constant 0 : i32
      %gt3A_157 = arith.cmpi sgt, %scan3A_76, %gt3A_156 : i32
      %convert_element_type3A_158 = arith.extui %gt3A_157 : i1 to i32
      %cond3A_159 = arith.constant 0 : i32
      %cond3A_160 = arith.cmpi ne, %convert_element_type3A_158, %cond3A_159 : i32
      scf.if %cond3A_160 {
        %add3A_375 = arith.constant 0 : i32
        %add3A_376 = arith.addi %mul3A_87, %add3A_375 : i32
        %dma_wait3A_377 = arith.constant 0 : i32
        %dma_wait3A_378 = arith.constant 0 : i32
        %dma_wait3A_379 = arith.constant 0 : i32
        %dma_wait3A_380 = tpu.memref_slice %arg9[%dma_wait3A_377, %dma_wait3A_378, %dma_wait3A_379] : memref<5x40x128xf32, #tpu.memory_space<vmem>> -> memref<1x40x128xf32, #tpu.memory_space<vmem>>
        %dma_wait3A_381 = tpu.memref_squeeze %dma_wait3A_380 : memref<1x40x128xf32, #tpu.memory_space<vmem>> -> memref<40x128xf32, #tpu.memory_space<vmem>>
        %dma_wait3A_382 = arith.constant 0 : i32
        %dma_wait3A_383 = tpu.memref_slice %arg8[%select_n3A_124, %add3A_376, %dma_wait3A_382] : memref<2x20x40xi32, #tpu.memory_space<vmem>> -> memref<1x1x40xi32, #tpu.memory_space<vmem>>
        %dma_wait3A_384 = tpu.memref_squeeze %dma_wait3A_383 : memref<1x1x40xi32, #tpu.memory_space<vmem>> -> memref<40xi32, #tpu.memory_space<vmem>>
        %dma_wait3A_385 = arith.constant 0 : i32
        %dma_wait3A_386 = arith.constant 0 : i32
        %dma_wait3A_387 = tpu.memref_slice %arg21[%dma_wait3A_385, %dma_wait3A_386] : memref<10240x128xf32, #tpu.memory_space<vmem_shared>> -> memref<10240x128xf32, #tpu.memory_space<vmem_shared>>
        tpu.wait_indirect_dma semaphore(%arg15 : memref<!tpu.dma_semaphore, #tpu.memory_space<semaphore_mem>>) src(%dma_wait3A_381 : memref<40x128xf32, #tpu.memory_space<vmem>>) dst(%dma_wait3A_387 : memref<10240x128xf32, #tpu.memory_space<vmem_shared>>)
      } else {
      }
      %add3A_161 = arith.constant 0 : i32
      %add3A_162 = arith.addi %mul3A_87, %add3A_161 : i32
      %dma_start3A = arith.constant 0 : i32
      %dma_start3A_163 = arith.constant 0 : i32
      %dma_start3A_164 = arith.constant 0 : i32
      %dma_start3A_165 = tpu.memref_slice %arg9[%dma_start3A, %dma_start3A_163, %dma_start3A_164] : memref<5x40x128xf32, #tpu.memory_space<vmem>> -> memref<1x40x128xf32, #tpu.memory_space<vmem>>
      %dma_start3A_166 = tpu.memref_squeeze %dma_start3A_165 : memref<1x40x128xf32, #tpu.memory_space<vmem>> -> memref<40x128xf32, #tpu.memory_space<vmem>>
      %dma_start3A_167 = arith.constant 0 : i32
      %dma_start3A_168 = tpu.memref_slice %arg7[%select_n3A_124, %add3A_162, %dma_start3A_167] : memref<2x20x40xi32, #tpu.memory_space<vmem>> -> memref<1x1x40xi32, #tpu.memory_space<vmem>>
      %dma_start3A_169 = tpu.memref_squeeze %dma_start3A_168 : memref<1x1x40xi32, #tpu.memory_space<vmem>> -> memref<40xi32, #tpu.memory_space<vmem>>
      %dma_start3A_170 = arith.constant 0 : i32
      %dma_start3A_171 = arith.constant 0 : i32
      %dma_start3A_172 = tpu.memref_slice %arg2[%dma_start3A_170, %dma_start3A_171] : memref<20480x128xf32, #tpu.memory_space<hbm>> -> memref<20480x128xf32, #tpu.memory_space<hbm>>
      tpu.enqueue_indirect_dma source(%dma_start3A_172 : memref<20480x128xf32, #tpu.memory_space<hbm>>) target(%dma_start3A_166 : memref<40x128xf32, #tpu.memory_space<vmem>>) offsets(%dma_start3A_169 : memref<40xi32, #tpu.memory_space<vmem>>) semaphore(%arg10 : memref<!tpu.dma_semaphore, #tpu.memory_space<semaphore_mem>>)
      %gt3A_173 = arith.constant 0 : i32
      %gt3A_174 = arith.cmpi sgt, %scan3A_76, %gt3A_173 : i32
      %convert_element_type3A_175 = arith.extui %gt3A_174 : i1 to i32
      %cond3A_176 = arith.constant 0 : i32
      %cond3A_177 = arith.cmpi ne, %convert_element_type3A_175, %cond3A_176 : i32
      scf.if %cond3A_177 {
        %add3A_375 = arith.constant 1 : i32
        %add3A_376 = arith.addi %mul3A_87, %add3A_375 : i32
        %dma_wait3A_377 = arith.constant 1 : i32
        %dma_wait3A_378 = arith.constant 0 : i32
        %dma_wait3A_379 = arith.constant 0 : i32
        %dma_wait3A_380 = tpu.memref_slice %arg9[%dma_wait3A_377, %dma_wait3A_378, %dma_wait3A_379] : memref<5x40x128xf32, #tpu.memory_space<vmem>> -> memref<1x40x128xf32, #tpu.memory_space<vmem>>
        %dma_wait3A_381 = tpu.memref_squeeze %dma_wait3A_380 : memref<1x40x128xf32, #tpu.memory_space<vmem>> -> memref<40x128xf32, #tpu.memory_space<vmem>>
        %dma_wait3A_382 = arith.constant 0 : i32
        %dma_wait3A_383 = tpu.memref_slice %arg8[%select_n3A_124, %add3A_376, %dma_wait3A_382] : memref<2x20x40xi32, #tpu.memory_space<vmem>> -> memref<1x1x40xi32, #tpu.memory_space<vmem>>
        %dma_wait3A_384 = tpu.memref_squeeze %dma_wait3A_383 : memref<1x1x40xi32, #tpu.memory_space<vmem>> -> memref<40xi32, #tpu.memory_space<vmem>>
        %dma_wait3A_385 = arith.constant 0 : i32
        %dma_wait3A_386 = arith.constant 0 : i32
        %dma_wait3A_387 = tpu.memref_slice %arg21[%dma_wait3A_385, %dma_wait3A_386] : memref<10240x128xf32, #tpu.memory_space<vmem_shared>> -> memref<10240x128xf32, #tpu.memory_space<vmem_shared>>
        tpu.wait_indirect_dma semaphore(%arg16 : memref<!tpu.dma_semaphore, #tpu.memory_space<semaphore_mem>>) src(%dma_wait3A_381 : memref<40x128xf32, #tpu.memory_space<vmem>>) dst(%dma_wait3A_387 : memref<10240x128xf32, #tpu.memory_space<vmem_shared>>)
      } else {
      }
      %add3A_178 = arith.constant 1 : i32
      %add3A_179 = arith.addi %mul3A_87, %add3A_178 : i32
      %dma_start3A_180 = arith.constant 1 : i32
      %dma_start3A_181 = arith.constant 0 : i32
      %dma_start3A_182 = arith.constant 0 : i32
      %dma_start3A_183 = tpu.memref_slice %arg9[%dma_start3A_180, %dma_start3A_181, %dma_start3A_182] : memref<5x40x128xf32, #tpu.memory_space<vmem>> -> memref<1x40x128xf32, #tpu.memory_space<vmem>>
      %dma_start3A_184 = tpu.memref_squeeze %dma_start3A_183 : memref<1x40x128xf32, #tpu.memory_space<vmem>> -> memref<40x128xf32, #tpu.memory_space<vmem>>
      %dma_start3A_185 = arith.constant 0 : i32
      %dma_start3A_186 = tpu.memref_slice %arg7[%select_n3A_124, %add3A_179, %dma_start3A_185] : memref<2x20x40xi32, #tpu.memory_space<vmem>> -> memref<1x1x40xi32, #tpu.memory_space<vmem>>
      %dma_start3A_187 = tpu.memref_squeeze %dma_start3A_186 : memref<1x1x40xi32, #tpu.memory_space<vmem>> -> memref<40xi32, #tpu.memory_space<vmem>>
      %dma_start3A_188 = arith.constant 0 : i32
      %dma_start3A_189 = arith.constant 0 : i32
      %dma_start3A_190 = tpu.memref_slice %arg2[%dma_start3A_188, %dma_start3A_189] : memref<20480x128xf32, #tpu.memory_space<hbm>> -> memref<20480x128xf32, #tpu.memory_space<hbm>>
      tpu.enqueue_indirect_dma source(%dma_start3A_190 : memref<20480x128xf32, #tpu.memory_space<hbm>>) target(%dma_start3A_184 : memref<40x128xf32, #tpu.memory_space<vmem>>) offsets(%dma_start3A_187 : memref<40xi32, #tpu.memory_space<vmem>>) semaphore(%arg11 : memref<!tpu.dma_semaphore, #tpu.memory_space<semaphore_mem>>)
      %gt3A_191 = arith.constant 0 : i32
      %gt3A_192 = arith.cmpi sgt, %scan3A_76, %gt3A_191 : i32
      %convert_element_type3A_193 = arith.extui %gt3A_192 : i1 to i32
      %cond3A_194 = arith.constant 0 : i32
      %cond3A_195 = arith.cmpi ne, %convert_element_type3A_193, %cond3A_194 : i32
      scf.if %cond3A_195 {
        %add3A_375 = arith.constant 2 : i32
        %add3A_376 = arith.addi %mul3A_87, %add3A_375 : i32
        %dma_wait3A_377 = arith.constant 2 : i32
        %dma_wait3A_378 = arith.constant 0 : i32
        %dma_wait3A_379 = arith.constant 0 : i32
        %dma_wait3A_380 = tpu.memref_slice %arg9[%dma_wait3A_377, %dma_wait3A_378, %dma_wait3A_379] : memref<5x40x128xf32, #tpu.memory_space<vmem>> -> memref<1x40x128xf32, #tpu.memory_space<vmem>>
        %dma_wait3A_381 = tpu.memref_squeeze %dma_wait3A_380 : memref<1x40x128xf32, #tpu.memory_space<vmem>> -> memref<40x128xf32, #tpu.memory_space<vmem>>
        %dma_wait3A_382 = arith.constant 0 : i32
        %dma_wait3A_383 = tpu.memref_slice %arg8[%select_n3A_124, %add3A_376, %dma_wait3A_382] : memref<2x20x40xi32, #tpu.memory_space<vmem>> -> memref<1x1x40xi32, #tpu.memory_space<vmem>>
        %dma_wait3A_384 = tpu.memref_squeeze %dma_wait3A_383 : memref<1x1x40xi32, #tpu.memory_space<vmem>> -> memref<40xi32, #tpu.memory_space<vmem>>
        %dma_wait3A_385 = arith.constant 0 : i32
        %dma_wait3A_386 = arith.constant 0 : i32
        %dma_wait3A_387 = tpu.memref_slice %arg21[%dma_wait3A_385, %dma_wait3A_386] : memref<10240x128xf32, #tpu.memory_space<vmem_shared>> -> memref<10240x128xf32, #tpu.memory_space<vmem_shared>>
        tpu.wait_indirect_dma semaphore(%arg17 : memref<!tpu.dma_semaphore, #tpu.memory_space<semaphore_mem>>) src(%dma_wait3A_381 : memref<40x128xf32, #tpu.memory_space<vmem>>) dst(%dma_wait3A_387 : memref<10240x128xf32, #tpu.memory_space<vmem_shared>>)
      } else {
      }
      %add3A_196 = arith.constant 2 : i32
      %add3A_197 = arith.addi %mul3A_87, %add3A_196 : i32
      %dma_start3A_198 = arith.constant 2 : i32
      %dma_start3A_199 = arith.constant 0 : i32
      %dma_start3A_200 = arith.constant 0 : i32
      %dma_start3A_201 = tpu.memref_slice %arg9[%dma_start3A_198, %dma_start3A_199, %dma_start3A_200] : memref<5x40x128xf32, #tpu.memory_space<vmem>> -> memref<1x40x128xf32, #tpu.memory_space<vmem>>
      %dma_start3A_202 = tpu.memref_squeeze %dma_start3A_201 : memref<1x40x128xf32, #tpu.memory_space<vmem>> -> memref<40x128xf32, #tpu.memory_space<vmem>>
      %dma_start3A_203 = arith.constant 0 : i32
      %dma_start3A_204 = tpu.memref_slice %arg7[%select_n3A_124, %add3A_197, %dma_start3A_203] : memref<2x20x40xi32, #tpu.memory_space<vmem>> -> memref<1x1x40xi32, #tpu.memory_space<vmem>>
      %dma_start3A_205 = tpu.memref_squeeze %dma_start3A_204 : memref<1x1x40xi32, #tpu.memory_space<vmem>> -> memref<40xi32, #tpu.memory_space<vmem>>
      %dma_start3A_206 = arith.constant 0 : i32
      %dma_start3A_207 = arith.constant 0 : i32
      %dma_start3A_208 = tpu.memref_slice %arg2[%dma_start3A_206, %dma_start3A_207] : memref<20480x128xf32, #tpu.memory_space<hbm>> -> memref<20480x128xf32, #tpu.memory_space<hbm>>
      tpu.enqueue_indirect_dma source(%dma_start3A_208 : memref<20480x128xf32, #tpu.memory_space<hbm>>) target(%dma_start3A_202 : memref<40x128xf32, #tpu.memory_space<vmem>>) offsets(%dma_start3A_205 : memref<40xi32, #tpu.memory_space<vmem>>) semaphore(%arg12 : memref<!tpu.dma_semaphore, #tpu.memory_space<semaphore_mem>>)
      %gt3A_209 = arith.constant 0 : i32
      %gt3A_210 = arith.cmpi sgt, %scan3A_76, %gt3A_209 : i32
      %convert_element_type3A_211 = arith.extui %gt3A_210 : i1 to i32
      %cond3A_212 = arith.constant 0 : i32
      %cond3A_213 = arith.cmpi ne, %convert_element_type3A_211, %cond3A_212 : i32
      scf.if %cond3A_213 {
        %add3A_375 = arith.constant 3 : i32
        %add3A_376 = arith.addi %mul3A_87, %add3A_375 : i32
        %dma_wait3A_377 = arith.constant 3 : i32
        %dma_wait3A_378 = arith.constant 0 : i32
        %dma_wait3A_379 = arith.constant 0 : i32
        %dma_wait3A_380 = tpu.memref_slice %arg9[%dma_wait3A_377, %dma_wait3A_378, %dma_wait3A_379] : memref<5x40x128xf32, #tpu.memory_space<vmem>> -> memref<1x40x128xf32, #tpu.memory_space<vmem>>
        %dma_wait3A_381 = tpu.memref_squeeze %dma_wait3A_380 : memref<1x40x128xf32, #tpu.memory_space<vmem>> -> memref<40x128xf32, #tpu.memory_space<vmem>>
        %dma_wait3A_382 = arith.constant 0 : i32
        %dma_wait3A_383 = tpu.memref_slice %arg8[%select_n3A_124, %add3A_376, %dma_wait3A_382] : memref<2x20x40xi32, #tpu.memory_space<vmem>> -> memref<1x1x40xi32, #tpu.memory_space<vmem>>
        %dma_wait3A_384 = tpu.memref_squeeze %dma_wait3A_383 : memref<1x1x40xi32, #tpu.memory_space<vmem>> -> memref<40xi32, #tpu.memory_space<vmem>>
        %dma_wait3A_385 = arith.constant 0 : i32
        %dma_wait3A_386 = arith.constant 0 : i32
        %dma_wait3A_387 = tpu.memref_slice %arg21[%dma_wait3A_385, %dma_wait3A_386] : memref<10240x128xf32, #tpu.memory_space<vmem_shared>> -> memref<10240x128xf32, #tpu.memory_space<vmem_shared>>
        tpu.wait_indirect_dma semaphore(%arg18 : memref<!tpu.dma_semaphore, #tpu.memory_space<semaphore_mem>>) src(%dma_wait3A_381 : memref<40x128xf32, #tpu.memory_space<vmem>>) dst(%dma_wait3A_387 : memref<10240x128xf32, #tpu.memory_space<vmem_shared>>)
      } else {
      }
      %add3A_214 = arith.constant 3 : i32
      %add3A_215 = arith.addi %mul3A_87, %add3A_214 : i32
      %dma_start3A_216 = arith.constant 3 : i32
      %dma_start3A_217 = arith.constant 0 : i32
      %dma_start3A_218 = arith.constant 0 : i32
      %dma_start3A_219 = tpu.memref_slice %arg9[%dma_start3A_216, %dma_start3A_217, %dma_start3A_218] : memref<5x40x128xf32, #tpu.memory_space<vmem>> -> memref<1x40x128xf32, #tpu.memory_space<vmem>>
      %dma_start3A_220 = tpu.memref_squeeze %dma_start3A_219 : memref<1x40x128xf32, #tpu.memory_space<vmem>> -> memref<40x128xf32, #tpu.memory_space<vmem>>
      %dma_start3A_221 = arith.constant 0 : i32
      %dma_start3A_222 = tpu.memref_slice %arg7[%select_n3A_124, %add3A_215, %dma_start3A_221] : memref<2x20x40xi32, #tpu.memory_space<vmem>> -> memref<1x1x40xi32, #tpu.memory_space<vmem>>
      %dma_start3A_223 = tpu.memref_squeeze %dma_start3A_222 : memref<1x1x40xi32, #tpu.memory_space<vmem>> -> memref<40xi32, #tpu.memory_space<vmem>>
      %dma_start3A_224 = arith.constant 0 : i32
      %dma_start3A_225 = arith.constant 0 : i32
      %dma_start3A_226 = tpu.memref_slice %arg2[%dma_start3A_224, %dma_start3A_225] : memref<20480x128xf32, #tpu.memory_space<hbm>> -> memref<20480x128xf32, #tpu.memory_space<hbm>>
      tpu.enqueue_indirect_dma source(%dma_start3A_226 : memref<20480x128xf32, #tpu.memory_space<hbm>>) target(%dma_start3A_220 : memref<40x128xf32, #tpu.memory_space<vmem>>) offsets(%dma_start3A_223 : memref<40xi32, #tpu.memory_space<vmem>>) semaphore(%arg13 : memref<!tpu.dma_semaphore, #tpu.memory_space<semaphore_mem>>)
      %gt3A_227 = arith.constant 0 : i32
      %gt3A_228 = arith.cmpi sgt, %scan3A_76, %gt3A_227 : i32
      %convert_element_type3A_229 = arith.extui %gt3A_228 : i1 to i32
      %cond3A_230 = arith.constant 0 : i32
      %cond3A_231 = arith.cmpi ne, %convert_element_type3A_229, %cond3A_230 : i32
      scf.if %cond3A_231 {
        %add3A_375 = arith.constant 4 : i32
        %add3A_376 = arith.addi %mul3A_87, %add3A_375 : i32
        %dma_wait3A_377 = arith.constant 4 : i32
        %dma_wait3A_378 = arith.constant 0 : i32
        %dma_wait3A_379 = arith.constant 0 : i32
        %dma_wait3A_380 = tpu.memref_slice %arg9[%dma_wait3A_377, %dma_wait3A_378, %dma_wait3A_379] : memref<5x40x128xf32, #tpu.memory_space<vmem>> -> memref<1x40x128xf32, #tpu.memory_space<vmem>>
        %dma_wait3A_381 = tpu.memref_squeeze %dma_wait3A_380 : memref<1x40x128xf32, #tpu.memory_space<vmem>> -> memref<40x128xf32, #tpu.memory_space<vmem>>
        %dma_wait3A_382 = arith.constant 0 : i32
        %dma_wait3A_383 = tpu.memref_slice %arg8[%select_n3A_124, %add3A_376, %dma_wait3A_382] : memref<2x20x40xi32, #tpu.memory_space<vmem>> -> memref<1x1x40xi32, #tpu.memory_space<vmem>>
        %dma_wait3A_384 = tpu.memref_squeeze %dma_wait3A_383 : memref<1x1x40xi32, #tpu.memory_space<vmem>> -> memref<40xi32, #tpu.memory_space<vmem>>
        %dma_wait3A_385 = arith.constant 0 : i32
        %dma_wait3A_386 = arith.constant 0 : i32
        %dma_wait3A_387 = tpu.memref_slice %arg21[%dma_wait3A_385, %dma_wait3A_386] : memref<10240x128xf32, #tpu.memory_space<vmem_shared>> -> memref<10240x128xf32, #tpu.memory_space<vmem_shared>>
        tpu.wait_indirect_dma semaphore(%arg19 : memref<!tpu.dma_semaphore, #tpu.memory_space<semaphore_mem>>) src(%dma_wait3A_381 : memref<40x128xf32, #tpu.memory_space<vmem>>) dst(%dma_wait3A_387 : memref<10240x128xf32, #tpu.memory_space<vmem_shared>>)
      } else {
      }
      %add3A_232 = arith.constant 4 : i32
      %add3A_233 = arith.addi %mul3A_87, %add3A_232 : i32
      %dma_start3A_234 = arith.constant 4 : i32
      %dma_start3A_235 = arith.constant 0 : i32
      %dma_start3A_236 = arith.constant 0 : i32
      %dma_start3A_237 = tpu.memref_slice %arg9[%dma_start3A_234, %dma_start3A_235, %dma_start3A_236] : memref<5x40x128xf32, #tpu.memory_space<vmem>> -> memref<1x40x128xf32, #tpu.memory_space<vmem>>
      %dma_start3A_238 = tpu.memref_squeeze %dma_start3A_237 : memref<1x40x128xf32, #tpu.memory_space<vmem>> -> memref<40x128xf32, #tpu.memory_space<vmem>>
      %dma_start3A_239 = arith.constant 0 : i32
      %dma_start3A_240 = tpu.memref_slice %arg7[%select_n3A_124, %add3A_233, %dma_start3A_239] : memref<2x20x40xi32, #tpu.memory_space<vmem>> -> memref<1x1x40xi32, #tpu.memory_space<vmem>>
      %dma_start3A_241 = tpu.memref_squeeze %dma_start3A_240 : memref<1x1x40xi32, #tpu.memory_space<vmem>> -> memref<40xi32, #tpu.memory_space<vmem>>
      %dma_start3A_242 = arith.constant 0 : i32
      %dma_start3A_243 = arith.constant 0 : i32
      %dma_start3A_244 = tpu.memref_slice %arg2[%dma_start3A_242, %dma_start3A_243] : memref<20480x128xf32, #tpu.memory_space<hbm>> -> memref<20480x128xf32, #tpu.memory_space<hbm>>
      tpu.enqueue_indirect_dma source(%dma_start3A_244 : memref<20480x128xf32, #tpu.memory_space<hbm>>) target(%dma_start3A_238 : memref<40x128xf32, #tpu.memory_space<vmem>>) offsets(%dma_start3A_241 : memref<40xi32, #tpu.memory_space<vmem>>) semaphore(%arg14 : memref<!tpu.dma_semaphore, #tpu.memory_space<semaphore_mem>>)
      %add3A_245 = arith.constant 0 : i32
      %add3A_246 = arith.addi %mul3A_87, %add3A_245 : i32
      %dma_wait3A_247 = arith.constant 0 : i32
      %dma_wait3A_248 = arith.constant 0 : i32
      %dma_wait3A_249 = arith.constant 0 : i32
      %dma_wait3A_250 = tpu.memref_slice %arg9[%dma_wait3A_247, %dma_wait3A_248, %dma_wait3A_249] : memref<5x40x128xf32, #tpu.memory_space<vmem>> -> memref<1x40x128xf32, #tpu.memory_space<vmem>>
      %dma_wait3A_251 = tpu.memref_squeeze %dma_wait3A_250 : memref<1x40x128xf32, #tpu.memory_space<vmem>> -> memref<40x128xf32, #tpu.memory_space<vmem>>
      %dma_wait3A_252 = arith.constant 0 : i32
      %dma_wait3A_253 = tpu.memref_slice %arg7[%select_n3A_124, %add3A_246, %dma_wait3A_252] : memref<2x20x40xi32, #tpu.memory_space<vmem>> -> memref<1x1x40xi32, #tpu.memory_space<vmem>>
      %dma_wait3A_254 = tpu.memref_squeeze %dma_wait3A_253 : memref<1x1x40xi32, #tpu.memory_space<vmem>> -> memref<40xi32, #tpu.memory_space<vmem>>
      %dma_wait3A_255 = arith.constant 0 : i32
      %dma_wait3A_256 = arith.constant 0 : i32
      %dma_wait3A_257 = tpu.memref_slice %arg2[%dma_wait3A_255, %dma_wait3A_256] : memref<20480x128xf32, #tpu.memory_space<hbm>> -> memref<20480x128xf32, #tpu.memory_space<hbm>>
      tpu.wait_indirect_dma semaphore(%arg10 : memref<!tpu.dma_semaphore, #tpu.memory_space<semaphore_mem>>) src(%dma_wait3A_257 : memref<20480x128xf32, #tpu.memory_space<hbm>>) dst(%dma_wait3A_251 : memref<40x128xf32, #tpu.memory_space<vmem>>)
      %add3A_258 = arith.constant 0 : i32
      %add3A_259 = arith.addi %mul3A_87, %add3A_258 : i32
      %dma_start3A_260 = arith.constant 0 : i32
      %dma_start3A_261 = arith.constant 0 : i32
      %dma_start3A_262 = arith.constant 0 : i32
      %dma_start3A_263 = tpu.memref_slice %arg9[%dma_start3A_260, %dma_start3A_261, %dma_start3A_262] : memref<5x40x128xf32, #tpu.memory_space<vmem>> -> memref<1x40x128xf32, #tpu.memory_space<vmem>>
      %dma_start3A_264 = tpu.memref_squeeze %dma_start3A_263 : memref<1x40x128xf32, #tpu.memory_space<vmem>> -> memref<40x128xf32, #tpu.memory_space<vmem>>
      %dma_start3A_265 = arith.constant 0 : i32
      %dma_start3A_266 = tpu.memref_slice %arg8[%select_n3A_124, %add3A_259, %dma_start3A_265] : memref<2x20x40xi32, #tpu.memory_space<vmem>> -> memref<1x1x40xi32, #tpu.memory_space<vmem>>
      %dma_start3A_267 = tpu.memref_squeeze %dma_start3A_266 : memref<1x1x40xi32, #tpu.memory_space<vmem>> -> memref<40xi32, #tpu.memory_space<vmem>>
      %dma_start3A_268 = arith.constant 0 : i32
      %dma_start3A_269 = arith.constant 0 : i32
      %dma_start3A_270 = tpu.memref_slice %arg21[%dma_start3A_268, %dma_start3A_269] : memref<10240x128xf32, #tpu.memory_space<vmem_shared>> -> memref<10240x128xf32, #tpu.memory_space<vmem_shared>>
      tpu.enqueue_indirect_dma source(%dma_start3A_264 : memref<40x128xf32, #tpu.memory_space<vmem>>) target(%dma_start3A_270 : memref<10240x128xf32, #tpu.memory_space<vmem_shared>>) offsets(%dma_start3A_267 : memref<40xi32, #tpu.memory_space<vmem>>) semaphore(%arg15 : memref<!tpu.dma_semaphore, #tpu.memory_space<semaphore_mem>>) {add = true}
      %add3A_271 = arith.constant 1 : i32
      %add3A_272 = arith.addi %mul3A_87, %add3A_271 : i32
      %dma_wait3A_273 = arith.constant 1 : i32
      %dma_wait3A_274 = arith.constant 0 : i32
      %dma_wait3A_275 = arith.constant 0 : i32
      %dma_wait3A_276 = tpu.memref_slice %arg9[%dma_wait3A_273, %dma_wait3A_274, %dma_wait3A_275] : memref<5x40x128xf32, #tpu.memory_space<vmem>> -> memref<1x40x128xf32, #tpu.memory_space<vmem>>
      %dma_wait3A_277 = tpu.memref_squeeze %dma_wait3A_276 : memref<1x40x128xf32, #tpu.memory_space<vmem>> -> memref<40x128xf32, #tpu.memory_space<vmem>>
      %dma_wait3A_278 = arith.constant 0 : i32
      %dma_wait3A_279 = tpu.memref_slice %arg7[%select_n3A_124, %add3A_272, %dma_wait3A_278] : memref<2x20x40xi32, #tpu.memory_space<vmem>> -> memref<1x1x40xi32, #tpu.memory_space<vmem>>
      %dma_wait3A_280 = tpu.memref_squeeze %dma_wait3A_279 : memref<1x1x40xi32, #tpu.memory_space<vmem>> -> memref<40xi32, #tpu.memory_space<vmem>>
      %dma_wait3A_281 = arith.constant 0 : i32
      %dma_wait3A_282 = arith.constant 0 : i32
      %dma_wait3A_283 = tpu.memref_slice %arg2[%dma_wait3A_281, %dma_wait3A_282] : memref<20480x128xf32, #tpu.memory_space<hbm>> -> memref<20480x128xf32, #tpu.memory_space<hbm>>
      tpu.wait_indirect_dma semaphore(%arg11 : memref<!tpu.dma_semaphore, #tpu.memory_space<semaphore_mem>>) src(%dma_wait3A_283 : memref<20480x128xf32, #tpu.memory_space<hbm>>) dst(%dma_wait3A_277 : memref<40x128xf32, #tpu.memory_space<vmem>>)
      %add3A_284 = arith.constant 1 : i32
      %add3A_285 = arith.addi %mul3A_87, %add3A_284 : i32
      %dma_start3A_286 = arith.constant 1 : i32
      %dma_start3A_287 = arith.constant 0 : i32
      %dma_start3A_288 = arith.constant 0 : i32
      %dma_start3A_289 = tpu.memref_slice %arg9[%dma_start3A_286, %dma_start3A_287, %dma_start3A_288] : memref<5x40x128xf32, #tpu.memory_space<vmem>> -> memref<1x40x128xf32, #tpu.memory_space<vmem>>
      %dma_start3A_290 = tpu.memref_squeeze %dma_start3A_289 : memref<1x40x128xf32, #tpu.memory_space<vmem>> -> memref<40x128xf32, #tpu.memory_space<vmem>>
      %dma_start3A_291 = arith.constant 0 : i32
      %dma_start3A_292 = tpu.memref_slice %arg8[%select_n3A_124, %add3A_285, %dma_start3A_291] : memref<2x20x40xi32, #tpu.memory_space<vmem>> -> memref<1x1x40xi32, #tpu.memory_space<vmem>>
      %dma_start3A_293 = tpu.memref_squeeze %dma_start3A_292 : memref<1x1x40xi32, #tpu.memory_space<vmem>> -> memref<40xi32, #tpu.memory_space<vmem>>
      %dma_start3A_294 = arith.constant 0 : i32
      %dma_start3A_295 = arith.constant 0 : i32
      %dma_start3A_296 = tpu.memref_slice %arg21[%dma_start3A_294, %dma_start3A_295] : memref<10240x128xf32, #tpu.memory_space<vmem_shared>> -> memref<10240x128xf32, #tpu.memory_space<vmem_shared>>
      tpu.enqueue_indirect_dma source(%dma_start3A_290 : memref<40x128xf32, #tpu.memory_space<vmem>>) target(%dma_start3A_296 : memref<10240x128xf32, #tpu.memory_space<vmem_shared>>) offsets(%dma_start3A_293 : memref<40xi32, #tpu.memory_space<vmem>>) semaphore(%arg16 : memref<!tpu.dma_semaphore, #tpu.memory_space<semaphore_mem>>) {add = true}
      %add3A_297 = arith.constant 2 : i32
      %add3A_298 = arith.addi %mul3A_87, %add3A_297 : i32
      %dma_wait3A_299 = arith.constant 2 : i32
      %dma_wait3A_300 = arith.constant 0 : i32
      %dma_wait3A_301 = arith.constant 0 : i32
      %dma_wait3A_302 = tpu.memref_slice %arg9[%dma_wait3A_299, %dma_wait3A_300, %dma_wait3A_301] : memref<5x40x128xf32, #tpu.memory_space<vmem>> -> memref<1x40x128xf32, #tpu.memory_space<vmem>>
      %dma_wait3A_303 = tpu.memref_squeeze %dma_wait3A_302 : memref<1x40x128xf32, #tpu.memory_space<vmem>> -> memref<40x128xf32, #tpu.memory_space<vmem>>
      %dma_wait3A_304 = arith.constant 0 : i32
      %dma_wait3A_305 = tpu.memref_slice %arg7[%select_n3A_124, %add3A_298, %dma_wait3A_304] : memref<2x20x40xi32, #tpu.memory_space<vmem>> -> memref<1x1x40xi32, #tpu.memory_space<vmem>>
      %dma_wait3A_306 = tpu.memref_squeeze %dma_wait3A_305 : memref<1x1x40xi32, #tpu.memory_space<vmem>> -> memref<40xi32, #tpu.memory_space<vmem>>
      %dma_wait3A_307 = arith.constant 0 : i32
      %dma_wait3A_308 = arith.constant 0 : i32
      %dma_wait3A_309 = tpu.memref_slice %arg2[%dma_wait3A_307, %dma_wait3A_308] : memref<20480x128xf32, #tpu.memory_space<hbm>> -> memref<20480x128xf32, #tpu.memory_space<hbm>>
      tpu.wait_indirect_dma semaphore(%arg12 : memref<!tpu.dma_semaphore, #tpu.memory_space<semaphore_mem>>) src(%dma_wait3A_309 : memref<20480x128xf32, #tpu.memory_space<hbm>>) dst(%dma_wait3A_303 : memref<40x128xf32, #tpu.memory_space<vmem>>)
      %add3A_310 = arith.constant 2 : i32
      %add3A_311 = arith.addi %mul3A_87, %add3A_310 : i32
      %dma_start3A_312 = arith.constant 2 : i32
      %dma_start3A_313 = arith.constant 0 : i32
      %dma_start3A_314 = arith.constant 0 : i32
      %dma_start3A_315 = tpu.memref_slice %arg9[%dma_start3A_312, %dma_start3A_313, %dma_start3A_314] : memref<5x40x128xf32, #tpu.memory_space<vmem>> -> memref<1x40x128xf32, #tpu.memory_space<vmem>>
      %dma_start3A_316 = tpu.memref_squeeze %dma_start3A_315 : memref<1x40x128xf32, #tpu.memory_space<vmem>> -> memref<40x128xf32, #tpu.memory_space<vmem>>
      %dma_start3A_317 = arith.constant 0 : i32
      %dma_start3A_318 = tpu.memref_slice %arg8[%select_n3A_124, %add3A_311, %dma_start3A_317] : memref<2x20x40xi32, #tpu.memory_space<vmem>> -> memref<1x1x40xi32, #tpu.memory_space<vmem>>
      %dma_start3A_319 = tpu.memref_squeeze %dma_start3A_318 : memref<1x1x40xi32, #tpu.memory_space<vmem>> -> memref<40xi32, #tpu.memory_space<vmem>>
      %dma_start3A_320 = arith.constant 0 : i32
      %dma_start3A_321 = arith.constant 0 : i32
      %dma_start3A_322 = tpu.memref_slice %arg21[%dma_start3A_320, %dma_start3A_321] : memref<10240x128xf32, #tpu.memory_space<vmem_shared>> -> memref<10240x128xf32, #tpu.memory_space<vmem_shared>>
      tpu.enqueue_indirect_dma source(%dma_start3A_316 : memref<40x128xf32, #tpu.memory_space<vmem>>) target(%dma_start3A_322 : memref<10240x128xf32, #tpu.memory_space<vmem_shared>>) offsets(%dma_start3A_319 : memref<40xi32, #tpu.memory_space<vmem>>) semaphore(%arg17 : memref<!tpu.dma_semaphore, #tpu.memory_space<semaphore_mem>>) {add = true}
      %add3A_323 = arith.constant 3 : i32
      %add3A_324 = arith.addi %mul3A_87, %add3A_323 : i32
      %dma_wait3A_325 = arith.constant 3 : i32
      %dma_wait3A_326 = arith.constant 0 : i32
      %dma_wait3A_327 = arith.constant 0 : i32
      %dma_wait3A_328 = tpu.memref_slice %arg9[%dma_wait3A_325, %dma_wait3A_326, %dma_wait3A_327] : memref<5x40x128xf32, #tpu.memory_space<vmem>> -> memref<1x40x128xf32, #tpu.memory_space<vmem>>
      %dma_wait3A_329 = tpu.memref_squeeze %dma_wait3A_328 : memref<1x40x128xf32, #tpu.memory_space<vmem>> -> memref<40x128xf32, #tpu.memory_space<vmem>>
      %dma_wait3A_330 = arith.constant 0 : i32
      %dma_wait3A_331 = tpu.memref_slice %arg7[%select_n3A_124, %add3A_324, %dma_wait3A_330] : memref<2x20x40xi32, #tpu.memory_space<vmem>> -> memref<1x1x40xi32, #tpu.memory_space<vmem>>
      %dma_wait3A_332 = tpu.memref_squeeze %dma_wait3A_331 : memref<1x1x40xi32, #tpu.memory_space<vmem>> -> memref<40xi32, #tpu.memory_space<vmem>>
      %dma_wait3A_333 = arith.constant 0 : i32
      %dma_wait3A_334 = arith.constant 0 : i32
      %dma_wait3A_335 = tpu.memref_slice %arg2[%dma_wait3A_333, %dma_wait3A_334] : memref<20480x128xf32, #tpu.memory_space<hbm>> -> memref<20480x128xf32, #tpu.memory_space<hbm>>
      tpu.wait_indirect_dma semaphore(%arg13 : memref<!tpu.dma_semaphore, #tpu.memory_space<semaphore_mem>>) src(%dma_wait3A_335 : memref<20480x128xf32, #tpu.memory_space<hbm>>) dst(%dma_wait3A_329 : memref<40x128xf32, #tpu.memory_space<vmem>>)
      %add3A_336 = arith.constant 3 : i32
      %add3A_337 = arith.addi %mul3A_87, %add3A_336 : i32
      %dma_start3A_338 = arith.constant 3 : i32
      %dma_start3A_339 = arith.constant 0 : i32
      %dma_start3A_340 = arith.constant 0 : i32
      %dma_start3A_341 = tpu.memref_slice %arg9[%dma_start3A_338, %dma_start3A_339, %dma_start3A_340] : memref<5x40x128xf32, #tpu.memory_space<vmem>> -> memref<1x40x128xf32, #tpu.memory_space<vmem>>
      %dma_start3A_342 = tpu.memref_squeeze %dma_start3A_341 : memref<1x40x128xf32, #tpu.memory_space<vmem>> -> memref<40x128xf32, #tpu.memory_space<vmem>>
      %dma_start3A_343 = arith.constant 0 : i32
      %dma_start3A_344 = tpu.memref_slice %arg8[%select_n3A_124, %add3A_337, %dma_start3A_343] : memref<2x20x40xi32, #tpu.memory_space<vmem>> -> memref<1x1x40xi32, #tpu.memory_space<vmem>>
      %dma_start3A_345 = tpu.memref_squeeze %dma_start3A_344 : memref<1x1x40xi32, #tpu.memory_space<vmem>> -> memref<40xi32, #tpu.memory_space<vmem>>
      %dma_start3A_346 = arith.constant 0 : i32
      %dma_start3A_347 = arith.constant 0 : i32
      %dma_start3A_348 = tpu.memref_slice %arg21[%dma_start3A_346, %dma_start3A_347] : memref<10240x128xf32, #tpu.memory_space<vmem_shared>> -> memref<10240x128xf32, #tpu.memory_space<vmem_shared>>
      tpu.enqueue_indirect_dma source(%dma_start3A_342 : memref<40x128xf32, #tpu.memory_space<vmem>>) target(%dma_start3A_348 : memref<10240x128xf32, #tpu.memory_space<vmem_shared>>) offsets(%dma_start3A_345 : memref<40xi32, #tpu.memory_space<vmem>>) semaphore(%arg18 : memref<!tpu.dma_semaphore, #tpu.memory_space<semaphore_mem>>) {add = true}
      %add3A_349 = arith.constant 4 : i32
      %add3A_350 = arith.addi %mul3A_87, %add3A_349 : i32
      %dma_wait3A_351 = arith.constant 4 : i32
      %dma_wait3A_352 = arith.constant 0 : i32
      %dma_wait3A_353 = arith.constant 0 : i32
      %dma_wait3A_354 = tpu.memref_slice %arg9[%dma_wait3A_351, %dma_wait3A_352, %dma_wait3A_353] : memref<5x40x128xf32, #tpu.memory_space<vmem>> -> memref<1x40x128xf32, #tpu.memory_space<vmem>>
      %dma_wait3A_355 = tpu.memref_squeeze %dma_wait3A_354 : memref<1x40x128xf32, #tpu.memory_space<vmem>> -> memref<40x128xf32, #tpu.memory_space<vmem>>
      %dma_wait3A_356 = arith.constant 0 : i32
      %dma_wait3A_357 = tpu.memref_slice %arg7[%select_n3A_124, %add3A_350, %dma_wait3A_356] : memref<2x20x40xi32, #tpu.memory_space<vmem>> -> memref<1x1x40xi32, #tpu.memory_space<vmem>>
      %dma_wait3A_358 = tpu.memref_squeeze %dma_wait3A_357 : memref<1x1x40xi32, #tpu.memory_space<vmem>> -> memref<40xi32, #tpu.memory_space<vmem>>
      %dma_wait3A_359 = arith.constant 0 : i32
      %dma_wait3A_360 = arith.constant 0 : i32
      %dma_wait3A_361 = tpu.memref_slice %arg2[%dma_wait3A_359, %dma_wait3A_360] : memref<20480x128xf32, #tpu.memory_space<hbm>> -> memref<20480x128xf32, #tpu.memory_space<hbm>>
      tpu.wait_indirect_dma semaphore(%arg14 : memref<!tpu.dma_semaphore, #tpu.memory_space<semaphore_mem>>) src(%dma_wait3A_361 : memref<20480x128xf32, #tpu.memory_space<hbm>>) dst(%dma_wait3A_355 : memref<40x128xf32, #tpu.memory_space<vmem>>)
      %add3A_362 = arith.constant 4 : i32
      %add3A_363 = arith.addi %mul3A_87, %add3A_362 : i32
      %dma_start3A_364 = arith.constant 4 : i32
      %dma_start3A_365 = arith.constant 0 : i32
      %dma_start3A_366 = arith.constant 0 : i32
      %dma_start3A_367 = tpu.memref_slice %arg9[%dma_start3A_364, %dma_start3A_365, %dma_start3A_366] : memref<5x40x128xf32, #tpu.memory_space<vmem>> -> memref<1x40x128xf32, #tpu.memory_space<vmem>>
      %dma_start3A_368 = tpu.memref_squeeze %dma_start3A_367 : memref<1x40x128xf32, #tpu.memory_space<vmem>> -> memref<40x128xf32, #tpu.memory_space<vmem>>
      %dma_start3A_369 = arith.constant 0 : i32
      %dma_start3A_370 = tpu.memref_slice %arg8[%select_n3A_124, %add3A_363, %dma_start3A_369] : memref<2x20x40xi32, #tpu.memory_space<vmem>> -> memref<1x1x40xi32, #tpu.memory_space<vmem>>
      %dma_start3A_371 = tpu.memref_squeeze %dma_start3A_370 : memref<1x1x40xi32, #tpu.memory_space<vmem>> -> memref<40xi32, #tpu.memory_space<vmem>>
      %dma_start3A_372 = arith.constant 0 : i32
      %dma_start3A_373 = arith.constant 0 : i32
      %dma_start3A_374 = tpu.memref_slice %arg21[%dma_start3A_372, %dma_start3A_373] : memref<10240x128xf32, #tpu.memory_space<vmem_shared>> -> memref<10240x128xf32, #tpu.memory_space<vmem_shared>>
      tpu.enqueue_indirect_dma source(%dma_start3A_368 : memref<40x128xf32, #tpu.memory_space<vmem>>) target(%dma_start3A_374 : memref<10240x128xf32, #tpu.memory_space<vmem_shared>>) offsets(%dma_start3A_371 : memref<40xi32, #tpu.memory_space<vmem>>) semaphore(%arg19 : memref<!tpu.dma_semaphore, #tpu.memory_space<semaphore_mem>>) {add = true}
    }
    %scan3A_10 = arith.constant 100 : i32
    %dma_wait3A = arith.constant 0 : i32
    %dma_wait3A_11 = arith.constant 0 : i32
    %dma_wait3A_12 = arith.constant 0 : i32
    %dma_wait3A_13 = arith.constant 0 : i32
    %dma_wait3A_14 = arith.constant 0 : i32
    %dma_wait3A_15 = tpu.memref_slice %arg9[%dma_wait3A, %dma_wait3A_13, %dma_wait3A_14] : memref<5x40x128xf32, #tpu.memory_space<vmem>> -> memref<1x40x128xf32, #tpu.memory_space<vmem>>
    %dma_wait3A_16 = tpu.memref_squeeze %dma_wait3A_15 : memref<1x40x128xf32, #tpu.memory_space<vmem>> -> memref<40x128xf32, #tpu.memory_space<vmem>>
    %dma_wait3A_17 = arith.constant 0 : i32
    %dma_wait3A_18 = tpu.memref_slice %arg8[%dma_wait3A_11, %dma_wait3A_12, %dma_wait3A_17] : memref<2x20x40xi32, #tpu.memory_space<vmem>> -> memref<1x1x40xi32, #tpu.memory_space<vmem>>
    %dma_wait3A_19 = tpu.memref_squeeze %dma_wait3A_18 : memref<1x1x40xi32, #tpu.memory_space<vmem>> -> memref<40xi32, #tpu.memory_space<vmem>>
    %dma_wait3A_20 = arith.constant 0 : i32
    %dma_wait3A_21 = arith.constant 0 : i32
    %dma_wait3A_22 = tpu.memref_slice %arg21[%dma_wait3A_20, %dma_wait3A_21] : memref<10240x128xf32, #tpu.memory_space<vmem_shared>> -> memref<10240x128xf32, #tpu.memory_space<vmem_shared>>
    tpu.wait_indirect_dma semaphore(%arg15 : memref<!tpu.dma_semaphore, #tpu.memory_space<semaphore_mem>>) src(%dma_wait3A_16 : memref<40x128xf32, #tpu.memory_space<vmem>>) dst(%dma_wait3A_22 : memref<10240x128xf32, #tpu.memory_space<vmem_shared>>)
    %dma_wait3A_23 = arith.constant 1 : i32
    %dma_wait3A_24 = arith.constant 0 : i32
    %dma_wait3A_25 = arith.constant 1 : i32
    %dma_wait3A_26 = arith.constant 0 : i32
    %dma_wait3A_27 = arith.constant 0 : i32
    %dma_wait3A_28 = tpu.memref_slice %arg9[%dma_wait3A_23, %dma_wait3A_26, %dma_wait3A_27] : memref<5x40x128xf32, #tpu.memory_space<vmem>> -> memref<1x40x128xf32, #tpu.memory_space<vmem>>
    %dma_wait3A_29 = tpu.memref_squeeze %dma_wait3A_28 : memref<1x40x128xf32, #tpu.memory_space<vmem>> -> memref<40x128xf32, #tpu.memory_space<vmem>>
    %dma_wait3A_30 = arith.constant 0 : i32
    %dma_wait3A_31 = tpu.memref_slice %arg8[%dma_wait3A_24, %dma_wait3A_25, %dma_wait3A_30] : memref<2x20x40xi32, #tpu.memory_space<vmem>> -> memref<1x1x40xi32, #tpu.memory_space<vmem>>
    %dma_wait3A_32 = tpu.memref_squeeze %dma_wait3A_31 : memref<1x1x40xi32, #tpu.memory_space<vmem>> -> memref<40xi32, #tpu.memory_space<vmem>>
    %dma_wait3A_33 = arith.constant 0 : i32
    %dma_wait3A_34 = arith.constant 0 : i32
    %dma_wait3A_35 = tpu.memref_slice %arg21[%dma_wait3A_33, %dma_wait3A_34] : memref<10240x128xf32, #tpu.memory_space<vmem_shared>> -> memref<10240x128xf32, #tpu.memory_space<vmem_shared>>
    tpu.wait_indirect_dma semaphore(%arg16 : memref<!tpu.dma_semaphore, #tpu.memory_space<semaphore_mem>>) src(%dma_wait3A_29 : memref<40x128xf32, #tpu.memory_space<vmem>>) dst(%dma_wait3A_35 : memref<10240x128xf32, #tpu.memory_space<vmem_shared>>)
    %dma_wait3A_36 = arith.constant 2 : i32
    %dma_wait3A_37 = arith.constant 0 : i32
    %dma_wait3A_38 = arith.constant 2 : i32
    %dma_wait3A_39 = arith.constant 0 : i32
    %dma_wait3A_40 = arith.constant 0 : i32
    %dma_wait3A_41 = tpu.memref_slice %arg9[%dma_wait3A_36, %dma_wait3A_39, %dma_wait3A_40] : memref<5x40x128xf32, #tpu.memory_space<vmem>> -> memref<1x40x128xf32, #tpu.memory_space<vmem>>
    %dma_wait3A_42 = tpu.memref_squeeze %dma_wait3A_41 : memref<1x40x128xf32, #tpu.memory_space<vmem>> -> memref<40x128xf32, #tpu.memory_space<vmem>>
    %dma_wait3A_43 = arith.constant 0 : i32
    %dma_wait3A_44 = tpu.memref_slice %arg8[%dma_wait3A_37, %dma_wait3A_38, %dma_wait3A_43] : memref<2x20x40xi32, #tpu.memory_space<vmem>> -> memref<1x1x40xi32, #tpu.memory_space<vmem>>
    %dma_wait3A_45 = tpu.memref_squeeze %dma_wait3A_44 : memref<1x1x40xi32, #tpu.memory_space<vmem>> -> memref<40xi32, #tpu.memory_space<vmem>>
    %dma_wait3A_46 = arith.constant 0 : i32
    %dma_wait3A_47 = arith.constant 0 : i32
    %dma_wait3A_48 = tpu.memref_slice %arg21[%dma_wait3A_46, %dma_wait3A_47] : memref<10240x128xf32, #tpu.memory_space<vmem_shared>> -> memref<10240x128xf32, #tpu.memory_space<vmem_shared>>
    tpu.wait_indirect_dma semaphore(%arg17 : memref<!tpu.dma_semaphore, #tpu.memory_space<semaphore_mem>>) src(%dma_wait3A_42 : memref<40x128xf32, #tpu.memory_space<vmem>>) dst(%dma_wait3A_48 : memref<10240x128xf32, #tpu.memory_space<vmem_shared>>)
    %dma_wait3A_49 = arith.constant 3 : i32
    %dma_wait3A_50 = arith.constant 0 : i32
    %dma_wait3A_51 = arith.constant 3 : i32
    %dma_wait3A_52 = arith.constant 0 : i32
    %dma_wait3A_53 = arith.constant 0 : i32
    %dma_wait3A_54 = tpu.memref_slice %arg9[%dma_wait3A_49, %dma_wait3A_52, %dma_wait3A_53] : memref<5x40x128xf32, #tpu.memory_space<vmem>> -> memref<1x40x128xf32, #tpu.memory_space<vmem>>
    %dma_wait3A_55 = tpu.memref_squeeze %dma_wait3A_54 : memref<1x40x128xf32, #tpu.memory_space<vmem>> -> memref<40x128xf32, #tpu.memory_space<vmem>>
    %dma_wait3A_56 = arith.constant 0 : i32
    %dma_wait3A_57 = tpu.memref_slice %arg8[%dma_wait3A_50, %dma_wait3A_51, %dma_wait3A_56] : memref<2x20x40xi32, #tpu.memory_space<vmem>> -> memref<1x1x40xi32, #tpu.memory_space<vmem>>
    %dma_wait3A_58 = tpu.memref_squeeze %dma_wait3A_57 : memref<1x1x40xi32, #tpu.memory_space<vmem>> -> memref<40xi32, #tpu.memory_space<vmem>>
    %dma_wait3A_59 = arith.constant 0 : i32
    %dma_wait3A_60 = arith.constant 0 : i32
    %dma_wait3A_61 = tpu.memref_slice %arg21[%dma_wait3A_59, %dma_wait3A_60] : memref<10240x128xf32, #tpu.memory_space<vmem_shared>> -> memref<10240x128xf32, #tpu.memory_space<vmem_shared>>
    tpu.wait_indirect_dma semaphore(%arg18 : memref<!tpu.dma_semaphore, #tpu.memory_space<semaphore_mem>>) src(%dma_wait3A_55 : memref<40x128xf32, #tpu.memory_space<vmem>>) dst(%dma_wait3A_61 : memref<10240x128xf32, #tpu.memory_space<vmem_shared>>)
    %dma_wait3A_62 = arith.constant 4 : i32
    %dma_wait3A_63 = arith.constant 0 : i32
    %dma_wait3A_64 = arith.constant 4 : i32
    %dma_wait3A_65 = arith.constant 0 : i32
    %dma_wait3A_66 = arith.constant 0 : i32
    %dma_wait3A_67 = tpu.memref_slice %arg9[%dma_wait3A_62, %dma_wait3A_65, %dma_wait3A_66] : memref<5x40x128xf32, #tpu.memory_space<vmem>> -> memref<1x40x128xf32, #tpu.memory_space<vmem>>
    %dma_wait3A_68 = tpu.memref_squeeze %dma_wait3A_67 : memref<1x40x128xf32, #tpu.memory_space<vmem>> -> memref<40x128xf32, #tpu.memory_space<vmem>>
    %dma_wait3A_69 = arith.constant 0 : i32
    %dma_wait3A_70 = tpu.memref_slice %arg8[%dma_wait3A_63, %dma_wait3A_64, %dma_wait3A_69] : memref<2x20x40xi32, #tpu.memory_space<vmem>> -> memref<1x1x40xi32, #tpu.memory_space<vmem>>
    %dma_wait3A_71 = tpu.memref_squeeze %dma_wait3A_70 : memref<1x1x40xi32, #tpu.memory_space<vmem>> -> memref<40xi32, #tpu.memory_space<vmem>>
    %dma_wait3A_72 = arith.constant 0 : i32
    %dma_wait3A_73 = arith.constant 0 : i32
    %dma_wait3A_74 = tpu.memref_slice %arg21[%dma_wait3A_72, %dma_wait3A_73] : memref<10240x128xf32, #tpu.memory_space<vmem_shared>> -> memref<10240x128xf32, #tpu.memory_space<vmem_shared>>
    tpu.wait_indirect_dma semaphore(%arg19 : memref<!tpu.dma_semaphore, #tpu.memory_space<semaphore_mem>>) src(%dma_wait3A_68 : memref<40x128xf32, #tpu.memory_space<vmem>>) dst(%dma_wait3A_74 : memref<10240x128xf32, #tpu.memory_space<vmem_shared>>)
    %barrier3A_75 = arith.constant 0 : index
    tpu.barrier barrier_id(%barrier3A_75)
    "tpu.region"() ({
      %run_scoped3A_76 = tpu.sem_alloc : memref<!tpu.dma_semaphore, #tpu.memory_space<semaphore_mem>>
      %dma_start3A = arith.constant 0 : i32
      %dma_start3A_77 = tpu.memref_slice %arg6[%arg0, %mul3A_0, %dma_start3A] : memref<2x10240x128xf32, #tpu.memory_space<hbm>> -> memref<1x640x128xf32, #tpu.memory_space<hbm>>
      %dma_start3A_78 = tpu.memref_squeeze %dma_start3A_77 : memref<1x640x128xf32, #tpu.memory_space<hbm>> -> memref<640x128xf32, #tpu.memory_space<hbm>>
      %dma_start3A_79 = arith.constant 0 : i32
      %dma_start3A_80 = tpu.memref_slice %arg21[%mul3A_0, %dma_start3A_79] : memref<10240x128xf32, #tpu.memory_space<vmem_shared>> -> memref<640x128xf32, #tpu.memory_space<vmem_shared>>
      tpu.enqueue_dma source(%dma_start3A_80 : memref<640x128xf32, #tpu.memory_space<vmem_shared>>) target(%dma_start3A_78 : memref<640x128xf32, #tpu.memory_space<hbm>>) target_semaphore(%run_scoped3A_76 : memref<!tpu.dma_semaphore, #tpu.memory_space<semaphore_mem>>)
      %dma_wait3A_81 = arith.constant 0 : i32
      %dma_wait3A_82 = tpu.memref_slice %arg6[%arg0, %mul3A_0, %dma_wait3A_81] : memref<2x10240x128xf32, #tpu.memory_space<hbm>> -> memref<1x640x128xf32, #tpu.memory_space<hbm>>
      %dma_wait3A_83 = tpu.memref_squeeze %dma_wait3A_82 : memref<1x640x128xf32, #tpu.memory_space<hbm>> -> memref<640x128xf32, #tpu.memory_space<hbm>>
      %dma_wait3A_84 = arith.constant 0 : i32
      %dma_wait3A_85 = tpu.memref_slice %arg21[%mul3A_0, %dma_wait3A_84] : memref<10240x128xf32, #tpu.memory_space<vmem_shared>> -> memref<640x128xf32, #tpu.memory_space<vmem_shared>>
      tpu.wait_dma2 semaphore(%run_scoped3A_76 : memref<!tpu.dma_semaphore, #tpu.memory_space<semaphore_mem>>) src(%dma_wait3A_85 : memref<640x128xf32, #tpu.memory_space<vmem_shared>>) dst(%dma_wait3A_83 : memref<640x128xf32, #tpu.memory_space<hbm>>)
      tpu.yield
    }) : () -> ()
    return
  }
}

module attributes {stable_mosaic.version = 14 : i64} {
  func.func @_tc_prep0_body(%arg0: i32, %arg1: memref<2x1024x128xf32, #tpu.memory_space<vmem>>, %arg2: memref<1024x128xf32, #tpu.memory_space<vmem>>, %arg3: memref<1024x128xf32, #tpu.memory_space<vmem>>, %arg4: memref<1024x128xf32, #tpu.memory_space<vmem>>) attributes {dimension_semantics = [#tpu.dimension_semantics<arbitrary>], iteration_bounds = array<i64: 10>, scalar_prefetch = 0 : i64, scratch_operands = 0 : i64, tpu.core_type = #tpu.core_type<tc>, window_params = [{transform_indices = @transform_0, window_bounds = array<i64: 2, 1024, 128>}, {transform_indices = @transform_1, window_bounds = array<i64: 1024, 128>}, {transform_indices = @transform_2, window_bounds = array<i64: 1024, 128>}, {transform_indices = @transform_3, window_bounds = array<i64: 1024, 128>}]} {
    %get3A = arith.constant 0 : index
    %get3A_0 = arith.constant 0 : index
    %get3A_1 = arith.constant 0 : index
    %get3A_2 = vector.load %arg1[%get3A, %get3A_0, %get3A_1] : memref<2x1024x128xf32, #tpu.memory_space<vmem>>, vector<1x1024x128xf32>
    %get3A_3 = vector.shape_cast %get3A_2 : vector<1x1024x128xf32> to vector<1024x128xf32>
    %get3A_4 = arith.constant 1 : index
    %get3A_5 = arith.constant 0 : index
    %get3A_6 = arith.constant 0 : index
    %get3A_7 = vector.load %arg1[%get3A_4, %get3A_5, %get3A_6] : memref<2x1024x128xf32, #tpu.memory_space<vmem>>, vector<1x1024x128xf32>
    %get3A_8 = vector.shape_cast %get3A_7 : vector<1x1024x128xf32> to vector<1024x128xf32>
    %add3A = arith.addf %get3A_3, %get3A_8 : vector<1024x128xf32>
    %add3A_9 = arith.constant 1.000000e+00 : f32
    %add3A_10 = vector.broadcast %add3A_9 : f32 to vector<1024x128xf32>
    %add3A_11 = arith.addf %add3A, %add3A_10 : vector<1024x128xf32>
    %max3A = arith.constant 1.000000e+00 : f32
    %max3A_12 = vector.broadcast %max3A : f32 to vector<1024x128xf32>
    %max3A_13 = arith.maximumf %add3A_11, %max3A_12 : vector<1024x128xf32>
    %rsqrt3A = math.rsqrt %max3A_13 : vector<1024x128xf32>
    %swap3A = arith.constant 0 : index
    %swap3A_14 = arith.constant 0 : index
    %swap3A_15 = vector.load %arg3[%swap3A, %swap3A_14] : memref<1024x128xf32, #tpu.memory_space<vmem>>, vector<1024x128xf32>
    tpu.vector_store %arg3[%swap3A, %swap3A_14], %rsqrt3A {strides = array<i32>} : memref<1024x128xf32, #tpu.memory_space<vmem>>, vector<1024x128xf32>,
    %get3A_16 = arith.constant 0 : index
    %get3A_17 = arith.constant 0 : index
    %get3A_18 = vector.load %arg2[%get3A_16, %get3A_17] : memref<1024x128xf32, #tpu.memory_space<vmem>>, vector<1024x128xf32>
    %mul3A = arith.mulf %get3A_18, %rsqrt3A : vector<1024x128xf32>
    %swap3A_19 = arith.constant 0 : index
    %swap3A_20 = arith.constant 0 : index
    %swap3A_21 = vector.load %arg4[%swap3A_19, %swap3A_20] : memref<1024x128xf32, #tpu.memory_space<vmem>>, vector<1024x128xf32>
    tpu.vector_store %arg4[%swap3A_19, %swap3A_20], %mul3A {strides = array<i32>} : memref<1024x128xf32, #tpu.memory_space<vmem>>, vector<1024x128xf32>,
    return
  }
  func.func @transform_0(%arg0: i32) -> (i32, i32, i32) {
    %c0_i32 = arith.constant 0 : i32
    %c0_i32_0 = arith.constant 0 : i32
    %c0_i32_1 = arith.constant 0 : i32
    return %c0_i32, %arg0, %c0_i32_0 : i32, i32, i32
  }
  func.func @transform_1(%arg0: i32) -> (i32, i32) {
    %c0_i32 = arith.constant 0 : i32
    %c0_i32_0 = arith.constant 0 : i32
    return %arg0, %c0_i32 : i32, i32
  }
  func.func @transform_2(%arg0: i32) -> (i32, i32) {
    %c0_i32 = arith.constant 0 : i32
    %c0_i32_0 = arith.constant 0 : i32
    return %arg0, %c0_i32 : i32, i32
  }
  func.func @transform_3(%arg0: i32) -> (i32, i32) {
    %c0_i32 = arith.constant 0 : i32
    %c0_i32_0 = arith.constant 0 : i32
    return %arg0, %c0_i32 : i32, i32
  }
}

module attributes {stable_mosaic.version = 14 : i64} {
  func.func @_tc_first_body(%arg0: i32, %arg1: i32, %arg2: memref<2x1024x128xf32, #tpu.memory_space<vmem>>, %arg3: memref<1024x128xf32, #tpu.memory_space<vmem>>, %arg4: memref<1024x128xf32, #tpu.memory_space<vmem>>, %arg5: memref<1x128x128xf32, #tpu.memory_space<vmem>>, %arg6: memref<1x1x128xf32, #tpu.memory_space<vmem>>, %arg7: memref<1x128x128xf32, #tpu.memory_space<vmem>>, %arg8: memref<1x1024x128xf32, #tpu.memory_space<vmem>>) attributes {dimension_semantics = [#tpu.dimension_semantics<arbitrary>, #tpu.dimension_semantics<arbitrary>], iteration_bounds = array<i64: 2, 10>, scalar_prefetch = 0 : i64, scratch_operands = 0 : i64, tpu.core_type = #tpu.core_type<tc>, window_params = [{transform_indices = @transform_0, window_bounds = array<i64: 2, 1024, 128>}, {transform_indices = @transform_1, window_bounds = array<i64: 1024, 128>}, {transform_indices = @transform_2, window_bounds = array<i64: 1024, 128>}, {transform_indices = @transform_3, window_bounds = array<i64: 1, 128, 128>}, {transform_indices = @transform_4, window_bounds = array<i64: 1, 1, 128>}, {transform_indices = @transform_5, window_bounds = array<i64: 1, 128, 128>}, {transform_indices = @transform_6, window_bounds = array<i64: 1, 1024, 128>}]} {
    %get3A = arith.constant 0 : index
    %get3A_0 = arith.constant 0 : index
    %get3A_1 = vector.load %arg4[%get3A, %get3A_0] : memref<1024x128xf32, #tpu.memory_space<vmem>>, vector<1024x128xf32>
    %get3A_2 = arith.constant 0 : index
    %get3A_3 = arith.constant 0 : index
    %get3A_4 = arith.constant 0 : index
    %get3A_5 = vector.load %arg2[%get3A_2, %get3A_3, %get3A_4] : memref<2x1024x128xf32, #tpu.memory_space<vmem>>, vector<1x1024x128xf32>
    %get3A_6 = vector.shape_cast %get3A_5 : vector<1x1024x128xf32> to vector<1024x128xf32>
    %get3A_7 = arith.constant 1 : index
    %get3A_8 = arith.constant 0 : index
    %get3A_9 = arith.constant 0 : index
    %get3A_10 = vector.load %arg2[%get3A_7, %get3A_8, %get3A_9] : memref<2x1024x128xf32, #tpu.memory_space<vmem>>, vector<1x1024x128xf32>
    %get3A_11 = vector.shape_cast %get3A_10 : vector<1x1024x128xf32> to vector<1024x128xf32>
    %add3A = arith.addf %get3A_6, %get3A_11 : vector<1024x128xf32>
    %get3A_12 = arith.constant 0 : index
    %get3A_13 = arith.constant 0 : index
    %get3A_14 = vector.load %arg3[%get3A_12, %get3A_13] : memref<1024x128xf32, #tpu.memory_space<vmem>>, vector<1024x128xf32>
    %add3A_15 = arith.addf %add3A, %get3A_14 : vector<1024x128xf32>
    %get3A_16 = arith.constant 0 : index
    %get3A_17 = arith.constant 0 : index
    %get3A_18 = arith.constant 0 : index
    %get3A_19 = vector.load %arg5[%get3A_16, %get3A_17, %get3A_18] : memref<1x128x128xf32, #tpu.memory_space<vmem>>, vector<1x128x128xf32>
    %get3A_20 = vector.shape_cast %get3A_19 : vector<1x128x128xf32> to vector<128x128xf32>
    %dot_general3A = arith.constant dense<0.000000e+00> : vector<1024x128xf32>
    %dot_general3A_21 = tpu.matmul %add3A_15, %get3A_20, %dot_general3A {dimension_numbers = #tpu.dot_dimension_numbers<[1], [0], [0], [1], [0, 0, 1, 1], [], []>, precision = #tpu.contract_precision<fp32>, transpose_lhs_hint = false} : vector<1024x128xf32>, vector<128x128xf32>, vector<1024x128xf32> -> vector<1024x128xf32>
    %get3A_22 = arith.constant 0 : index
    %get3A_23 = arith.constant 0 : index
    %get3A_24 = arith.constant 0 : index
    %get3A_25 = vector.load %arg6[%get3A_22, %get3A_23, %get3A_24] : memref<1x1x128xf32, #tpu.memory_space<vmem>>, vector<1x1x128xf32>
    %get3A_26 = vector.shape_cast %get3A_25 : vector<1x1x128xf32> to vector<1x128xf32>
    %mul3A = arith.mulf %get3A_1, %dot_general3A_21 : vector<1024x128xf32>
    %add3A_27 = vector.broadcast %get3A_26 : vector<1x128xf32> to vector<1024x128xf32>
    %add3A_28 = arith.addf %mul3A, %add3A_27 : vector<1024x128xf32>
    %mul3A_29 = arith.mulf %add3A_28, %add3A_28 : vector<1024x128xf32>
    %reduce_sum3A = arith.constant dense<0.000000e+00> : vector<1024xf32>
    %reduce_sum3A_30 = vector.multi_reduction <add>, %mul3A_29, %reduce_sum3A [1] : vector<1024x128xf32> to vector<1024xf32>
    %broadcast_in_dim3A = vector.shape_cast %reduce_sum3A_30 : vector<1024xf32> to vector<1024x1xf32>
    %max3A = arith.constant 1.000000e-24 : f32
    %max3A_31 = vector.broadcast %max3A : f32 to vector<1024x1xf32>
    %max3A_32 = arith.maximumf %broadcast_in_dim3A, %max3A_31 : vector<1024x1xf32>
    %rsqrt3A = math.rsqrt %max3A_32 : vector<1024x1xf32>
    %mul3A_33 = vector.broadcast %rsqrt3A : vector<1024x1xf32> to vector<1024x128xf32>
    %mul3A_34 = arith.mulf %add3A_28, %mul3A_33 : vector<1024x128xf32>
    %max3A_35 = arith.constant 0.000000e+00 : f32
    %max3A_36 = vector.broadcast %max3A_35 : f32 to vector<1024x128xf32>
    %max3A_37 = arith.maximumf %mul3A_34, %max3A_36 : vector<1024x128xf32>
    %get3A_38 = arith.constant 0 : index
    %get3A_39 = arith.constant 0 : index
    %get3A_40 = arith.constant 0 : index
    %get3A_41 = vector.load %arg7[%get3A_38, %get3A_39, %get3A_40] : memref<1x128x128xf32, #tpu.memory_space<vmem>>, vector<1x128x128xf32>
    %get3A_42 = vector.shape_cast %get3A_41 : vector<1x128x128xf32> to vector<128x128xf32>
    %dot_general3A_43 = arith.constant dense<0.000000e+00> : vector<1024x128xf32>
    %dot_general3A_44 = tpu.matmul %max3A_37, %get3A_42, %dot_general3A_43 {dimension_numbers = #tpu.dot_dimension_numbers<[1], [0], [0], [1], [0, 0, 1, 1], [], []>, precision = #tpu.contract_precision<fp32>, transpose_lhs_hint = false} : vector<1024x128xf32>, vector<128x128xf32>, vector<1024x128xf32> -> vector<1024x128xf32>
    %mul3A_45 = arith.mulf %dot_general3A_44, %get3A_1 : vector<1024x128xf32>
    %broadcast_in_dim3A_46 = vector.shape_cast %mul3A_45 : vector<1024x128xf32> to vector<1x1024x128xf32>
    %swap3A = arith.constant 0 : index
    %swap3A_47 = arith.constant 0 : index
    %swap3A_48 = arith.constant 0 : index
    %swap3A_49 = vector.load %arg8[%swap3A, %swap3A_47, %swap3A_48] : memref<1x1024x128xf32, #tpu.memory_space<vmem>>, vector<1x1024x128xf32>
    tpu.vector_store %arg8[%swap3A, %swap3A_47, %swap3A_48], %broadcast_in_dim3A_46 {strides = array<i32>} : memref<1x1024x128xf32, #tpu.memory_space<vmem>>, vector<1x1024x128xf32>,
    return
  }
  func.func @transform_0(%arg0: i32, %arg1: i32) -> (i32, i32, i32) {
    %c0_i32 = arith.constant 0 : i32
    %c0_i32_0 = arith.constant 0 : i32
    %c0_i32_1 = arith.constant 0 : i32
    return %c0_i32, %arg1, %c0_i32_0 : i32, i32, i32
  }
  func.func @transform_1(%arg0: i32, %arg1: i32) -> (i32, i32) {
    %c0_i32 = arith.constant 0 : i32
    %c0_i32_0 = arith.constant 0 : i32
    return %arg1, %c0_i32 : i32, i32
  }
  func.func @transform_2(%arg0: i32, %arg1: i32) -> (i32, i32) {
    %c0_i32 = arith.constant 0 : i32
    %c0_i32_0 = arith.constant 0 : i32
    return %arg1, %c0_i32 : i32, i32
  }
  func.func @transform_3(%arg0: i32, %arg1: i32) -> (i32, i32, i32) {
    %c0_i32 = arith.constant 0 : i32
    %c0_i32_0 = arith.constant 0 : i32
    %c0_i32_1 = arith.constant 0 : i32
    return %arg0, %c0_i32, %c0_i32_0 : i32, i32, i32
  }
  func.func @transform_4(%arg0: i32, %arg1: i32) -> (i32, i32, i32) {
    %c0_i32 = arith.constant 0 : i32
    %c0_i32_0 = arith.constant 0 : i32
    %c0_i32_1 = arith.constant 0 : i32
    return %arg0, %c0_i32, %c0_i32_0 : i32, i32, i32
  }
  func.func @transform_5(%arg0: i32, %arg1: i32) -> (i32, i32, i32) {
    %c0_i32 = arith.constant 0 : i32
    %c0_i32_0 = arith.constant 0 : i32
    %c0_i32_1 = arith.constant 0 : i32
    return %arg0, %c0_i32, %c0_i32_0 : i32, i32, i32
  }
  func.func @transform_6(%arg0: i32, %arg1: i32) -> (i32, i32, i32) {
    %c0_i32 = arith.constant 0 : i32
    %c0_i32_0 = arith.constant 0 : i32
    return %arg0, %arg1, %c0_i32 : i32, i32, i32
  }
}

module attributes {stable_mosaic.version = 14 : i64} {
  func.func @_tc_layer_body(%arg0: i32, %arg1: i32, %arg2: memref<1x1024x128xf32, #tpu.memory_space<vmem>>, %arg3: memref<1024x128xf32, #tpu.memory_space<vmem>>, %arg4: memref<1x1x128xf32, #tpu.memory_space<vmem>>, %arg5: memref<1x128x128xf32, #tpu.memory_space<vmem>>, %arg6: memref<1x1024x128xf32, #tpu.memory_space<vmem>>) attributes {dimension_semantics = [#tpu.dimension_semantics<arbitrary>, #tpu.dimension_semantics<arbitrary>], iteration_bounds = array<i64: 2, 10>, scalar_prefetch = 0 : i64, scratch_operands = 0 : i64, tpu.core_type = #tpu.core_type<tc>, window_params = [{transform_indices = @transform_0, window_bounds = array<i64: 1, 1024, 128>}, {transform_indices = @transform_1, window_bounds = array<i64: 1024, 128>}, {transform_indices = @transform_2, window_bounds = array<i64: 1, 1, 128>}, {transform_indices = @transform_3, window_bounds = array<i64: 1, 128, 128>}, {transform_indices = @transform_4, window_bounds = array<i64: 1, 1024, 128>}]} {
    %get3A = arith.constant 0 : index
    %get3A_0 = arith.constant 0 : index
    %get3A_1 = arith.constant 0 : index
    %get3A_2 = vector.load %arg2[%get3A, %get3A_0, %get3A_1] : memref<1x1024x128xf32, #tpu.memory_space<vmem>>, vector<1x1024x128xf32>
    %get3A_3 = vector.shape_cast %get3A_2 : vector<1x1024x128xf32> to vector<1024x128xf32>
    %get3A_4 = arith.constant 0 : index
    %get3A_5 = arith.constant 0 : index
    %get3A_6 = vector.load %arg3[%get3A_4, %get3A_5] : memref<1024x128xf32, #tpu.memory_space<vmem>>, vector<1024x128xf32>
    %get3A_7 = arith.constant 0 : index
    %get3A_8 = arith.constant 0 : index
    %get3A_9 = arith.constant 0 : index
    %get3A_10 = vector.load %arg4[%get3A_7, %get3A_8, %get3A_9] : memref<1x1x128xf32, #tpu.memory_space<vmem>>, vector<1x1x128xf32>
    %get3A_11 = vector.shape_cast %get3A_10 : vector<1x1x128xf32> to vector<1x128xf32>
    %mul3A = arith.mulf %get3A_6, %get3A_3 : vector<1024x128xf32>
    %add3A = vector.broadcast %get3A_11 : vector<1x128xf32> to vector<1024x128xf32>
    %add3A_12 = arith.addf %mul3A, %add3A : vector<1024x128xf32>
    %mul3A_13 = arith.mulf %add3A_12, %add3A_12 : vector<1024x128xf32>
    %reduce_sum3A = arith.constant dense<0.000000e+00> : vector<1024xf32>
    %reduce_sum3A_14 = vector.multi_reduction <add>, %mul3A_13, %reduce_sum3A [1] : vector<1024x128xf32> to vector<1024xf32>
    %broadcast_in_dim3A = vector.shape_cast %reduce_sum3A_14 : vector<1024xf32> to vector<1024x1xf32>
    %max3A = arith.constant 1.000000e-24 : f32
    %max3A_15 = vector.broadcast %max3A : f32 to vector<1024x1xf32>
    %max3A_16 = arith.maximumf %broadcast_in_dim3A, %max3A_15 : vector<1024x1xf32>
    %rsqrt3A = math.rsqrt %max3A_16 : vector<1024x1xf32>
    %mul3A_17 = vector.broadcast %rsqrt3A : vector<1024x1xf32> to vector<1024x128xf32>
    %mul3A_18 = arith.mulf %add3A_12, %mul3A_17 : vector<1024x128xf32>
    %max3A_19 = arith.constant 0.000000e+00 : f32
    %max3A_20 = vector.broadcast %max3A_19 : f32 to vector<1024x128xf32>
    %max3A_21 = arith.maximumf %mul3A_18, %max3A_20 : vector<1024x128xf32>
    %get3A_22 = arith.constant 0 : index
    %get3A_23 = arith.constant 0 : index
    %get3A_24 = arith.constant 0 : index
    %get3A_25 = vector.load %arg5[%get3A_22, %get3A_23, %get3A_24] : memref<1x128x128xf32, #tpu.memory_space<vmem>>, vector<1x128x128xf32>
    %get3A_26 = vector.shape_cast %get3A_25 : vector<1x128x128xf32> to vector<128x128xf32>
    %dot_general3A = arith.constant dense<0.000000e+00> : vector<1024x128xf32>
    %dot_general3A_27 = tpu.matmul %max3A_21, %get3A_26, %dot_general3A {dimension_numbers = #tpu.dot_dimension_numbers<[1], [0], [0], [1], [0, 0, 1, 1], [], []>, precision = #tpu.contract_precision<fp32>, transpose_lhs_hint = false} : vector<1024x128xf32>, vector<128x128xf32>, vector<1024x128xf32> -> vector<1024x128xf32>
    %get3A_28 = arith.constant 0 : index
    %get3A_29 = arith.constant 0 : index
    %get3A_30 = vector.load %arg3[%get3A_28, %get3A_29] : memref<1024x128xf32, #tpu.memory_space<vmem>>, vector<1024x128xf32>
    %mul3A_31 = arith.mulf %dot_general3A_27, %get3A_30 : vector<1024x128xf32>
    %broadcast_in_dim3A_32 = vector.shape_cast %mul3A_31 : vector<1024x128xf32> to vector<1x1024x128xf32>
    %swap3A = arith.constant 0 : index
    %swap3A_33 = arith.constant 0 : index
    %swap3A_34 = arith.constant 0 : index
    %swap3A_35 = vector.load %arg6[%swap3A, %swap3A_33, %swap3A_34] : memref<1x1024x128xf32, #tpu.memory_space<vmem>>, vector<1x1024x128xf32>
    tpu.vector_store %arg6[%swap3A, %swap3A_33, %swap3A_34], %broadcast_in_dim3A_32 {strides = array<i32>} : memref<1x1024x128xf32, #tpu.memory_space<vmem>>, vector<1x1024x128xf32>,
    return
  }
  func.func @transform_0(%arg0: i32, %arg1: i32) -> (i32, i32, i32) {
    %c0_i32 = arith.constant 0 : i32
    %c0_i32_0 = arith.constant 0 : i32
    return %arg0, %arg1, %c0_i32 : i32, i32, i32
  }
  func.func @transform_1(%arg0: i32, %arg1: i32) -> (i32, i32) {
    %c0_i32 = arith.constant 0 : i32
    %c0_i32_0 = arith.constant 0 : i32
    return %arg1, %c0_i32 : i32, i32
  }
  func.func @transform_2(%arg0: i32, %arg1: i32) -> (i32, i32, i32) {
    %c0_i32 = arith.constant 0 : i32
    %c0_i32_0 = arith.constant 0 : i32
    %c0_i32_1 = arith.constant 0 : i32
    return %arg0, %c0_i32, %c0_i32_0 : i32, i32, i32
  }
  func.func @transform_3(%arg0: i32, %arg1: i32) -> (i32, i32, i32) {
    %c0_i32 = arith.constant 0 : i32
    %c0_i32_0 = arith.constant 0 : i32
    %c0_i32_1 = arith.constant 0 : i32
    return %arg0, %c0_i32, %c0_i32_0 : i32, i32, i32
  }
  func.func @transform_4(%arg0: i32, %arg1: i32) -> (i32, i32, i32) {
    %c0_i32 = arith.constant 0 : i32
    %c0_i32_0 = arith.constant 0 : i32
    return %arg0, %arg1, %c0_i32 : i32, i32, i32
  }
}

module attributes {stable_mosaic.version = 14 : i64} {
  func.func @_tc_pool_body(%arg0: i32, %arg1: i32, %arg2: memref<1x1024x128xf32, #tpu.memory_space<vmem>>, %arg3: memref<1024x128xf32, #tpu.memory_space<vmem>>, %arg4: memref<1x1x128xf32, #tpu.memory_space<vmem>>, %arg5: memref<1x1x1024xi32, #tpu.memory_space<vmem>>, %arg6: memref<1x256x128xf32, #tpu.memory_space<vmem>>) attributes {dimension_semantics = [#tpu.dimension_semantics<arbitrary>, #tpu.dimension_semantics<arbitrary>], iteration_bounds = array<i64: 2, 10>, scalar_prefetch = 0 : i64, scratch_operands = 0 : i64, tpu.core_type = #tpu.core_type<tc>, window_params = [{transform_indices = @transform_0, window_bounds = array<i64: 1, 1024, 128>}, {transform_indices = @transform_1, window_bounds = array<i64: 1024, 128>}, {transform_indices = @transform_2, window_bounds = array<i64: 1, 1, 128>}, {transform_indices = @transform_3, window_bounds = array<i64: 1, 1, 1024>}, {transform_indices = @transform_4, window_bounds = array<i64: 1, 256, 128>}]} {
    %get3A = arith.constant 0 : index
    %get3A_0 = arith.constant 0 : index
    %get3A_1 = arith.constant 0 : index
    %get3A_2 = vector.load %arg2[%get3A, %get3A_0, %get3A_1] : memref<1x1024x128xf32, #tpu.memory_space<vmem>>, vector<1x1024x128xf32>
    %get3A_3 = vector.shape_cast %get3A_2 : vector<1x1024x128xf32> to vector<1024x128xf32>
    %get3A_4 = arith.constant 0 : index
    %get3A_5 = arith.constant 0 : index
    %get3A_6 = vector.load %arg3[%get3A_4, %get3A_5] : memref<1024x128xf32, #tpu.memory_space<vmem>>, vector<1024x128xf32>
    %get3A_7 = arith.constant 0 : index
    %get3A_8 = arith.constant 0 : index
    %get3A_9 = arith.constant 0 : index
    %get3A_10 = vector.load %arg4[%get3A_7, %get3A_8, %get3A_9] : memref<1x1x128xf32, #tpu.memory_space<vmem>>, vector<1x1x128xf32>
    %get3A_11 = vector.shape_cast %get3A_10 : vector<1x1x128xf32> to vector<1x128xf32>
    %mul3A = arith.mulf %get3A_6, %get3A_3 : vector<1024x128xf32>
    %add3A = vector.broadcast %get3A_11 : vector<1x128xf32> to vector<1024x128xf32>
    %add3A_12 = arith.addf %mul3A, %add3A : vector<1024x128xf32>
    %mul3A_13 = arith.mulf %add3A_12, %add3A_12 : vector<1024x128xf32>
    %reduce_sum3A = arith.constant dense<0.000000e+00> : vector<1024xf32>
    %reduce_sum3A_14 = vector.multi_reduction <add>, %mul3A_13, %reduce_sum3A [1] : vector<1024x128xf32> to vector<1024xf32>
    %broadcast_in_dim3A = vector.shape_cast %reduce_sum3A_14 : vector<1024xf32> to vector<1024x1xf32>
    %max3A = arith.constant 1.000000e-24 : f32
    %max3A_15 = vector.broadcast %max3A : f32 to vector<1024x1xf32>
    %max3A_16 = arith.maximumf %broadcast_in_dim3A, %max3A_15 : vector<1024x1xf32>
    %rsqrt3A = math.rsqrt %max3A_16 : vector<1024x1xf32>
    %mul3A_17 = vector.broadcast %rsqrt3A : vector<1024x1xf32> to vector<1024x128xf32>
    %mul3A_18 = arith.mulf %add3A_12, %mul3A_17 : vector<1024x128xf32>
    %max3A_19 = arith.constant 0.000000e+00 : f32
    %max3A_20 = vector.broadcast %max3A_19 : f32 to vector<1024x128xf32>
    %max3A_21 = arith.maximumf %mul3A_18, %max3A_20 : vector<1024x128xf32>
    %get3A_22 = arith.constant 0 : index
    %get3A_23 = arith.constant 0 : index
    %get3A_24 = arith.constant 0 : index
    %get3A_25 = vector.load %arg5[%get3A_22, %get3A_23, %get3A_24] : memref<1x1x1024xi32, #tpu.memory_space<vmem>>, vector<1x1x1024xi32>
    %get3A_26 = vector.shape_cast %get3A_25 : vector<1x1x1024xi32> to vector<1024xi32>
    %iota3A = tpu.iota {dimensions = array<i32: 0>} : vector<256x1024xi32>
    %broadcast_in_dim3A_27 = vector.shape_cast %get3A_26 : vector<1024xi32> to vector<1x1024xi32>
    %eq3A = vector.broadcast %broadcast_in_dim3A_27 : vector<1x1024xi32> to vector<256x1024xi32>
    %eq3A_28 = arith.cmpi eq, %iota3A, %eq3A : vector<256x1024xi32>
    %jit3A = arith.constant 1.000000e+00 : f32
    %jit3A_29 = arith.constant 0.000000e+00 : f32
    %broadcast_in_dim3A_30 = vector.broadcast %jit3A : f32 to vector<256x1024xf32>
    %broadcast_in_dim3A_31 = vector.broadcast %jit3A_29 : f32 to vector<256x1024xf32>
    %select_n3A = arith.select %eq3A_28, %broadcast_in_dim3A_30, %broadcast_in_dim3A_31 : vector<256x1024xi1>, vector<256x1024xf32>
    %dot_general3A = arith.constant dense<0.000000e+00> : vector<256x128xf32>
    %dot_general3A_32 = tpu.matmul %select_n3A, %max3A_21, %dot_general3A {dimension_numbers = #tpu.dot_dimension_numbers<[1], [0], [0], [1], [0, 0, 1, 1], [], []>, precision = #tpu.contract_precision<fp32>, transpose_lhs_hint = false} : vector<256x1024xf32>, vector<1024x128xf32>, vector<256x128xf32> -> vector<256x128xf32>
    %eq3A_33 = arith.constant 0 : i32
    %eq3A_34 = arith.cmpi eq, %arg1, %eq3A_33 : i32
    %convert_element_type3A = arith.extui %eq3A_34 : i1 to i32
    %cond3A = arith.constant 0 : i32
    %cond3A_35 = arith.cmpi ne, %convert_element_type3A, %cond3A : i32
    scf.if %cond3A_35 {
      %broadcast_in_dim3A_40 = vector.shape_cast %dot_general3A_32 : vector<256x128xf32> to vector<1x256x128xf32>
      %swap3A = arith.constant 0 : index
      %swap3A_41 = arith.constant 0 : index
      %swap3A_42 = arith.constant 0 : index
      %swap3A_43 = vector.load %arg6[%swap3A, %swap3A_41, %swap3A_42] : memref<1x256x128xf32, #tpu.memory_space<vmem>>, vector<1x256x128xf32>
      tpu.vector_store %arg6[%swap3A, %swap3A_41, %swap3A_42], %broadcast_in_dim3A_40 {strides = array<i32>} : memref<1x256x128xf32, #tpu.memory_space<vmem>>, vector<1x256x128xf32>,
    } else {
    }
    %ne3A = arith.constant 0 : i32
    %ne3A_36 = arith.cmpi ne, %arg1, %ne3A : i32
    %convert_element_type3A_37 = arith.extui %ne3A_36 : i1 to i32
    %cond3A_38 = arith.constant 0 : i32
    %cond3A_39 = arith.cmpi ne, %convert_element_type3A_37, %cond3A_38 : i32
    scf.if %cond3A_39 {
      %get3A_40 = arith.constant 0 : index
      %get3A_41 = arith.constant 0 : index
      %get3A_42 = arith.constant 0 : index
      %get3A_43 = vector.load %arg6[%get3A_40, %get3A_41, %get3A_42] : memref<1x256x128xf32, #tpu.memory_space<vmem>>, vector<1x256x128xf32>
      %broadcast_in_dim3A_44 = vector.shape_cast %dot_general3A_32 : vector<256x128xf32> to vector<1x256x128xf32>
      %add3A_45 = arith.addf %get3A_43, %broadcast_in_dim3A_44 : vector<1x256x128xf32>
      %swap3A = arith.constant 0 : index
      %swap3A_46 = arith.constant 0 : index
      %swap3A_47 = arith.constant 0 : index
      %swap3A_48 = vector.load %arg6[%swap3A, %swap3A_46, %swap3A_47] : memref<1x256x128xf32, #tpu.memory_space<vmem>>, vector<1x256x128xf32>
      tpu.vector_store %arg6[%swap3A, %swap3A_46, %swap3A_47], %add3A_45 {strides = array<i32>} : memref<1x256x128xf32, #tpu.memory_space<vmem>>, vector<1x256x128xf32>,
    } else {
    }
    return
  }
  func.func @transform_0(%arg0: i32, %arg1: i32) -> (i32, i32, i32) {
    %c0_i32 = arith.constant 0 : i32
    %c0_i32_0 = arith.constant 0 : i32
    return %arg0, %arg1, %c0_i32 : i32, i32, i32
  }
  func.func @transform_1(%arg0: i32, %arg1: i32) -> (i32, i32) {
    %c0_i32 = arith.constant 0 : i32
    %c0_i32_0 = arith.constant 0 : i32
    return %arg1, %c0_i32 : i32, i32
  }
  func.func @transform_2(%arg0: i32, %arg1: i32) -> (i32, i32, i32) {
    %c0_i32 = arith.constant 0 : i32
    %c0_i32_0 = arith.constant 0 : i32
    %c0_i32_1 = arith.constant 0 : i32
    return %arg0, %c0_i32, %c0_i32_0 : i32, i32, i32
  }
  func.func @transform_3(%arg0: i32, %arg1: i32) -> (i32, i32, i32) {
    %c0_i32 = arith.constant 0 : i32
    %c0_i32_0 = arith.constant 0 : i32
    %c0_i32_1 = arith.constant 0 : i32
    return %arg1, %c0_i32, %c0_i32_0 : i32, i32, i32
  }
  func.func @transform_4(%arg0: i32, %arg1: i32) -> (i32, i32, i32) {
    %c0_i32 = arith.constant 0 : i32
    %c0_i32_0 = arith.constant 0 : i32
    %c0_i32_1 = arith.constant 0 : i32
    return %arg0, %c0_i32, %c0_i32_0 : i32, i32, i32
  }
}

module attributes {stable_mosaic.version = 14 : i64} {
  func.func @_tc_head_body(%arg0: memref<2x256x128xf32, #tpu.memory_space<vmem>>, %arg1: memref<2x128x128xf32, #tpu.memory_space<vmem>>, %arg2: memref<2x1x128xf32, #tpu.memory_space<vmem>>, %arg3: memref<2x1x128xf32, #tpu.memory_space<vmem>>, %arg4: memref<2x1x1xf32, #tpu.memory_space<vmem>>, %arg5: memref<256x2xf32, #tpu.memory_space<vmem>>) attributes {dimension_semantics = [], scalar_prefetch = 0 : i64, scratch_operands = 0 : i64, tpu.core_type = #tpu.core_type<tc>} {
    %get3A = arith.constant 0 : index
    %get3A_0 = arith.constant 0 : index
    %get3A_1 = arith.constant 0 : index
    %get3A_2 = vector.load %arg0[%get3A, %get3A_0, %get3A_1] : memref<2x256x128xf32, #tpu.memory_space<vmem>>, vector<1x256x128xf32>
    %get3A_3 = vector.shape_cast %get3A_2 : vector<1x256x128xf32> to vector<256x128xf32>
    %get3A_4 = arith.constant 0 : index
    %get3A_5 = arith.constant 0 : index
    %get3A_6 = arith.constant 0 : index
    %get3A_7 = vector.load %arg1[%get3A_4, %get3A_5, %get3A_6] : memref<2x128x128xf32, #tpu.memory_space<vmem>>, vector<1x128x128xf32>
    %get3A_8 = vector.shape_cast %get3A_7 : vector<1x128x128xf32> to vector<128x128xf32>
    %dot_general3A = arith.constant dense<0.000000e+00> : vector<256x128xf32>
    %dot_general3A_9 = tpu.matmul %get3A_3, %get3A_8, %dot_general3A {dimension_numbers = #tpu.dot_dimension_numbers<[1], [0], [0], [1], [0, 0, 1, 1], [], []>, precision = #tpu.contract_precision<fp32>, transpose_lhs_hint = false} : vector<256x128xf32>, vector<128x128xf32>, vector<256x128xf32> -> vector<256x128xf32>
    %get3A_10 = arith.constant 0 : index
    %get3A_11 = arith.constant 0 : index
    %get3A_12 = arith.constant 0 : index
    %get3A_13 = vector.load %arg2[%get3A_10, %get3A_11, %get3A_12] : memref<2x1x128xf32, #tpu.memory_space<vmem>>, vector<1x1x128xf32>
    %get3A_14 = vector.shape_cast %get3A_13 : vector<1x1x128xf32> to vector<1x128xf32>
    %add3A = vector.broadcast %get3A_14 : vector<1x128xf32> to vector<256x128xf32>
    %add3A_15 = arith.addf %dot_general3A_9, %add3A : vector<256x128xf32>
    %max3A = arith.constant 0.000000e+00 : f32
    %max3A_16 = vector.broadcast %max3A : f32 to vector<256x128xf32>
    %max3A_17 = arith.maximumf %add3A_15, %max3A_16 : vector<256x128xf32>
    %get3A_18 = arith.constant 0 : index
    %get3A_19 = arith.constant 0 : index
    %get3A_20 = arith.constant 0 : index
    %get3A_21 = vector.load %arg3[%get3A_18, %get3A_19, %get3A_20] : memref<2x1x128xf32, #tpu.memory_space<vmem>>, vector<1x1x128xf32>
    %get3A_22 = vector.shape_cast %get3A_21 : vector<1x1x128xf32> to vector<1x128xf32>
    %mul3A = vector.broadcast %get3A_22 : vector<1x128xf32> to vector<256x128xf32>
    %mul3A_23 = arith.mulf %max3A_17, %mul3A : vector<256x128xf32>
    %reduce_sum3A = arith.constant dense<0.000000e+00> : vector<256xf32>
    %reduce_sum3A_24 = vector.multi_reduction <add>, %mul3A_23, %reduce_sum3A [1] : vector<256x128xf32> to vector<256xf32>
    %broadcast_in_dim3A = vector.shape_cast %reduce_sum3A_24 : vector<256xf32> to vector<256x1xf32>
    %get3A_25 = arith.constant 0 : index
    %get3A_26 = arith.constant 0 : index
    %get3A_27 = arith.constant 0 : index
    %get3A_28 = vector.load %arg4[%get3A_25, %get3A_26, %get3A_27] : memref<2x1x1xf32, #tpu.memory_space<vmem>>, vector<1x1x1xf32>
    %get3A_29 = vector.shape_cast %get3A_28 : vector<1x1x1xf32> to vector<1x1xf32>
    %add3A_30 = vector.broadcast %get3A_29 : vector<1x1xf32> to vector<256x1xf32>
    %add3A_31 = arith.addf %broadcast_in_dim3A, %add3A_30 : vector<256x1xf32>
    %get3A_32 = arith.constant 1 : index
    %get3A_33 = arith.constant 0 : index
    %get3A_34 = arith.constant 0 : index
    %get3A_35 = vector.load %arg0[%get3A_32, %get3A_33, %get3A_34] : memref<2x256x128xf32, #tpu.memory_space<vmem>>, vector<1x256x128xf32>
    %get3A_36 = vector.shape_cast %get3A_35 : vector<1x256x128xf32> to vector<256x128xf32>
    %get3A_37 = arith.constant 1 : index
    %get3A_38 = arith.constant 0 : index
    %get3A_39 = arith.constant 0 : index
    %get3A_40 = vector.load %arg1[%get3A_37, %get3A_38, %get3A_39] : memref<2x128x128xf32, #tpu.memory_space<vmem>>, vector<1x128x128xf32>
    %get3A_41 = vector.shape_cast %get3A_40 : vector<1x128x128xf32> to vector<128x128xf32>
    %dot_general3A_42 = arith.constant dense<0.000000e+00> : vector<256x128xf32>
    %dot_general3A_43 = tpu.matmul %get3A_36, %get3A_41, %dot_general3A_42 {dimension_numbers = #tpu.dot_dimension_numbers<[1], [0], [0], [1], [0, 0, 1, 1], [], []>, precision = #tpu.contract_precision<fp32>, transpose_lhs_hint = false} : vector<256x128xf32>, vector<128x128xf32>, vector<256x128xf32> -> vector<256x128xf32>
    %get3A_44 = arith.constant 1 : index
    %get3A_45 = arith.constant 0 : index
    %get3A_46 = arith.constant 0 : index
    %get3A_47 = vector.load %arg2[%get3A_44, %get3A_45, %get3A_46] : memref<2x1x128xf32, #tpu.memory_space<vmem>>, vector<1x1x128xf32>
    %get3A_48 = vector.shape_cast %get3A_47 : vector<1x1x128xf32> to vector<1x128xf32>
    %add3A_49 = vector.broadcast %get3A_48 : vector<1x128xf32> to vector<256x128xf32>
    %add3A_50 = arith.addf %dot_general3A_43, %add3A_49 : vector<256x128xf32>
    %max3A_51 = arith.constant 0.000000e+00 : f32
    %max3A_52 = vector.broadcast %max3A_51 : f32 to vector<256x128xf32>
    %max3A_53 = arith.maximumf %add3A_50, %max3A_52 : vector<256x128xf32>
    %get3A_54 = arith.constant 1 : index
    %get3A_55 = arith.constant 0 : index
    %get3A_56 = arith.constant 0 : index
    %get3A_57 = vector.load %arg3[%get3A_54, %get3A_55, %get3A_56] : memref<2x1x128xf32, #tpu.memory_space<vmem>>, vector<1x1x128xf32>
    %get3A_58 = vector.shape_cast %get3A_57 : vector<1x1x128xf32> to vector<1x128xf32>
    %mul3A_59 = vector.broadcast %get3A_58 : vector<1x128xf32> to vector<256x128xf32>
    %mul3A_60 = arith.mulf %max3A_53, %mul3A_59 : vector<256x128xf32>
    %reduce_sum3A_61 = arith.constant dense<0.000000e+00> : vector<256xf32>
    %reduce_sum3A_62 = vector.multi_reduction <add>, %mul3A_60, %reduce_sum3A_61 [1] : vector<256x128xf32> to vector<256xf32>
    %broadcast_in_dim3A_63 = vector.shape_cast %reduce_sum3A_62 : vector<256xf32> to vector<256x1xf32>
    %get3A_64 = arith.constant 1 : index
    %get3A_65 = arith.constant 0 : index
    %get3A_66 = arith.constant 0 : index
    %get3A_67 = vector.load %arg4[%get3A_64, %get3A_65, %get3A_66] : memref<2x1x1xf32, #tpu.memory_space<vmem>>, vector<1x1x1xf32>
    %get3A_68 = vector.shape_cast %get3A_67 : vector<1x1x1xf32> to vector<1x1xf32>
    %add3A_69 = vector.broadcast %get3A_68 : vector<1x1xf32> to vector<256x1xf32>
    %add3A_70 = arith.addf %broadcast_in_dim3A_63, %add3A_69 : vector<256x1xf32>
    %concatenate3A = tpu.concatenate %add3A_31, %add3A_70 in 1 : vector<256x1xf32>, vector<256x1xf32> -> vector<256x2xf32>
    %reduce_max3A = arith.constant dense<0xFF800000> : vector<256xf32>
    %reduce_max3A_71 = vector.multi_reduction <maximumf>, %concatenate3A, %reduce_max3A [1] : vector<256x2xf32> to vector<256xf32>
    %broadcast_in_dim3A_72 = vector.shape_cast %reduce_max3A_71 : vector<256xf32> to vector<256x1xf32>
    %sub3A = vector.broadcast %broadcast_in_dim3A_72 : vector<256x1xf32> to vector<256x2xf32>
    %sub3A_73 = arith.subf %concatenate3A, %sub3A : vector<256x2xf32>
    %exp3A = math.exp %sub3A_73 : vector<256x2xf32>
    %reduce_sum3A_74 = arith.constant dense<0.000000e+00> : vector<256xf32>
    %reduce_sum3A_75 = vector.multi_reduction <add>, %exp3A, %reduce_sum3A_74 [1] : vector<256x2xf32> to vector<256xf32>
    %broadcast_in_dim3A_76 = vector.shape_cast %reduce_sum3A_75 : vector<256xf32> to vector<256x1xf32>
    %log3A = math.log %broadcast_in_dim3A_76 : vector<256x1xf32>
    %sub3A_77 = vector.broadcast %log3A : vector<256x1xf32> to vector<256x2xf32>
    %sub3A_78 = arith.subf %sub3A_73, %sub3A_77 : vector<256x2xf32>
    %swap3A = arith.constant 0 : index
    %swap3A_79 = arith.constant 0 : index
    %swap3A_80 = vector.load %arg5[%swap3A, %swap3A_79] : memref<256x2xf32, #tpu.memory_space<vmem>>, vector<256x2xf32>
    tpu.vector_store %arg5[%swap3A, %swap3A_79], %sub3A_78 {strides = array<i32>} : memref<256x2xf32, #tpu.memory_space<vmem>>, vector<256x2xf32>,
    return
  }
}

</mosaic_0001>

<sc_bundles>
// kernel: kernel.11.cloned.1.call-start
scs
__scs_entry_jumppad:
0x0: {  	(pc) =	sbr.rel $0x88, $3  }
0x1: {  	(tag) =	ssettag $0x0;
	lr =	simm.s32 $0x1  }
0x2: {  	[smem:$0x3F8A] =	sst lr;
	_ =	strace $0xD0000000  }
0x3: {  	_ = 	snop  }
0x4: {  	_ = 	snop  }
0x5: {  	_ = 	snop  }
0x6: {  	_ = 	snop  }
0x7: {  	_ = 	snop  }
__scs_overlays_trampoline_lowered:
0x8: {  	[smem:$0x3F99] =	sst s0  }
0x9: {  	[smem:$0x3F9A] =	sst s1  }
0xa: {  	[smem:$0x3F9B] =	sst s2  }
0xb: {  	[smem:$0x3F9C] =	sst s3  }
0xc: {  	[smem:$0x3F9D] =	sst s4  }
0xd: {  	[smem:$0x3F9E] =	sst s5  }
0xe: {  	[smem:$0x3F9F] =	sst s6  }
0xf: {  	[smem:$0x3FA0] =	sst s7  }
0x10: {  	[smem:$0x3FA1] =	sst s8  }
0x11: {  	[smem:$0x3FA2] =	sst s9;
	s0 =	simm.s32 @!p0 $0x0  }
0x12: {  	s1 =	sld [smem:$0x3F88];
	s0 =	simm.s32 @p0 $0x1  }
0x13: {  	[smem:$0x3FA3] =	sst s0;
	s0 =	simm.s32 @!p1 $0x0  }
0x14: {  	s2 =	sld [smem:$0x3F87];
	s0 =	simm.s32 @p1 $0x1  }
0x15: {  	[smem:$0x3FA4] =	sst s0;
	s0 =	simm.s32 @!p2 $0x0  }
0x16: {  	s3 =	sld [smem:$0x3FDB];
	s0 =	simm.s32 @p2 $0x1  }
0x17: {  	s4 =	simm.s32 $0x1BF5;
	[smem:$0x3FA6] =	sst s0  }
0x18: {  	s0 =	sld [smem:$0x3F89];
	_ =	swait.ge [sflag:s4], $0x0  }
0x19: {  	s7 =	sld [smem:$0x3F8A]  }
0x1a: {  	s8 =	sadd.s32 $0xFFFFE003, lr  }
0x1b: {  	s9 =	sadd.s32 $0xFFFFFEF7, lr;
	s5 =	simm.s32 $0xFFFFFFFF;
	p2 =	slt.u32 s8, $0xFFFFF086  }
0x1c: {  	p1 =	slt.u32 s9, $0xF7A;
	s5 =	simm.s32 @!p2 $0x0  }
0x1d: {  	s5 =	simm.s32 @p1 $0x1;
	p0 =	seq.s32 s7, s2  }
0x1e: {  	s7 =	smul.u32 @!p0 $0xF7A, s2;
	p2 =	seq.s32 @!p0 s5, $0x0  }
0x1f: {  	s9 =	smul.u32 $0xF7A, s1;
	s8 =	simm.s32 @!p0 $0x1BF5;
	p2 =	por !p2, p0  }
0x20: {  	[sflag:s8] =	ssyncset.s32 @!p0 $0xFFFFF086;
	s6 =	sadd.s32 @!p0 s3, s7;
	s7 =	simm.s32 @!p0 $0x108  }
0x21: {  	s3 =	sadd.s32 s3, s9;
	s6 =	sadd.s32 @!p0 $0x88, s6;
	s7 =	simm.s32 @p2 $0x1082  }
0x22: {  	[simem:s7], [sflag:s8] =	dma.local @!p0 [hbm:s6], $0xF7A  }
0x23: {  	s9 =	sor.u32 $0xD0000000, s2;
	s6 =	simm.s32 $0x108;
	_ =	swait.ge @!p0 [sflag:s8], $0x0  }
0x24: {  	s3 =	sadd.s32 $0x88, s3;
	s6 =	simm.s32 @!p1 $0x1082;
	[sflag:s4] =	ssyncset.s32 $0xFFFFF086  }
0x25: {  	[simem:s6], [sflag:s4] =	dma.local [hbm:s3], $0xF7A  }
0x26: {  	[smem:$0x3F8A] =	sst s1;
	(tag) =	ssettag s2;
	_ =	strace s9  }
0x27: {  	s1 =	sld [smem:$0x3F9A]  }
0x28: {  	s2 =	sld [smem:$0x3F9B]  }
0x29: {  	s4 =	sld [smem:$0x3F9D]  }
0x2a: {  	p0 =	seq.s32 s5, $0x0;
	s5 =	sld [smem:$0x3F9E]  }
0x2b: {  	s6 =	sld [smem:$0x3F9F]  }
0x2c: {  	s7 =	sld [smem:$0x3FA0]  }
0x2d: {  	s3 =	simm.s32 $0x108;
	s8 =	sld [smem:$0x3FA1]  }
0x2e: {  	s3 =	simm.s32 @!p0 $0x1082;
	s9 =	sld [smem:$0x3FA2]  }
0x2f: {  	lr =	sadd.s32 s0, s3;
	s0 =	sld [smem:$0x3F99]  }
0x30: {  	s3 =	sld [smem:$0x3F9C]  }
0x31: {  	[smem:$0x3FA5] =	sst s10  }
0x32: {  	s10 =	sld [smem:$0x3FA3];
	_ =	sdelay $0x3  }
0x33: {  	p0 =	seq.s32 s10, $0x1;
	s10 =	sld [smem:$0x3FA5];
	_ =	sdelay $0x3  }
0x34: {  	[smem:$0x3FA5] =	sst s10  }
0x35: {  	s10 =	sld [smem:$0x3FA4];
	_ =	sdelay $0x3  }
0x36: {  	p1 =	seq.s32 s10, $0x1;
	s10 =	sld [smem:$0x3FA5];
	_ =	sdelay $0x3  }
0x37: {  	[smem:$0x3FA5] =	sst s10  }
0x38: {  	s10 =	sld [smem:$0x3FA6]  }
0x39: {  	_ = 	snop;
	(pc) =	sbr.ind lr, $3  }
0x3a: {  	_ = 	snop  }
0x3b: {  	_ = 	snop  }
0x3c: {  	p2 =	seq.s32 s10, $0x1;
	s10 =	sld [smem:$0x3FA5]  }
0x3d: {  	_ =	shalt  }
0x3e: {  	_ =	shalt  }
0x3f: {  	_ =	shalt  }
0x40: {  	_ =	shalt  }
0x41: {  	_ =	shalt  }
0x42: {  	_ =	shalt  }
0x43: {  	_ =	shalt  }
0x44: {  	_ =	shalt  }
0x45: {  	_ =	shalt  }
0x46: {  	_ =	shalt  }
0x47: {  	_ =	shalt  }
0x48: {  	_ =	shalt  }
0x49: {  	_ =	shalt  }
0x4a: {  	_ =	shalt  }
0x4b: {  	_ =	shalt  }
0x4c: {  	_ =	shalt  }
0x4d: {  	_ =	shalt  }
0x4e: {  	_ =	shalt  }
0x4f: {  	_ =	shalt  }
0x50: {  	_ =	shalt  }
0x51: {  	_ =	shalt  }
0x52: {  	_ =	shalt  }
0x53: {  	_ =	shalt  }
0x54: {  	_ =	shalt  }
0x55: {  	_ =	shalt  }
0x56: {  	_ =	shalt  }
0x57: {  	_ =	shalt  }
0x58: {  	_ =	shalt  }
0x59: {  	_ =	shalt  }
0x5a: {  	_ =	shalt  }
0x5b: {  	_ =	shalt  }
0x5c: {  	_ =	shalt  }
0x5d: {  	_ =	shalt  }
0x5e: {  	_ =	shalt  }
0x5f: {  	_ =	shalt  }
0x60: {  	_ =	shalt  }
0x61: {  	_ =	shalt  }
0x62: {  	_ =	shalt  }
0x63: {  	_ =	shalt  }
0x64: {  	_ =	shalt  }
0x65: {  	_ =	shalt  }
0x66: {  	_ =	shalt  }
0x67: {  	_ =	shalt  }
0x68: {  	_ =	shalt  }
0x69: {  	_ =	shalt  }
0x6a: {  	_ =	shalt  }
0x6b: {  	_ =	shalt  }
0x6c: {  	_ =	shalt  }
0x6d: {  	_ =	shalt  }
0x6e: {  	_ =	shalt  }
0x6f: {  	_ =	shalt  }
0x70: {  	_ =	shalt  }
0x71: {  	_ =	shalt  }
0x72: {  	_ =	shalt  }
0x73: {  	_ =	shalt  }
0x74: {  	_ =	shalt  }
0x75: {  	_ =	shalt  }
0x76: {  	_ =	shalt  }
0x77: {  	_ =	shalt  }
0x78: {  	_ =	shalt  }
0x79: {  	_ =	shalt  }
0x7a: {  	_ =	shalt  }
0x7b: {  	_ =	shalt  }
0x7c: {  	_ =	shalt  }
0x7d: {  	_ =	shalt  }
0x7e: {  	_ =	shalt  }
0x7f: {  	_ =	shalt  }
0x80: {  	_ =	shalt  }
0x81: {  	_ =	shalt  }
0x82: {  	_ =	shalt  }
0x83: {  	_ =	shalt  }
0x84: {  	_ =	shalt  }
0x85: {  	_ =	shalt  }
0x86: {  	_ =	shalt  }
0x87: {  	_ =	shalt  }
.Lfunc_end0:
.L_simem_size_0:
called_computation_lowered:
.L_overlay_start_0:
0x88: {  	s2 =	sld [smem:$0x3FD9]  }
0x89: {  	s3 =	sld [smem:$0x3FFE];
	_ =	sdelay $0x1  }
0x8a: {  	s1 =	srdreg.scid  }
0x8b: {  	s0 =	sand.u32 $0x1, s1  }
0x8c: {  	s16 =	sshll.u32 s0, $0xA;
	s2 =	sadd.s32 s3, s2  }
0x8d: {  	s2 =	sadd.s32 s2, s16  }
0x8e: {  	[smem:$0x3FB1] =	sst s2  }
0x8f: {  	_ = 	snop  }
0x90: {  	(tm) =	ssettm $0x1  }
0x91: {  	s17 =	sld [smem:$0x3FFB];
	_ =	sdelay $0x3  }
0x92: {  	_ =	strace s17  }
0x93: {  	s2 =	sld [smem:$0x3FFC];
	_ =	sdelay $0x3  }
0x94: {  	_ =	strace s2  }
0x95: {  	s2 =	sld [smem:$0x3FFD];
	_ =	sdelay $0x3  }
0x96: {  	_ =	strace s2  }
0x97: {  	_ =	strace $0x8FFFFFFF  }
0x98: {  	s18 =	sld [smem:$0x3FDB];
	_ =	sdelay $0x1  }
0x99: {  	s19 =	simm.s32 $_scs_section_size  }
0x9a: {  	s4 =	simm.s32 $_size__tile_overlayer_lowered;
	s5 =	simm.s32 $_tile_overlayer_lowered  }
0x9b: {  	s22 =	simm.s32 $0x1BFF;
	s21 =	sshll.u32 s5, $0x1;
	s2 =	sadd.s32 s19, s18  }
0x9c: {  	s6 =	simm.s32 $0x0;
	s20 =	sshll.u32 s4, $0x1;
	s4 =	sadd.s32 s21, s2  }
0x9d: {  	[timem:s6], [sflag:s22] =	dma.local [hbm:s4], s20  }
0x9e: {  	_ =	swait.ge [sflag:s22], s20  }
0x9f: {  	s3 =	ssub.s32 $0x0, s20;
	[sflag:s22] =	ssyncset.done $0x0  }
0xa0: {  	[sflag:s22] =	ssyncadd.s32 s3;
	_ =	sdelay $0x1  }
0xa1: {  	s23 =	simm.s32 $0x1B8B  }
0xa2: {  	_ =	swait.ge [sflag:s23], $0x1  }
0xa3: {  	[sflag:s23] =	ssyncset.done $0x0  }
0xa4: {  	s25 =	simm.s32 $0x1B8E;
	s24 =	sld [smem:$0x3FFE];
	[sflag:s23] =	ssyncadd.s32 $0xFFFFFFFF  }
0xa5: {  	s26 =	simm.s32 $execute0_lowered;
	[smem:$0x3FD2] =	sst s25  }
0xa6: {  	s4 =	sshll.u32 s26, $0x1;
	_ =	strace $0x80000046;
	[dreg:$0x1] =	wrdreg $0xFFFFFFFF  }
0xa7: {  	s28 =	simm.s32 $_size_execute0_lowered;
	s2 =	sadd.s32 s2, s4;
	[dreg:$0x0] =	wrdreg $0x0  }
0xa8: {  	s4 =	sshll.u32 s28, $0x1;
	[dreg:$0x2] =	wrdreg s2  }
0xa9: {  	[dreg:$0x3] =	wrdreg s4  }
0xaa: {  	[dreg:$0x4] =	wrdreg $0xC0  }
0xab: {  	_ =	task [dreg:s6], $0x5FFFF  }
0xac: {  	[dreg:$0x1] =	wrdreg $0xFFFFFFFF  }
0xad: {  	[dreg:$0x0] =	wrdreg $0x60  }
0xae: {  	[dreg:$0x2] =	wrdreg s24  }
0xaf: {  	[dreg:$0x3] =	wrdreg $0x68000  }
0xb0: {  	[dreg:$0x4] =	wrdreg $0x9  }
0xb1: {  	_ =	task.clear_ibuf [dreg:s6], $0x5FFFF;
	_ =	strace $0x90000046  }
0xb2: {  	s29 =	simm.s32 $0x9;
	_ =	strace $0x80000048  }
0xb3: {  	_ =	swait.ge [sflag:s29], $0x1  }
0xb4: {  	[sflag:s29] =	ssyncadd.s32 $0xFFFFFFFF  }
0xb5: {  	_ =	strace $0x90000048  }
0xb6: {  	_ =	sfence  }
0xb7: {  	s30 =	sld [smem:$0x0];
	_ =	sdelay $0x2  }
0xb8: {  	s31 =	sshll.u32 s1, $0xD;
	s1 =	sshrl.u32 s1, $0x2  }
0xb9: {  	s3 =	sand.u32 $0x4000, s31;
	s1 =	sadd.s32 s1, s30  }
0xba: {  	s0 =	sor.u32 s3, s0;
	s1 =	sshll.u32 s1, $0x11  }
0xbb: {  	s0 =	sor.u32 s1, s0  }
0xbc: {  	s0 =	sadd.s32 $0x8F2B, s0  }
0xbd: {  	[sflag:s0] =	ssyncadd.remote.s32 $0x1  }
0xbe: {  	_ =	sfence.sel $0xFFFF  }
0xbf: {  	[dreg:$0x0] =	wrdreg $0xFFFFFFFF;
	(pc) =	sbr.abs _section_cstart, $3  }
0xc0: {  	[dreg:$0x1] =	wrdreg $0xFFFFFFFF  }
0xc1: {  	_ =	task.clear_ibuf [dreg:s6], $0x2FFFF;
	_ =	strace $0x9FFFFFFF  }
0xc2: {  	(tm) =	ssettm $0x7FFFFFFF  }
0xc3: {  	_ =	shalt  }
tec
execute0_lowered:
.L_overlay_start_1:
0x0: {  	(tag) =	ssettag $0x1  }
0x1: {  	s6 =	rddreg [dreg:$0x0]  }
0x2: {  	s1 =	rddreg [dreg:$0x1];
	s2 =	srdreg.scid  }
0x3: {  	s0 =	rddreg [dreg:$0x2];
	s3 =	simm.s32 $0x0;
	s12 =	simm.s32 $0x4000  }
0x4: {  	s13 =	simm.s32 $0x50;
	s7 =	sand.u32 $0x1, s2;
	s2 =	stileid.u32  }
0x5: {  	s14 =	simm.s32 $0x0;
	[smem:$0x7FF] =	sst s3;
	s5 =	smul.u32 $0x140000, s7  }
0x6: {  	s8 =	smul.u32 $0x14000, s2;
	_ =	strace $0x80000047;
	s4 =	sshll.u32 s2, $0xB  }
0x7: {  	s10 =	ssub.s32 $0x2, s7;
	s11 =	smul.u32 $0x50000, s2;
	s7 =	sshll.u32 s7, $0xF  }
0x8: {  	s31 =	sshll.u32 s2, $0x6;
	s9 =	sadd.s32 s4, s6;
	s29 =	sshrl.u32 s10, $0x1  }
0x9: {  	s4 =	sadd.s32 $0x14800, s6;
	s5 =	sadd.s32 s8, s5;
	s10 =	ssub.s32 s10, s29  }
0xa: {  	s30 =	sshrl.u32 s11, $0x2;
	s7 =	sadd.s32 s7, s9;
	s8 =	sshrl.u32 s5, $0x3  }
0xb: {  	s5 =	sadd.s32 $0x17000, s6;
	s11 =	sadd.s32 s30, s1;
	s7 =	sadd.s32 $0x4800, s7  }
0xc: {  	s9 =	smax.u32 s10, $0x1;
	s8 =	sadd.s32 s8, s6;
	s6 =	sor.u32 $0x1C01, s31  }
0xd: {  	s10 =	sshrl.u32 s11, $0x3;
	s11 =	simm.s32 $0x1;
	s8 =	sadd.s32 $0x17600, s8  }
.LBB2_1:
0xe: {  	[spmem:s10], [sflag:s6] =	dma.local [hbm:s4], $0x2800  }
0xf: {  	_ =	swait.ge [sflag:s11], $0x2800  }
0x10: {  	[sflag:s11] =	ssyncset.done $0x0  }
0x11: {  	[sflag:s11] =	ssyncadd.s32 $0xFFFFD800  }
0x12: {  	[tilespmem:s12], [sflag:$0x1] =	stream.linear.gather [hbm4b:s5+s3], $0x2800, $0x38;
	[tilespmem:$0x1A800] =	vst v63  }
0x13: {  	_ =	swait.ge [sflag:s11], $0x2800  }
0x14: {  	[sflag:s11] =	ssyncset.done $0x0  }
0x15: {  	[sflag:s11] =	ssyncadd.s32 $0xFFFFD800  }
0x16: {  	[tilespmem:s3], [sflag:$0x1] =	stream.linear.gather [hbm4b:s7+s3], $0x3E80, $0x38;
	[tilespmem:$0x1A800] =	vst v63  }
0x17: {  	_ =	swait.ge [sflag:s11], $0x3E80  }
0x18: {  	[sflag:s11] =	ssyncset.done $0x0  }
0x19: {  	[sflag:s11] =	ssyncadd.s32 $0xFFFFC180  }
0x1a: {  	s15 =	simm.s32 $0x0;
	[bflag:$0x0] =	sbarrier.arrive $0xFFFF  }
0x1b: {  	[spmem:s1] =	stream.indirect.scatter.add.f32 [tilespmem:s12], [sflag:$0x1], $0x80, s15, s13, $0xb8;
	[tilespmem:$0x1A800] =	vst v63  }
0x1c: {  	_ =	swait.ge [sflag:s11], $0x2800  }
0x1d: {  	s15 =	simm.s32 $0x200;
	[sflag:s11] =	ssyncset.done $0x0  }
.LBB2_2:
0x1e: {  	s16 =	sshra.s32 s15, $0x2;
	[sflag:s11] =	ssyncadd.s32 $0xFFFFD800;
	p0 =	sne.s32 s15, $0xF800  }
0x1f: {  	[spmem:s1] =	stream.indirect.scatter.add.f32 [tilespmem:s12], [sflag:$0x1], $0x80, s16, s13, $0xb8;
	[tilespmem:$0x1A800] =	vst v63  }
.Ltmp0:
0x20: {  	_ = 	snop;
	(pc) =	sbr.rel @p0 .LBB2_2-.Ltmp0, $4  }
0x21: {  	_ = 	snop  }
0x22: {  	s15 =	sadd.s32 $0x200, s15  }
0x23: {  	_ =	swait.ge [sflag:s11], $0x2800  }
0x24: {  	[sflag:s11] =	ssyncset.done $0x0  }
0x25: {  	s14 =	sadd.s32 $0x1, s14  }
0x26: {  	[sflag:s11] =	ssyncadd.s32 $0xFFFFD800;
	p0 =	sne.s32 s14, s9  }
.Ltmp1:
0x27: {  	[bflag:$0x0] =	sbarrier.arrive $0xFFFF;
	(pc) =	sbr.rel @p0 .LBB2_1-.Ltmp1, $4  }
0x28: {  	[hbm:s8], [sflag:s6] =	dma.local [spmem:s10], $0x2800  }
0x29: {  	_ =	swait.ge [sflag:s11], $0x2800  }
0x2a: {  	[sflag:s11] =	ssyncset.done $0x0  }
0x2b: {  	[sflag:s11] =	ssyncadd.s32 $0xFFFFD800  }
0x2c: {  	_ =	sfence.sel $0x180000  }
0x2d: {  	[bflag:$0x0] =	sbarrier.arrive $0xFFFF  }
0x2e: {  	p0 =	sne.s32 s2, $0x0;
	_ =	strace $0x90000047  }
0x2f: {  	s0 =	sadd.s32 @!p0 $0x100000, s0;
	[bflag:$0x2] =	sbarrier.arrive $0xFFFF  }
0x30: {  	[sflag:s0] =	ssyncadd.tile.s32 @!p0 $0x1;
	_ =	shalt  }
.Lfunc_end2:
_tile_overlayer_lowered:
.L_overlay_start_2:
0x31: {  	(tag) =	ssettag $0x2  }
0x32: {  	s0 =	rddreg [dreg:$0x0];
	s2 =	stileid.u32  }
0x33: {  	s1 =	rddreg [dreg:$0x1];
	p0 =	sne.s32 s2, $0x0  }
0x34: {  	s3 =	rddreg [dreg:$0x2];
	[bflag:$0x3] =	sbarrier.arrive $0xFFFF;
	s2 =	simm.s32 @!p0 $0x1C01  }
0x35: {  	[timem:s3], [sflag:s2] =	dma.local @!p0 [hbm:s0], s1  }
0x36: {  	s0 =	simm.s32 @!p0 $0x1  }
0x37: {  	_ =	swait.ge @!p0 [sflag:s0], s1  }
0x38: {  	s1 =	ssub.s32 @!p0 $0x0, s1;
	[sflag:s0] =	ssyncset.done @!p0 $0x0  }
0x39: {  	[sflag:s0] =	ssyncadd.s32 @!p0 s1  }
0x3a: {  	[bflag:$0x3] =	sbarrier.arrive $0xFFFF  }
0x3b: {  	_ =	shalt  }

// kernel: kernel.14.cloned.1.call-start
scs
__scs_entry_jumppad:
0x0: {  	(pc) =	sbr.rel $0x88, $3  }
0x1: {  	(tag) =	ssettag $0x0;
	lr =	simm.s32 $0x1  }
0x2: {  	[smem:$0x3F8A] =	sst lr;
	_ =	strace $0xD0000000  }
0x3: {  	_ = 	snop  }
0x4: {  	_ = 	snop  }
0x5: {  	_ = 	snop  }
0x6: {  	_ = 	snop  }
0x7: {  	_ = 	snop  }
__scs_overlays_trampoline_lowered:
0x8: {  	[smem:$0x3F99] =	sst s0  }
0x9: {  	[smem:$0x3F9A] =	sst s1  }
0xa: {  	[smem:$0x3F9B] =	sst s2  }
0xb: {  	[smem:$0x3F9C] =	sst s3  }
0xc: {  	[smem:$0x3F9D] =	sst s4  }
0xd: {  	[smem:$0x3F9E] =	sst s5  }
0xe: {  	[smem:$0x3F9F] =	sst s6  }
0xf: {  	[smem:$0x3FA0] =	sst s7  }
0x10: {  	[smem:$0x3FA1] =	sst s8  }
0x11: {  	[smem:$0x3FA2] =	sst s9;
	s0 =	simm.s32 @!p0 $0x0  }
0x12: {  	s1 =	sld [smem:$0x3F88];
	s0 =	simm.s32 @p0 $0x1  }
0x13: {  	[smem:$0x3FA3] =	sst s0;
	s0 =	simm.s32 @!p1 $0x0  }
0x14: {  	s2 =	sld [smem:$0x3F87];
	s0 =	simm.s32 @p1 $0x1  }
0x15: {  	[smem:$0x3FA4] =	sst s0;
	s0 =	simm.s32 @!p2 $0x0  }
0x16: {  	s3 =	sld [smem:$0x3FDB];
	s0 =	simm.s32 @p2 $0x1  }
0x17: {  	s4 =	simm.s32 $0x1BF5;
	[smem:$0x3FA6] =	sst s0  }
0x18: {  	s0 =	sld [smem:$0x3F89];
	_ =	swait.ge [sflag:s4], $0x0  }
0x19: {  	s7 =	sld [smem:$0x3F8A]  }
0x1a: {  	s8 =	sadd.s32 $0xFFFFE003, lr  }
0x1b: {  	s9 =	sadd.s32 $0xFFFFFEF7, lr;
	s5 =	simm.s32 $0xFFFFFFFF;
	p2 =	slt.u32 s8, $0xFFFFF086  }
0x1c: {  	p1 =	slt.u32 s9, $0xF7A;
	s5 =	simm.s32 @!p2 $0x0  }
0x1d: {  	s5 =	simm.s32 @p1 $0x1;
	p0 =	seq.s32 s7, s2  }
0x1e: {  	s7 =	smul.u32 @!p0 $0xF7A, s2;
	p2 =	seq.s32 @!p0 s5, $0x0  }
0x1f: {  	s9 =	smul.u32 $0xF7A, s1;
	s8 =	simm.s32 @!p0 $0x1BF5;
	p2 =	por !p2, p0  }
0x20: {  	[sflag:s8] =	ssyncset.s32 @!p0 $0xFFFFF086;
	s6 =	sadd.s32 @!p0 s3, s7;
	s7 =	simm.s32 @!p0 $0x108  }
0x21: {  	s3 =	sadd.s32 s3, s9;
	s6 =	sadd.s32 @!p0 $0x88, s6;
	s7 =	simm.s32 @p2 $0x1082  }
0x22: {  	[simem:s7], [sflag:s8] =	dma.local @!p0 [hbm:s6], $0xF7A  }
0x23: {  	s9 =	sor.u32 $0xD0000000, s2;
	s6 =	simm.s32 $0x108;
	_ =	swait.ge @!p0 [sflag:s8], $0x0  }
0x24: {  	s3 =	sadd.s32 $0x88, s3;
	s6 =	simm.s32 @!p1 $0x1082;
	[sflag:s4] =	ssyncset.s32 $0xFFFFF086  }
0x25: {  	[simem:s6], [sflag:s4] =	dma.local [hbm:s3], $0xF7A  }
0x26: {  	[smem:$0x3F8A] =	sst s1;
	(tag) =	ssettag s2;
	_ =	strace s9  }
0x27: {  	s1 =	sld [smem:$0x3F9A]  }
0x28: {  	s2 =	sld [smem:$0x3F9B]  }
0x29: {  	s4 =	sld [smem:$0x3F9D]  }
0x2a: {  	p0 =	seq.s32 s5, $0x0;
	s5 =	sld [smem:$0x3F9E]  }
0x2b: {  	s6 =	sld [smem:$0x3F9F]  }
0x2c: {  	s7 =	sld [smem:$0x3FA0]  }
0x2d: {  	s3 =	simm.s32 $0x108;
	s8 =	sld [smem:$0x3FA1]  }
0x2e: {  	s3 =	simm.s32 @!p0 $0x1082;
	s9 =	sld [smem:$0x3FA2]  }
0x2f: {  	lr =	sadd.s32 s0, s3;
	s0 =	sld [smem:$0x3F99]  }
0x30: {  	s3 =	sld [smem:$0x3F9C]  }
0x31: {  	[smem:$0x3FA5] =	sst s10  }
0x32: {  	s10 =	sld [smem:$0x3FA3];
	_ =	sdelay $0x3  }
0x33: {  	p0 =	seq.s32 s10, $0x1;
	s10 =	sld [smem:$0x3FA5];
	_ =	sdelay $0x3  }
0x34: {  	[smem:$0x3FA5] =	sst s10  }
0x35: {  	s10 =	sld [smem:$0x3FA4];
	_ =	sdelay $0x3  }
0x36: {  	p1 =	seq.s32 s10, $0x1;
	s10 =	sld [smem:$0x3FA5];
	_ =	sdelay $0x3  }
0x37: {  	[smem:$0x3FA5] =	sst s10  }
0x38: {  	s10 =	sld [smem:$0x3FA6]  }
0x39: {  	_ = 	snop;
	(pc) =	sbr.ind lr, $3  }
0x3a: {  	_ = 	snop  }
0x3b: {  	_ = 	snop  }
0x3c: {  	p2 =	seq.s32 s10, $0x1;
	s10 =	sld [smem:$0x3FA5]  }
0x3d: {  	_ =	shalt  }
0x3e: {  	_ =	shalt  }
0x3f: {  	_ =	shalt  }
0x40: {  	_ =	shalt  }
0x41: {  	_ =	shalt  }
0x42: {  	_ =	shalt  }
0x43: {  	_ =	shalt  }
0x44: {  	_ =	shalt  }
0x45: {  	_ =	shalt  }
0x46: {  	_ =	shalt  }
0x47: {  	_ =	shalt  }
0x48: {  	_ =	shalt  }
0x49: {  	_ =	shalt  }
0x4a: {  	_ =	shalt  }
0x4b: {  	_ =	shalt  }
0x4c: {  	_ =	shalt  }
0x4d: {  	_ =	shalt  }
0x4e: {  	_ =	shalt  }
0x4f: {  	_ =	shalt  }
0x50: {  	_ =	shalt  }
0x51: {  	_ =	shalt  }
0x52: {  	_ =	shalt  }
0x53: {  	_ =	shalt  }
0x54: {  	_ =	shalt  }
0x55: {  	_ =	shalt  }
0x56: {  	_ =	shalt  }
0x57: {  	_ =	shalt  }
0x58: {  	_ =	shalt  }
0x59: {  	_ =	shalt  }
0x5a: {  	_ =	shalt  }
0x5b: {  	_ =	shalt  }
0x5c: {  	_ =	shalt  }
0x5d: {  	_ =	shalt  }
0x5e: {  	_ =	shalt  }
0x5f: {  	_ =	shalt  }
0x60: {  	_ =	shalt  }
0x61: {  	_ =	shalt  }
0x62: {  	_ =	shalt  }
0x63: {  	_ =	shalt  }
0x64: {  	_ =	shalt  }
0x65: {  	_ =	shalt  }
0x66: {  	_ =	shalt  }
0x67: {  	_ =	shalt  }
0x68: {  	_ =	shalt  }
0x69: {  	_ =	shalt  }
0x6a: {  	_ =	shalt  }
0x6b: {  	_ =	shalt  }
0x6c: {  	_ =	shalt  }
0x6d: {  	_ =	shalt  }
0x6e: {  	_ =	shalt  }
0x6f: {  	_ =	shalt  }
0x70: {  	_ =	shalt  }
0x71: {  	_ =	shalt  }
0x72: {  	_ =	shalt  }
0x73: {  	_ =	shalt  }
0x74: {  	_ =	shalt  }
0x75: {  	_ =	shalt  }
0x76: {  	_ =	shalt  }
0x77: {  	_ =	shalt  }
0x78: {  	_ =	shalt  }
0x79: {  	_ =	shalt  }
0x7a: {  	_ =	shalt  }
0x7b: {  	_ =	shalt  }
0x7c: {  	_ =	shalt  }
0x7d: {  	_ =	shalt  }
0x7e: {  	_ =	shalt  }
0x7f: {  	_ =	shalt  }
0x80: {  	_ =	shalt  }
0x81: {  	_ =	shalt  }
0x82: {  	_ =	shalt  }
0x83: {  	_ =	shalt  }
0x84: {  	_ =	shalt  }
0x85: {  	_ =	shalt  }
0x86: {  	_ =	shalt  }
0x87: {  	_ =	shalt  }
.Lfunc_end0:
.L_simem_size_0:
called_computation.1_lowered:
.L_overlay_start_0:
0x88: {  	s2 =	sld [smem:$0x3FD9]  }
0x89: {  	s3 =	sld [smem:$0x3FFE];
	_ =	sdelay $0x1  }
0x8a: {  	s1 =	srdreg.scid  }
0x8b: {  	s0 =	sand.u32 $0x1, s1  }
0x8c: {  	s16 =	sshll.u32 s0, $0xA;
	s2 =	sadd.s32 s3, s2  }
0x8d: {  	s2 =	sadd.s32 s2, s16  }
0x8e: {  	[smem:$0x3FB1] =	sst s2  }
0x8f: {  	_ = 	snop  }
0x90: {  	(tm) =	ssettm $0x1  }
0x91: {  	s17 =	sld [smem:$0x3FFB];
	_ =	sdelay $0x3  }
0x92: {  	_ =	strace s17  }
0x93: {  	s2 =	sld [smem:$0x3FFC];
	_ =	sdelay $0x3  }
0x94: {  	_ =	strace s2  }
0x95: {  	s2 =	sld [smem:$0x3FFD];
	_ =	sdelay $0x3  }
0x96: {  	_ =	strace s2  }
0x97: {  	_ =	strace $0x8FFFFFFF  }
0x98: {  	s18 =	sld [smem:$0x3FDB];
	_ =	sdelay $0x1  }
0x99: {  	s19 =	simm.s32 $_scs_section_size  }
0x9a: {  	s4 =	simm.s32 $_size__tile_overlayer_lowered;
	s5 =	simm.s32 $_tile_overlayer_lowered  }
0x9b: {  	s22 =	simm.s32 $0x1BFF;
	s21 =	sshll.u32 s5, $0x1;
	s2 =	sadd.s32 s19, s18  }
0x9c: {  	s6 =	simm.s32 $0x0;
	s20 =	sshll.u32 s4, $0x1;
	s4 =	sadd.s32 s21, s2  }
0x9d: {  	[timem:s6], [sflag:s22] =	dma.local [hbm:s4], s20  }
0x9e: {  	_ =	swait.ge [sflag:s22], s20  }
0x9f: {  	s3 =	ssub.s32 $0x0, s20;
	[sflag:s22] =	ssyncset.done $0x0  }
0xa0: {  	[sflag:s22] =	ssyncadd.s32 s3;
	_ =	sdelay $0x1  }
0xa1: {  	s23 =	simm.s32 $0x1B8B  }
0xa2: {  	_ =	swait.ge [sflag:s23], $0x1  }
0xa3: {  	[sflag:s23] =	ssyncset.done $0x0  }
0xa4: {  	s25 =	simm.s32 $0x1B8E;
	s24 =	sld [smem:$0x3FFE];
	[sflag:s23] =	ssyncadd.s32 $0xFFFFFFFF  }
0xa5: {  	s26 =	simm.s32 $execute0_lowered;
	[smem:$0x3FD2] =	sst s25  }
0xa6: {  	s4 =	sshll.u32 s26, $0x1;
	_ =	strace $0x80000049;
	[dreg:$0x1] =	wrdreg $0xFFFFFFFF  }
0xa7: {  	s28 =	simm.s32 $_size_execute0_lowered;
	s2 =	sadd.s32 s2, s4;
	[dreg:$0x0] =	wrdreg $0x0  }
0xa8: {  	s4 =	sshll.u32 s28, $0x1;
	[dreg:$0x2] =	wrdreg s2  }
0xa9: {  	[dreg:$0x3] =	wrdreg s4  }
0xaa: {  	[dreg:$0x4] =	wrdreg $0xC0  }
0xab: {  	_ =	task [dreg:s6], $0x5FFFF  }
0xac: {  	[dreg:$0x1] =	wrdreg $0xFFFFFFFF  }
0xad: {  	[dreg:$0x0] =	wrdreg $0x60  }
0xae: {  	[dreg:$0x2] =	wrdreg s24  }
0xaf: {  	[dreg:$0x3] =	wrdreg $0x84000  }
0xb0: {  	[dreg:$0x4] =	wrdreg $0x9  }
0xb1: {  	_ =	task.clear_ibuf [dreg:s6], $0x5FFFF;
	_ =	strace $0x90000049  }
0xb2: {  	s29 =	simm.s32 $0x9;
	_ =	strace $0x8000004B  }
0xb3: {  	_ =	swait.ge [sflag:s29], $0x1  }
0xb4: {  	[sflag:s29] =	ssyncadd.s32 $0xFFFFFFFF  }
0xb5: {  	_ =	strace $0x9000004B  }
0xb6: {  	_ =	sfence  }
0xb7: {  	s30 =	sld [smem:$0x0];
	_ =	sdelay $0x2  }
0xb8: {  	s31 =	sshll.u32 s1, $0xD;
	s1 =	sshrl.u32 s1, $0x2  }
0xb9: {  	s3 =	sand.u32 $0x4000, s31;
	s1 =	sadd.s32 s1, s30  }
0xba: {  	s0 =	sor.u32 s3, s0;
	s1 =	sshll.u32 s1, $0x11  }
0xbb: {  	s0 =	sor.u32 s1, s0  }
0xbc: {  	s0 =	sadd.s32 $0x8F2B, s0  }
0xbd: {  	[sflag:s0] =	ssyncadd.remote.s32 $0x1  }
0xbe: {  	_ =	sfence.sel $0xFFFF  }
0xbf: {  	[dreg:$0x0] =	wrdreg $0xFFFFFFFF;
	(pc) =	sbr.abs _section_cstart, $3  }
0xc0: {  	[dreg:$0x1] =	wrdreg $0xFFFFFFFF  }
0xc1: {  	_ =	task.clear_ibuf [dreg:s6], $0x2FFFF;
	_ =	strace $0x9FFFFFFF  }
0xc2: {  	(tm) =	ssettm $0x7FFFFFFF  }
0xc3: {  	_ =	shalt  }
tec
execute0_lowered:
.L_overlay_start_1:
0x0: {  	(tag) =	ssettag $0x1  }
0x1: {  	s0 =	rddreg [dreg:$0x0]  }
0x2: {  	s1 =	rddreg [dreg:$0x1];
	s3 =	simm.s32 $0x0;
	s2 =	srdreg.scid  }
0x3: {  	s11 =	stileid.u32;
	s15 =	simm.s32 $0xC;
	s17 =	simm.s32 $0x28  }
0x4: {  	s28 =	simm.s32 $0x5;
	s29 =	simm.s32 $0x6;
	s30 =	simm.s32 $0x7  }
0x5: {  	s31 =	simm.s32 $0x8;
	s16 =	simm.s32 $0x0;
	[smem:$0x7FF] =	sst s3  }
0x6: {  	s2 =	sand.u32 $0x1, s2;
	s4 =	sadd.s32 $0x17000, s0;
	s7 =	smul.u32 $0x14000, s11  }
0x7: {  	s5 =	sadd.s32 $0x99600, s0;
	s6 =	sadd.s32 $0x67600, s0;
	s8 =	smul.u32 $0x50000, s11  }
0x8: {  	s10 =	smul.u32 $0xC800, s11;
	s12 =	sadd.s32 $0x14800, s0;
	s22 =	sshll.u32 s11, $0x6  }
0x9: {  	s18 =	smul.u32 $0x140000, s2;
	_ =	strace $0x8000004A;
	s19 =	ssub.s32 $0x2, s2  }
0xa: {  	s2 =	smul.u32 $0xC8000, s2;
	[dreg:$0x3] =	wrdreg s12;
	s9 =	sshrl.u32 s19, $0x1  }
0xb: {  	s21 =	sshrl.u32 s8, $0x2;
	s3 =	sadd.s32 s7, s18;
	s20 =	ssub.s32 s19, s9  }
0xc: {  	s8 =	sadd.s32 s10, s2;
	s23 =	sadd.s32 s21, s1;
	s9 =	sor.u32 $0x1C0C, s22  }
0xd: {  	s18 =	simm.s32 $0x2000;
	s19 =	simm.s32 $0x3400;
	s21 =	simm.s32 $0x5C00  }
0xe: {  	s22 =	simm.s32 $0x7000;
	s2 =	simm.s32 $0xA;
	s3 =	sshrl.u32 s3, $0x3  }
0xf: {  	s24 =	sshrl.u32 s8, $0x3;
	s26 =	smax.u32 s20, $0x1;
	s20 =	simm.s32 $0x4800  }
0x10: {  	s0 =	sadd.s32 s3, s0;
	s25 =	sadd.s32 s5, s24;
	[dreg:$0x7] =	wrdreg s26  }
0x11: {  	s7 =	sadd.s32 s6, s24;
	s24 =	simm.s32 $0x2;
	[dreg:$0x4] =	wrdreg s25  }
0x12: {  	s26 =	simm.s32 $0x4;
	[dreg:$0x5] =	wrdreg s7;
	s0 =	sadd.s32 $0xCB600, s0  }
0x13: {  	s7 =	sshrl.u32 s23, $0x3;
	s23 =	simm.s32 $0x1;
	[dreg:$0x6] =	wrdreg s0  }
0x14: {  	s25 =	simm.s32 $0x3;
	s0 =	simm.s32 $0x9;
	[dreg:$0x8] =	wrdreg s7  }
.LBB2_1:
0x15: {  	s3 =	rddreg [dreg:$0x3]  }
0x16: {  	[spmem:s7], [sflag:s9] =	dma.local [hbm:s3], $0x2800  }
0x17: {  	_ =	swait.ge [sflag:s15], $0x2800  }
0x18: {  	[sflag:s15] =	ssyncset.done $0x0  }
0x19: {  	s10 =	simm.s32 $0x0;
	s11 =	rddreg [dreg:$0x4];
	[sflag:s15] =	ssyncadd.s32 $0xFFFFD800  }
0x1a: {  	[tilespmem:s10], [sflag:$0xC] =	stream.linear.gather [hbm4b:s11+s10], $0x500, $0x38;
	[tilespmem:$0x1C400] =	vst v63  }
0x1b: {  	_ =	swait.ge [sflag:s15], $0x500  }
0x1c: {  	[sflag:s15] =	ssyncset.done $0x0  }
0x1d: {  	s13 =	simm.s32 $0x1000;
	s12 =	rddreg [dreg:$0x5];
	[sflag:s15] =	ssyncadd.s32 $0xFFFFFB00  }
0x1e: {  	[tilespmem:s13], [sflag:$0xC] =	stream.linear.gather [hbm4b:s12+s10], $0x500, $0x38;
	[tilespmem:$0x1C400] =	vst v63  }
0x1f: {  	_ =	swait.ge [sflag:s15], $0x500  }
0x20: {  	[sflag:s15] =	ssyncset.done $0x0  }
0x21: {  	[sflag:s15] =	ssyncadd.s32 $0xFFFFFB00  }
0x22: {  	s14 =	smov.u32 s9;
	s3 =	simm.s32 $0x0;
	[bflag:$0x0] =	sbarrier.arrive $0xFFFF  }
.LBB2_2:
0x23: {  	s7 =	sand.u32 $0x1, s3;
	s9 =	sshrl.u32 s3, $0x1  }
0x24: {  	p0 =	seq.s32 s7, $0x1;
	p1 =	seq.s32 s9, $0x0  }
0x25: {  	p2 =	por p0, p1  }
0x26: {  	s7 =	simm.s32 @!p2 $0xB  }
0x27: {  	_ =	swait.ge @!p2 [sflag:s7], $0x500  }
0x28: {  	p6 =	sgt.u32 s3, $0x2F;
	[sflag:s7] =	ssyncset.done @!p2 $0x0  }
0x29: {  	s9 =	sshll.u32 s9, $0xB;
	p1 =	por p6, p0;
	[sflag:s7] =	ssyncadd.s32 @!p2 $0xFFFFFB00  }
0x2a: {  	s10 =	sadd.s32 @!p1 $0x800, s9;
	_ =	swait.ge @!p2 [sflag:s7], $0x500  }
0x2b: {  	s11 =	sadd.s32 @!p1 s8, s10;
	[sflag:s7] =	ssyncset.done @!p2 $0x0  }
0x2c: {  	[sflag:s7] =	ssyncadd.s32 @!p2 $0xFFFFFB00;
	s7 =	sshrl.u32 @!p1 s11, $0x3  }
0x2d: {  	s12 =	simm.s32 @!p1 $0x0;
	s10 =	sand.u32 @!p1 $0x800, s10;
	s11 =	sadd.s32 @!p1 s5, s7  }
0x2e: {  	[tilespmem:s10], [sflag:$0xB] =	stream.linear.gather @!p1 [hbm4b:s11+s12], $0x500, $0x38;
	[tilespmem:$0x1C400] =	vst v63  }
0x2f: {  	p2 =	sne.s32 @!p1 s3, $0x0;
	s7 =	sadd.s32 @!p1 s6, s7;
	s10 =	sor.u32 @!p1 $0x1000, s10  }
0x30: {  	[tilespmem:s10], [sflag:$0xB] =	stream.linear.gather @!p1 [hbm4b:s7+s12], $0x500, $0x38;
	[tilespmem:$0x1C400] =	vst v63  }
0x31: {  	p1 =	por p1, p2  }
0x32: {  	s10 =	simm.s32 @!p1 $0x0  }
0x33: {  	[tilespmem:s18], [sflag:$0x1] =	stream.indirect.gather @!p1 [hbm4b:s4+s17], $0x80, s10, s17, $0xb8;
	[tilespmem:$0x1C400] =	vst v63  }
0x34: {  	s11 =	simm.s32 @!p1 $0x80  }
0x35: {  	[tilespmem:s19], [sflag:$0x2] =	stream.indirect.gather @!p1 [hbm4b:s4+s17], $0x80, s11, s17, $0xb8;
	[tilespmem:$0x1C400] =	vst v63  }
0x36: {  	s12 =	simm.s32 @!p1 $0x100  }
0x37: {  	[tilespmem:s20], [sflag:$0x3] =	stream.indirect.gather @!p1 [hbm4b:s4+s17], $0x80, s12, s17, $0xb8;
	[tilespmem:$0x1C400] =	vst v63  }
0x38: {  	s13 =	simm.s32 @!p1 $0x180  }
0x39: {  	[tilespmem:s21], [sflag:$0x4] =	stream.indirect.gather @!p1 [hbm4b:s4+s17], $0x80, s13, s17, $0xb8;
	[tilespmem:$0x1C400] =	vst v63  }
0x3a: {  	s7 =	simm.s32 $0x280;
	s9 =	simm.s32 @!p1 $0x0;
	_ =	swait.ge @p1 [sflag:s29], $0x1400  }
0x3b: {  	s7 =	simm.s32 @!p0 $0x0;
	s9 =	sand.u32 @p1 $0x800, s9;
	[sflag:s29] =	ssyncset.done @p1 $0x0  }
0x3c: {  	s10 =	sor.u32 @p1 s7, s9;
	[sflag:s29] =	ssyncadd.s32 @p1 $0xFFFFEC00  }
0x3d: {  	[tilespmem:s18], [sflag:$0x1] =	stream.indirect.gather @p1 [hbm4b:s4+s17], $0x80, s10, s17, $0xb8;
	[tilespmem:$0x1C400] =	vst v63  }
0x3e: {  	_ =	swait.ge @p1 [sflag:s30], $0x1400  }
0x3f: {  	[sflag:s30] =	ssyncset.done @p1 $0x0  }
0x40: {  	s11 =	sadd.s32 @p1 $0x80, s10;
	[sflag:s30] =	ssyncadd.s32 @p1 $0xFFFFEC00  }
0x41: {  	[tilespmem:s19], [sflag:$0x2] =	stream.indirect.gather @p1 [hbm4b:s4+s17], $0x80, s11, s17, $0xb8;
	[tilespmem:$0x1C400] =	vst v63  }
0x42: {  	_ =	swait.ge @p1 [sflag:s31], $0x1400  }
0x43: {  	[sflag:s31] =	ssyncset.done @p1 $0x0  }
0x44: {  	s12 =	sor.u32 @p1 $0x100, s10;
	[sflag:s31] =	ssyncadd.s32 @p1 $0xFFFFEC00  }
0x45: {  	[tilespmem:s20], [sflag:$0x3] =	stream.indirect.gather @p1 [hbm4b:s4+s17], $0x80, s12, s17, $0xb8;
	[tilespmem:$0x1C400] =	vst v63  }
0x46: {  	_ =	swait.ge @p1 [sflag:s0], $0x1400  }
0x47: {  	[sflag:s0] =	ssyncset.done @p1 $0x0  }
0x48: {  	s13 =	sadd.s32 @p1 $0x180, s10;
	[sflag:s0] =	ssyncadd.s32 @p1 $0xFFFFEC00  }
0x49: {  	[tilespmem:s21], [sflag:$0x4] =	stream.indirect.gather @p1 [hbm4b:s4+s17], $0x80, s13, s17, $0xb8;
	[tilespmem:$0x1C400] =	vst v63  }
0x4a: {  	_ =	swait.ge @p1 [sflag:s2], $0x1400  }
0x4b: {  	s7 =	sadd.s32 s9, s7;
	[sflag:s2] =	ssyncset.done @p1 $0x0  }
0x4c: {  	s9 =	sadd.s32 $0x200, s7;
	[sflag:s2] =	ssyncadd.s32 @p1 $0xFFFFEC00  }
0x4d: {  	[tilespmem:s22], [sflag:$0x5] =	stream.indirect.gather [hbm4b:s4+s17], $0x80, s9, s17, $0xb8;
	[tilespmem:$0x1C400] =	vst v63  }
0x4e: {  	_ =	swait.ge [sflag:s23], $0x1400  }
0x4f: {  	[sflag:s23] =	ssyncset.done $0x0  }
0x50: {  	s10 =	sor.u32 $0x1000, s10;
	[sflag:s23] =	ssyncadd.s32 $0xFFFFEC00  }
0x51: {  	[spmem:s1] =	stream.indirect.scatter.add.f32 [tilespmem:s18], [sflag:$0x6], $0x80, s10, s17, $0xb8;
	[tilespmem:$0x1C400] =	vst v63  }
0x52: {  	_ =	swait.ge [sflag:s24], $0x1400  }
0x53: {  	[sflag:s24] =	ssyncset.done $0x0  }
0x54: {  	s11 =	sor.u32 $0x1000, s11;
	[sflag:s24] =	ssyncadd.s32 $0xFFFFEC00  }
0x55: {  	[spmem:s1] =	stream.indirect.scatter.add.f32 [tilespmem:s19], [sflag:$0x7], $0x80, s11, s17, $0xb8;
	[tilespmem:$0x1C400] =	vst v63  }
0x56: {  	_ =	swait.ge [sflag:s25], $0x1400  }
0x57: {  	[sflag:s25] =	ssyncset.done $0x0  }
0x58: {  	s12 =	sor.u32 $0x1000, s12;
	[sflag:s25] =	ssyncadd.s32 $0xFFFFEC00  }
0x59: {  	[spmem:s1] =	stream.indirect.scatter.add.f32 [tilespmem:s20], [sflag:$0x8], $0x80, s12, s17, $0xb8;
	[tilespmem:$0x1C400] =	vst v63  }
0x5a: {  	_ =	swait.ge [sflag:s26], $0x1400  }
0x5b: {  	s3 =	sadd.s32 $0x1, s3;
	[sflag:s26] =	ssyncset.done $0x0  }
0x5c: {  	p0 =	sne.s32 s3, $0x32;
	s13 =	sor.u32 $0x1000, s13;
	[sflag:s26] =	ssyncadd.s32 $0xFFFFEC00  }
0x5d: {  	[spmem:s1] =	stream.indirect.scatter.add.f32 [tilespmem:s21], [sflag:$0x9], $0x80, s13, s17, $0xb8;
	[tilespmem:$0x1C400] =	vst v63  }
.Ltmp0:
0x5e: {  	_ = 	snop;
	(pc) =	sbr.rel @p0 .LBB2_2-.Ltmp0, $4  }
0x5f: {  	_ =	swait.ge [sflag:s28], $0x1400  }
0x60: {  	[sflag:s28] =	ssyncset.done $0x0  }
0x61: {  	s7 =	sadd.s32 $0x1200, s7;
	[sflag:s28] =	ssyncadd.s32 $0xFFFFEC00  }
0x62: {  	[spmem:s1] =	stream.indirect.scatter.add.f32 [tilespmem:s22], [sflag:$0xA], $0x80, s7, s17, $0xb8;
	[tilespmem:$0x1C400] =	vst v63  }
0x63: {  	_ =	swait.ge [sflag:s29], $0x1400  }
0x64: {  	[sflag:s29] =	ssyncset.done $0x0  }
0x65: {  	[sflag:s29] =	ssyncadd.s32 $0xFFFFEC00  }
0x66: {  	_ =	swait.ge [sflag:s30], $0x1400  }
0x67: {  	[sflag:s30] =	ssyncset.done $0x0  }
0x68: {  	[sflag:s30] =	ssyncadd.s32 $0xFFFFEC00  }
0x69: {  	_ =	swait.ge [sflag:s31], $0x1400  }
0x6a: {  	[sflag:s31] =	ssyncset.done $0x0  }
0x6b: {  	[sflag:s31] =	ssyncadd.s32 $0xFFFFEC00  }
0x6c: {  	_ =	swait.ge [sflag:s0], $0x1400  }
0x6d: {  	[sflag:s0] =	ssyncset.done $0x0  }
0x6e: {  	[sflag:s0] =	ssyncadd.s32 $0xFFFFEC00  }
0x6f: {  	_ =	swait.ge [sflag:s2], $0x1400  }
0x70: {  	[sflag:s2] =	ssyncset.done $0x0  }
0x71: {  	[sflag:s2] =	ssyncadd.s32 $0xFFFFEC00  }
0x72: {  	[bflag:$0x0] =	sbarrier.arrive $0xFFFF  }
0x73: {  	s3 =	rddreg [dreg:$0x6]  }
0x74: {  	s7 =	rddreg [dreg:$0x8]  }
0x75: {  	[hbm:s3], [sflag:s14] =	dma.local [spmem:s7], $0x2800  }
0x76: {  	_ =	swait.ge [sflag:s15], $0x2800  }
0x77: {  	s9 =	smov.u32 s14;
	s16 =	sadd.s32 $0x1, s16;
	s14 =	rddreg [dreg:$0x7]  }
0x78: {  	p0 =	sne.s32 s16, s14  }
.Ltmp1:
0x79: {  	_ = 	snop;
	(pc) =	sbr.rel @p0 .LBB2_1-.Ltmp1, $3  }
0x7a: {  	_ =	sdelay $0x1  }
0x7b: {  	[sflag:s15] =	ssyncset.done $0x0  }
0x7c: {  	[sflag:s15] =	ssyncadd.s32 $0xFFFFD800  }
0x7d: {  	_ =	sfence.sel $0x180000  }
0x7e: {  	[bflag:$0x0] =	sbarrier.arrive $0xFFFF  }
0x7f: {  	_ =	strace $0x9000004A  }
0x80: {  	s0 =	stileid.u32;
	[bflag:$0x2] =	sbarrier.arrive $0xFFFF  }
0x81: {  	p0 =	sne.s32 s0, $0x0;
	s0 =	rddreg [dreg:$0x2]  }
0x82: {  	s0 =	sadd.s32 @!p0 $0x100000, s0  }
0x83: {  	[sflag:s0] =	ssyncadd.tile.s32 @!p0 $0x1;
	_ =	shalt  }
.Lfunc_end2:
_tile_overlayer_lowered:
.L_overlay_start_2:
0x84: {  	(tag) =	ssettag $0x2  }
0x85: {  	s0 =	rddreg [dreg:$0x0];
	s2 =	stileid.u32  }
0x86: {  	s1 =	rddreg [dreg:$0x1];
	p0 =	sne.s32 s2, $0x0  }
0x87: {  	s3 =	rddreg [dreg:$0x2];
	[bflag:$0x3] =	sbarrier.arrive $0xFFFF;
	s2 =	simm.s32 @!p0 $0x1C0C  }
0x88: {  	[timem:s3], [sflag:s2] =	dma.local @!p0 [hbm:s0], s1  }
0x89: {  	s0 =	simm.s32 @!p0 $0xC  }
0x8a: {  	_ =	swait.ge @!p0 [sflag:s0], s1  }
0x8b: {  	s1 =	ssub.s32 @!p0 $0x0, s1;
	[sflag:s0] =	ssyncset.done @!p0 $0x0  }
0x8c: {  	[sflag:s0] =	ssyncadd.s32 @!p0 s1  }
0x8d: {  	[bflag:$0x3] =	sbarrier.arrive $0xFFFF  }
0x8e: {  	_ =	shalt  }

// kernel: kernel.17.cloned.1.call-start
scs
__scs_entry_jumppad:
0x0: {  	(pc) =	sbr.rel $0x88, $3  }
0x1: {  	(tag) =	ssettag $0x0;
	lr =	simm.s32 $0x1  }
0x2: {  	[smem:$0x3F8A] =	sst lr;
	_ =	strace $0xD0000000  }
0x3: {  	_ = 	snop  }
0x4: {  	_ = 	snop  }
0x5: {  	_ = 	snop  }
0x6: {  	_ = 	snop  }
0x7: {  	_ = 	snop  }
__scs_overlays_trampoline_lowered:
0x8: {  	[smem:$0x3F99] =	sst s0  }
0x9: {  	[smem:$0x3F9A] =	sst s1  }
0xa: {  	[smem:$0x3F9B] =	sst s2  }
0xb: {  	[smem:$0x3F9C] =	sst s3  }
0xc: {  	[smem:$0x3F9D] =	sst s4  }
0xd: {  	[smem:$0x3F9E] =	sst s5  }
0xe: {  	[smem:$0x3F9F] =	sst s6  }
0xf: {  	[smem:$0x3FA0] =	sst s7  }
0x10: {  	[smem:$0x3FA1] =	sst s8  }
0x11: {  	[smem:$0x3FA2] =	sst s9;
	s0 =	simm.s32 @!p0 $0x0  }
0x12: {  	s1 =	sld [smem:$0x3F88];
	s0 =	simm.s32 @p0 $0x1  }
0x13: {  	[smem:$0x3FA3] =	sst s0;
	s0 =	simm.s32 @!p1 $0x0  }
0x14: {  	s2 =	sld [smem:$0x3F87];
	s0 =	simm.s32 @p1 $0x1  }
0x15: {  	[smem:$0x3FA4] =	sst s0;
	s0 =	simm.s32 @!p2 $0x0  }
0x16: {  	s3 =	sld [smem:$0x3FDB];
	s0 =	simm.s32 @p2 $0x1  }
0x17: {  	s4 =	simm.s32 $0x1BF5;
	[smem:$0x3FA6] =	sst s0  }
0x18: {  	s0 =	sld [smem:$0x3F89];
	_ =	swait.ge [sflag:s4], $0x0  }
0x19: {  	s7 =	sld [smem:$0x3F8A]  }
0x1a: {  	s8 =	sadd.s32 $0xFFFFE003, lr  }
0x1b: {  	s9 =	sadd.s32 $0xFFFFFEF7, lr;
	s5 =	simm.s32 $0xFFFFFFFF;
	p2 =	slt.u32 s8, $0xFFFFF086  }
0x1c: {  	p1 =	slt.u32 s9, $0xF7A;
	s5 =	simm.s32 @!p2 $0x0  }
0x1d: {  	s5 =	simm.s32 @p1 $0x1;
	p0 =	seq.s32 s7, s2  }
0x1e: {  	s7 =	smul.u32 @!p0 $0xF7A, s2;
	p2 =	seq.s32 @!p0 s5, $0x0  }
0x1f: {  	s9 =	smul.u32 $0xF7A, s1;
	s8 =	simm.s32 @!p0 $0x1BF5;
	p2 =	por !p2, p0  }
0x20: {  	[sflag:s8] =	ssyncset.s32 @!p0 $0xFFFFF086;
	s6 =	sadd.s32 @!p0 s3, s7;
	s7 =	simm.s32 @!p0 $0x108  }
0x21: {  	s3 =	sadd.s32 s3, s9;
	s6 =	sadd.s32 @!p0 $0x88, s6;
	s7 =	simm.s32 @p2 $0x1082  }
0x22: {  	[simem:s7], [sflag:s8] =	dma.local @!p0 [hbm:s6], $0xF7A  }
0x23: {  	s9 =	sor.u32 $0xD0000000, s2;
	s6 =	simm.s32 $0x108;
	_ =	swait.ge @!p0 [sflag:s8], $0x0  }
0x24: {  	s3 =	sadd.s32 $0x88, s3;
	s6 =	simm.s32 @!p1 $0x1082;
	[sflag:s4] =	ssyncset.s32 $0xFFFFF086  }
0x25: {  	[simem:s6], [sflag:s4] =	dma.local [hbm:s3], $0xF7A  }
0x26: {  	[smem:$0x3F8A] =	sst s1;
	(tag) =	ssettag s2;
	_ =	strace s9  }
0x27: {  	s1 =	sld [smem:$0x3F9A]  }
0x28: {  	s2 =	sld [smem:$0x3F9B]  }
0x29: {  	s4 =	sld [smem:$0x3F9D]  }
0x2a: {  	p0 =	seq.s32 s5, $0x0;
	s5 =	sld [smem:$0x3F9E]  }
0x2b: {  	s6 =	sld [smem:$0x3F9F]  }
0x2c: {  	s7 =	sld [smem:$0x3FA0]  }
0x2d: {  	s3 =	simm.s32 $0x108;
	s8 =	sld [smem:$0x3FA1]  }
0x2e: {  	s3 =	simm.s32 @!p0 $0x1082;
	s9 =	sld [smem:$0x3FA2]  }
0x2f: {  	lr =	sadd.s32 s0, s3;
	s0 =	sld [smem:$0x3F99]  }
0x30: {  	s3 =	sld [smem:$0x3F9C]  }
0x31: {  	[smem:$0x3FA5] =	sst s10  }
0x32: {  	s10 =	sld [smem:$0x3FA3];
	_ =	sdelay $0x3  }
0x33: {  	p0 =	seq.s32 s10, $0x1;
	s10 =	sld [smem:$0x3FA5];
	_ =	sdelay $0x3  }
0x34: {  	[smem:$0x3FA5] =	sst s10  }
0x35: {  	s10 =	sld [smem:$0x3FA4];
	_ =	sdelay $0x3  }
0x36: {  	p1 =	seq.s32 s10, $0x1;
	s10 =	sld [smem:$0x3FA5];
	_ =	sdelay $0x3  }
0x37: {  	[smem:$0x3FA5] =	sst s10  }
0x38: {  	s10 =	sld [smem:$0x3FA6]  }
0x39: {  	_ = 	snop;
	(pc) =	sbr.ind lr, $3  }
0x3a: {  	_ = 	snop  }
0x3b: {  	_ = 	snop  }
0x3c: {  	p2 =	seq.s32 s10, $0x1;
	s10 =	sld [smem:$0x3FA5]  }
0x3d: {  	_ =	shalt  }
0x3e: {  	_ =	shalt  }
0x3f: {  	_ =	shalt  }
0x40: {  	_ =	shalt  }
0x41: {  	_ =	shalt  }
0x42: {  	_ =	shalt  }
0x43: {  	_ =	shalt  }
0x44: {  	_ =	shalt  }
0x45: {  	_ =	shalt  }
0x46: {  	_ =	shalt  }
0x47: {  	_ =	shalt  }
0x48: {  	_ =	shalt  }
0x49: {  	_ =	shalt  }
0x4a: {  	_ =	shalt  }
0x4b: {  	_ =	shalt  }
0x4c: {  	_ =	shalt  }
0x4d: {  	_ =	shalt  }
0x4e: {  	_ =	shalt  }
0x4f: {  	_ =	shalt  }
0x50: {  	_ =	shalt  }
0x51: {  	_ =	shalt  }
0x52: {  	_ =	shalt  }
0x53: {  	_ =	shalt  }
0x54: {  	_ =	shalt  }
0x55: {  	_ =	shalt  }
0x56: {  	_ =	shalt  }
0x57: {  	_ =	shalt  }
0x58: {  	_ =	shalt  }
0x59: {  	_ =	shalt  }
0x5a: {  	_ =	shalt  }
0x5b: {  	_ =	shalt  }
0x5c: {  	_ =	shalt  }
0x5d: {  	_ =	shalt  }
0x5e: {  	_ =	shalt  }
0x5f: {  	_ =	shalt  }
0x60: {  	_ =	shalt  }
0x61: {  	_ =	shalt  }
0x62: {  	_ =	shalt  }
0x63: {  	_ =	shalt  }
0x64: {  	_ =	shalt  }
0x65: {  	_ =	shalt  }
0x66: {  	_ =	shalt  }
0x67: {  	_ =	shalt  }
0x68: {  	_ =	shalt  }
0x69: {  	_ =	shalt  }
0x6a: {  	_ =	shalt  }
0x6b: {  	_ =	shalt  }
0x6c: {  	_ =	shalt  }
0x6d: {  	_ =	shalt  }
0x6e: {  	_ =	shalt  }
0x6f: {  	_ =	shalt  }
0x70: {  	_ =	shalt  }
0x71: {  	_ =	shalt  }
0x72: {  	_ =	shalt  }
0x73: {  	_ =	shalt  }
0x74: {  	_ =	shalt  }
0x75: {  	_ =	shalt  }
0x76: {  	_ =	shalt  }
0x77: {  	_ =	shalt  }
0x78: {  	_ =	shalt  }
0x79: {  	_ =	shalt  }
0x7a: {  	_ =	shalt  }
0x7b: {  	_ =	shalt  }
0x7c: {  	_ =	shalt  }
0x7d: {  	_ =	shalt  }
0x7e: {  	_ =	shalt  }
0x7f: {  	_ =	shalt  }
0x80: {  	_ =	shalt  }
0x81: {  	_ =	shalt  }
0x82: {  	_ =	shalt  }
0x83: {  	_ =	shalt  }
0x84: {  	_ =	shalt  }
0x85: {  	_ =	shalt  }
0x86: {  	_ =	shalt  }
0x87: {  	_ =	shalt  }
.Lfunc_end0:
.L_simem_size_0:
called_computation.2_lowered:
.L_overlay_start_0:
0x88: {  	s2 =	sld [smem:$0x3FD9]  }
0x89: {  	s3 =	sld [smem:$0x3FFE];
	_ =	sdelay $0x1  }
0x8a: {  	s1 =	srdreg.scid  }
0x8b: {  	s0 =	sand.u32 $0x1, s1  }
0x8c: {  	s16 =	sshll.u32 s0, $0xA;
	s2 =	sadd.s32 s3, s2  }
0x8d: {  	s2 =	sadd.s32 s2, s16  }
0x8e: {  	[smem:$0x3FB1] =	sst s2  }
0x8f: {  	_ = 	snop  }
0x90: {  	(tm) =	ssettm $0x1  }
0x91: {  	s17 =	sld [smem:$0x3FFB];
	_ =	sdelay $0x3  }
0x92: {  	_ =	strace s17  }
0x93: {  	s2 =	sld [smem:$0x3FFC];
	_ =	sdelay $0x3  }
0x94: {  	_ =	strace s2  }
0x95: {  	s2 =	sld [smem:$0x3FFD];
	_ =	sdelay $0x3  }
0x96: {  	_ =	strace s2  }
0x97: {  	_ =	strace $0x8FFFFFFF  }
0x98: {  	s18 =	sld [smem:$0x3FDB];
	_ =	sdelay $0x1  }
0x99: {  	s19 =	simm.s32 $_scs_section_size  }
0x9a: {  	s4 =	simm.s32 $_size__tile_overlayer_lowered;
	s5 =	simm.s32 $_tile_overlayer_lowered  }
0x9b: {  	s22 =	simm.s32 $0x1BFF;
	s21 =	sshll.u32 s5, $0x1;
	s2 =	sadd.s32 s19, s18  }
0x9c: {  	s6 =	simm.s32 $0x0;
	s20 =	sshll.u32 s4, $0x1;
	s4 =	sadd.s32 s21, s2  }
0x9d: {  	[timem:s6], [sflag:s22] =	dma.local [hbm:s4], s20  }
0x9e: {  	_ =	swait.ge [sflag:s22], s20  }
0x9f: {  	s3 =	ssub.s32 $0x0, s20;
	[sflag:s22] =	ssyncset.done $0x0  }
0xa0: {  	[sflag:s22] =	ssyncadd.s32 s3;
	_ =	sdelay $0x1  }
0xa1: {  	s23 =	simm.s32 $0x1B8B  }
0xa2: {  	_ =	swait.ge [sflag:s23], $0x1  }
0xa3: {  	[sflag:s23] =	ssyncset.done $0x0  }
0xa4: {  	s25 =	simm.s32 $0x1B8E;
	s24 =	sld [smem:$0x3FFE];
	[sflag:s23] =	ssyncadd.s32 $0xFFFFFFFF  }
0xa5: {  	s26 =	simm.s32 $execute0_lowered;
	[smem:$0x3FD2] =	sst s25  }
0xa6: {  	s4 =	sshll.u32 s26, $0x1;
	_ =	strace $0x8000004C;
	[dreg:$0x1] =	wrdreg $0xFFFFFFFF  }
0xa7: {  	s28 =	simm.s32 $_size_execute0_lowered;
	s2 =	sadd.s32 s2, s4;
	[dreg:$0x0] =	wrdreg $0x0  }
0xa8: {  	s4 =	sshll.u32 s28, $0x1;
	[dreg:$0x2] =	wrdreg s2  }
0xa9: {  	[dreg:$0x3] =	wrdreg s4  }
0xaa: {  	[dreg:$0x4] =	wrdreg $0xC0  }
0xab: {  	_ =	task [dreg:s6], $0x5FFFF  }
0xac: {  	[dreg:$0x1] =	wrdreg $0xFFFFFFFF  }
0xad: {  	[dreg:$0x0] =	wrdreg $0x60  }
0xae: {  	[dreg:$0x2] =	wrdreg s24  }
0xaf: {  	[dreg:$0x3] =	wrdreg $0x94000  }
0xb0: {  	[dreg:$0x4] =	wrdreg $0x9  }
0xb1: {  	_ =	task.clear_ibuf [dreg:s6], $0x5FFFF;
	_ =	strace $0x9000004C  }
0xb2: {  	s29 =	simm.s32 $0x9;
	_ =	strace $0x8000004E  }
0xb3: {  	_ =	swait.ge [sflag:s29], $0x1  }
0xb4: {  	[sflag:s29] =	ssyncadd.s32 $0xFFFFFFFF  }
0xb5: {  	_ =	strace $0x9000004E  }
0xb6: {  	_ =	sfence  }
0xb7: {  	s30 =	sld [smem:$0x0];
	_ =	sdelay $0x2  }
0xb8: {  	s31 =	sshll.u32 s1, $0xD;
	s1 =	sshrl.u32 s1, $0x2  }
0xb9: {  	s3 =	sand.u32 $0x4000, s31;
	s1 =	sadd.s32 s1, s30  }
0xba: {  	s0 =	sor.u32 s3, s0;
	s1 =	sshll.u32 s1, $0x11  }
0xbb: {  	s0 =	sor.u32 s1, s0  }
0xbc: {  	s0 =	sadd.s32 $0x8F2B, s0  }
0xbd: {  	[sflag:s0] =	ssyncadd.remote.s32 $0x1  }
0xbe: {  	_ =	sfence.sel $0xFFFF  }
0xbf: {  	[dreg:$0x0] =	wrdreg $0xFFFFFFFF;
	(pc) =	sbr.abs _section_cstart, $3  }
0xc0: {  	[dreg:$0x1] =	wrdreg $0xFFFFFFFF  }
0xc1: {  	_ =	task.clear_ibuf [dreg:s6], $0x2FFFF;
	_ =	strace $0x9FFFFFFF  }
0xc2: {  	(tm) =	ssettm $0x7FFFFFFF  }
0xc3: {  	_ =	shalt  }
tec
execute0_lowered:
.L_overlay_start_1:
0x0: {  	(tag) =	ssettag $0x1  }
0x1: {  	s0 =	rddreg [dreg:$0x0]  }
0x2: {  	s1 =	rddreg [dreg:$0x1]  }
0x3: {  	s2 =	srdreg.scid;
	s4 =	simm.s32 $0x0;
	s13 =	stileid.u32  }
0x4: {  	s15 =	simm.s32 $0xC;
	s17 =	simm.s32 $0x28;
	s18 =	simm.s32 $0x3000  }
0x5: {  	s19 =	simm.s32 $0x8000;
	s20 =	simm.s32 $0x1;
	s7 =	smul.u32 $0x14000, s13  }
0x6: {  	s21 =	simm.s32 $0x2;
	s28 =	simm.s32 $0x5;
	s8 =	smul.u32 $0x50000, s13  }
0x7: {  	s29 =	simm.s32 $0x6;
	s16 =	simm.s32 $0x0;
	s22 =	smul.u32 $0x2800, s13  }
0x8: {  	s2 =	sand.u32 $0x1, s2;
	[smem:$0x7FF] =	sst s4;
	s12 =	smul.u32 $0x12C00, s13  }
0x9: {  	s4 =	sadd.s32 $0x17000, s0;
	s5 =	sadd.s32 $0x11B600, s0;
	s3 =	smul.u32 $0x140000, s2  }
0xa: {  	s6 =	sadd.s32 $0x67000, s0;
	s24 =	sshll.u32 s13, $0x6;
	s9 =	smul.u32 $0x28000, s2  }
0xb: {  	_ =	strace $0x8000004D;
	s10 =	ssub.s32 $0x2, s2;
	s2 =	smul.u32 $0x12C000, s2  }
0xc: {  	s11 =	sshrl.u32 s10, $0x1;
	s8 =	sshrl.u32 s8, $0x2;
	s3 =	sadd.s32 s7, s3  }
0xd: {  	s23 =	ssub.s32 s10, s11;
	s8 =	sadd.s32 s8, s1;
	s9 =	sadd.s32 s22, s9  }
0xe: {  	s7 =	sadd.s32 s12, s2;
	s22 =	simm.s32 $0x4400;
	s3 =	sshrl.u32 s3, $0x3  }
0xf: {  	s25 =	sadd.s32 s4, s9;
	s9 =	sor.u32 $0x1C0C, s24;
	s26 =	sshrl.u32 s7, $0x3  }
0x10: {  	s31 =	smax.u32 s23, $0x1;
	s14 =	sshrl.u32 s8, $0x3;
	[dreg:$0x3] =	wrdreg s25  }
0x11: {  	s23 =	simm.s32 $0x3;
	s30 =	sadd.s32 s5, s26;
	[dreg:$0x7] =	wrdreg s31  }
0x12: {  	s0 =	sadd.s32 s3, s0;
	s2 =	sadd.s32 s6, s26;
	[dreg:$0x4] =	wrdreg s30  }
0x13: {  	s24 =	simm.s32 $0x5800;
	[dreg:$0x5] =	wrdreg s2;
	s0 =	sadd.s32 $0xB2000, s0  }
0x14: {  	s25 =	simm.s32 $0x4;
	s26 =	simm.s32 $0x6C00;
	[dreg:$0x6] =	wrdreg s0  }
.LBB2_1:
0x15: {  	s0 =	rddreg [dreg:$0x3]  }
0x16: {  	[spmem:s14], [sflag:s9] =	dma.local [hbm:s0], $0x2800  }
0x17: {  	_ =	swait.ge [sflag:s15], $0x2800  }
0x18: {  	[sflag:s15] =	ssyncset.done $0x0  }
0x19: {  	s30 =	simm.s32 $0x0;
	s2 =	rddreg [dreg:$0x4];
	[sflag:s15] =	ssyncadd.s32 $0xFFFFD800  }
0x1a: {  	[tilespmem:s30], [sflag:$0xC] =	stream.linear.gather [hbm4b:s2+s30], $0xA00, $0x38;
	[tilespmem:$0x1D400] =	vst v63  }
0x1b: {  	_ =	swait.ge [sflag:s15], $0xA00  }
0x1c: {  	[sflag:s15] =	ssyncset.done $0x0  }
0x1d: {  	s3 =	simm.s32 $0x1800;
	s31 =	rddreg [dreg:$0x5];
	[sflag:s15] =	ssyncadd.s32 $0xFFFFF600  }
0x1e: {  	[tilespmem:s3], [sflag:$0xC] =	stream.linear.gather [hbm4b:s31+s30], $0xA00, $0x38;
	[tilespmem:$0x1D400] =	vst v63  }
0x1f: {  	_ =	swait.ge [sflag:s15], $0xA00  }
0x20: {  	[sflag:s15] =	ssyncset.done $0x0  }
0x21: {  	[sflag:s15] =	ssyncadd.s32 $0xFFFFF600  }
0x22: {  	s3 =	simm.s32 $0x0;
	[bflag:$0x0] =	sbarrier.arrive $0xFFFF  }
.LBB2_2:
0x23: {  	s8 =	sand.u32 $0x3, s3  }
0x24: {  	s10 =	sshrl.u32 s3, $0x2;
	p0 =	sne.s32 s8, $0x0  }
0x25: {  	p1 =	seq.s32 @!p0 s10, $0x0  }
0x26: {  	p1 =	por p1, p0  }
0x27: {  	s11 =	simm.s32 @!p1 $0xB  }
0x28: {  	p0 =	sgt.u32 s3, $0x5F;
	_ =	swait.ge @!p1 [sflag:s11], $0xA00  }
0x29: {  	p2 =	sne.s32 @!p0 s8, $0x0;
	[sflag:s11] =	ssyncset.done @!p1 $0x0  }
0x2a: {  	s12 =	sadd.s32 $0x1, s10;
	p0 =	por p0, p2;
	[sflag:s11] =	ssyncadd.s32 @!p1 $0xFFFFF600  }
0x2b: {  	s13 =	smul.u32 @!p0 $0xC00, s12;
	_ =	swait.ge @!p1 [sflag:s11], $0xA00  }
0x2c: {  	s12 =	sand.u32 @!p0 $0x1, s12;
	[sflag:s11] =	ssyncset.done @!p1 $0x0  }
0x2d: {  	[sflag:s11] =	ssyncadd.s32 @!p1 $0xFFFFF600;
	s11 =	sadd.s32 @!p0 s7, s13;
	p1 =	seq.s32 @!p0 s12, $0x1  }
0x2e: {  	s12 =	simm.s32 @!p0 $0xC00;
	p1 =	por !p1, p0;
	s11 =	sshrl.u32 @!p0 s11, $0x3  }
0x2f: {  	s30 =	simm.s32 @!p0 $0x0;
	s12 =	simm.s32 @p1 $0x0;
	s13 =	sadd.s32 @!p0 s5, s11  }
0x30: {  	[tilespmem:s12], [sflag:$0xB] =	stream.linear.gather @!p0 [hbm4b:s13+s30], $0xA00, $0x38;
	[tilespmem:$0x1D400] =	vst v63  }
0x31: {  	p1 =	seq.s32 @!p0 s3, $0x0;
	s11 =	sadd.s32 @!p0 s6, s11;
	s12 =	sadd.s32 @!p0 $0x1800, s12  }
0x32: {  	[tilespmem:s12], [sflag:$0xB] =	stream.linear.gather @!p0 [hbm4b:s11+s30], $0xA00, $0x38;
	[tilespmem:$0x1D400] =	vst v63  }
0x33: {  	p0 =	por p0, !p1  }
0x34: {  	_ =	swait.ge @p0 [sflag:s29], $0x1400  }
0x35: {  	s10 =	sand.u32 $0x1, s10;
	s8 =	smul.u32 $0x280, s8;
	[sflag:s29] =	ssyncset.done @p0 $0x0  }
0x36: {  	[sflag:s29] =	ssyncadd.s32 @p0 $0xFFFFEC00;
	p0 =	seq.s32 s10, $0x1;
	s10 =	simm.s32 $0xC00  }
0x37: {  	s10 =	simm.s32 @!p0 $0x0;
	p0 =	sne.s32 s3, $0x0  }
0x38: {  	s8 =	sadd.s32 s8, s10;
	s11 =	simm.s32 @p0 $0x7  }
0x39: {  	[tilespmem:s18], [sflag:$0x1] =	stream.indirect.gather [hbm4b:s4+s17], $0x80, s8, s17, $0xb8;
	[tilespmem:$0x1D400] =	vst v63  }
0x3a: {  	_ =	swait.ge @p0 [sflag:s11], $0x1400  }
0x3b: {  	s12 =	simm.s32 @p0 $0x28;
	[sflag:s11] =	ssyncset.done @p0 $0x0  }
0x3c: {  	s13 =	simm.s32 @p0 $0x4400;
	[sflag:s11] =	ssyncadd.s32 @p0 $0xFFFFEC00;
	s11 =	sadd.s32 @p0 $0x80, s8  }
0x3d: {  	[tilespmem:s13], [sflag:$0x2] =	stream.indirect.gather @p0 [hbm4b:s4+s12], $0x80, s11, s12, $0xb8;
	[tilespmem:$0x1D400] =	vst v63  }
0x3e: {  	s13 =	simm.s32 @p0 $0x8  }
0x3f: {  	_ =	swait.ge @p0 [sflag:s13], $0x1400  }
0x40: {  	[sflag:s13] =	ssyncset.done @p0 $0x0  }
0x41: {  	s30 =	simm.s32 @p0 $0x5800;
	[sflag:s13] =	ssyncadd.s32 @p0 $0xFFFFEC00;
	s13 =	sadd.s32 @p0 $0x100, s8  }
0x42: {  	[tilespmem:s30], [sflag:$0x3] =	stream.indirect.gather @p0 [hbm4b:s4+s12], $0x80, s13, s12, $0xb8;
	[tilespmem:$0x1D400] =	vst v63  }
0x43: {  	s30 =	simm.s32 @p0 $0x9  }
0x44: {  	_ =	swait.ge @p0 [sflag:s30], $0x1400  }
0x45: {  	[sflag:s30] =	ssyncset.done @p0 $0x0  }
0x46: {  	s31 =	simm.s32 @p0 $0x6C00;
	[sflag:s30] =	ssyncadd.s32 @p0 $0xFFFFEC00;
	s30 =	sadd.s32 @p0 $0x180, s8  }
0x47: {  	[tilespmem:s31], [sflag:$0x4] =	stream.indirect.gather @p0 [hbm4b:s4+s12], $0x80, s30, s12, $0xb8;
	[tilespmem:$0x1D400] =	vst v63  }
0x48: {  	s12 =	simm.s32 @p0 $0xA  }
0x49: {  	_ =	swait.ge @p0 [sflag:s12], $0x1400  }
0x4a: {  	s0 =	simm.s32 @!p0 $0x4400;
	[sflag:s12] =	ssyncset.done @p0 $0x0  }
0x4b: {  	s31 =	simm.s32 @!p0 $0x28;
	[sflag:s12] =	ssyncadd.s32 @p0 $0xFFFFEC00;
	s12 =	sor.u32 @!p0 $0x80, s10  }
0x4c: {  	[tilespmem:s0], [sflag:$0x2] =	stream.indirect.gather @!p0 [hbm4b:s4+s31], $0x80, s12, s31, $0xb8;
	[tilespmem:$0x1D400] =	vst v63  }
0x4d: {  	s2 =	simm.s32 @!p0 $0x5800;
	s0 =	sor.u32 @!p0 $0x100, s10  }
0x4e: {  	[tilespmem:s2], [sflag:$0x3] =	stream.indirect.gather @!p0 [hbm4b:s4+s31], $0x80, s0, s31, $0xb8;
	[tilespmem:$0x1D400] =	vst v63  }
0x4f: {  	s2 =	sor.u32 @!p0 $0x180, s10;
	s10 =	simm.s32 @!p0 $0x6C00  }
0x50: {  	[tilespmem:s10], [sflag:$0x4] =	stream.indirect.gather @!p0 [hbm4b:s4+s31], $0x80, s2, s31, $0xb8;
	[tilespmem:$0x1D400] =	vst v63  }
0x51: {  	s31 =	sadd.s32 $0x200, s8  }
0x52: {  	[tilespmem:s19], [sflag:$0x5] =	stream.indirect.gather [hbm4b:s4+s17], $0x80, s31, s17, $0xb8;
	[tilespmem:$0x1D400] =	vst v63  }
0x53: {  	_ =	swait.ge [sflag:s20], $0x1400  }
0x54: {  	[sflag:s20] =	ssyncset.done $0x0  }
0x55: {  	s31 =	sadd.s32 $0x1800, s8;
	[sflag:s20] =	ssyncadd.s32 $0xFFFFEC00  }
0x56: {  	[spmem:s1] =	stream.indirect.scatter.add.f32 [tilespmem:s18], [sflag:$0x6], $0x80, s31, s17, $0xb8;
	[tilespmem:$0x1D400] =	vst v63  }
0x57: {  	_ =	swait.ge [sflag:s21], $0x1400  }
0x58: {  	s12 =	smov.u32 @p0 s11;
	[sflag:s21] =	ssyncset.done $0x0  }
0x59: {  	s12 =	sadd.s32 $0x1800, s12;
	[sflag:s21] =	ssyncadd.s32 $0xFFFFEC00  }
0x5a: {  	[spmem:s1] =	stream.indirect.scatter.add.f32 [tilespmem:s22], [sflag:$0x7], $0x80, s12, s17, $0xb8;
	[tilespmem:$0x1D400] =	vst v63  }
0x5b: {  	_ =	swait.ge [sflag:s23], $0x1400  }
0x5c: {  	s0 =	smov.u32 @p0 s13;
	[sflag:s23] =	ssyncset.done $0x0  }
0x5d: {  	s0 =	sadd.s32 $0x1800, s0;
	[sflag:s23] =	ssyncadd.s32 $0xFFFFEC00  }
0x5e: {  	[spmem:s1] =	stream.indirect.scatter.add.f32 [tilespmem:s24], [sflag:$0x8], $0x80, s0, s17, $0xb8;
	[tilespmem:$0x1D400] =	vst v63  }
0x5f: {  	_ =	swait.ge [sflag:s25], $0x1400  }
0x60: {  	s3 =	sadd.s32 $0x1, s3;
	s2 =	smov.u32 @p0 s30;
	[sflag:s25] =	ssyncset.done $0x0  }
0x61: {  	p0 =	sne.s32 s3, $0x64;
	s30 =	sadd.s32 $0x1800, s2;
	[sflag:s25] =	ssyncadd.s32 $0xFFFFEC00  }
0x62: {  	[spmem:s1] =	stream.indirect.scatter.add.f32 [tilespmem:s26], [sflag:$0x9], $0x80, s30, s17, $0xb8;
	[tilespmem:$0x1D400] =	vst v63  }
.Ltmp0:
0x63: {  	_ = 	snop;
	(pc) =	sbr.rel @p0 .LBB2_2-.Ltmp0, $4  }
0x64: {  	_ =	swait.ge [sflag:s28], $0x1400  }
0x65: {  	[sflag:s28] =	ssyncset.done $0x0  }
0x66: {  	s31 =	sadd.s32 $0x1A00, s8;
	[sflag:s28] =	ssyncadd.s32 $0xFFFFEC00  }
0x67: {  	[spmem:s1] =	stream.indirect.scatter.add.f32 [tilespmem:s19], [sflag:$0xA], $0x80, s31, s17, $0xb8;
	[tilespmem:$0x1D400] =	vst v63  }
0x68: {  	_ =	swait.ge [sflag:s29], $0x1400  }
0x69: {  	[sflag:s29] =	ssyncset.done $0x0  }
0x6a: {  	s0 =	simm.s32 $0x7;
	[sflag:s29] =	ssyncadd.s32 $0xFFFFEC00  }
0x6b: {  	_ =	swait.ge [sflag:s0], $0x1400  }
0x6c: {  	[sflag:s0] =	ssyncset.done $0x0  }
0x6d: {  	s11 =	simm.s32 $0x8;
	[sflag:s0] =	ssyncadd.s32 $0xFFFFEC00  }
0x6e: {  	_ =	swait.ge [sflag:s11], $0x1400  }
0x6f: {  	[sflag:s11] =	ssyncset.done $0x0  }
0x70: {  	s12 =	simm.s32 $0x9;
	[sflag:s11] =	ssyncadd.s32 $0xFFFFEC00  }
0x71: {  	_ =	swait.ge [sflag:s12], $0x1400  }
0x72: {  	[sflag:s12] =	ssyncset.done $0x0  }
0x73: {  	s13 =	simm.s32 $0xA;
	[sflag:s12] =	ssyncadd.s32 $0xFFFFEC00  }
0x74: {  	_ =	swait.ge [sflag:s13], $0x1400  }
0x75: {  	[sflag:s13] =	ssyncset.done $0x0  }
0x76: {  	[sflag:s13] =	ssyncadd.s32 $0xFFFFEC00  }
0x77: {  	[bflag:$0x0] =	sbarrier.arrive $0xFFFF  }
0x78: {  	s30 =	rddreg [dreg:$0x6]  }
0x79: {  	[hbm:s30], [sflag:s9] =	dma.local [spmem:s14], $0x2800  }
0x7a: {  	_ =	swait.ge [sflag:s15], $0x2800  }
0x7b: {  	s16 =	sadd.s32 $0x1, s16;
	s31 =	rddreg [dreg:$0x7]  }
0x7c: {  	p0 =	sne.s32 s16, s31  }
.Ltmp1:
0x7d: {  	_ = 	snop;
	(pc) =	sbr.rel @p0 .LBB2_1-.Ltmp1, $3  }
0x7e: {  	_ =	sdelay $0x1  }
0x7f: {  	[sflag:s15] =	ssyncset.done $0x0  }
0x80: {  	[sflag:s15] =	ssyncadd.s32 $0xFFFFD800  }
0x81: {  	_ =	sfence.sel $0x180000  }
0x82: {  	[bflag:$0x0] =	sbarrier.arrive $0xFFFF  }
0x83: {  	_ =	strace $0x9000004D  }
0x84: {  	s0 =	stileid.u32;
	[bflag:$0x2] =	sbarrier.arrive $0xFFFF  }
0x85: {  	p0 =	sne.s32 s0, $0x0;
	s0 =	rddreg [dreg:$0x2]  }
0x86: {  	s0 =	sadd.s32 @!p0 $0x100000, s0  }
0x87: {  	[sflag:s0] =	ssyncadd.tile.s32 @!p0 $0x1;
	_ =	shalt  }
.Lfunc_end2:
_tile_overlayer_lowered:
.L_overlay_start_2:
0x88: {  	(tag) =	ssettag $0x2  }
0x89: {  	s0 =	rddreg [dreg:$0x0];
	s2 =	stileid.u32  }
0x8a: {  	s1 =	rddreg [dreg:$0x1];
	p0 =	sne.s32 s2, $0x0  }
0x8b: {  	s3 =	rddreg [dreg:$0x2];
	[bflag:$0x3] =	sbarrier.arrive $0xFFFF;
	s2 =	simm.s32 @!p0 $0x1C0C  }
0x8c: {  	[timem:s3], [sflag:s2] =	dma.local @!p0 [hbm:s0], s1  }
0x8d: {  	s0 =	simm.s32 @!p0 $0xC  }
0x8e: {  	_ =	swait.ge @!p0 [sflag:s0], s1  }
0x8f: {  	s1 =	ssub.s32 @!p0 $0x0, s1;
	[sflag:s0] =	ssyncset.done @!p0 $0x0  }
0x90: {  	[sflag:s0] =	ssyncadd.s32 @!p0 s1  }
0x91: {  	[bflag:$0x3] =	sbarrier.arrive $0xFFFF  }
0x92: {  	_ =	shalt  }

// kernel: kernel.20.cloned.1.call-start
scs
__scs_entry_jumppad:
0x0: {  	(pc) =	sbr.rel $0x88, $3  }
0x1: {  	(tag) =	ssettag $0x0;
	lr =	simm.s32 $0x1  }
0x2: {  	[smem:$0x3F8A] =	sst lr;
	_ =	strace $0xD0000000  }
0x3: {  	_ = 	snop  }
0x4: {  	_ = 	snop  }
0x5: {  	_ = 	snop  }
0x6: {  	_ = 	snop  }
0x7: {  	_ = 	snop  }
__scs_overlays_trampoline_lowered:
0x8: {  	[smem:$0x3F99] =	sst s0  }
0x9: {  	[smem:$0x3F9A] =	sst s1  }
0xa: {  	[smem:$0x3F9B] =	sst s2  }
0xb: {  	[smem:$0x3F9C] =	sst s3  }
0xc: {  	[smem:$0x3F9D] =	sst s4  }
0xd: {  	[smem:$0x3F9E] =	sst s5  }
0xe: {  	[smem:$0x3F9F] =	sst s6  }
0xf: {  	[smem:$0x3FA0] =	sst s7  }
0x10: {  	[smem:$0x3FA1] =	sst s8  }
0x11: {  	[smem:$0x3FA2] =	sst s9;
	s0 =	simm.s32 @!p0 $0x0  }
0x12: {  	s1 =	sld [smem:$0x3F88];
	s0 =	simm.s32 @p0 $0x1  }
0x13: {  	[smem:$0x3FA3] =	sst s0;
	s0 =	simm.s32 @!p1 $0x0  }
0x14: {  	s2 =	sld [smem:$0x3F87];
	s0 =	simm.s32 @p1 $0x1  }
0x15: {  	[smem:$0x3FA4] =	sst s0;
	s0 =	simm.s32 @!p2 $0x0  }
0x16: {  	s3 =	sld [smem:$0x3FDB];
	s0 =	simm.s32 @p2 $0x1  }
0x17: {  	s4 =	simm.s32 $0x1BF5;
	[smem:$0x3FA6] =	sst s0  }
0x18: {  	s0 =	sld [smem:$0x3F89];
	_ =	swait.ge [sflag:s4], $0x0  }
0x19: {  	s7 =	sld [smem:$0x3F8A]  }
0x1a: {  	s8 =	sadd.s32 $0xFFFFE003, lr  }
0x1b: {  	s9 =	sadd.s32 $0xFFFFFEF7, lr;
	s5 =	simm.s32 $0xFFFFFFFF;
	p2 =	slt.u32 s8, $0xFFFFF086  }
0x1c: {  	p1 =	slt.u32 s9, $0xF7A;
	s5 =	simm.s32 @!p2 $0x0  }
0x1d: {  	s5 =	simm.s32 @p1 $0x1;
	p0 =	seq.s32 s7, s2  }
0x1e: {  	s7 =	smul.u32 @!p0 $0xF7A, s2;
	p2 =	seq.s32 @!p0 s5, $0x0  }
0x1f: {  	s9 =	smul.u32 $0xF7A, s1;
	s8 =	simm.s32 @!p0 $0x1BF5;
	p2 =	por !p2, p0  }
0x20: {  	[sflag:s8] =	ssyncset.s32 @!p0 $0xFFFFF086;
	s6 =	sadd.s32 @!p0 s3, s7;
	s7 =	simm.s32 @!p0 $0x108  }
0x21: {  	s3 =	sadd.s32 s3, s9;
	s6 =	sadd.s32 @!p0 $0x88, s6;
	s7 =	simm.s32 @p2 $0x1082  }
0x22: {  	[simem:s7], [sflag:s8] =	dma.local @!p0 [hbm:s6], $0xF7A  }
0x23: {  	s9 =	sor.u32 $0xD0000000, s2;
	s6 =	simm.s32 $0x108;
	_ =	swait.ge @!p0 [sflag:s8], $0x0  }
0x24: {  	s3 =	sadd.s32 $0x88, s3;
	s6 =	simm.s32 @!p1 $0x1082;
	[sflag:s4] =	ssyncset.s32 $0xFFFFF086  }
0x25: {  	[simem:s6], [sflag:s4] =	dma.local [hbm:s3], $0xF7A  }
0x26: {  	[smem:$0x3F8A] =	sst s1;
	(tag) =	ssettag s2;
	_ =	strace s9  }
0x27: {  	s1 =	sld [smem:$0x3F9A]  }
0x28: {  	s2 =	sld [smem:$0x3F9B]  }
0x29: {  	s4 =	sld [smem:$0x3F9D]  }
0x2a: {  	p0 =	seq.s32 s5, $0x0;
	s5 =	sld [smem:$0x3F9E]  }
0x2b: {  	s6 =	sld [smem:$0x3F9F]  }
0x2c: {  	s7 =	sld [smem:$0x3FA0]  }
0x2d: {  	s3 =	simm.s32 $0x108;
	s8 =	sld [smem:$0x3FA1]  }
0x2e: {  	s3 =	simm.s32 @!p0 $0x1082;
	s9 =	sld [smem:$0x3FA2]  }
0x2f: {  	lr =	sadd.s32 s0, s3;
	s0 =	sld [smem:$0x3F99]  }
0x30: {  	s3 =	sld [smem:$0x3F9C]  }
0x31: {  	[smem:$0x3FA5] =	sst s10  }
0x32: {  	s10 =	sld [smem:$0x3FA3];
	_ =	sdelay $0x3  }
0x33: {  	p0 =	seq.s32 s10, $0x1;
	s10 =	sld [smem:$0x3FA5];
	_ =	sdelay $0x3  }
0x34: {  	[smem:$0x3FA5] =	sst s10  }
0x35: {  	s10 =	sld [smem:$0x3FA4];
	_ =	sdelay $0x3  }
0x36: {  	p1 =	seq.s32 s10, $0x1;
	s10 =	sld [smem:$0x3FA5];
	_ =	sdelay $0x3  }
0x37: {  	[smem:$0x3FA5] =	sst s10  }
0x38: {  	s10 =	sld [smem:$0x3FA6]  }
0x39: {  	_ = 	snop;
	(pc) =	sbr.ind lr, $3  }
0x3a: {  	_ = 	snop  }
0x3b: {  	_ = 	snop  }
0x3c: {  	p2 =	seq.s32 s10, $0x1;
	s10 =	sld [smem:$0x3FA5]  }
0x3d: {  	_ =	shalt  }
0x3e: {  	_ =	shalt  }
0x3f: {  	_ =	shalt  }
0x40: {  	_ =	shalt  }
0x41: {  	_ =	shalt  }
0x42: {  	_ =	shalt  }
0x43: {  	_ =	shalt  }
0x44: {  	_ =	shalt  }
0x45: {  	_ =	shalt  }
0x46: {  	_ =	shalt  }
0x47: {  	_ =	shalt  }
0x48: {  	_ =	shalt  }
0x49: {  	_ =	shalt  }
0x4a: {  	_ =	shalt  }
0x4b: {  	_ =	shalt  }
0x4c: {  	_ =	shalt  }
0x4d: {  	_ =	shalt  }
0x4e: {  	_ =	shalt  }
0x4f: {  	_ =	shalt  }
0x50: {  	_ =	shalt  }
0x51: {  	_ =	shalt  }
0x52: {  	_ =	shalt  }
0x53: {  	_ =	shalt  }
0x54: {  	_ =	shalt  }
0x55: {  	_ =	shalt  }
0x56: {  	_ =	shalt  }
0x57: {  	_ =	shalt  }
0x58: {  	_ =	shalt  }
0x59: {  	_ =	shalt  }
0x5a: {  	_ =	shalt  }
0x5b: {  	_ =	shalt  }
0x5c: {  	_ =	shalt  }
0x5d: {  	_ =	shalt  }
0x5e: {  	_ =	shalt  }
0x5f: {  	_ =	shalt  }
0x60: {  	_ =	shalt  }
0x61: {  	_ =	shalt  }
0x62: {  	_ =	shalt  }
0x63: {  	_ =	shalt  }
0x64: {  	_ =	shalt  }
0x65: {  	_ =	shalt  }
0x66: {  	_ =	shalt  }
0x67: {  	_ =	shalt  }
0x68: {  	_ =	shalt  }
0x69: {  	_ =	shalt  }
0x6a: {  	_ =	shalt  }
0x6b: {  	_ =	shalt  }
0x6c: {  	_ =	shalt  }
0x6d: {  	_ =	shalt  }
0x6e: {  	_ =	shalt  }
0x6f: {  	_ =	shalt  }
0x70: {  	_ =	shalt  }
0x71: {  	_ =	shalt  }
0x72: {  	_ =	shalt  }
0x73: {  	_ =	shalt  }
0x74: {  	_ =	shalt  }
0x75: {  	_ =	shalt  }
0x76: {  	_ =	shalt  }
0x77: {  	_ =	shalt  }
0x78: {  	_ =	shalt  }
0x79: {  	_ =	shalt  }
0x7a: {  	_ =	shalt  }
0x7b: {  	_ =	shalt  }
0x7c: {  	_ =	shalt  }
0x7d: {  	_ =	shalt  }
0x7e: {  	_ =	shalt  }
0x7f: {  	_ =	shalt  }
0x80: {  	_ =	shalt  }
0x81: {  	_ =	shalt  }
0x82: {  	_ =	shalt  }
0x83: {  	_ =	shalt  }
0x84: {  	_ =	shalt  }
0x85: {  	_ =	shalt  }
0x86: {  	_ =	shalt  }
0x87: {  	_ =	shalt  }
.Lfunc_end0:
.L_simem_size_0:
called_computation.3_lowered:
.L_overlay_start_0:
0x88: {  	s2 =	sld [smem:$0x3FD9]  }
0x89: {  	s3 =	sld [smem:$0x3FFE];
	_ =	sdelay $0x1  }
0x8a: {  	s1 =	srdreg.scid  }
0x8b: {  	s0 =	sand.u32 $0x1, s1  }
0x8c: {  	s16 =	sshll.u32 s0, $0xA;
	s2 =	sadd.s32 s3, s2  }
0x8d: {  	s2 =	sadd.s32 s2, s16  }
0x8e: {  	[smem:$0x3FB1] =	sst s2  }
0x8f: {  	_ = 	snop  }
0x90: {  	(tm) =	ssettm $0x1  }
0x91: {  	s17 =	sld [smem:$0x3FFB];
	_ =	sdelay $0x3  }
0x92: {  	_ =	strace s17  }
0x93: {  	s2 =	sld [smem:$0x3FFC];
	_ =	sdelay $0x3  }
0x94: {  	_ =	strace s2  }
0x95: {  	s2 =	sld [smem:$0x3FFD];
	_ =	sdelay $0x3  }
0x96: {  	_ =	strace s2  }
0x97: {  	_ =	strace $0x8FFFFFFF  }
0x98: {  	s18 =	sld [smem:$0x3FDB];
	_ =	sdelay $0x1  }
0x99: {  	s19 =	simm.s32 $_scs_section_size  }
0x9a: {  	s4 =	simm.s32 $_size__tile_overlayer_lowered;
	s5 =	simm.s32 $_tile_overlayer_lowered  }
0x9b: {  	s22 =	simm.s32 $0x1BFF;
	s21 =	sshll.u32 s5, $0x1;
	s2 =	sadd.s32 s19, s18  }
0x9c: {  	s6 =	simm.s32 $0x0;
	s20 =	sshll.u32 s4, $0x1;
	s4 =	sadd.s32 s21, s2  }
0x9d: {  	[timem:s6], [sflag:s22] =	dma.local [hbm:s4], s20  }
0x9e: {  	_ =	swait.ge [sflag:s22], s20  }
0x9f: {  	s3 =	ssub.s32 $0x0, s20;
	[sflag:s22] =	ssyncset.done $0x0  }
0xa0: {  	[sflag:s22] =	ssyncadd.s32 s3;
	_ =	sdelay $0x1  }
0xa1: {  	s23 =	simm.s32 $0x1B8B  }
0xa2: {  	_ =	swait.ge [sflag:s23], $0x1  }
0xa3: {  	[sflag:s23] =	ssyncset.done $0x0  }
0xa4: {  	s25 =	simm.s32 $0x1B8E;
	s24 =	sld [smem:$0x3FFE];
	[sflag:s23] =	ssyncadd.s32 $0xFFFFFFFF  }
0xa5: {  	s26 =	simm.s32 $execute0_lowered;
	[smem:$0x3FD2] =	sst s25  }
0xa6: {  	s4 =	sshll.u32 s26, $0x1;
	_ =	strace $0x8000004F;
	[dreg:$0x1] =	wrdreg $0xFFFFFFFF  }
0xa7: {  	s28 =	simm.s32 $_size_execute0_lowered;
	s2 =	sadd.s32 s2, s4;
	[dreg:$0x0] =	wrdreg $0x0  }
0xa8: {  	s4 =	sshll.u32 s28, $0x1;
	[dreg:$0x2] =	wrdreg s2  }
0xa9: {  	[dreg:$0x3] =	wrdreg s4  }
0xaa: {  	[dreg:$0x4] =	wrdreg $0xC0  }
0xab: {  	_ =	task [dreg:s6], $0x5FFFF  }
0xac: {  	[dreg:$0x1] =	wrdreg $0xFFFFFFFF  }
0xad: {  	[dreg:$0x0] =	wrdreg $0x60  }
0xae: {  	[dreg:$0x2] =	wrdreg s24  }
0xaf: {  	[dreg:$0x3] =	wrdreg $0x94000  }
0xb0: {  	[dreg:$0x4] =	wrdreg $0x9  }
0xb1: {  	_ =	task.clear_ibuf [dreg:s6], $0x5FFFF;
	_ =	strace $0x9000004F  }
0xb2: {  	s29 =	simm.s32 $0x9;
	_ =	strace $0x80000051  }
0xb3: {  	_ =	swait.ge [sflag:s29], $0x1  }
0xb4: {  	[sflag:s29] =	ssyncadd.s32 $0xFFFFFFFF  }
0xb5: {  	_ =	strace $0x90000051  }
0xb6: {  	_ =	sfence  }
0xb7: {  	s30 =	sld [smem:$0x0];
	_ =	sdelay $0x2  }
0xb8: {  	s31 =	sshll.u32 s1, $0xD;
	s1 =	sshrl.u32 s1, $0x2  }
0xb9: {  	s3 =	sand.u32 $0x4000, s31;
	s1 =	sadd.s32 s1, s30  }
0xba: {  	s0 =	sor.u32 s3, s0;
	s1 =	sshll.u32 s1, $0x11  }
0xbb: {  	s0 =	sor.u32 s1, s0  }
0xbc: {  	s0 =	sadd.s32 $0x8F2B, s0  }
0xbd: {  	[sflag:s0] =	ssyncadd.remote.s32 $0x1  }
0xbe: {  	_ =	sfence.sel $0xFFFF  }
0xbf: {  	[dreg:$0x0] =	wrdreg $0xFFFFFFFF;
	(pc) =	sbr.abs _section_cstart, $3  }
0xc0: {  	[dreg:$0x1] =	wrdreg $0xFFFFFFFF  }
0xc1: {  	_ =	task.clear_ibuf [dreg:s6], $0x2FFFF;
	_ =	strace $0x9FFFFFFF  }
0xc2: {  	(tm) =	ssettm $0x7FFFFFFF  }
0xc3: {  	_ =	shalt  }
tec
execute0_lowered:
.L_overlay_start_1:
0x0: {  	(tag) =	ssettag $0x1  }
0x1: {  	s0 =	rddreg [dreg:$0x0]  }
0x2: {  	s1 =	rddreg [dreg:$0x1]  }
0x3: {  	s2 =	srdreg.scid;
	s4 =	simm.s32 $0x0;
	s13 =	stileid.u32  }
0x4: {  	s15 =	simm.s32 $0xC;
	s17 =	simm.s32 $0x28;
	s18 =	simm.s32 $0x3000  }
0x5: {  	s19 =	simm.s32 $0x8000;
	s20 =	simm.s32 $0x1;
	s7 =	smul.u32 $0x14000, s13  }
0x6: {  	s21 =	simm.s32 $0x2;
	s28 =	simm.s32 $0x5;
	s8 =	smul.u32 $0x50000, s13  }
0x7: {  	s29 =	simm.s32 $0x6;
	s16 =	simm.s32 $0x0;
	s22 =	smul.u32 $0x2800, s13  }
0x8: {  	s2 =	sand.u32 $0x1, s2;
	[smem:$0x7FF] =	sst s4;
	s12 =	smul.u32 $0x12C00, s13  }
0x9: {  	s4 =	sadd.s32 $0x17000, s0;
	s5 =	sadd.s32 $0x11B600, s0;
	s3 =	smul.u32 $0x140000, s2  }
0xa: {  	s6 =	sadd.s32 $0x67000, s0;
	s24 =	sshll.u32 s13, $0x6;
	s9 =	smul.u32 $0x28000, s2  }
0xb: {  	_ =	strace $0x80000050;
	s10 =	ssub.s32 $0x2, s2;
	s2 =	smul.u32 $0x12C000, s2  }
0xc: {  	s11 =	sshrl.u32 s10, $0x1;
	s8 =	sshrl.u32 s8, $0x2;
	s3 =	sadd.s32 s7, s3  }
0xd: {  	s23 =	ssub.s32 s10, s11;
	s8 =	sadd.s32 s8, s1;
	s9 =	sadd.s32 s22, s9  }
0xe: {  	s7 =	sadd.s32 s12, s2;
	s22 =	simm.s32 $0x4400;
	s3 =	sshrl.u32 s3, $0x3  }
0xf: {  	s25 =	sadd.s32 s4, s9;
	s9 =	sor.u32 $0x1C0C, s24;
	s26 =	sshrl.u32 s7, $0x3  }
0x10: {  	s31 =	smax.u32 s23, $0x1;
	s14 =	sshrl.u32 s8, $0x3;
	[dreg:$0x3] =	wrdreg s25  }
0x11: {  	s23 =	simm.s32 $0x3;
	s30 =	sadd.s32 s5, s26;
	[dreg:$0x7] =	wrdreg s31  }
0x12: {  	s0 =	sadd.s32 s3, s0;
	s2 =	sadd.s32 s6, s26;
	[dreg:$0x4] =	wrdreg s30  }
0x13: {  	s24 =	simm.s32 $0x5800;
	[dreg:$0x5] =	wrdreg s2;
	s0 =	sadd.s32 $0xB2000, s0  }
0x14: {  	s25 =	simm.s32 $0x4;
	s26 =	simm.s32 $0x6C00;
	[dreg:$0x6] =	wrdreg s0  }
.LBB2_1:
0x15: {  	s0 =	rddreg [dreg:$0x3]  }
0x16: {  	[spmem:s14], [sflag:s9] =	dma.local [hbm:s0], $0x2800  }
0x17: {  	_ =	swait.ge [sflag:s15], $0x2800  }
0x18: {  	[sflag:s15] =	ssyncset.done $0x0  }
0x19: {  	s30 =	simm.s32 $0x0;
	s2 =	rddreg [dreg:$0x4];
	[sflag:s15] =	ssyncadd.s32 $0xFFFFD800  }
0x1a: {  	[tilespmem:s30], [sflag:$0xC] =	stream.linear.gather [hbm4b:s2+s30], $0xA00, $0x38;
	[tilespmem:$0x1D400] =	vst v63  }
0x1b: {  	_ =	swait.ge [sflag:s15], $0xA00  }
0x1c: {  	[sflag:s15] =	ssyncset.done $0x0  }
0x1d: {  	s3 =	simm.s32 $0x1800;
	s31 =	rddreg [dreg:$0x5];
	[sflag:s15] =	ssyncadd.s32 $0xFFFFF600  }
0x1e: {  	[tilespmem:s3], [sflag:$0xC] =	stream.linear.gather [hbm4b:s31+s30], $0xA00, $0x38;
	[tilespmem:$0x1D400] =	vst v63  }
0x1f: {  	_ =	swait.ge [sflag:s15], $0xA00  }
0x20: {  	[sflag:s15] =	ssyncset.done $0x0  }
0x21: {  	[sflag:s15] =	ssyncadd.s32 $0xFFFFF600  }
0x22: {  	s3 =	simm.s32 $0x0;
	[bflag:$0x0] =	sbarrier.arrive $0xFFFF  }
.LBB2_2:
0x23: {  	s8 =	sand.u32 $0x3, s3  }
0x24: {  	s10 =	sshrl.u32 s3, $0x2;
	p0 =	sne.s32 s8, $0x0  }
0x25: {  	p1 =	seq.s32 @!p0 s10, $0x0  }
0x26: {  	p1 =	por p1, p0  }
0x27: {  	s11 =	simm.s32 @!p1 $0xB  }
0x28: {  	p0 =	sgt.u32 s3, $0x5F;
	_ =	swait.ge @!p1 [sflag:s11], $0xA00  }
0x29: {  	p2 =	sne.s32 @!p0 s8, $0x0;
	[sflag:s11] =	ssyncset.done @!p1 $0x0  }
0x2a: {  	s12 =	sadd.s32 $0x1, s10;
	p0 =	por p0, p2;
	[sflag:s11] =	ssyncadd.s32 @!p1 $0xFFFFF600  }
0x2b: {  	s13 =	smul.u32 @!p0 $0xC00, s12;
	_ =	swait.ge @!p1 [sflag:s11], $0xA00  }
0x2c: {  	s12 =	sand.u32 @!p0 $0x1, s12;
	[sflag:s11] =	ssyncset.done @!p1 $0x0  }
0x2d: {  	[sflag:s11] =	ssyncadd.s32 @!p1 $0xFFFFF600;
	s11 =	sadd.s32 @!p0 s7, s13;
	p1 =	seq.s32 @!p0 s12, $0x1  }
0x2e: {  	s12 =	simm.s32 @!p0 $0xC00;
	p1 =	por !p1, p0;
	s11 =	sshrl.u32 @!p0 s11, $0x3  }
0x2f: {  	s30 =	simm.s32 @!p0 $0x0;
	s12 =	simm.s32 @p1 $0x0;
	s13 =	sadd.s32 @!p0 s5, s11  }
0x30: {  	[tilespmem:s12], [sflag:$0xB] =	stream.linear.gather @!p0 [hbm4b:s13+s30], $0xA00, $0x38;
	[tilespmem:$0x1D400] =	vst v63  }
0x31: {  	p1 =	seq.s32 @!p0 s3, $0x0;
	s11 =	sadd.s32 @!p0 s6, s11;
	s12 =	sadd.s32 @!p0 $0x1800, s12  }
0x32: {  	[tilespmem:s12], [sflag:$0xB] =	stream.linear.gather @!p0 [hbm4b:s11+s30], $0xA00, $0x38;
	[tilespmem:$0x1D400] =	vst v63  }
0x33: {  	p0 =	por p0, !p1  }
0x34: {  	_ =	swait.ge @p0 [sflag:s29], $0x1400  }
0x35: {  	s10 =	sand.u32 $0x1, s10;
	s8 =	smul.u32 $0x280, s8;
	[sflag:s29] =	ssyncset.done @p0 $0x0  }
0x36: {  	[sflag:s29] =	ssyncadd.s32 @p0 $0xFFFFEC00;
	p0 =	seq.s32 s10, $0x1;
	s10 =	simm.s32 $0xC00  }
0x37: {  	s10 =	simm.s32 @!p0 $0x0;
	p0 =	sne.s32 s3, $0x0  }
0x38: {  	s8 =	sadd.s32 s8, s10;
	s11 =	simm.s32 @p0 $0x7  }
0x39: {  	[tilespmem:s18], [sflag:$0x1] =	stream.indirect.gather [hbm4b:s4+s17], $0x80, s8, s17, $0xb8;
	[tilespmem:$0x1D400] =	vst v63  }
0x3a: {  	_ =	swait.ge @p0 [sflag:s11], $0x1400  }
0x3b: {  	s12 =	simm.s32 @p0 $0x28;
	[sflag:s11] =	ssyncset.done @p0 $0x0  }
0x3c: {  	s13 =	simm.s32 @p0 $0x4400;
	[sflag:s11] =	ssyncadd.s32 @p0 $0xFFFFEC00;
	s11 =	sadd.s32 @p0 $0x80, s8  }
0x3d: {  	[tilespmem:s13], [sflag:$0x2] =	stream.indirect.gather @p0 [hbm4b:s4+s12], $0x80, s11, s12, $0xb8;
	[tilespmem:$0x1D400] =	vst v63  }
0x3e: {  	s13 =	simm.s32 @p0 $0x8  }
0x3f: {  	_ =	swait.ge @p0 [sflag:s13], $0x1400  }
0x40: {  	[sflag:s13] =	ssyncset.done @p0 $0x0  }
0x41: {  	s30 =	simm.s32 @p0 $0x5800;
	[sflag:s13] =	ssyncadd.s32 @p0 $0xFFFFEC00;
	s13 =	sadd.s32 @p0 $0x100, s8  }
0x42: {  	[tilespmem:s30], [sflag:$0x3] =	stream.indirect.gather @p0 [hbm4b:s4+s12], $0x80, s13, s12, $0xb8;
	[tilespmem:$0x1D400] =	vst v63  }
0x43: {  	s30 =	simm.s32 @p0 $0x9  }
0x44: {  	_ =	swait.ge @p0 [sflag:s30], $0x1400  }
0x45: {  	[sflag:s30] =	ssyncset.done @p0 $0x0  }
0x46: {  	s31 =	simm.s32 @p0 $0x6C00;
	[sflag:s30] =	ssyncadd.s32 @p0 $0xFFFFEC00;
	s30 =	sadd.s32 @p0 $0x180, s8  }
0x47: {  	[tilespmem:s31], [sflag:$0x4] =	stream.indirect.gather @p0 [hbm4b:s4+s12], $0x80, s30, s12, $0xb8;
	[tilespmem:$0x1D400] =	vst v63  }
0x48: {  	s12 =	simm.s32 @p0 $0xA  }
0x49: {  	_ =	swait.ge @p0 [sflag:s12], $0x1400  }
0x4a: {  	s0 =	simm.s32 @!p0 $0x4400;
	[sflag:s12] =	ssyncset.done @p0 $0x0  }
0x4b: {  	s31 =	simm.s32 @!p0 $0x28;
	[sflag:s12] =	ssyncadd.s32 @p0 $0xFFFFEC00;
	s12 =	sor.u32 @!p0 $0x80, s10  }
0x4c: {  	[tilespmem:s0], [sflag:$0x2] =	stream.indirect.gather @!p0 [hbm4b:s4+s31], $0x80, s12, s31, $0xb8;
	[tilespmem:$0x1D400] =	vst v63  }
0x4d: {  	s2 =	simm.s32 @!p0 $0x5800;
	s0 =	sor.u32 @!p0 $0x100, s10  }
0x4e: {  	[tilespmem:s2], [sflag:$0x3] =	stream.indirect.gather @!p0 [hbm4b:s4+s31], $0x80, s0, s31, $0xb8;
	[tilespmem:$0x1D400] =	vst v63  }
0x4f: {  	s2 =	sor.u32 @!p0 $0x180, s10;
	s10 =	simm.s32 @!p0 $0x6C00  }
0x50: {  	[tilespmem:s10], [sflag:$0x4] =	stream.indirect.gather @!p0 [hbm4b:s4+s31], $0x80, s2, s31, $0xb8;
	[tilespmem:$0x1D400] =	vst v63  }
0x51: {  	s31 =	sadd.s32 $0x200, s8  }
0x52: {  	[tilespmem:s19], [sflag:$0x5] =	stream.indirect.gather [hbm4b:s4+s17], $0x80, s31, s17, $0xb8;
	[tilespmem:$0x1D400] =	vst v63  }
0x53: {  	_ =	swait.ge [sflag:s20], $0x1400  }
0x54: {  	[sflag:s20] =	ssyncset.done $0x0  }
0x55: {  	s31 =	sadd.s32 $0x1800, s8;
	[sflag:s20] =	ssyncadd.s32 $0xFFFFEC00  }
0x56: {  	[spmem:s1] =	stream.indirect.scatter.add.f32 [tilespmem:s18], [sflag:$0x6], $0x80, s31, s17, $0xb8;
	[tilespmem:$0x1D400] =	vst v63  }
0x57: {  	_ =	swait.ge [sflag:s21], $0x1400  }
0x58: {  	s12 =	smov.u32 @p0 s11;
	[sflag:s21] =	ssyncset.done $0x0  }
0x59: {  	s12 =	sadd.s32 $0x1800, s12;
	[sflag:s21] =	ssyncadd.s32 $0xFFFFEC00  }
0x5a: {  	[spmem:s1] =	stream.indirect.scatter.add.f32 [tilespmem:s22], [sflag:$0x7], $0x80, s12, s17, $0xb8;
	[tilespmem:$0x1D400] =	vst v63  }
0x5b: {  	_ =	swait.ge [sflag:s23], $0x1400  }
0x5c: {  	s0 =	smov.u32 @p0 s13;
	[sflag:s23] =	ssyncset.done $0x0  }
0x5d: {  	s0 =	sadd.s32 $0x1800, s0;
	[sflag:s23] =	ssyncadd.s32 $0xFFFFEC00  }
0x5e: {  	[spmem:s1] =	stream.indirect.scatter.add.f32 [tilespmem:s24], [sflag:$0x8], $0x80, s0, s17, $0xb8;
	[tilespmem:$0x1D400] =	vst v63  }
0x5f: {  	_ =	swait.ge [sflag:s25], $0x1400  }
0x60: {  	s3 =	sadd.s32 $0x1, s3;
	s2 =	smov.u32 @p0 s30;
	[sflag:s25] =	ssyncset.done $0x0  }
0x61: {  	p0 =	sne.s32 s3, $0x64;
	s30 =	sadd.s32 $0x1800, s2;
	[sflag:s25] =	ssyncadd.s32 $0xFFFFEC00  }
0x62: {  	[spmem:s1] =	stream.indirect.scatter.add.f32 [tilespmem:s26], [sflag:$0x9], $0x80, s30, s17, $0xb8;
	[tilespmem:$0x1D400] =	vst v63  }
.Ltmp0:
0x63: {  	_ = 	snop;
	(pc) =	sbr.rel @p0 .LBB2_2-.Ltmp0, $4  }
0x64: {  	_ =	swait.ge [sflag:s28], $0x1400  }
0x65: {  	[sflag:s28] =	ssyncset.done $0x0  }
0x66: {  	s31 =	sadd.s32 $0x1A00, s8;
	[sflag:s28] =	ssyncadd.s32 $0xFFFFEC00  }
0x67: {  	[spmem:s1] =	stream.indirect.scatter.add.f32 [tilespmem:s19], [sflag:$0xA], $0x80, s31, s17, $0xb8;
	[tilespmem:$0x1D400] =	vst v63  }
0x68: {  	_ =	swait.ge [sflag:s29], $0x1400  }
0x69: {  	[sflag:s29] =	ssyncset.done $0x0  }
0x6a: {  	s0 =	simm.s32 $0x7;
	[sflag:s29] =	ssyncadd.s32 $0xFFFFEC00  }
0x6b: {  	_ =	swait.ge [sflag:s0], $0x1400  }
0x6c: {  	[sflag:s0] =	ssyncset.done $0x0  }
0x6d: {  	s11 =	simm.s32 $0x8;
	[sflag:s0] =	ssyncadd.s32 $0xFFFFEC00  }
0x6e: {  	_ =	swait.ge [sflag:s11], $0x1400  }
0x6f: {  	[sflag:s11] =	ssyncset.done $0x0  }
0x70: {  	s12 =	simm.s32 $0x9;
	[sflag:s11] =	ssyncadd.s32 $0xFFFFEC00  }
0x71: {  	_ =	swait.ge [sflag:s12], $0x1400  }
0x72: {  	[sflag:s12] =	ssyncset.done $0x0  }
0x73: {  	s13 =	simm.s32 $0xA;
	[sflag:s12] =	ssyncadd.s32 $0xFFFFEC00  }
0x74: {  	_ =	swait.ge [sflag:s13], $0x1400  }
0x75: {  	[sflag:s13] =	ssyncset.done $0x0  }
0x76: {  	[sflag:s13] =	ssyncadd.s32 $0xFFFFEC00  }
0x77: {  	[bflag:$0x0] =	sbarrier.arrive $0xFFFF  }
0x78: {  	s30 =	rddreg [dreg:$0x6]  }
0x79: {  	[hbm:s30], [sflag:s9] =	dma.local [spmem:s14], $0x2800  }
0x7a: {  	_ =	swait.ge [sflag:s15], $0x2800  }
0x7b: {  	s16 =	sadd.s32 $0x1, s16;
	s31 =	rddreg [dreg:$0x7]  }
0x7c: {  	p0 =	sne.s32 s16, s31  }
.Ltmp1:
0x7d: {  	_ = 	snop;
	(pc) =	sbr.rel @p0 .LBB2_1-.Ltmp1, $3  }
0x7e: {  	_ =	sdelay $0x1  }
0x7f: {  	[sflag:s15] =	ssyncset.done $0x0  }
0x80: {  	[sflag:s15] =	ssyncadd.s32 $0xFFFFD800  }
0x81: {  	_ =	sfence.sel $0x180000  }
0x82: {  	[bflag:$0x0] =	sbarrier.arrive $0xFFFF  }
0x83: {  	_ =	strace $0x90000050  }
0x84: {  	s0 =	stileid.u32;
	[bflag:$0x2] =	sbarrier.arrive $0xFFFF  }
0x85: {  	p0 =	sne.s32 s0, $0x0;
	s0 =	rddreg [dreg:$0x2]  }
0x86: {  	s0 =	sadd.s32 @!p0 $0x100000, s0  }
0x87: {  	[sflag:s0] =	ssyncadd.tile.s32 @!p0 $0x1;
	_ =	shalt  }
.Lfunc_end2:
_tile_overlayer_lowered:
.L_overlay_start_2:
0x88: {  	(tag) =	ssettag $0x2  }
0x89: {  	s0 =	rddreg [dreg:$0x0];
	s2 =	stileid.u32  }
0x8a: {  	s1 =	rddreg [dreg:$0x1];
	p0 =	sne.s32 s2, $0x0  }
0x8b: {  	s3 =	rddreg [dreg:$0x2];
	[bflag:$0x3] =	sbarrier.arrive $0xFFFF;
	s2 =	simm.s32 @!p0 $0x1C0C  }
0x8c: {  	[timem:s3], [sflag:s2] =	dma.local @!p0 [hbm:s0], s1  }
0x8d: {  	s0 =	simm.s32 @!p0 $0xC  }
0x8e: {  	_ =	swait.ge @!p0 [sflag:s0], s1  }
0x8f: {  	s1 =	ssub.s32 @!p0 $0x0, s1;
	[sflag:s0] =	ssyncset.done @!p0 $0x0  }
0x90: {  	[sflag:s0] =	ssyncadd.s32 @!p0 s1  }
0x91: {  	[bflag:$0x3] =	sbarrier.arrive $0xFFFF  }
0x92: {  	_ =	shalt  }

</sc_bundles>
